<compile_context>
chip_gen: v7x
topology: tpu7x:2x2x1
jax: 0.10.2.dev20260603
libtpu: 0.0.44.dev20260713+nightly
codegen_flags: <defaults>
</compile_context>

<pallas_src>
import functools

import jax
import jax.numpy as jnp
from jax import lax
from jax.experimental import pallas as pl
from jax.experimental.pallas import tpu as pltpu, tpu_sc as plsc

N = 10000
D = 128
E = 320000

NC = 2
NS = 16
NW = NC * NS
CHUNK = 128
SUP = 8
NSUP = 10
CPT = SUP * NSUP
E_PAD = NW * CPT * CHUNK
N_PAD = 10240
RPT = N_PAD // NS

_mesh = plsc.VectorSubcoreMesh(core_axis_name="c", subcore_axis_name="s")


@functools.partial(
    pl.kernel,
    mesh=_mesh,
    out_type=jax.ShapeDtypeStruct((NC, N_PAD), jnp.float32),
    scratch_types=[
        pltpu.VMEM_SHARED((N_PAD,), jnp.float32),
        pltpu.VMEM((CPT, CHUNK), jnp.int32),
        pltpu.VMEM((CHUNK,), jnp.float32),
        pltpu.SemaphoreType.DMA,
        pltpu.SemaphoreType.DMA,
    ],
)
def _deg_kernel(edges_hbm, zeros_hbm, out_hbm, acc, dst_v, ones_v,
                ssem0, ssem1):
    cid = lax.axis_index("c")
    sid = lax.axis_index("s")
    wid = cid * NS + sid
    pltpu.sync_copy(zeros_hbm, acc.at[pl.ds(sid * RPT, RPT)])
    pltpu.sync_copy(edges_hbm.at[1, wid], dst_v)
    for j in range(CHUNK // 16):
        ones_v[pl.ds(j * 16, 16)] = jnp.ones((16,), jnp.float32)
    plsc.subcore_barrier()

    def body(g, carry):
        s0 = pltpu.async_copy(ones_v, acc.at[dst_v.at[2 * g]], ssem0,
                              add=True)
        s1 = pltpu.async_copy(ones_v, acc.at[dst_v.at[2 * g + 1]], ssem1,
                              add=True)
        s0.wait()
        s1.wait()
        return carry

    lax.fori_loop(0, CPT // 2, body, 0)
    plsc.subcore_barrier()
    pltpu.sync_copy(acc.at[pl.ds(sid * RPT, RPT)],
                    out_hbm.at[cid, pl.ds(sid * RPT, RPT)])


@functools.partial(
    pl.kernel,
    mesh=_mesh,
    out_type=jax.ShapeDtypeStruct((NC, N_PAD, D), jnp.float32),
    scratch_types=[
        pltpu.VMEM_SHARED((N_PAD, D), jnp.float32),
        pltpu.VMEM((2, SUP, CHUNK), jnp.int32),
        pltpu.VMEM((2, SUP, CHUNK), jnp.int32),
        pltpu.VMEM((2, CHUNK, D), jnp.float32),
        pltpu.SemaphoreType.DMA,
        pltpu.SemaphoreType.DMA,
        pltpu.SemaphoreType.DMA,
        pltpu.SemaphoreType.DMA,
        pltpu.SemaphoreType.DMA,
        pltpu.SemaphoreType.DMA,
    ],
)
def _agg_kernel(h_hbm, edges_hbm, zeros_hbm, out_hbm,
                acc, src_v, dst_v, rows_v, isem0, isem1, gsem0, gsem1,
                ssem0, ssem1):
    cid = lax.axis_index("c")
    sid = lax.axis_index("s")
    wid = cid * NS + sid
    isems = (isem0, isem1)
    gsems = (gsem0, gsem1)
    ssems = (ssem0, ssem1)

    def _idx_cps(s, b):
        return (pltpu.make_async_copy(
                    edges_hbm.at[0, wid, pl.ds(s * SUP, SUP)],
                    src_v.at[b], isems[b]),
                pltpu.make_async_copy(
                    edges_hbm.at[1, wid, pl.ds(s * SUP, SUP)],
                    dst_v.at[b], isems[b]))

    def _gather(p, b, c):
        return pltpu.make_async_copy(h_hbm.at[src_v.at[b, c]], rows_v.at[p],
                                     gsems[p])

    def _scatter(p, b, c):
        return pltpu.async_copy(rows_v.at[p], acc.at[dst_v.at[b, c]],
                                ssems[p], add=True)

    for cp in _idx_cps(0, 0):
        cp.start()
    pltpu.sync_copy(zeros_hbm, acc.at[pl.ds(sid * RPT, RPT), :])
    for cp in _idx_cps(0, 0):
        cp.wait()
    plsc.subcore_barrier()

    def body(g, carry):
        for b in range(2):
            s = 2 * g + b

            @pl.when(s + 1 < NSUP)
            def _(b=b, s=s):
                for cp in _idx_cps(s + 1, 1 - b):
                    cp.start()

            _gather(0, b, 0).start()
            _gather(1, b, 1).start()
            for c in range(SUP):
                p = c % 2
                _gather(p, b, c).wait()
                _scatter(p, b, c).wait()
                if c + 2 < SUP:
                    _gather(p, b, c + 2).start()

            @pl.when(s + 1 < NSUP)
            def _(b=b, s=s):
                for cp in _idx_cps(s + 1, 1 - b):
                    cp.wait()
        return carry

    lax.fori_loop(0, NSUP // 2, body, 0)
    plsc.subcore_barrier()
    pltpu.sync_copy(acc.at[pl.ds(sid * RPT, RPT), :],
                    out_hbm.at[cid, pl.ds(sid * RPT, RPT), :])


BLK = 2048
_GRID = N_PAD // BLK


def _scale_body(d0_ref, d1_ref, x_ref, w_ref, hp_ref, dis_ref):
    deg = d0_ref[...] + d1_ref[...] + 1.0
    dis = lax.rsqrt(deg)
    dis_ref[...] = dis
    hp_ref[...] = dis * jnp.dot(x_ref[...], w_ref[...],
                                preferred_element_type=jnp.float32)


def _tc2_body(p0_ref, p1_ref, hp_ref, dis_ref, b_ref, w_ref, out_ref):
    dis = dis_ref[...]
    z = dis * (p0_ref[...] + p1_ref[...] + hp_ref[...]) + b_ref[...]
    out_ref[...] = dis * jnp.dot(z, w_ref[...],
                                 preferred_element_type=jnp.float32)


def _tc3_body(q0_ref, q1_ref, hp_ref, dis_ref, b_ref, out_ref):
    out_ref[...] = (dis_ref[...] * (q0_ref[...] + q1_ref[...] + hp_ref[...])
                    + b_ref[...])


_row_spec = pl.BlockSpec((BLK, D), lambda i: (i, 0))
_vec_spec = pl.BlockSpec((BLK, 1), lambda i: (i, 0))
_w_spec = pl.BlockSpec((D, D), lambda i: (0, 0))
_b_spec = pl.BlockSpec((1, D), lambda i: (0, 0))
_p1_spec = pl.BlockSpec((BLK, D), lambda i: (i + _GRID, 0))
_d1_spec = pl.BlockSpec((BLK, 1), lambda i: (i + _GRID, 0))


_XBLK = 2000


def _scale(d0, d1, x, W1):
    return pl.pallas_call(
        _scale_body,
        grid=(N // _XBLK,),
        in_specs=[pl.BlockSpec((_XBLK, 1), lambda i: (i, 0)),
                  pl.BlockSpec((_XBLK, 1), lambda i: (i, 0)),
                  pl.BlockSpec((_XBLK, D), lambda i: (i, 0)),
                  _w_spec],
        out_specs=[pl.BlockSpec((_XBLK, D), lambda i: (i, 0)),
                   pl.BlockSpec((_XBLK, 1), lambda i: (i, 0))],
        out_shape=[jax.ShapeDtypeStruct((N_PAD, D), jnp.float32),
                   jax.ShapeDtypeStruct((N_PAD, 1), jnp.float32)],
    )(d0, d1, x, W1)


def _tc2(Pr, hp, dis, b, W2):
    return pl.pallas_call(
        _tc2_body,
        grid=(_GRID,),
        in_specs=[_row_spec, _p1_spec, _row_spec, _vec_spec, _b_spec,
                  _w_spec],
        out_specs=_row_spec,
        out_shape=jax.ShapeDtypeStruct((N_PAD, D), jnp.float32),
    )(Pr, Pr, hp, dis, b, W2)


def _tc3(Qr, hp, dis, b):
    return pl.pallas_call(
        _tc3_body,
        grid=(_GRID,),
        in_specs=[_row_spec, _p1_spec, _row_spec, _vec_spec, _b_spec],
        out_specs=_row_spec,
        out_shape=jax.ShapeDtypeStruct((N_PAD, D), jnp.float32),
    )(Qr, Qr, hp, dis, b)


def kernel(x, edge_index, W1, b1, W2, b2):
    pad = E_PAD - E
    iota = jnp.arange(pad, dtype=jnp.int32)
    pad_block = jnp.stack([iota % N, N + iota % (N_PAD - N)])
    edges = jnp.concatenate([edge_index.astype(jnp.int32), pad_block],
                            axis=1).reshape(2, NW, CPT, CHUNK)
    zeros1 = jnp.zeros((RPT,), jnp.float32)
    zeros2 = jnp.zeros((RPT, D), jnp.float32)

    degp = _deg_kernel(edges, zeros1)
    h1p, dis = _scale(degp[0, :, None], degp[1, :, None], x, W1)

    P = _agg_kernel(h1p, edges, zeros2)
    h2p = _tc2(P.reshape(NC * N_PAD, D), h1p, dis, b1.reshape(1, D), W2)
    Q = _agg_kernel(h2p, edges, zeros2)
    out = _tc3(Q.reshape(NC * N_PAD, D), h2p, dis, b2.reshape(1, D))
    return out[:N]

# --- scband reference (transcript-rebuilt; emitter-appended) ---
"""Pipeline reference for scband-gcn-17703855194320 (READ-ONLY COPY).

The authoritative reference and input builder live on the scoring server;
editing this copy changes nothing except your own understanding.
"""

import jax, jax.numpy as jnp
import numpy as np

N = 10000
E = 320000
D = 128
H = 128


def gcn_conv(x, edge_index, W, b):
    # Faithful PyG GCNConv: add self-loops, symmetric deg normalization,
    # linear transform, gather messages, scatter-add to dst, add bias.
    n = x.shape[0]
    src = edge_index[0]
    dst = edge_index[1]
    loop = jnp.arange(n, dtype=src.dtype)
    src = jnp.concatenate([src, loop])
    dst = jnp.concatenate([dst, loop])
    deg = jnp.zeros((n,), dtype=x.dtype).at[dst].add(1.0)
    deg_inv_sqrt = jnp.where(deg > 0, deg ** -0.5, 0.0)
    norm = deg_inv_sqrt[src] * deg_inv_sqrt[dst]
    h = x @ W
    msg = h[src] * norm[:, None]
    out = jnp.zeros((n, h.shape[1]), dtype=x.dtype).at[dst].add(msg)
    return out + b


def setup_inputs(seed: int = 0) -> dict:
    key = jax.random.key(seed)
    k1, k2, k3, k4, k5, k6 = jax.random.split(key, 6)
    x = jax.random.normal(k1, (N, D), dtype=jnp.float32)
    edge_index = jax.random.randint(k2, (2, E), 0, N).astype(jnp.int64)
    W1 = jax.random.normal(k3, (D, H), dtype=jnp.float32) / jnp.sqrt(D)
    b1 = jnp.zeros((H,), dtype=jnp.float32)
    W2 = jax.random.normal(k4, (H, H), dtype=jnp.float32) / jnp.sqrt(H)
    b2 = jnp.zeros((H,), dtype=jnp.float32)
    return {"x": x, "edge_index": edge_index, "W1": W1, "b1": b1, "W2": W2, "b2": b2}


def reference(x, edge_index, W1, b1, W2, b2):
    # GCN.forward: two stacked GCNConv layers (dropout=0, batch_norm=False,
    # activation is constructed but never applied in forward).
    h = gcn_conv(x, edge_index, W1, b1)
    h = gcn_conv(h, edge_index, W2, b2)
    return h

if __name__ == "__main__":
    import jax
    _d = setup_inputs()
    print(jax.jit(kernel)(*tuple(_d.values())))

</pallas_src>

<mosaic_0001>
#map = affine_map<(d0, d1) -> (0, 0)>
#map1 = affine_map<(d0, d1) -> (0, 0, 0, 0)>
#map2 = affine_map<(d0, d1) -> (0, 0, 0)>
module attributes {stable_mosaic.version = 14 : i64} {
  func.func @_agg_kernel(%arg0: i32, %arg1: i32, %arg2: memref<10240x128xf32, #tpu.memory_space<hbm>>, %arg3: memref<2x32x80x128xi32, #tpu.memory_space<hbm>>, %arg4: memref<640x128xf32, #tpu.memory_space<hbm>>, %arg5: memref<2x10240x128xf32, #tpu.memory_space<hbm>>, %arg6: memref<10240x128xf32, #tpu.memory_space<vmem_shared>>, %arg7: memref<2x8x128xi32, #tpu.memory_space<vmem>>, %arg8: memref<2x8x128xi32, #tpu.memory_space<vmem>>, %arg9: memref<2x128x128xf32, #tpu.memory_space<vmem>>, %arg10: memref<!tpu.dma_semaphore, #tpu.memory_space<semaphore_mem>>, %arg11: memref<!tpu.dma_semaphore, #tpu.memory_space<semaphore_mem>>, %arg12: memref<!tpu.dma_semaphore, #tpu.memory_space<semaphore_mem>>, %arg13: memref<!tpu.dma_semaphore, #tpu.memory_space<semaphore_mem>>, %arg14: memref<!tpu.dma_semaphore, #tpu.memory_space<semaphore_mem>>, %arg15: memref<!tpu.dma_semaphore, #tpu.memory_space<semaphore_mem>>) attributes {dimension_semantics = [#tpu.dimension_semantics<core_parallel>, #tpu.dimension_semantics<subcore_parallel>], iteration_bounds = array<i64: 2, 16>, scalar_prefetch = 0 : i64, scratch_operands = 10 : i64, tpu.core_type = #tpu.core_type<sc_vector_subcore>, window_params = [{transform_indices = #map}, {transform_indices = #map1}, {transform_indices = #map}, {transform_indices = #map2}]} {
    %mul3A = arith.constant 16 : i32
    %mul3A_0 = arith.muli %arg0, %mul3A : i32
    %add3A = arith.addi %mul3A_0, %arg1 : i32
    %dma_start3A = arith.constant 0 : i32
    %dma_start3A_1 = arith.constant 0 : i32
    %dma_start3A_2 = arith.constant 0 : i32
    %dma_start3A_3 = arith.constant 0 : i32
    %dma_start3A_4 = tpu.memref_slice %arg7[%dma_start3A_1, %dma_start3A_2, %dma_start3A_3] : memref<2x8x128xi32, #tpu.memory_space<vmem>> -> memref<1x8x128xi32, #tpu.memory_space<vmem>>
    %dma_start3A_5 = tpu.memref_squeeze %dma_start3A_4 : memref<1x8x128xi32, #tpu.memory_space<vmem>> -> memref<8x128xi32, #tpu.memory_space<vmem>>
    %dma_start3A_6 = arith.constant 0 : i32
    %dma_start3A_7 = arith.constant 0 : i32
    %dma_start3A_8 = tpu.memref_slice %arg3[%dma_start3A, %add3A, %dma_start3A_6, %dma_start3A_7] : memref<2x32x80x128xi32, #tpu.memory_space<hbm>> -> memref<1x1x8x128xi32, #tpu.memory_space<hbm>>
    %dma_start3A_9 = tpu.memref_squeeze %dma_start3A_8 : memref<1x1x8x128xi32, #tpu.memory_space<hbm>> -> memref<8x128xi32, #tpu.memory_space<hbm>>
    %dma_start3A_10 = arith.constant 0 : i32
    %dma_start3A_11 = arith.constant 0 : i32
    %dma_start3A_12 = tpu.memref_slice %arg7[%dma_start3A_1, %dma_start3A_10, %dma_start3A_11] : memref<2x8x128xi32, #tpu.memory_space<vmem>> -> memref<1x8x128xi32, #tpu.memory_space<vmem>>
    %dma_start3A_13 = tpu.memref_squeeze %dma_start3A_12 : memref<1x8x128xi32, #tpu.memory_space<vmem>> -> memref<8x128xi32, #tpu.memory_space<vmem>>
    %dma_start3A_14 = arith.constant 0 : i32
    %dma_start3A_15 = arith.constant 0 : i32
    %dma_start3A_16 = tpu.memref_slice %arg3[%dma_start3A, %add3A, %dma_start3A_14, %dma_start3A_15] : memref<2x32x80x128xi32, #tpu.memory_space<hbm>> -> memref<1x1x8x128xi32, #tpu.memory_space<hbm>>
    %dma_start3A_17 = tpu.memref_squeeze %dma_start3A_16 : memref<1x1x8x128xi32, #tpu.memory_space<hbm>> -> memref<8x128xi32, #tpu.memory_space<hbm>>
    tpu.enqueue_dma source(%dma_start3A_17 : memref<8x128xi32, #tpu.memory_space<hbm>>) target(%dma_start3A_13 : memref<8x128xi32, #tpu.memory_space<vmem>>) target_semaphore(%arg10 : memref<!tpu.dma_semaphore, #tpu.memory_space<semaphore_mem>>)
    %dma_start3A_18 = arith.constant 1 : i32
    %dma_start3A_19 = arith.constant 0 : i32
    %dma_start3A_20 = arith.constant 0 : i32
    %dma_start3A_21 = arith.constant 0 : i32
    %dma_start3A_22 = tpu.memref_slice %arg8[%dma_start3A_19, %dma_start3A_20, %dma_start3A_21] : memref<2x8x128xi32, #tpu.memory_space<vmem>> -> memref<1x8x128xi32, #tpu.memory_space<vmem>>
    %dma_start3A_23 = tpu.memref_squeeze %dma_start3A_22 : memref<1x8x128xi32, #tpu.memory_space<vmem>> -> memref<8x128xi32, #tpu.memory_space<vmem>>
    %dma_start3A_24 = arith.constant 0 : i32
    %dma_start3A_25 = arith.constant 0 : i32
    %dma_start3A_26 = tpu.memref_slice %arg3[%dma_start3A_18, %add3A, %dma_start3A_24, %dma_start3A_25] : memref<2x32x80x128xi32, #tpu.memory_space<hbm>> -> memref<1x1x8x128xi32, #tpu.memory_space<hbm>>
    %dma_start3A_27 = tpu.memref_squeeze %dma_start3A_26 : memref<1x1x8x128xi32, #tpu.memory_space<hbm>> -> memref<8x128xi32, #tpu.memory_space<hbm>>
    %dma_start3A_28 = arith.constant 0 : i32
    %dma_start3A_29 = arith.constant 0 : i32
    %dma_start3A_30 = tpu.memref_slice %arg8[%dma_start3A_19, %dma_start3A_28, %dma_start3A_29] : memref<2x8x128xi32, #tpu.memory_space<vmem>> -> memref<1x8x128xi32, #tpu.memory_space<vmem>>
    %dma_start3A_31 = tpu.memref_squeeze %dma_start3A_30 : memref<1x8x128xi32, #tpu.memory_space<vmem>> -> memref<8x128xi32, #tpu.memory_space<vmem>>
    %dma_start3A_32 = arith.constant 0 : i32
    %dma_start3A_33 = arith.constant 0 : i32
    %dma_start3A_34 = tpu.memref_slice %arg3[%dma_start3A_18, %add3A, %dma_start3A_32, %dma_start3A_33] : memref<2x32x80x128xi32, #tpu.memory_space<hbm>> -> memref<1x1x8x128xi32, #tpu.memory_space<hbm>>
    %dma_start3A_35 = tpu.memref_squeeze %dma_start3A_34 : memref<1x1x8x128xi32, #tpu.memory_space<hbm>> -> memref<8x128xi32, #tpu.memory_space<hbm>>
    tpu.enqueue_dma source(%dma_start3A_35 : memref<8x128xi32, #tpu.memory_space<hbm>>) target(%dma_start3A_31 : memref<8x128xi32, #tpu.memory_space<vmem>>) target_semaphore(%arg10 : memref<!tpu.dma_semaphore, #tpu.memory_space<semaphore_mem>>)
    %mul3A_36 = arith.constant 640 : i32
    %mul3A_37 = arith.muli %arg1, %mul3A_36 : i32
    "tpu.region"() ({
      %run_scoped3A = tpu.sem_alloc : memref<!tpu.dma_semaphore, #tpu.memory_space<semaphore_mem>>
      %dma_start3A_83 = arith.constant 0 : i32
      %dma_start3A_84 = tpu.memref_slice %arg6[%mul3A_37, %dma_start3A_83] : memref<10240x128xf32, #tpu.memory_space<vmem_shared>> -> memref<640x128xf32, #tpu.memory_space<vmem_shared>>
      tpu.enqueue_dma source(%arg4 : memref<640x128xf32, #tpu.memory_space<hbm>>) target(%dma_start3A_84 : memref<640x128xf32, #tpu.memory_space<vmem_shared>>) target_semaphore(%run_scoped3A : memref<!tpu.dma_semaphore, #tpu.memory_space<semaphore_mem>>)
      %dma_wait3A_85 = arith.constant 0 : i32
      %dma_wait3A_86 = tpu.memref_slice %arg6[%mul3A_37, %dma_wait3A_85] : memref<10240x128xf32, #tpu.memory_space<vmem_shared>> -> memref<640x128xf32, #tpu.memory_space<vmem_shared>>
      tpu.wait_dma2 semaphore(%run_scoped3A : memref<!tpu.dma_semaphore, #tpu.memory_space<semaphore_mem>>) src(%arg4 : memref<640x128xf32, #tpu.memory_space<hbm>>) dst(%dma_wait3A_86 : memref<640x128xf32, #tpu.memory_space<vmem_shared>>)
      tpu.yield
    }) : () -> ()
    %dma_wait3A = arith.constant 0 : i32
    %dma_wait3A_38 = arith.constant 0 : i32
    %dma_wait3A_39 = arith.constant 0 : i32
    %dma_wait3A_40 = arith.constant 0 : i32
    %dma_wait3A_41 = tpu.memref_slice %arg7[%dma_wait3A_38, %dma_wait3A_39, %dma_wait3A_40] : memref<2x8x128xi32, #tpu.memory_space<vmem>> -> memref<1x8x128xi32, #tpu.memory_space<vmem>>
    %dma_wait3A_42 = tpu.memref_squeeze %dma_wait3A_41 : memref<1x8x128xi32, #tpu.memory_space<vmem>> -> memref<8x128xi32, #tpu.memory_space<vmem>>
    %dma_wait3A_43 = arith.constant 0 : i32
    %dma_wait3A_44 = arith.constant 0 : i32
    %dma_wait3A_45 = tpu.memref_slice %arg3[%dma_wait3A, %add3A, %dma_wait3A_43, %dma_wait3A_44] : memref<2x32x80x128xi32, #tpu.memory_space<hbm>> -> memref<1x1x8x128xi32, #tpu.memory_space<hbm>>
    %dma_wait3A_46 = tpu.memref_squeeze %dma_wait3A_45 : memref<1x1x8x128xi32, #tpu.memory_space<hbm>> -> memref<8x128xi32, #tpu.memory_space<hbm>>
    %dma_wait3A_47 = arith.constant 0 : i32
    %dma_wait3A_48 = arith.constant 0 : i32
    %dma_wait3A_49 = tpu.memref_slice %arg7[%dma_wait3A_38, %dma_wait3A_47, %dma_wait3A_48] : memref<2x8x128xi32, #tpu.memory_space<vmem>> -> memref<1x8x128xi32, #tpu.memory_space<vmem>>
    %dma_wait3A_50 = tpu.memref_squeeze %dma_wait3A_49 : memref<1x8x128xi32, #tpu.memory_space<vmem>> -> memref<8x128xi32, #tpu.memory_space<vmem>>
    %dma_wait3A_51 = arith.constant 0 : i32
    %dma_wait3A_52 = arith.constant 0 : i32
    %dma_wait3A_53 = tpu.memref_slice %arg3[%dma_wait3A, %add3A, %dma_wait3A_51, %dma_wait3A_52] : memref<2x32x80x128xi32, #tpu.memory_space<hbm>> -> memref<1x1x8x128xi32, #tpu.memory_space<hbm>>
    %dma_wait3A_54 = tpu.memref_squeeze %dma_wait3A_53 : memref<1x1x8x128xi32, #tpu.memory_space<hbm>> -> memref<8x128xi32, #tpu.memory_space<hbm>>
    tpu.wait_dma2 semaphore(%arg10 : memref<!tpu.dma_semaphore, #tpu.memory_space<semaphore_mem>>) src(%dma_wait3A_54 : memref<8x128xi32, #tpu.memory_space<hbm>>) dst(%dma_wait3A_50 : memref<8x128xi32, #tpu.memory_space<vmem>>)
    %dma_wait3A_55 = arith.constant 1 : i32
    %dma_wait3A_56 = arith.constant 0 : i32
    %dma_wait3A_57 = arith.constant 0 : i32
    %dma_wait3A_58 = arith.constant 0 : i32
    %dma_wait3A_59 = tpu.memref_slice %arg8[%dma_wait3A_56, %dma_wait3A_57, %dma_wait3A_58] : memref<2x8x128xi32, #tpu.memory_space<vmem>> -> memref<1x8x128xi32, #tpu.memory_space<vmem>>
    %dma_wait3A_60 = tpu.memref_squeeze %dma_wait3A_59 : memref<1x8x128xi32, #tpu.memory_space<vmem>> -> memref<8x128xi32, #tpu.memory_space<vmem>>
    %dma_wait3A_61 = arith.constant 0 : i32
    %dma_wait3A_62 = arith.constant 0 : i32
    %dma_wait3A_63 = tpu.memref_slice %arg3[%dma_wait3A_55, %add3A, %dma_wait3A_61, %dma_wait3A_62] : memref<2x32x80x128xi32, #tpu.memory_space<hbm>> -> memref<1x1x8x128xi32, #tpu.memory_space<hbm>>
    %dma_wait3A_64 = tpu.memref_squeeze %dma_wait3A_63 : memref<1x1x8x128xi32, #tpu.memory_space<hbm>> -> memref<8x128xi32, #tpu.memory_space<hbm>>
    %dma_wait3A_65 = arith.constant 0 : i32
    %dma_wait3A_66 = arith.constant 0 : i32
    %dma_wait3A_67 = tpu.memref_slice %arg8[%dma_wait3A_56, %dma_wait3A_65, %dma_wait3A_66] : memref<2x8x128xi32, #tpu.memory_space<vmem>> -> memref<1x8x128xi32, #tpu.memory_space<vmem>>
    %dma_wait3A_68 = tpu.memref_squeeze %dma_wait3A_67 : memref<1x8x128xi32, #tpu.memory_space<vmem>> -> memref<8x128xi32, #tpu.memory_space<vmem>>
    %dma_wait3A_69 = arith.constant 0 : i32
    %dma_wait3A_70 = arith.constant 0 : i32
    %dma_wait3A_71 = tpu.memref_slice %arg3[%dma_wait3A_55, %add3A, %dma_wait3A_69, %dma_wait3A_70] : memref<2x32x80x128xi32, #tpu.memory_space<hbm>> -> memref<1x1x8x128xi32, #tpu.memory_space<hbm>>
    %dma_wait3A_72 = tpu.memref_squeeze %dma_wait3A_71 : memref<1x1x8x128xi32, #tpu.memory_space<hbm>> -> memref<8x128xi32, #tpu.memory_space<hbm>>
    tpu.wait_dma2 semaphore(%arg10 : memref<!tpu.dma_semaphore, #tpu.memory_space<semaphore_mem>>) src(%dma_wait3A_72 : memref<8x128xi32, #tpu.memory_space<hbm>>) dst(%dma_wait3A_68 : memref<8x128xi32, #tpu.memory_space<vmem>>)
    %barrier3A = arith.constant 0 : index
    tpu.barrier barrier_id(%barrier3A)
    %scan3A = arith.constant 0 : i32
    %scan3A_73 = arith.constant 0 : i32
    %scan3A_74 = arith.constant 5 : i32
    %scan3A_75 = arith.addi %scan3A_73, %scan3A_74 : i32
    %scan3A_76 = arith.constant 1 : i32
    scf.for %scan3A_83 = %scan3A_73 to %scan3A_75 step %scan3A_76  : i32 {
      %mul3A_84 = arith.constant 2 : i32
      %mul3A_85 = arith.muli %mul3A_84, %scan3A_83 : i32
      %add3A_86 = arith.constant 0 : i32
      %add3A_87 = arith.addi %mul3A_85, %add3A_86 : i32
      %add3A_88 = arith.constant 1 : i32
      %add3A_89 = arith.addi %add3A_87, %add3A_88 : i32
      %lt3A = arith.constant 10 : i32
      %lt3A_90 = arith.cmpi slt, %add3A_89, %lt3A : i32
      %convert_element_type3A = arith.extui %lt3A_90 : i1 to i32
      %cond3A = arith.constant 0 : i32
      %cond3A_91 = arith.cmpi ne, %convert_element_type3A, %cond3A : i32
      scf.if %cond3A_91 {
        %add3A_949 = arith.constant 1 : i32
        %add3A_950 = arith.addi %add3A_87, %add3A_949 : i32
        %mul3A_951 = arith.constant 8 : i32
        %mul3A_952 = arith.muli %add3A_950, %mul3A_951 : i32
        %mul3A_953 = arith.constant 8 : i32
        %mul3A_954 = arith.muli %add3A_950, %mul3A_953 : i32
        %dma_start3A_955 = arith.constant 0 : i32
        %dma_start3A_956 = arith.constant 1 : i32
        %dma_start3A_957 = arith.constant 0 : i32
        %dma_start3A_958 = arith.constant 0 : i32
        %dma_start3A_959 = tpu.memref_slice %arg7[%dma_start3A_956, %dma_start3A_957, %dma_start3A_958] : memref<2x8x128xi32, #tpu.memory_space<vmem>> -> memref<1x8x128xi32, #tpu.memory_space<vmem>>
        %dma_start3A_960 = tpu.memref_squeeze %dma_start3A_959 : memref<1x8x128xi32, #tpu.memory_space<vmem>> -> memref<8x128xi32, #tpu.memory_space<vmem>>
        %dma_start3A_961 = arith.constant 0 : i32
        %dma_start3A_962 = tpu.memref_slice %arg3[%dma_start3A_955, %add3A, %mul3A_952, %dma_start3A_961] : memref<2x32x80x128xi32, #tpu.memory_space<hbm>> -> memref<1x1x8x128xi32, #tpu.memory_space<hbm>>
        %dma_start3A_963 = tpu.memref_squeeze %dma_start3A_962 : memref<1x1x8x128xi32, #tpu.memory_space<hbm>> -> memref<8x128xi32, #tpu.memory_space<hbm>>
        %dma_start3A_964 = arith.constant 0 : i32
        %dma_start3A_965 = arith.constant 0 : i32
        %dma_start3A_966 = tpu.memref_slice %arg7[%dma_start3A_956, %dma_start3A_964, %dma_start3A_965] : memref<2x8x128xi32, #tpu.memory_space<vmem>> -> memref<1x8x128xi32, #tpu.memory_space<vmem>>
        %dma_start3A_967 = tpu.memref_squeeze %dma_start3A_966 : memref<1x8x128xi32, #tpu.memory_space<vmem>> -> memref<8x128xi32, #tpu.memory_space<vmem>>
        %dma_start3A_968 = arith.constant 0 : i32
        %dma_start3A_969 = tpu.memref_slice %arg3[%dma_start3A_955, %add3A, %mul3A_952, %dma_start3A_968] : memref<2x32x80x128xi32, #tpu.memory_space<hbm>> -> memref<1x1x8x128xi32, #tpu.memory_space<hbm>>
        %dma_start3A_970 = tpu.memref_squeeze %dma_start3A_969 : memref<1x1x8x128xi32, #tpu.memory_space<hbm>> -> memref<8x128xi32, #tpu.memory_space<hbm>>
        tpu.enqueue_dma source(%dma_start3A_970 : memref<8x128xi32, #tpu.memory_space<hbm>>) target(%dma_start3A_967 : memref<8x128xi32, #tpu.memory_space<vmem>>) target_semaphore(%arg11 : memref<!tpu.dma_semaphore, #tpu.memory_space<semaphore_mem>>)
        %dma_start3A_971 = arith.constant 1 : i32
        %dma_start3A_972 = arith.constant 1 : i32
        %dma_start3A_973 = arith.constant 0 : i32
        %dma_start3A_974 = arith.constant 0 : i32
        %dma_start3A_975 = tpu.memref_slice %arg8[%dma_start3A_972, %dma_start3A_973, %dma_start3A_974] : memref<2x8x128xi32, #tpu.memory_space<vmem>> -> memref<1x8x128xi32, #tpu.memory_space<vmem>>
        %dma_start3A_976 = tpu.memref_squeeze %dma_start3A_975 : memref<1x8x128xi32, #tpu.memory_space<vmem>> -> memref<8x128xi32, #tpu.memory_space<vmem>>
        %dma_start3A_977 = arith.constant 0 : i32
        %dma_start3A_978 = tpu.memref_slice %arg3[%dma_start3A_971, %add3A, %mul3A_954, %dma_start3A_977] : memref<2x32x80x128xi32, #tpu.memory_space<hbm>> -> memref<1x1x8x128xi32, #tpu.memory_space<hbm>>
        %dma_start3A_979 = tpu.memref_squeeze %dma_start3A_978 : memref<1x1x8x128xi32, #tpu.memory_space<hbm>> -> memref<8x128xi32, #tpu.memory_space<hbm>>
        %dma_start3A_980 = arith.constant 0 : i32
        %dma_start3A_981 = arith.constant 0 : i32
        %dma_start3A_982 = tpu.memref_slice %arg8[%dma_start3A_972, %dma_start3A_980, %dma_start3A_981] : memref<2x8x128xi32, #tpu.memory_space<vmem>> -> memref<1x8x128xi32, #tpu.memory_space<vmem>>
        %dma_start3A_983 = tpu.memref_squeeze %dma_start3A_982 : memref<1x8x128xi32, #tpu.memory_space<vmem>> -> memref<8x128xi32, #tpu.memory_space<vmem>>
        %dma_start3A_984 = arith.constant 0 : i32
        %dma_start3A_985 = tpu.memref_slice %arg3[%dma_start3A_971, %add3A, %mul3A_954, %dma_start3A_984] : memref<2x32x80x128xi32, #tpu.memory_space<hbm>> -> memref<1x1x8x128xi32, #tpu.memory_space<hbm>>
        %dma_start3A_986 = tpu.memref_squeeze %dma_start3A_985 : memref<1x1x8x128xi32, #tpu.memory_space<hbm>> -> memref<8x128xi32, #tpu.memory_space<hbm>>
        tpu.enqueue_dma source(%dma_start3A_986 : memref<8x128xi32, #tpu.memory_space<hbm>>) target(%dma_start3A_983 : memref<8x128xi32, #tpu.memory_space<vmem>>) target_semaphore(%arg11 : memref<!tpu.dma_semaphore, #tpu.memory_space<semaphore_mem>>)
      } else {
      }
      %dma_start3A_92 = arith.constant 0 : i32
      %dma_start3A_93 = arith.constant 0 : i32
      %dma_start3A_94 = arith.constant 0 : i32
      %dma_start3A_95 = arith.constant 0 : i32
      %dma_start3A_96 = arith.constant 0 : i32
      %dma_start3A_97 = tpu.memref_slice %arg9[%dma_start3A_94, %dma_start3A_95, %dma_start3A_96] : memref<2x128x128xf32, #tpu.memory_space<vmem>> -> memref<1x128x128xf32, #tpu.memory_space<vmem>>
      %dma_start3A_98 = tpu.memref_squeeze %dma_start3A_97 : memref<1x128x128xf32, #tpu.memory_space<vmem>> -> memref<128x128xf32, #tpu.memory_space<vmem>>
      %dma_start3A_99 = arith.constant 0 : i32
      %dma_start3A_100 = tpu.memref_slice %arg7[%dma_start3A_92, %dma_start3A_93, %dma_start3A_99] : memref<2x8x128xi32, #tpu.memory_space<vmem>> -> memref<1x1x128xi32, #tpu.memory_space<vmem>>
      %dma_start3A_101 = tpu.memref_squeeze %dma_start3A_100 : memref<1x1x128xi32, #tpu.memory_space<vmem>> -> memref<128xi32, #tpu.memory_space<vmem>>
      %dma_start3A_102 = arith.constant 0 : i32
      %dma_start3A_103 = arith.constant 0 : i32
      %dma_start3A_104 = tpu.memref_slice %arg2[%dma_start3A_102, %dma_start3A_103] : memref<10240x128xf32, #tpu.memory_space<hbm>> -> memref<10240x128xf32, #tpu.memory_space<hbm>>
      tpu.enqueue_indirect_dma source(%dma_start3A_104 : memref<10240x128xf32, #tpu.memory_space<hbm>>) target(%dma_start3A_98 : memref<128x128xf32, #tpu.memory_space<vmem>>) offsets(%dma_start3A_101 : memref<128xi32, #tpu.memory_space<vmem>>) semaphore(%arg12 : memref<!tpu.dma_semaphore, #tpu.memory_space<semaphore_mem>>)
      %dma_start3A_105 = arith.constant 0 : i32
      %dma_start3A_106 = arith.constant 1 : i32
      %dma_start3A_107 = arith.constant 1 : i32
      %dma_start3A_108 = arith.constant 0 : i32
      %dma_start3A_109 = arith.constant 0 : i32
      %dma_start3A_110 = tpu.memref_slice %arg9[%dma_start3A_107, %dma_start3A_108, %dma_start3A_109] : memref<2x128x128xf32, #tpu.memory_space<vmem>> -> memref<1x128x128xf32, #tpu.memory_space<vmem>>
      %dma_start3A_111 = tpu.memref_squeeze %dma_start3A_110 : memref<1x128x128xf32, #tpu.memory_space<vmem>> -> memref<128x128xf32, #tpu.memory_space<vmem>>
      %dma_start3A_112 = arith.constant 0 : i32
      %dma_start3A_113 = tpu.memref_slice %arg7[%dma_start3A_105, %dma_start3A_106, %dma_start3A_112] : memref<2x8x128xi32, #tpu.memory_space<vmem>> -> memref<1x1x128xi32, #tpu.memory_space<vmem>>
      %dma_start3A_114 = tpu.memref_squeeze %dma_start3A_113 : memref<1x1x128xi32, #tpu.memory_space<vmem>> -> memref<128xi32, #tpu.memory_space<vmem>>
      %dma_start3A_115 = arith.constant 0 : i32
      %dma_start3A_116 = arith.constant 0 : i32
      %dma_start3A_117 = tpu.memref_slice %arg2[%dma_start3A_115, %dma_start3A_116] : memref<10240x128xf32, #tpu.memory_space<hbm>> -> memref<10240x128xf32, #tpu.memory_space<hbm>>
      tpu.enqueue_indirect_dma source(%dma_start3A_117 : memref<10240x128xf32, #tpu.memory_space<hbm>>) target(%dma_start3A_111 : memref<128x128xf32, #tpu.memory_space<vmem>>) offsets(%dma_start3A_114 : memref<128xi32, #tpu.memory_space<vmem>>) semaphore(%arg13 : memref<!tpu.dma_semaphore, #tpu.memory_space<semaphore_mem>>)
      %dma_wait3A_118 = arith.constant 0 : i32
      %dma_wait3A_119 = arith.constant 0 : i32
      %dma_wait3A_120 = arith.constant 0 : i32
      %dma_wait3A_121 = arith.constant 0 : i32
      %dma_wait3A_122 = arith.constant 0 : i32
      %dma_wait3A_123 = tpu.memref_slice %arg9[%dma_wait3A_120, %dma_wait3A_121, %dma_wait3A_122] : memref<2x128x128xf32, #tpu.memory_space<vmem>> -> memref<1x128x128xf32, #tpu.memory_space<vmem>>
      %dma_wait3A_124 = tpu.memref_squeeze %dma_wait3A_123 : memref<1x128x128xf32, #tpu.memory_space<vmem>> -> memref<128x128xf32, #tpu.memory_space<vmem>>
      %dma_wait3A_125 = arith.constant 0 : i32
      %dma_wait3A_126 = tpu.memref_slice %arg7[%dma_wait3A_118, %dma_wait3A_119, %dma_wait3A_125] : memref<2x8x128xi32, #tpu.memory_space<vmem>> -> memref<1x1x128xi32, #tpu.memory_space<vmem>>
      %dma_wait3A_127 = tpu.memref_squeeze %dma_wait3A_126 : memref<1x1x128xi32, #tpu.memory_space<vmem>> -> memref<128xi32, #tpu.memory_space<vmem>>
      %dma_wait3A_128 = arith.constant 0 : i32
      %dma_wait3A_129 = arith.constant 0 : i32
      %dma_wait3A_130 = tpu.memref_slice %arg2[%dma_wait3A_128, %dma_wait3A_129] : memref<10240x128xf32, #tpu.memory_space<hbm>> -> memref<10240x128xf32, #tpu.memory_space<hbm>>
      tpu.wait_indirect_dma semaphore(%arg12 : memref<!tpu.dma_semaphore, #tpu.memory_space<semaphore_mem>>) src(%dma_wait3A_130 : memref<10240x128xf32, #tpu.memory_space<hbm>>) dst(%dma_wait3A_124 : memref<128x128xf32, #tpu.memory_space<vmem>>)
      %dma_start3A_131 = arith.constant 0 : i32
      %dma_start3A_132 = arith.constant 0 : i32
      %dma_start3A_133 = arith.constant 0 : i32
      %dma_start3A_134 = arith.constant 0 : i32
      %dma_start3A_135 = arith.constant 0 : i32
      %dma_start3A_136 = tpu.memref_slice %arg9[%dma_start3A_131, %dma_start3A_134, %dma_start3A_135] : memref<2x128x128xf32, #tpu.memory_space<vmem>> -> memref<1x128x128xf32, #tpu.memory_space<vmem>>
      %dma_start3A_137 = tpu.memref_squeeze %dma_start3A_136 : memref<1x128x128xf32, #tpu.memory_space<vmem>> -> memref<128x128xf32, #tpu.memory_space<vmem>>
      %dma_start3A_138 = arith.constant 0 : i32
      %dma_start3A_139 = tpu.memref_slice %arg8[%dma_start3A_132, %dma_start3A_133, %dma_start3A_138] : memref<2x8x128xi32, #tpu.memory_space<vmem>> -> memref<1x1x128xi32, #tpu.memory_space<vmem>>
      %dma_start3A_140 = tpu.memref_squeeze %dma_start3A_139 : memref<1x1x128xi32, #tpu.memory_space<vmem>> -> memref<128xi32, #tpu.memory_space<vmem>>
      %dma_start3A_141 = arith.constant 0 : i32
      %dma_start3A_142 = arith.constant 0 : i32
      %dma_start3A_143 = tpu.memref_slice %arg6[%dma_start3A_141, %dma_start3A_142] : memref<10240x128xf32, #tpu.memory_space<vmem_shared>> -> memref<10240x128xf32, #tpu.memory_space<vmem_shared>>
      tpu.enqueue_indirect_dma source(%dma_start3A_137 : memref<128x128xf32, #tpu.memory_space<vmem>>) target(%dma_start3A_143 : memref<10240x128xf32, #tpu.memory_space<vmem_shared>>) offsets(%dma_start3A_140 : memref<128xi32, #tpu.memory_space<vmem>>) semaphore(%arg14 : memref<!tpu.dma_semaphore, #tpu.memory_space<semaphore_mem>>) {add = true}
      %dma_wait3A_144 = arith.constant 0 : i32
      %dma_wait3A_145 = arith.constant 0 : i32
      %dma_wait3A_146 = arith.constant 0 : i32
      %dma_wait3A_147 = arith.constant 0 : i32
      %dma_wait3A_148 = arith.constant 0 : i32
      %dma_wait3A_149 = tpu.memref_slice %arg9[%dma_wait3A_144, %dma_wait3A_147, %dma_wait3A_148] : memref<2x128x128xf32, #tpu.memory_space<vmem>> -> memref<1x128x128xf32, #tpu.memory_space<vmem>>
      %dma_wait3A_150 = tpu.memref_squeeze %dma_wait3A_149 : memref<1x128x128xf32, #tpu.memory_space<vmem>> -> memref<128x128xf32, #tpu.memory_space<vmem>>
      %dma_wait3A_151 = arith.constant 0 : i32
      %dma_wait3A_152 = tpu.memref_slice %arg8[%dma_wait3A_145, %dma_wait3A_146, %dma_wait3A_151] : memref<2x8x128xi32, #tpu.memory_space<vmem>> -> memref<1x1x128xi32, #tpu.memory_space<vmem>>
      %dma_wait3A_153 = tpu.memref_squeeze %dma_wait3A_152 : memref<1x1x128xi32, #tpu.memory_space<vmem>> -> memref<128xi32, #tpu.memory_space<vmem>>
      %dma_wait3A_154 = arith.constant 0 : i32
      %dma_wait3A_155 = arith.constant 0 : i32
      %dma_wait3A_156 = tpu.memref_slice %arg6[%dma_wait3A_154, %dma_wait3A_155] : memref<10240x128xf32, #tpu.memory_space<vmem_shared>> -> memref<10240x128xf32, #tpu.memory_space<vmem_shared>>
      tpu.wait_indirect_dma semaphore(%arg14 : memref<!tpu.dma_semaphore, #tpu.memory_space<semaphore_mem>>) src(%dma_wait3A_150 : memref<128x128xf32, #tpu.memory_space<vmem>>) dst(%dma_wait3A_156 : memref<10240x128xf32, #tpu.memory_space<vmem_shared>>)
      %dma_start3A_157 = arith.constant 0 : i32
      %dma_start3A_158 = arith.constant 2 : i32
      %dma_start3A_159 = arith.constant 0 : i32
      %dma_start3A_160 = arith.constant 0 : i32
      %dma_start3A_161 = arith.constant 0 : i32
      %dma_start3A_162 = tpu.memref_slice %arg9[%dma_start3A_159, %dma_start3A_160, %dma_start3A_161] : memref<2x128x128xf32, #tpu.memory_space<vmem>> -> memref<1x128x128xf32, #tpu.memory_space<vmem>>
      %dma_start3A_163 = tpu.memref_squeeze %dma_start3A_162 : memref<1x128x128xf32, #tpu.memory_space<vmem>> -> memref<128x128xf32, #tpu.memory_space<vmem>>
      %dma_start3A_164 = arith.constant 0 : i32
      %dma_start3A_165 = tpu.memref_slice %arg7[%dma_start3A_157, %dma_start3A_158, %dma_start3A_164] : memref<2x8x128xi32, #tpu.memory_space<vmem>> -> memref<1x1x128xi32, #tpu.memory_space<vmem>>
      %dma_start3A_166 = tpu.memref_squeeze %dma_start3A_165 : memref<1x1x128xi32, #tpu.memory_space<vmem>> -> memref<128xi32, #tpu.memory_space<vmem>>
      %dma_start3A_167 = arith.constant 0 : i32
      %dma_start3A_168 = arith.constant 0 : i32
      %dma_start3A_169 = tpu.memref_slice %arg2[%dma_start3A_167, %dma_start3A_168] : memref<10240x128xf32, #tpu.memory_space<hbm>> -> memref<10240x128xf32, #tpu.memory_space<hbm>>
      tpu.enqueue_indirect_dma source(%dma_start3A_169 : memref<10240x128xf32, #tpu.memory_space<hbm>>) target(%dma_start3A_163 : memref<128x128xf32, #tpu.memory_space<vmem>>) offsets(%dma_start3A_166 : memref<128xi32, #tpu.memory_space<vmem>>) semaphore(%arg12 : memref<!tpu.dma_semaphore, #tpu.memory_space<semaphore_mem>>)
      %dma_wait3A_170 = arith.constant 0 : i32
      %dma_wait3A_171 = arith.constant 1 : i32
      %dma_wait3A_172 = arith.constant 1 : i32
      %dma_wait3A_173 = arith.constant 0 : i32
      %dma_wait3A_174 = arith.constant 0 : i32
      %dma_wait3A_175 = tpu.memref_slice %arg9[%dma_wait3A_172, %dma_wait3A_173, %dma_wait3A_174] : memref<2x128x128xf32, #tpu.memory_space<vmem>> -> memref<1x128x128xf32, #tpu.memory_space<vmem>>
      %dma_wait3A_176 = tpu.memref_squeeze %dma_wait3A_175 : memref<1x128x128xf32, #tpu.memory_space<vmem>> -> memref<128x128xf32, #tpu.memory_space<vmem>>
      %dma_wait3A_177 = arith.constant 0 : i32
      %dma_wait3A_178 = tpu.memref_slice %arg7[%dma_wait3A_170, %dma_wait3A_171, %dma_wait3A_177] : memref<2x8x128xi32, #tpu.memory_space<vmem>> -> memref<1x1x128xi32, #tpu.memory_space<vmem>>
      %dma_wait3A_179 = tpu.memref_squeeze %dma_wait3A_178 : memref<1x1x128xi32, #tpu.memory_space<vmem>> -> memref<128xi32, #tpu.memory_space<vmem>>
      %dma_wait3A_180 = arith.constant 0 : i32
      %dma_wait3A_181 = arith.constant 0 : i32
      %dma_wait3A_182 = tpu.memref_slice %arg2[%dma_wait3A_180, %dma_wait3A_181] : memref<10240x128xf32, #tpu.memory_space<hbm>> -> memref<10240x128xf32, #tpu.memory_space<hbm>>
      tpu.wait_indirect_dma semaphore(%arg13 : memref<!tpu.dma_semaphore, #tpu.memory_space<semaphore_mem>>) src(%dma_wait3A_182 : memref<10240x128xf32, #tpu.memory_space<hbm>>) dst(%dma_wait3A_176 : memref<128x128xf32, #tpu.memory_space<vmem>>)
      %dma_start3A_183 = arith.constant 1 : i32
      %dma_start3A_184 = arith.constant 0 : i32
      %dma_start3A_185 = arith.constant 1 : i32
      %dma_start3A_186 = arith.constant 0 : i32
      %dma_start3A_187 = arith.constant 0 : i32
      %dma_start3A_188 = tpu.memref_slice %arg9[%dma_start3A_183, %dma_start3A_186, %dma_start3A_187] : memref<2x128x128xf32, #tpu.memory_space<vmem>> -> memref<1x128x128xf32, #tpu.memory_space<vmem>>
      %dma_start3A_189 = tpu.memref_squeeze %dma_start3A_188 : memref<1x128x128xf32, #tpu.memory_space<vmem>> -> memref<128x128xf32, #tpu.memory_space<vmem>>
      %dma_start3A_190 = arith.constant 0 : i32
      %dma_start3A_191 = tpu.memref_slice %arg8[%dma_start3A_184, %dma_start3A_185, %dma_start3A_190] : memref<2x8x128xi32, #tpu.memory_space<vmem>> -> memref<1x1x128xi32, #tpu.memory_space<vmem>>
      %dma_start3A_192 = tpu.memref_squeeze %dma_start3A_191 : memref<1x1x128xi32, #tpu.memory_space<vmem>> -> memref<128xi32, #tpu.memory_space<vmem>>
      %dma_start3A_193 = arith.constant 0 : i32
      %dma_start3A_194 = arith.constant 0 : i32
      %dma_start3A_195 = tpu.memref_slice %arg6[%dma_start3A_193, %dma_start3A_194] : memref<10240x128xf32, #tpu.memory_space<vmem_shared>> -> memref<10240x128xf32, #tpu.memory_space<vmem_shared>>
      tpu.enqueue_indirect_dma source(%dma_start3A_189 : memref<128x128xf32, #tpu.memory_space<vmem>>) target(%dma_start3A_195 : memref<10240x128xf32, #tpu.memory_space<vmem_shared>>) offsets(%dma_start3A_192 : memref<128xi32, #tpu.memory_space<vmem>>) semaphore(%arg15 : memref<!tpu.dma_semaphore, #tpu.memory_space<semaphore_mem>>) {add = true}
      %dma_wait3A_196 = arith.constant 1 : i32
      %dma_wait3A_197 = arith.constant 0 : i32
      %dma_wait3A_198 = arith.constant 1 : i32
      %dma_wait3A_199 = arith.constant 0 : i32
      %dma_wait3A_200 = arith.constant 0 : i32
      %dma_wait3A_201 = tpu.memref_slice %arg9[%dma_wait3A_196, %dma_wait3A_199, %dma_wait3A_200] : memref<2x128x128xf32, #tpu.memory_space<vmem>> -> memref<1x128x128xf32, #tpu.memory_space<vmem>>
      %dma_wait3A_202 = tpu.memref_squeeze %dma_wait3A_201 : memref<1x128x128xf32, #tpu.memory_space<vmem>> -> memref<128x128xf32, #tpu.memory_space<vmem>>
      %dma_wait3A_203 = arith.constant 0 : i32
      %dma_wait3A_204 = tpu.memref_slice %arg8[%dma_wait3A_197, %dma_wait3A_198, %dma_wait3A_203] : memref<2x8x128xi32, #tpu.memory_space<vmem>> -> memref<1x1x128xi32, #tpu.memory_space<vmem>>
      %dma_wait3A_205 = tpu.memref_squeeze %dma_wait3A_204 : memref<1x1x128xi32, #tpu.memory_space<vmem>> -> memref<128xi32, #tpu.memory_space<vmem>>
      %dma_wait3A_206 = arith.constant 0 : i32
      %dma_wait3A_207 = arith.constant 0 : i32
      %dma_wait3A_208 = tpu.memref_slice %arg6[%dma_wait3A_206, %dma_wait3A_207] : memref<10240x128xf32, #tpu.memory_space<vmem_shared>> -> memref<10240x128xf32, #tpu.memory_space<vmem_shared>>
      tpu.wait_indirect_dma semaphore(%arg15 : memref<!tpu.dma_semaphore, #tpu.memory_space<semaphore_mem>>) src(%dma_wait3A_202 : memref<128x128xf32, #tpu.memory_space<vmem>>) dst(%dma_wait3A_208 : memref<10240x128xf32, #tpu.memory_space<vmem_shared>>)
      %dma_start3A_209 = arith.constant 0 : i32
      %dma_start3A_210 = arith.constant 3 : i32
      %dma_start3A_211 = arith.constant 1 : i32
      %dma_start3A_212 = arith.constant 0 : i32
      %dma_start3A_213 = arith.constant 0 : i32
      %dma_start3A_214 = tpu.memref_slice %arg9[%dma_start3A_211, %dma_start3A_212, %dma_start3A_213] : memref<2x128x128xf32, #tpu.memory_space<vmem>> -> memref<1x128x128xf32, #tpu.memory_space<vmem>>
      %dma_start3A_215 = tpu.memref_squeeze %dma_start3A_214 : memref<1x128x128xf32, #tpu.memory_space<vmem>> -> memref<128x128xf32, #tpu.memory_space<vmem>>
      %dma_start3A_216 = arith.constant 0 : i32
      %dma_start3A_217 = tpu.memref_slice %arg7[%dma_start3A_209, %dma_start3A_210, %dma_start3A_216] : memref<2x8x128xi32, #tpu.memory_space<vmem>> -> memref<1x1x128xi32, #tpu.memory_space<vmem>>
      %dma_start3A_218 = tpu.memref_squeeze %dma_start3A_217 : memref<1x1x128xi32, #tpu.memory_space<vmem>> -> memref<128xi32, #tpu.memory_space<vmem>>
      %dma_start3A_219 = arith.constant 0 : i32
      %dma_start3A_220 = arith.constant 0 : i32
      %dma_start3A_221 = tpu.memref_slice %arg2[%dma_start3A_219, %dma_start3A_220] : memref<10240x128xf32, #tpu.memory_space<hbm>> -> memref<10240x128xf32, #tpu.memory_space<hbm>>
      tpu.enqueue_indirect_dma source(%dma_start3A_221 : memref<10240x128xf32, #tpu.memory_space<hbm>>) target(%dma_start3A_215 : memref<128x128xf32, #tpu.memory_space<vmem>>) offsets(%dma_start3A_218 : memref<128xi32, #tpu.memory_space<vmem>>) semaphore(%arg13 : memref<!tpu.dma_semaphore, #tpu.memory_space<semaphore_mem>>)
      %dma_wait3A_222 = arith.constant 0 : i32
      %dma_wait3A_223 = arith.constant 2 : i32
      %dma_wait3A_224 = arith.constant 0 : i32
      %dma_wait3A_225 = arith.constant 0 : i32
      %dma_wait3A_226 = arith.constant 0 : i32
      %dma_wait3A_227 = tpu.memref_slice %arg9[%dma_wait3A_224, %dma_wait3A_225, %dma_wait3A_226] : memref<2x128x128xf32, #tpu.memory_space<vmem>> -> memref<1x128x128xf32, #tpu.memory_space<vmem>>
      %dma_wait3A_228 = tpu.memref_squeeze %dma_wait3A_227 : memref<1x128x128xf32, #tpu.memory_space<vmem>> -> memref<128x128xf32, #tpu.memory_space<vmem>>
      %dma_wait3A_229 = arith.constant 0 : i32
      %dma_wait3A_230 = tpu.memref_slice %arg7[%dma_wait3A_222, %dma_wait3A_223, %dma_wait3A_229] : memref<2x8x128xi32, #tpu.memory_space<vmem>> -> memref<1x1x128xi32, #tpu.memory_space<vmem>>
      %dma_wait3A_231 = tpu.memref_squeeze %dma_wait3A_230 : memref<1x1x128xi32, #tpu.memory_space<vmem>> -> memref<128xi32, #tpu.memory_space<vmem>>
      %dma_wait3A_232 = arith.constant 0 : i32
      %dma_wait3A_233 = arith.constant 0 : i32
      %dma_wait3A_234 = tpu.memref_slice %arg2[%dma_wait3A_232, %dma_wait3A_233] : memref<10240x128xf32, #tpu.memory_space<hbm>> -> memref<10240x128xf32, #tpu.memory_space<hbm>>
      tpu.wait_indirect_dma semaphore(%arg12 : memref<!tpu.dma_semaphore, #tpu.memory_space<semaphore_mem>>) src(%dma_wait3A_234 : memref<10240x128xf32, #tpu.memory_space<hbm>>) dst(%dma_wait3A_228 : memref<128x128xf32, #tpu.memory_space<vmem>>)
      %dma_start3A_235 = arith.constant 0 : i32
      %dma_start3A_236 = arith.constant 0 : i32
      %dma_start3A_237 = arith.constant 2 : i32
      %dma_start3A_238 = arith.constant 0 : i32
      %dma_start3A_239 = arith.constant 0 : i32
      %dma_start3A_240 = tpu.memref_slice %arg9[%dma_start3A_235, %dma_start3A_238, %dma_start3A_239] : memref<2x128x128xf32, #tpu.memory_space<vmem>> -> memref<1x128x128xf32, #tpu.memory_space<vmem>>
      %dma_start3A_241 = tpu.memref_squeeze %dma_start3A_240 : memref<1x128x128xf32, #tpu.memory_space<vmem>> -> memref<128x128xf32, #tpu.memory_space<vmem>>
      %dma_start3A_242 = arith.constant 0 : i32
      %dma_start3A_243 = tpu.memref_slice %arg8[%dma_start3A_236, %dma_start3A_237, %dma_start3A_242] : memref<2x8x128xi32, #tpu.memory_space<vmem>> -> memref<1x1x128xi32, #tpu.memory_space<vmem>>
      %dma_start3A_244 = tpu.memref_squeeze %dma_start3A_243 : memref<1x1x128xi32, #tpu.memory_space<vmem>> -> memref<128xi32, #tpu.memory_space<vmem>>
      %dma_start3A_245 = arith.constant 0 : i32
      %dma_start3A_246 = arith.constant 0 : i32
      %dma_start3A_247 = tpu.memref_slice %arg6[%dma_start3A_245, %dma_start3A_246] : memref<10240x128xf32, #tpu.memory_space<vmem_shared>> -> memref<10240x128xf32, #tpu.memory_space<vmem_shared>>
      tpu.enqueue_indirect_dma source(%dma_start3A_241 : memref<128x128xf32, #tpu.memory_space<vmem>>) target(%dma_start3A_247 : memref<10240x128xf32, #tpu.memory_space<vmem_shared>>) offsets(%dma_start3A_244 : memref<128xi32, #tpu.memory_space<vmem>>) semaphore(%arg14 : memref<!tpu.dma_semaphore, #tpu.memory_space<semaphore_mem>>) {add = true}
      %dma_wait3A_248 = arith.constant 0 : i32
      %dma_wait3A_249 = arith.constant 0 : i32
      %dma_wait3A_250 = arith.constant 2 : i32
      %dma_wait3A_251 = arith.constant 0 : i32
      %dma_wait3A_252 = arith.constant 0 : i32
      %dma_wait3A_253 = tpu.memref_slice %arg9[%dma_wait3A_248, %dma_wait3A_251, %dma_wait3A_252] : memref<2x128x128xf32, #tpu.memory_space<vmem>> -> memref<1x128x128xf32, #tpu.memory_space<vmem>>
      %dma_wait3A_254 = tpu.memref_squeeze %dma_wait3A_253 : memref<1x128x128xf32, #tpu.memory_space<vmem>> -> memref<128x128xf32, #tpu.memory_space<vmem>>
      %dma_wait3A_255 = arith.constant 0 : i32
      %dma_wait3A_256 = tpu.memref_slice %arg8[%dma_wait3A_249, %dma_wait3A_250, %dma_wait3A_255] : memref<2x8x128xi32, #tpu.memory_space<vmem>> -> memref<1x1x128xi32, #tpu.memory_space<vmem>>
      %dma_wait3A_257 = tpu.memref_squeeze %dma_wait3A_256 : memref<1x1x128xi32, #tpu.memory_space<vmem>> -> memref<128xi32, #tpu.memory_space<vmem>>
      %dma_wait3A_258 = arith.constant 0 : i32
      %dma_wait3A_259 = arith.constant 0 : i32
      %dma_wait3A_260 = tpu.memref_slice %arg6[%dma_wait3A_258, %dma_wait3A_259] : memref<10240x128xf32, #tpu.memory_space<vmem_shared>> -> memref<10240x128xf32, #tpu.memory_space<vmem_shared>>
      tpu.wait_indirect_dma semaphore(%arg14 : memref<!tpu.dma_semaphore, #tpu.memory_space<semaphore_mem>>) src(%dma_wait3A_254 : memref<128x128xf32, #tpu.memory_space<vmem>>) dst(%dma_wait3A_260 : memref<10240x128xf32, #tpu.memory_space<vmem_shared>>)
      %dma_start3A_261 = arith.constant 0 : i32
      %dma_start3A_262 = arith.constant 4 : i32
      %dma_start3A_263 = arith.constant 0 : i32
      %dma_start3A_264 = arith.constant 0 : i32
      %dma_start3A_265 = arith.constant 0 : i32
      %dma_start3A_266 = tpu.memref_slice %arg9[%dma_start3A_263, %dma_start3A_264, %dma_start3A_265] : memref<2x128x128xf32, #tpu.memory_space<vmem>> -> memref<1x128x128xf32, #tpu.memory_space<vmem>>
      %dma_start3A_267 = tpu.memref_squeeze %dma_start3A_266 : memref<1x128x128xf32, #tpu.memory_space<vmem>> -> memref<128x128xf32, #tpu.memory_space<vmem>>
      %dma_start3A_268 = arith.constant 0 : i32
      %dma_start3A_269 = tpu.memref_slice %arg7[%dma_start3A_261, %dma_start3A_262, %dma_start3A_268] : memref<2x8x128xi32, #tpu.memory_space<vmem>> -> memref<1x1x128xi32, #tpu.memory_space<vmem>>
      %dma_start3A_270 = tpu.memref_squeeze %dma_start3A_269 : memref<1x1x128xi32, #tpu.memory_space<vmem>> -> memref<128xi32, #tpu.memory_space<vmem>>
      %dma_start3A_271 = arith.constant 0 : i32
      %dma_start3A_272 = arith.constant 0 : i32
      %dma_start3A_273 = tpu.memref_slice %arg2[%dma_start3A_271, %dma_start3A_272] : memref<10240x128xf32, #tpu.memory_space<hbm>> -> memref<10240x128xf32, #tpu.memory_space<hbm>>
      tpu.enqueue_indirect_dma source(%dma_start3A_273 : memref<10240x128xf32, #tpu.memory_space<hbm>>) target(%dma_start3A_267 : memref<128x128xf32, #tpu.memory_space<vmem>>) offsets(%dma_start3A_270 : memref<128xi32, #tpu.memory_space<vmem>>) semaphore(%arg12 : memref<!tpu.dma_semaphore, #tpu.memory_space<semaphore_mem>>)
      %dma_wait3A_274 = arith.constant 0 : i32
      %dma_wait3A_275 = arith.constant 3 : i32
      %dma_wait3A_276 = arith.constant 1 : i32
      %dma_wait3A_277 = arith.constant 0 : i32
      %dma_wait3A_278 = arith.constant 0 : i32
      %dma_wait3A_279 = tpu.memref_slice %arg9[%dma_wait3A_276, %dma_wait3A_277, %dma_wait3A_278] : memref<2x128x128xf32, #tpu.memory_space<vmem>> -> memref<1x128x128xf32, #tpu.memory_space<vmem>>
      %dma_wait3A_280 = tpu.memref_squeeze %dma_wait3A_279 : memref<1x128x128xf32, #tpu.memory_space<vmem>> -> memref<128x128xf32, #tpu.memory_space<vmem>>
      %dma_wait3A_281 = arith.constant 0 : i32
      %dma_wait3A_282 = tpu.memref_slice %arg7[%dma_wait3A_274, %dma_wait3A_275, %dma_wait3A_281] : memref<2x8x128xi32, #tpu.memory_space<vmem>> -> memref<1x1x128xi32, #tpu.memory_space<vmem>>
      %dma_wait3A_283 = tpu.memref_squeeze %dma_wait3A_282 : memref<1x1x128xi32, #tpu.memory_space<vmem>> -> memref<128xi32, #tpu.memory_space<vmem>>
      %dma_wait3A_284 = arith.constant 0 : i32
      %dma_wait3A_285 = arith.constant 0 : i32
      %dma_wait3A_286 = tpu.memref_slice %arg2[%dma_wait3A_284, %dma_wait3A_285] : memref<10240x128xf32, #tpu.memory_space<hbm>> -> memref<10240x128xf32, #tpu.memory_space<hbm>>
      tpu.wait_indirect_dma semaphore(%arg13 : memref<!tpu.dma_semaphore, #tpu.memory_space<semaphore_mem>>) src(%dma_wait3A_286 : memref<10240x128xf32, #tpu.memory_space<hbm>>) dst(%dma_wait3A_280 : memref<128x128xf32, #tpu.memory_space<vmem>>)
      %dma_start3A_287 = arith.constant 1 : i32
      %dma_start3A_288 = arith.constant 0 : i32
      %dma_start3A_289 = arith.constant 3 : i32
      %dma_start3A_290 = arith.constant 0 : i32
      %dma_start3A_291 = arith.constant 0 : i32
      %dma_start3A_292 = tpu.memref_slice %arg9[%dma_start3A_287, %dma_start3A_290, %dma_start3A_291] : memref<2x128x128xf32, #tpu.memory_space<vmem>> -> memref<1x128x128xf32, #tpu.memory_space<vmem>>
      %dma_start3A_293 = tpu.memref_squeeze %dma_start3A_292 : memref<1x128x128xf32, #tpu.memory_space<vmem>> -> memref<128x128xf32, #tpu.memory_space<vmem>>
      %dma_start3A_294 = arith.constant 0 : i32
      %dma_start3A_295 = tpu.memref_slice %arg8[%dma_start3A_288, %dma_start3A_289, %dma_start3A_294] : memref<2x8x128xi32, #tpu.memory_space<vmem>> -> memref<1x1x128xi32, #tpu.memory_space<vmem>>
      %dma_start3A_296 = tpu.memref_squeeze %dma_start3A_295 : memref<1x1x128xi32, #tpu.memory_space<vmem>> -> memref<128xi32, #tpu.memory_space<vmem>>
      %dma_start3A_297 = arith.constant 0 : i32
      %dma_start3A_298 = arith.constant 0 : i32
      %dma_start3A_299 = tpu.memref_slice %arg6[%dma_start3A_297, %dma_start3A_298] : memref<10240x128xf32, #tpu.memory_space<vmem_shared>> -> memref<10240x128xf32, #tpu.memory_space<vmem_shared>>
      tpu.enqueue_indirect_dma source(%dma_start3A_293 : memref<128x128xf32, #tpu.memory_space<vmem>>) target(%dma_start3A_299 : memref<10240x128xf32, #tpu.memory_space<vmem_shared>>) offsets(%dma_start3A_296 : memref<128xi32, #tpu.memory_space<vmem>>) semaphore(%arg15 : memref<!tpu.dma_semaphore, #tpu.memory_space<semaphore_mem>>) {add = true}
      %dma_wait3A_300 = arith.constant 1 : i32
      %dma_wait3A_301 = arith.constant 0 : i32
      %dma_wait3A_302 = arith.constant 3 : i32
      %dma_wait3A_303 = arith.constant 0 : i32
      %dma_wait3A_304 = arith.constant 0 : i32
      %dma_wait3A_305 = tpu.memref_slice %arg9[%dma_wait3A_300, %dma_wait3A_303, %dma_wait3A_304] : memref<2x128x128xf32, #tpu.memory_space<vmem>> -> memref<1x128x128xf32, #tpu.memory_space<vmem>>
      %dma_wait3A_306 = tpu.memref_squeeze %dma_wait3A_305 : memref<1x128x128xf32, #tpu.memory_space<vmem>> -> memref<128x128xf32, #tpu.memory_space<vmem>>
      %dma_wait3A_307 = arith.constant 0 : i32
      %dma_wait3A_308 = tpu.memref_slice %arg8[%dma_wait3A_301, %dma_wait3A_302, %dma_wait3A_307] : memref<2x8x128xi32, #tpu.memory_space<vmem>> -> memref<1x1x128xi32, #tpu.memory_space<vmem>>
      %dma_wait3A_309 = tpu.memref_squeeze %dma_wait3A_308 : memref<1x1x128xi32, #tpu.memory_space<vmem>> -> memref<128xi32, #tpu.memory_space<vmem>>
      %dma_wait3A_310 = arith.constant 0 : i32
      %dma_wait3A_311 = arith.constant 0 : i32
      %dma_wait3A_312 = tpu.memref_slice %arg6[%dma_wait3A_310, %dma_wait3A_311] : memref<10240x128xf32, #tpu.memory_space<vmem_shared>> -> memref<10240x128xf32, #tpu.memory_space<vmem_shared>>
      tpu.wait_indirect_dma semaphore(%arg15 : memref<!tpu.dma_semaphore, #tpu.memory_space<semaphore_mem>>) src(%dma_wait3A_306 : memref<128x128xf32, #tpu.memory_space<vmem>>) dst(%dma_wait3A_312 : memref<10240x128xf32, #tpu.memory_space<vmem_shared>>)
      %dma_start3A_313 = arith.constant 0 : i32
      %dma_start3A_314 = arith.constant 5 : i32
      %dma_start3A_315 = arith.constant 1 : i32
      %dma_start3A_316 = arith.constant 0 : i32
      %dma_start3A_317 = arith.constant 0 : i32
      %dma_start3A_318 = tpu.memref_slice %arg9[%dma_start3A_315, %dma_start3A_316, %dma_start3A_317] : memref<2x128x128xf32, #tpu.memory_space<vmem>> -> memref<1x128x128xf32, #tpu.memory_space<vmem>>
      %dma_start3A_319 = tpu.memref_squeeze %dma_start3A_318 : memref<1x128x128xf32, #tpu.memory_space<vmem>> -> memref<128x128xf32, #tpu.memory_space<vmem>>
      %dma_start3A_320 = arith.constant 0 : i32
      %dma_start3A_321 = tpu.memref_slice %arg7[%dma_start3A_313, %dma_start3A_314, %dma_start3A_320] : memref<2x8x128xi32, #tpu.memory_space<vmem>> -> memref<1x1x128xi32, #tpu.memory_space<vmem>>
      %dma_start3A_322 = tpu.memref_squeeze %dma_start3A_321 : memref<1x1x128xi32, #tpu.memory_space<vmem>> -> memref<128xi32, #tpu.memory_space<vmem>>
      %dma_start3A_323 = arith.constant 0 : i32
      %dma_start3A_324 = arith.constant 0 : i32
      %dma_start3A_325 = tpu.memref_slice %arg2[%dma_start3A_323, %dma_start3A_324] : memref<10240x128xf32, #tpu.memory_space<hbm>> -> memref<10240x128xf32, #tpu.memory_space<hbm>>
      tpu.enqueue_indirect_dma source(%dma_start3A_325 : memref<10240x128xf32, #tpu.memory_space<hbm>>) target(%dma_start3A_319 : memref<128x128xf32, #tpu.memory_space<vmem>>) offsets(%dma_start3A_322 : memref<128xi32, #tpu.memory_space<vmem>>) semaphore(%arg13 : memref<!tpu.dma_semaphore, #tpu.memory_space<semaphore_mem>>)
      %dma_wait3A_326 = arith.constant 0 : i32
      %dma_wait3A_327 = arith.constant 4 : i32
      %dma_wait3A_328 = arith.constant 0 : i32
      %dma_wait3A_329 = arith.constant 0 : i32
      %dma_wait3A_330 = arith.constant 0 : i32
      %dma_wait3A_331 = tpu.memref_slice %arg9[%dma_wait3A_328, %dma_wait3A_329, %dma_wait3A_330] : memref<2x128x128xf32, #tpu.memory_space<vmem>> -> memref<1x128x128xf32, #tpu.memory_space<vmem>>
      %dma_wait3A_332 = tpu.memref_squeeze %dma_wait3A_331 : memref<1x128x128xf32, #tpu.memory_space<vmem>> -> memref<128x128xf32, #tpu.memory_space<vmem>>
      %dma_wait3A_333 = arith.constant 0 : i32
      %dma_wait3A_334 = tpu.memref_slice %arg7[%dma_wait3A_326, %dma_wait3A_327, %dma_wait3A_333] : memref<2x8x128xi32, #tpu.memory_space<vmem>> -> memref<1x1x128xi32, #tpu.memory_space<vmem>>
      %dma_wait3A_335 = tpu.memref_squeeze %dma_wait3A_334 : memref<1x1x128xi32, #tpu.memory_space<vmem>> -> memref<128xi32, #tpu.memory_space<vmem>>
      %dma_wait3A_336 = arith.constant 0 : i32
      %dma_wait3A_337 = arith.constant 0 : i32
      %dma_wait3A_338 = tpu.memref_slice %arg2[%dma_wait3A_336, %dma_wait3A_337] : memref<10240x128xf32, #tpu.memory_space<hbm>> -> memref<10240x128xf32, #tpu.memory_space<hbm>>
      tpu.wait_indirect_dma semaphore(%arg12 : memref<!tpu.dma_semaphore, #tpu.memory_space<semaphore_mem>>) src(%dma_wait3A_338 : memref<10240x128xf32, #tpu.memory_space<hbm>>) dst(%dma_wait3A_332 : memref<128x128xf32, #tpu.memory_space<vmem>>)
      %dma_start3A_339 = arith.constant 0 : i32
      %dma_start3A_340 = arith.constant 0 : i32
      %dma_start3A_341 = arith.constant 4 : i32
      %dma_start3A_342 = arith.constant 0 : i32
      %dma_start3A_343 = arith.constant 0 : i32
      %dma_start3A_344 = tpu.memref_slice %arg9[%dma_start3A_339, %dma_start3A_342, %dma_start3A_343] : memref<2x128x128xf32, #tpu.memory_space<vmem>> -> memref<1x128x128xf32, #tpu.memory_space<vmem>>
      %dma_start3A_345 = tpu.memref_squeeze %dma_start3A_344 : memref<1x128x128xf32, #tpu.memory_space<vmem>> -> memref<128x128xf32, #tpu.memory_space<vmem>>
      %dma_start3A_346 = arith.constant 0 : i32
      %dma_start3A_347 = tpu.memref_slice %arg8[%dma_start3A_340, %dma_start3A_341, %dma_start3A_346] : memref<2x8x128xi32, #tpu.memory_space<vmem>> -> memref<1x1x128xi32, #tpu.memory_space<vmem>>
      %dma_start3A_348 = tpu.memref_squeeze %dma_start3A_347 : memref<1x1x128xi32, #tpu.memory_space<vmem>> -> memref<128xi32, #tpu.memory_space<vmem>>
      %dma_start3A_349 = arith.constant 0 : i32
      %dma_start3A_350 = arith.constant 0 : i32
      %dma_start3A_351 = tpu.memref_slice %arg6[%dma_start3A_349, %dma_start3A_350] : memref<10240x128xf32, #tpu.memory_space<vmem_shared>> -> memref<10240x128xf32, #tpu.memory_space<vmem_shared>>
      tpu.enqueue_indirect_dma source(%dma_start3A_345 : memref<128x128xf32, #tpu.memory_space<vmem>>) target(%dma_start3A_351 : memref<10240x128xf32, #tpu.memory_space<vmem_shared>>) offsets(%dma_start3A_348 : memref<128xi32, #tpu.memory_space<vmem>>) semaphore(%arg14 : memref<!tpu.dma_semaphore, #tpu.memory_space<semaphore_mem>>) {add = true}
      %dma_wait3A_352 = arith.constant 0 : i32
      %dma_wait3A_353 = arith.constant 0 : i32
      %dma_wait3A_354 = arith.constant 4 : i32
      %dma_wait3A_355 = arith.constant 0 : i32
      %dma_wait3A_356 = arith.constant 0 : i32
      %dma_wait3A_357 = tpu.memref_slice %arg9[%dma_wait3A_352, %dma_wait3A_355, %dma_wait3A_356] : memref<2x128x128xf32, #tpu.memory_space<vmem>> -> memref<1x128x128xf32, #tpu.memory_space<vmem>>
      %dma_wait3A_358 = tpu.memref_squeeze %dma_wait3A_357 : memref<1x128x128xf32, #tpu.memory_space<vmem>> -> memref<128x128xf32, #tpu.memory_space<vmem>>
      %dma_wait3A_359 = arith.constant 0 : i32
      %dma_wait3A_360 = tpu.memref_slice %arg8[%dma_wait3A_353, %dma_wait3A_354, %dma_wait3A_359] : memref<2x8x128xi32, #tpu.memory_space<vmem>> -> memref<1x1x128xi32, #tpu.memory_space<vmem>>
      %dma_wait3A_361 = tpu.memref_squeeze %dma_wait3A_360 : memref<1x1x128xi32, #tpu.memory_space<vmem>> -> memref<128xi32, #tpu.memory_space<vmem>>
      %dma_wait3A_362 = arith.constant 0 : i32
      %dma_wait3A_363 = arith.constant 0 : i32
      %dma_wait3A_364 = tpu.memref_slice %arg6[%dma_wait3A_362, %dma_wait3A_363] : memref<10240x128xf32, #tpu.memory_space<vmem_shared>> -> memref<10240x128xf32, #tpu.memory_space<vmem_shared>>
      tpu.wait_indirect_dma semaphore(%arg14 : memref<!tpu.dma_semaphore, #tpu.memory_space<semaphore_mem>>) src(%dma_wait3A_358 : memref<128x128xf32, #tpu.memory_space<vmem>>) dst(%dma_wait3A_364 : memref<10240x128xf32, #tpu.memory_space<vmem_shared>>)
      %dma_start3A_365 = arith.constant 0 : i32
      %dma_start3A_366 = arith.constant 6 : i32
      %dma_start3A_367 = arith.constant 0 : i32
      %dma_start3A_368 = arith.constant 0 : i32
      %dma_start3A_369 = arith.constant 0 : i32
      %dma_start3A_370 = tpu.memref_slice %arg9[%dma_start3A_367, %dma_start3A_368, %dma_start3A_369] : memref<2x128x128xf32, #tpu.memory_space<vmem>> -> memref<1x128x128xf32, #tpu.memory_space<vmem>>
      %dma_start3A_371 = tpu.memref_squeeze %dma_start3A_370 : memref<1x128x128xf32, #tpu.memory_space<vmem>> -> memref<128x128xf32, #tpu.memory_space<vmem>>
      %dma_start3A_372 = arith.constant 0 : i32
      %dma_start3A_373 = tpu.memref_slice %arg7[%dma_start3A_365, %dma_start3A_366, %dma_start3A_372] : memref<2x8x128xi32, #tpu.memory_space<vmem>> -> memref<1x1x128xi32, #tpu.memory_space<vmem>>
      %dma_start3A_374 = tpu.memref_squeeze %dma_start3A_373 : memref<1x1x128xi32, #tpu.memory_space<vmem>> -> memref<128xi32, #tpu.memory_space<vmem>>
      %dma_start3A_375 = arith.constant 0 : i32
      %dma_start3A_376 = arith.constant 0 : i32
      %dma_start3A_377 = tpu.memref_slice %arg2[%dma_start3A_375, %dma_start3A_376] : memref<10240x128xf32, #tpu.memory_space<hbm>> -> memref<10240x128xf32, #tpu.memory_space<hbm>>
      tpu.enqueue_indirect_dma source(%dma_start3A_377 : memref<10240x128xf32, #tpu.memory_space<hbm>>) target(%dma_start3A_371 : memref<128x128xf32, #tpu.memory_space<vmem>>) offsets(%dma_start3A_374 : memref<128xi32, #tpu.memory_space<vmem>>) semaphore(%arg12 : memref<!tpu.dma_semaphore, #tpu.memory_space<semaphore_mem>>)
      %dma_wait3A_378 = arith.constant 0 : i32
      %dma_wait3A_379 = arith.constant 5 : i32
      %dma_wait3A_380 = arith.constant 1 : i32
      %dma_wait3A_381 = arith.constant 0 : i32
      %dma_wait3A_382 = arith.constant 0 : i32
      %dma_wait3A_383 = tpu.memref_slice %arg9[%dma_wait3A_380, %dma_wait3A_381, %dma_wait3A_382] : memref<2x128x128xf32, #tpu.memory_space<vmem>> -> memref<1x128x128xf32, #tpu.memory_space<vmem>>
      %dma_wait3A_384 = tpu.memref_squeeze %dma_wait3A_383 : memref<1x128x128xf32, #tpu.memory_space<vmem>> -> memref<128x128xf32, #tpu.memory_space<vmem>>
      %dma_wait3A_385 = arith.constant 0 : i32
      %dma_wait3A_386 = tpu.memref_slice %arg7[%dma_wait3A_378, %dma_wait3A_379, %dma_wait3A_385] : memref<2x8x128xi32, #tpu.memory_space<vmem>> -> memref<1x1x128xi32, #tpu.memory_space<vmem>>
      %dma_wait3A_387 = tpu.memref_squeeze %dma_wait3A_386 : memref<1x1x128xi32, #tpu.memory_space<vmem>> -> memref<128xi32, #tpu.memory_space<vmem>>
      %dma_wait3A_388 = arith.constant 0 : i32
      %dma_wait3A_389 = arith.constant 0 : i32
      %dma_wait3A_390 = tpu.memref_slice %arg2[%dma_wait3A_388, %dma_wait3A_389] : memref<10240x128xf32, #tpu.memory_space<hbm>> -> memref<10240x128xf32, #tpu.memory_space<hbm>>
      tpu.wait_indirect_dma semaphore(%arg13 : memref<!tpu.dma_semaphore, #tpu.memory_space<semaphore_mem>>) src(%dma_wait3A_390 : memref<10240x128xf32, #tpu.memory_space<hbm>>) dst(%dma_wait3A_384 : memref<128x128xf32, #tpu.memory_space<vmem>>)
      %dma_start3A_391 = arith.constant 1 : i32
      %dma_start3A_392 = arith.constant 0 : i32
      %dma_start3A_393 = arith.constant 5 : i32
      %dma_start3A_394 = arith.constant 0 : i32
      %dma_start3A_395 = arith.constant 0 : i32
      %dma_start3A_396 = tpu.memref_slice %arg9[%dma_start3A_391, %dma_start3A_394, %dma_start3A_395] : memref<2x128x128xf32, #tpu.memory_space<vmem>> -> memref<1x128x128xf32, #tpu.memory_space<vmem>>
      %dma_start3A_397 = tpu.memref_squeeze %dma_start3A_396 : memref<1x128x128xf32, #tpu.memory_space<vmem>> -> memref<128x128xf32, #tpu.memory_space<vmem>>
      %dma_start3A_398 = arith.constant 0 : i32
      %dma_start3A_399 = tpu.memref_slice %arg8[%dma_start3A_392, %dma_start3A_393, %dma_start3A_398] : memref<2x8x128xi32, #tpu.memory_space<vmem>> -> memref<1x1x128xi32, #tpu.memory_space<vmem>>
      %dma_start3A_400 = tpu.memref_squeeze %dma_start3A_399 : memref<1x1x128xi32, #tpu.memory_space<vmem>> -> memref<128xi32, #tpu.memory_space<vmem>>
      %dma_start3A_401 = arith.constant 0 : i32
      %dma_start3A_402 = arith.constant 0 : i32
      %dma_start3A_403 = tpu.memref_slice %arg6[%dma_start3A_401, %dma_start3A_402] : memref<10240x128xf32, #tpu.memory_space<vmem_shared>> -> memref<10240x128xf32, #tpu.memory_space<vmem_shared>>
      tpu.enqueue_indirect_dma source(%dma_start3A_397 : memref<128x128xf32, #tpu.memory_space<vmem>>) target(%dma_start3A_403 : memref<10240x128xf32, #tpu.memory_space<vmem_shared>>) offsets(%dma_start3A_400 : memref<128xi32, #tpu.memory_space<vmem>>) semaphore(%arg15 : memref<!tpu.dma_semaphore, #tpu.memory_space<semaphore_mem>>) {add = true}
      %dma_wait3A_404 = arith.constant 1 : i32
      %dma_wait3A_405 = arith.constant 0 : i32
      %dma_wait3A_406 = arith.constant 5 : i32
      %dma_wait3A_407 = arith.constant 0 : i32
      %dma_wait3A_408 = arith.constant 0 : i32
      %dma_wait3A_409 = tpu.memref_slice %arg9[%dma_wait3A_404, %dma_wait3A_407, %dma_wait3A_408] : memref<2x128x128xf32, #tpu.memory_space<vmem>> -> memref<1x128x128xf32, #tpu.memory_space<vmem>>
      %dma_wait3A_410 = tpu.memref_squeeze %dma_wait3A_409 : memref<1x128x128xf32, #tpu.memory_space<vmem>> -> memref<128x128xf32, #tpu.memory_space<vmem>>
      %dma_wait3A_411 = arith.constant 0 : i32
      %dma_wait3A_412 = tpu.memref_slice %arg8[%dma_wait3A_405, %dma_wait3A_406, %dma_wait3A_411] : memref<2x8x128xi32, #tpu.memory_space<vmem>> -> memref<1x1x128xi32, #tpu.memory_space<vmem>>
      %dma_wait3A_413 = tpu.memref_squeeze %dma_wait3A_412 : memref<1x1x128xi32, #tpu.memory_space<vmem>> -> memref<128xi32, #tpu.memory_space<vmem>>
      %dma_wait3A_414 = arith.constant 0 : i32
      %dma_wait3A_415 = arith.constant 0 : i32
      %dma_wait3A_416 = tpu.memref_slice %arg6[%dma_wait3A_414, %dma_wait3A_415] : memref<10240x128xf32, #tpu.memory_space<vmem_shared>> -> memref<10240x128xf32, #tpu.memory_space<vmem_shared>>
      tpu.wait_indirect_dma semaphore(%arg15 : memref<!tpu.dma_semaphore, #tpu.memory_space<semaphore_mem>>) src(%dma_wait3A_410 : memref<128x128xf32, #tpu.memory_space<vmem>>) dst(%dma_wait3A_416 : memref<10240x128xf32, #tpu.memory_space<vmem_shared>>)
      %dma_start3A_417 = arith.constant 0 : i32
      %dma_start3A_418 = arith.constant 7 : i32
      %dma_start3A_419 = arith.constant 1 : i32
      %dma_start3A_420 = arith.constant 0 : i32
      %dma_start3A_421 = arith.constant 0 : i32
      %dma_start3A_422 = tpu.memref_slice %arg9[%dma_start3A_419, %dma_start3A_420, %dma_start3A_421] : memref<2x128x128xf32, #tpu.memory_space<vmem>> -> memref<1x128x128xf32, #tpu.memory_space<vmem>>
      %dma_start3A_423 = tpu.memref_squeeze %dma_start3A_422 : memref<1x128x128xf32, #tpu.memory_space<vmem>> -> memref<128x128xf32, #tpu.memory_space<vmem>>
      %dma_start3A_424 = arith.constant 0 : i32
      %dma_start3A_425 = tpu.memref_slice %arg7[%dma_start3A_417, %dma_start3A_418, %dma_start3A_424] : memref<2x8x128xi32, #tpu.memory_space<vmem>> -> memref<1x1x128xi32, #tpu.memory_space<vmem>>
      %dma_start3A_426 = tpu.memref_squeeze %dma_start3A_425 : memref<1x1x128xi32, #tpu.memory_space<vmem>> -> memref<128xi32, #tpu.memory_space<vmem>>
      %dma_start3A_427 = arith.constant 0 : i32
      %dma_start3A_428 = arith.constant 0 : i32
      %dma_start3A_429 = tpu.memref_slice %arg2[%dma_start3A_427, %dma_start3A_428] : memref<10240x128xf32, #tpu.memory_space<hbm>> -> memref<10240x128xf32, #tpu.memory_space<hbm>>
      tpu.enqueue_indirect_dma source(%dma_start3A_429 : memref<10240x128xf32, #tpu.memory_space<hbm>>) target(%dma_start3A_423 : memref<128x128xf32, #tpu.memory_space<vmem>>) offsets(%dma_start3A_426 : memref<128xi32, #tpu.memory_space<vmem>>) semaphore(%arg13 : memref<!tpu.dma_semaphore, #tpu.memory_space<semaphore_mem>>)
      %dma_wait3A_430 = arith.constant 0 : i32
      %dma_wait3A_431 = arith.constant 6 : i32
      %dma_wait3A_432 = arith.constant 0 : i32
      %dma_wait3A_433 = arith.constant 0 : i32
      %dma_wait3A_434 = arith.constant 0 : i32
      %dma_wait3A_435 = tpu.memref_slice %arg9[%dma_wait3A_432, %dma_wait3A_433, %dma_wait3A_434] : memref<2x128x128xf32, #tpu.memory_space<vmem>> -> memref<1x128x128xf32, #tpu.memory_space<vmem>>
      %dma_wait3A_436 = tpu.memref_squeeze %dma_wait3A_435 : memref<1x128x128xf32, #tpu.memory_space<vmem>> -> memref<128x128xf32, #tpu.memory_space<vmem>>
      %dma_wait3A_437 = arith.constant 0 : i32
      %dma_wait3A_438 = tpu.memref_slice %arg7[%dma_wait3A_430, %dma_wait3A_431, %dma_wait3A_437] : memref<2x8x128xi32, #tpu.memory_space<vmem>> -> memref<1x1x128xi32, #tpu.memory_space<vmem>>
      %dma_wait3A_439 = tpu.memref_squeeze %dma_wait3A_438 : memref<1x1x128xi32, #tpu.memory_space<vmem>> -> memref<128xi32, #tpu.memory_space<vmem>>
      %dma_wait3A_440 = arith.constant 0 : i32
      %dma_wait3A_441 = arith.constant 0 : i32
      %dma_wait3A_442 = tpu.memref_slice %arg2[%dma_wait3A_440, %dma_wait3A_441] : memref<10240x128xf32, #tpu.memory_space<hbm>> -> memref<10240x128xf32, #tpu.memory_space<hbm>>
      tpu.wait_indirect_dma semaphore(%arg12 : memref<!tpu.dma_semaphore, #tpu.memory_space<semaphore_mem>>) src(%dma_wait3A_442 : memref<10240x128xf32, #tpu.memory_space<hbm>>) dst(%dma_wait3A_436 : memref<128x128xf32, #tpu.memory_space<vmem>>)
      %dma_start3A_443 = arith.constant 0 : i32
      %dma_start3A_444 = arith.constant 0 : i32
      %dma_start3A_445 = arith.constant 6 : i32
      %dma_start3A_446 = arith.constant 0 : i32
      %dma_start3A_447 = arith.constant 0 : i32
      %dma_start3A_448 = tpu.memref_slice %arg9[%dma_start3A_443, %dma_start3A_446, %dma_start3A_447] : memref<2x128x128xf32, #tpu.memory_space<vmem>> -> memref<1x128x128xf32, #tpu.memory_space<vmem>>
      %dma_start3A_449 = tpu.memref_squeeze %dma_start3A_448 : memref<1x128x128xf32, #tpu.memory_space<vmem>> -> memref<128x128xf32, #tpu.memory_space<vmem>>
      %dma_start3A_450 = arith.constant 0 : i32
      %dma_start3A_451 = tpu.memref_slice %arg8[%dma_start3A_444, %dma_start3A_445, %dma_start3A_450] : memref<2x8x128xi32, #tpu.memory_space<vmem>> -> memref<1x1x128xi32, #tpu.memory_space<vmem>>
      %dma_start3A_452 = tpu.memref_squeeze %dma_start3A_451 : memref<1x1x128xi32, #tpu.memory_space<vmem>> -> memref<128xi32, #tpu.memory_space<vmem>>
      %dma_start3A_453 = arith.constant 0 : i32
      %dma_start3A_454 = arith.constant 0 : i32
      %dma_start3A_455 = tpu.memref_slice %arg6[%dma_start3A_453, %dma_start3A_454] : memref<10240x128xf32, #tpu.memory_space<vmem_shared>> -> memref<10240x128xf32, #tpu.memory_space<vmem_shared>>
      tpu.enqueue_indirect_dma source(%dma_start3A_449 : memref<128x128xf32, #tpu.memory_space<vmem>>) target(%dma_start3A_455 : memref<10240x128xf32, #tpu.memory_space<vmem_shared>>) offsets(%dma_start3A_452 : memref<128xi32, #tpu.memory_space<vmem>>) semaphore(%arg14 : memref<!tpu.dma_semaphore, #tpu.memory_space<semaphore_mem>>) {add = true}
      %dma_wait3A_456 = arith.constant 0 : i32
      %dma_wait3A_457 = arith.constant 0 : i32
      %dma_wait3A_458 = arith.constant 6 : i32
      %dma_wait3A_459 = arith.constant 0 : i32
      %dma_wait3A_460 = arith.constant 0 : i32
      %dma_wait3A_461 = tpu.memref_slice %arg9[%dma_wait3A_456, %dma_wait3A_459, %dma_wait3A_460] : memref<2x128x128xf32, #tpu.memory_space<vmem>> -> memref<1x128x128xf32, #tpu.memory_space<vmem>>
      %dma_wait3A_462 = tpu.memref_squeeze %dma_wait3A_461 : memref<1x128x128xf32, #tpu.memory_space<vmem>> -> memref<128x128xf32, #tpu.memory_space<vmem>>
      %dma_wait3A_463 = arith.constant 0 : i32
      %dma_wait3A_464 = tpu.memref_slice %arg8[%dma_wait3A_457, %dma_wait3A_458, %dma_wait3A_463] : memref<2x8x128xi32, #tpu.memory_space<vmem>> -> memref<1x1x128xi32, #tpu.memory_space<vmem>>
      %dma_wait3A_465 = tpu.memref_squeeze %dma_wait3A_464 : memref<1x1x128xi32, #tpu.memory_space<vmem>> -> memref<128xi32, #tpu.memory_space<vmem>>
      %dma_wait3A_466 = arith.constant 0 : i32
      %dma_wait3A_467 = arith.constant 0 : i32
      %dma_wait3A_468 = tpu.memref_slice %arg6[%dma_wait3A_466, %dma_wait3A_467] : memref<10240x128xf32, #tpu.memory_space<vmem_shared>> -> memref<10240x128xf32, #tpu.memory_space<vmem_shared>>
      tpu.wait_indirect_dma semaphore(%arg14 : memref<!tpu.dma_semaphore, #tpu.memory_space<semaphore_mem>>) src(%dma_wait3A_462 : memref<128x128xf32, #tpu.memory_space<vmem>>) dst(%dma_wait3A_468 : memref<10240x128xf32, #tpu.memory_space<vmem_shared>>)
      %dma_wait3A_469 = arith.constant 0 : i32
      %dma_wait3A_470 = arith.constant 7 : i32
      %dma_wait3A_471 = arith.constant 1 : i32
      %dma_wait3A_472 = arith.constant 0 : i32
      %dma_wait3A_473 = arith.constant 0 : i32
      %dma_wait3A_474 = tpu.memref_slice %arg9[%dma_wait3A_471, %dma_wait3A_472, %dma_wait3A_473] : memref<2x128x128xf32, #tpu.memory_space<vmem>> -> memref<1x128x128xf32, #tpu.memory_space<vmem>>
      %dma_wait3A_475 = tpu.memref_squeeze %dma_wait3A_474 : memref<1x128x128xf32, #tpu.memory_space<vmem>> -> memref<128x128xf32, #tpu.memory_space<vmem>>
      %dma_wait3A_476 = arith.constant 0 : i32
      %dma_wait3A_477 = tpu.memref_slice %arg7[%dma_wait3A_469, %dma_wait3A_470, %dma_wait3A_476] : memref<2x8x128xi32, #tpu.memory_space<vmem>> -> memref<1x1x128xi32, #tpu.memory_space<vmem>>
      %dma_wait3A_478 = tpu.memref_squeeze %dma_wait3A_477 : memref<1x1x128xi32, #tpu.memory_space<vmem>> -> memref<128xi32, #tpu.memory_space<vmem>>
      %dma_wait3A_479 = arith.constant 0 : i32
      %dma_wait3A_480 = arith.constant 0 : i32
      %dma_wait3A_481 = tpu.memref_slice %arg2[%dma_wait3A_479, %dma_wait3A_480] : memref<10240x128xf32, #tpu.memory_space<hbm>> -> memref<10240x128xf32, #tpu.memory_space<hbm>>
      tpu.wait_indirect_dma semaphore(%arg13 : memref<!tpu.dma_semaphore, #tpu.memory_space<semaphore_mem>>) src(%dma_wait3A_481 : memref<10240x128xf32, #tpu.memory_space<hbm>>) dst(%dma_wait3A_475 : memref<128x128xf32, #tpu.memory_space<vmem>>)
      %dma_start3A_482 = arith.constant 1 : i32
      %dma_start3A_483 = arith.constant 0 : i32
      %dma_start3A_484 = arith.constant 7 : i32
      %dma_start3A_485 = arith.constant 0 : i32
      %dma_start3A_486 = arith.constant 0 : i32
      %dma_start3A_487 = tpu.memref_slice %arg9[%dma_start3A_482, %dma_start3A_485, %dma_start3A_486] : memref<2x128x128xf32, #tpu.memory_space<vmem>> -> memref<1x128x128xf32, #tpu.memory_space<vmem>>
      %dma_start3A_488 = tpu.memref_squeeze %dma_start3A_487 : memref<1x128x128xf32, #tpu.memory_space<vmem>> -> memref<128x128xf32, #tpu.memory_space<vmem>>
      %dma_start3A_489 = arith.constant 0 : i32
      %dma_start3A_490 = tpu.memref_slice %arg8[%dma_start3A_483, %dma_start3A_484, %dma_start3A_489] : memref<2x8x128xi32, #tpu.memory_space<vmem>> -> memref<1x1x128xi32, #tpu.memory_space<vmem>>
      %dma_start3A_491 = tpu.memref_squeeze %dma_start3A_490 : memref<1x1x128xi32, #tpu.memory_space<vmem>> -> memref<128xi32, #tpu.memory_space<vmem>>
      %dma_start3A_492 = arith.constant 0 : i32
      %dma_start3A_493 = arith.constant 0 : i32
      %dma_start3A_494 = tpu.memref_slice %arg6[%dma_start3A_492, %dma_start3A_493] : memref<10240x128xf32, #tpu.memory_space<vmem_shared>> -> memref<10240x128xf32, #tpu.memory_space<vmem_shared>>
      tpu.enqueue_indirect_dma source(%dma_start3A_488 : memref<128x128xf32, #tpu.memory_space<vmem>>) target(%dma_start3A_494 : memref<10240x128xf32, #tpu.memory_space<vmem_shared>>) offsets(%dma_start3A_491 : memref<128xi32, #tpu.memory_space<vmem>>) semaphore(%arg15 : memref<!tpu.dma_semaphore, #tpu.memory_space<semaphore_mem>>) {add = true}
      %dma_wait3A_495 = arith.constant 1 : i32
      %dma_wait3A_496 = arith.constant 0 : i32
      %dma_wait3A_497 = arith.constant 7 : i32
      %dma_wait3A_498 = arith.constant 0 : i32
      %dma_wait3A_499 = arith.constant 0 : i32
      %dma_wait3A_500 = tpu.memref_slice %arg9[%dma_wait3A_495, %dma_wait3A_498, %dma_wait3A_499] : memref<2x128x128xf32, #tpu.memory_space<vmem>> -> memref<1x128x128xf32, #tpu.memory_space<vmem>>
      %dma_wait3A_501 = tpu.memref_squeeze %dma_wait3A_500 : memref<1x128x128xf32, #tpu.memory_space<vmem>> -> memref<128x128xf32, #tpu.memory_space<vmem>>
      %dma_wait3A_502 = arith.constant 0 : i32
      %dma_wait3A_503 = tpu.memref_slice %arg8[%dma_wait3A_496, %dma_wait3A_497, %dma_wait3A_502] : memref<2x8x128xi32, #tpu.memory_space<vmem>> -> memref<1x1x128xi32, #tpu.memory_space<vmem>>
      %dma_wait3A_504 = tpu.memref_squeeze %dma_wait3A_503 : memref<1x1x128xi32, #tpu.memory_space<vmem>> -> memref<128xi32, #tpu.memory_space<vmem>>
      %dma_wait3A_505 = arith.constant 0 : i32
      %dma_wait3A_506 = arith.constant 0 : i32
      %dma_wait3A_507 = tpu.memref_slice %arg6[%dma_wait3A_505, %dma_wait3A_506] : memref<10240x128xf32, #tpu.memory_space<vmem_shared>> -> memref<10240x128xf32, #tpu.memory_space<vmem_shared>>
      tpu.wait_indirect_dma semaphore(%arg15 : memref<!tpu.dma_semaphore, #tpu.memory_space<semaphore_mem>>) src(%dma_wait3A_501 : memref<128x128xf32, #tpu.memory_space<vmem>>) dst(%dma_wait3A_507 : memref<10240x128xf32, #tpu.memory_space<vmem_shared>>)
      %add3A_508 = arith.constant 1 : i32
      %add3A_509 = arith.addi %add3A_87, %add3A_508 : i32
      %lt3A_510 = arith.constant 10 : i32
      %lt3A_511 = arith.cmpi slt, %add3A_509, %lt3A_510 : i32
      %convert_element_type3A_512 = arith.extui %lt3A_511 : i1 to i32
      %cond3A_513 = arith.constant 0 : i32
      %cond3A_514 = arith.cmpi ne, %convert_element_type3A_512, %cond3A_513 : i32
      scf.if %cond3A_514 {
        %add3A_949 = arith.constant 1 : i32
        %add3A_950 = arith.addi %add3A_87, %add3A_949 : i32
        %mul3A_951 = arith.constant 8 : i32
        %mul3A_952 = arith.muli %add3A_950, %mul3A_951 : i32
        %mul3A_953 = arith.constant 8 : i32
        %mul3A_954 = arith.muli %add3A_950, %mul3A_953 : i32
        %dma_wait3A_955 = arith.constant 0 : i32
        %dma_wait3A_956 = arith.constant 1 : i32
        %dma_wait3A_957 = arith.constant 0 : i32
        %dma_wait3A_958 = arith.constant 0 : i32
        %dma_wait3A_959 = tpu.memref_slice %arg7[%dma_wait3A_956, %dma_wait3A_957, %dma_wait3A_958] : memref<2x8x128xi32, #tpu.memory_space<vmem>> -> memref<1x8x128xi32, #tpu.memory_space<vmem>>
        %dma_wait3A_960 = tpu.memref_squeeze %dma_wait3A_959 : memref<1x8x128xi32, #tpu.memory_space<vmem>> -> memref<8x128xi32, #tpu.memory_space<vmem>>
        %dma_wait3A_961 = arith.constant 0 : i32
        %dma_wait3A_962 = tpu.memref_slice %arg3[%dma_wait3A_955, %add3A, %mul3A_952, %dma_wait3A_961] : memref<2x32x80x128xi32, #tpu.memory_space<hbm>> -> memref<1x1x8x128xi32, #tpu.memory_space<hbm>>
        %dma_wait3A_963 = tpu.memref_squeeze %dma_wait3A_962 : memref<1x1x8x128xi32, #tpu.memory_space<hbm>> -> memref<8x128xi32, #tpu.memory_space<hbm>>
        %dma_wait3A_964 = arith.constant 0 : i32
        %dma_wait3A_965 = arith.constant 0 : i32
        %dma_wait3A_966 = tpu.memref_slice %arg7[%dma_wait3A_956, %dma_wait3A_964, %dma_wait3A_965] : memref<2x8x128xi32, #tpu.memory_space<vmem>> -> memref<1x8x128xi32, #tpu.memory_space<vmem>>
        %dma_wait3A_967 = tpu.memref_squeeze %dma_wait3A_966 : memref<1x8x128xi32, #tpu.memory_space<vmem>> -> memref<8x128xi32, #tpu.memory_space<vmem>>
        %dma_wait3A_968 = arith.constant 0 : i32
        %dma_wait3A_969 = tpu.memref_slice %arg3[%dma_wait3A_955, %add3A, %mul3A_952, %dma_wait3A_968] : memref<2x32x80x128xi32, #tpu.memory_space<hbm>> -> memref<1x1x8x128xi32, #tpu.memory_space<hbm>>
        %dma_wait3A_970 = tpu.memref_squeeze %dma_wait3A_969 : memref<1x1x8x128xi32, #tpu.memory_space<hbm>> -> memref<8x128xi32, #tpu.memory_space<hbm>>
        tpu.wait_dma2 semaphore(%arg11 : memref<!tpu.dma_semaphore, #tpu.memory_space<semaphore_mem>>) src(%dma_wait3A_970 : memref<8x128xi32, #tpu.memory_space<hbm>>) dst(%dma_wait3A_967 : memref<8x128xi32, #tpu.memory_space<vmem>>)
        %dma_wait3A_971 = arith.constant 1 : i32
        %dma_wait3A_972 = arith.constant 1 : i32
        %dma_wait3A_973 = arith.constant 0 : i32
        %dma_wait3A_974 = arith.constant 0 : i32
        %dma_wait3A_975 = tpu.memref_slice %arg8[%dma_wait3A_972, %dma_wait3A_973, %dma_wait3A_974] : memref<2x8x128xi32, #tpu.memory_space<vmem>> -> memref<1x8x128xi32, #tpu.memory_space<vmem>>
        %dma_wait3A_976 = tpu.memref_squeeze %dma_wait3A_975 : memref<1x8x128xi32, #tpu.memory_space<vmem>> -> memref<8x128xi32, #tpu.memory_space<vmem>>
        %dma_wait3A_977 = arith.constant 0 : i32
        %dma_wait3A_978 = tpu.memref_slice %arg3[%dma_wait3A_971, %add3A, %mul3A_954, %dma_wait3A_977] : memref<2x32x80x128xi32, #tpu.memory_space<hbm>> -> memref<1x1x8x128xi32, #tpu.memory_space<hbm>>
        %dma_wait3A_979 = tpu.memref_squeeze %dma_wait3A_978 : memref<1x1x8x128xi32, #tpu.memory_space<hbm>> -> memref<8x128xi32, #tpu.memory_space<hbm>>
        %dma_wait3A_980 = arith.constant 0 : i32
        %dma_wait3A_981 = arith.constant 0 : i32
        %dma_wait3A_982 = tpu.memref_slice %arg8[%dma_wait3A_972, %dma_wait3A_980, %dma_wait3A_981] : memref<2x8x128xi32, #tpu.memory_space<vmem>> -> memref<1x8x128xi32, #tpu.memory_space<vmem>>
        %dma_wait3A_983 = tpu.memref_squeeze %dma_wait3A_982 : memref<1x8x128xi32, #tpu.memory_space<vmem>> -> memref<8x128xi32, #tpu.memory_space<vmem>>
        %dma_wait3A_984 = arith.constant 0 : i32
        %dma_wait3A_985 = tpu.memref_slice %arg3[%dma_wait3A_971, %add3A, %mul3A_954, %dma_wait3A_984] : memref<2x32x80x128xi32, #tpu.memory_space<hbm>> -> memref<1x1x8x128xi32, #tpu.memory_space<hbm>>
        %dma_wait3A_986 = tpu.memref_squeeze %dma_wait3A_985 : memref<1x1x8x128xi32, #tpu.memory_space<hbm>> -> memref<8x128xi32, #tpu.memory_space<hbm>>
        tpu.wait_dma2 semaphore(%arg11 : memref<!tpu.dma_semaphore, #tpu.memory_space<semaphore_mem>>) src(%dma_wait3A_986 : memref<8x128xi32, #tpu.memory_space<hbm>>) dst(%dma_wait3A_983 : memref<8x128xi32, #tpu.memory_space<vmem>>)
      } else {
      }
      %mul3A_515 = arith.constant 2 : i32
      %mul3A_516 = arith.muli %mul3A_515, %scan3A_83 : i32
      %add3A_517 = arith.constant 1 : i32
      %add3A_518 = arith.addi %mul3A_516, %add3A_517 : i32
      %add3A_519 = arith.constant 1 : i32
      %add3A_520 = arith.addi %add3A_518, %add3A_519 : i32
      %lt3A_521 = arith.constant 10 : i32
      %lt3A_522 = arith.cmpi slt, %add3A_520, %lt3A_521 : i32
      %convert_element_type3A_523 = arith.extui %lt3A_522 : i1 to i32
      %cond3A_524 = arith.constant 0 : i32
      %cond3A_525 = arith.cmpi ne, %convert_element_type3A_523, %cond3A_524 : i32
      scf.if %cond3A_525 {
        %add3A_949 = arith.constant 1 : i32
        %add3A_950 = arith.addi %add3A_518, %add3A_949 : i32
        %mul3A_951 = arith.constant 8 : i32
        %mul3A_952 = arith.muli %add3A_950, %mul3A_951 : i32
        %mul3A_953 = arith.constant 8 : i32
        %mul3A_954 = arith.muli %add3A_950, %mul3A_953 : i32
        %dma_start3A_955 = arith.constant 0 : i32
        %dma_start3A_956 = arith.constant 0 : i32
        %dma_start3A_957 = arith.constant 0 : i32
        %dma_start3A_958 = arith.constant 0 : i32
        %dma_start3A_959 = tpu.memref_slice %arg7[%dma_start3A_956, %dma_start3A_957, %dma_start3A_958] : memref<2x8x128xi32, #tpu.memory_space<vmem>> -> memref<1x8x128xi32, #tpu.memory_space<vmem>>
        %dma_start3A_960 = tpu.memref_squeeze %dma_start3A_959 : memref<1x8x128xi32, #tpu.memory_space<vmem>> -> memref<8x128xi32, #tpu.memory_space<vmem>>
        %dma_start3A_961 = arith.constant 0 : i32
        %dma_start3A_962 = tpu.memref_slice %arg3[%dma_start3A_955, %add3A, %mul3A_952, %dma_start3A_961] : memref<2x32x80x128xi32, #tpu.memory_space<hbm>> -> memref<1x1x8x128xi32, #tpu.memory_space<hbm>>
        %dma_start3A_963 = tpu.memref_squeeze %dma_start3A_962 : memref<1x1x8x128xi32, #tpu.memory_space<hbm>> -> memref<8x128xi32, #tpu.memory_space<hbm>>
        %dma_start3A_964 = arith.constant 0 : i32
        %dma_start3A_965 = arith.constant 0 : i32
        %dma_start3A_966 = tpu.memref_slice %arg7[%dma_start3A_956, %dma_start3A_964, %dma_start3A_965] : memref<2x8x128xi32, #tpu.memory_space<vmem>> -> memref<1x8x128xi32, #tpu.memory_space<vmem>>
        %dma_start3A_967 = tpu.memref_squeeze %dma_start3A_966 : memref<1x8x128xi32, #tpu.memory_space<vmem>> -> memref<8x128xi32, #tpu.memory_space<vmem>>
        %dma_start3A_968 = arith.constant 0 : i32
        %dma_start3A_969 = tpu.memref_slice %arg3[%dma_start3A_955, %add3A, %mul3A_952, %dma_start3A_968] : memref<2x32x80x128xi32, #tpu.memory_space<hbm>> -> memref<1x1x8x128xi32, #tpu.memory_space<hbm>>
        %dma_start3A_970 = tpu.memref_squeeze %dma_start3A_969 : memref<1x1x8x128xi32, #tpu.memory_space<hbm>> -> memref<8x128xi32, #tpu.memory_space<hbm>>
        tpu.enqueue_dma source(%dma_start3A_970 : memref<8x128xi32, #tpu.memory_space<hbm>>) target(%dma_start3A_967 : memref<8x128xi32, #tpu.memory_space<vmem>>) target_semaphore(%arg10 : memref<!tpu.dma_semaphore, #tpu.memory_space<semaphore_mem>>)
        %dma_start3A_971 = arith.constant 1 : i32
        %dma_start3A_972 = arith.constant 0 : i32
        %dma_start3A_973 = arith.constant 0 : i32
        %dma_start3A_974 = arith.constant 0 : i32
        %dma_start3A_975 = tpu.memref_slice %arg8[%dma_start3A_972, %dma_start3A_973, %dma_start3A_974] : memref<2x8x128xi32, #tpu.memory_space<vmem>> -> memref<1x8x128xi32, #tpu.memory_space<vmem>>
        %dma_start3A_976 = tpu.memref_squeeze %dma_start3A_975 : memref<1x8x128xi32, #tpu.memory_space<vmem>> -> memref<8x128xi32, #tpu.memory_space<vmem>>
        %dma_start3A_977 = arith.constant 0 : i32
        %dma_start3A_978 = tpu.memref_slice %arg3[%dma_start3A_971, %add3A, %mul3A_954, %dma_start3A_977] : memref<2x32x80x128xi32, #tpu.memory_space<hbm>> -> memref<1x1x8x128xi32, #tpu.memory_space<hbm>>
        %dma_start3A_979 = tpu.memref_squeeze %dma_start3A_978 : memref<1x1x8x128xi32, #tpu.memory_space<hbm>> -> memref<8x128xi32, #tpu.memory_space<hbm>>
        %dma_start3A_980 = arith.constant 0 : i32
        %dma_start3A_981 = arith.constant 0 : i32
        %dma_start3A_982 = tpu.memref_slice %arg8[%dma_start3A_972, %dma_start3A_980, %dma_start3A_981] : memref<2x8x128xi32, #tpu.memory_space<vmem>> -> memref<1x8x128xi32, #tpu.memory_space<vmem>>
        %dma_start3A_983 = tpu.memref_squeeze %dma_start3A_982 : memref<1x8x128xi32, #tpu.memory_space<vmem>> -> memref<8x128xi32, #tpu.memory_space<vmem>>
        %dma_start3A_984 = arith.constant 0 : i32
        %dma_start3A_985 = tpu.memref_slice %arg3[%dma_start3A_971, %add3A, %mul3A_954, %dma_start3A_984] : memref<2x32x80x128xi32, #tpu.memory_space<hbm>> -> memref<1x1x8x128xi32, #tpu.memory_space<hbm>>
        %dma_start3A_986 = tpu.memref_squeeze %dma_start3A_985 : memref<1x1x8x128xi32, #tpu.memory_space<hbm>> -> memref<8x128xi32, #tpu.memory_space<hbm>>
        tpu.enqueue_dma source(%dma_start3A_986 : memref<8x128xi32, #tpu.memory_space<hbm>>) target(%dma_start3A_983 : memref<8x128xi32, #tpu.memory_space<vmem>>) target_semaphore(%arg10 : memref<!tpu.dma_semaphore, #tpu.memory_space<semaphore_mem>>)
      } else {
      }
      %dma_start3A_526 = arith.constant 1 : i32
      %dma_start3A_527 = arith.constant 0 : i32
      %dma_start3A_528 = arith.constant 0 : i32
      %dma_start3A_529 = arith.constant 0 : i32
      %dma_start3A_530 = arith.constant 0 : i32
      %dma_start3A_531 = tpu.memref_slice %arg9[%dma_start3A_528, %dma_start3A_529, %dma_start3A_530] : memref<2x128x128xf32, #tpu.memory_space<vmem>> -> memref<1x128x128xf32, #tpu.memory_space<vmem>>
      %dma_start3A_532 = tpu.memref_squeeze %dma_start3A_531 : memref<1x128x128xf32, #tpu.memory_space<vmem>> -> memref<128x128xf32, #tpu.memory_space<vmem>>
      %dma_start3A_533 = arith.constant 0 : i32
      %dma_start3A_534 = tpu.memref_slice %arg7[%dma_start3A_526, %dma_start3A_527, %dma_start3A_533] : memref<2x8x128xi32, #tpu.memory_space<vmem>> -> memref<1x1x128xi32, #tpu.memory_space<vmem>>
      %dma_start3A_535 = tpu.memref_squeeze %dma_start3A_534 : memref<1x1x128xi32, #tpu.memory_space<vmem>> -> memref<128xi32, #tpu.memory_space<vmem>>
      %dma_start3A_536 = arith.constant 0 : i32
      %dma_start3A_537 = arith.constant 0 : i32
      %dma_start3A_538 = tpu.memref_slice %arg2[%dma_start3A_536, %dma_start3A_537] : memref<10240x128xf32, #tpu.memory_space<hbm>> -> memref<10240x128xf32, #tpu.memory_space<hbm>>
      tpu.enqueue_indirect_dma source(%dma_start3A_538 : memref<10240x128xf32, #tpu.memory_space<hbm>>) target(%dma_start3A_532 : memref<128x128xf32, #tpu.memory_space<vmem>>) offsets(%dma_start3A_535 : memref<128xi32, #tpu.memory_space<vmem>>) semaphore(%arg12 : memref<!tpu.dma_semaphore, #tpu.memory_space<semaphore_mem>>)
      %dma_start3A_539 = arith.constant 1 : i32
      %dma_start3A_540 = arith.constant 1 : i32
      %dma_start3A_541 = arith.constant 1 : i32
      %dma_start3A_542 = arith.constant 0 : i32
      %dma_start3A_543 = arith.constant 0 : i32
      %dma_start3A_544 = tpu.memref_slice %arg9[%dma_start3A_541, %dma_start3A_542, %dma_start3A_543] : memref<2x128x128xf32, #tpu.memory_space<vmem>> -> memref<1x128x128xf32, #tpu.memory_space<vmem>>
      %dma_start3A_545 = tpu.memref_squeeze %dma_start3A_544 : memref<1x128x128xf32, #tpu.memory_space<vmem>> -> memref<128x128xf32, #tpu.memory_space<vmem>>
      %dma_start3A_546 = arith.constant 0 : i32
      %dma_start3A_547 = tpu.memref_slice %arg7[%dma_start3A_539, %dma_start3A_540, %dma_start3A_546] : memref<2x8x128xi32, #tpu.memory_space<vmem>> -> memref<1x1x128xi32, #tpu.memory_space<vmem>>
      %dma_start3A_548 = tpu.memref_squeeze %dma_start3A_547 : memref<1x1x128xi32, #tpu.memory_space<vmem>> -> memref<128xi32, #tpu.memory_space<vmem>>
      %dma_start3A_549 = arith.constant 0 : i32
      %dma_start3A_550 = arith.constant 0 : i32
      %dma_start3A_551 = tpu.memref_slice %arg2[%dma_start3A_549, %dma_start3A_550] : memref<10240x128xf32, #tpu.memory_space<hbm>> -> memref<10240x128xf32, #tpu.memory_space<hbm>>
      tpu.enqueue_indirect_dma source(%dma_start3A_551 : memref<10240x128xf32, #tpu.memory_space<hbm>>) target(%dma_start3A_545 : memref<128x128xf32, #tpu.memory_space<vmem>>) offsets(%dma_start3A_548 : memref<128xi32, #tpu.memory_space<vmem>>) semaphore(%arg13 : memref<!tpu.dma_semaphore, #tpu.memory_space<semaphore_mem>>)
      %dma_wait3A_552 = arith.constant 1 : i32
      %dma_wait3A_553 = arith.constant 0 : i32
      %dma_wait3A_554 = arith.constant 0 : i32
      %dma_wait3A_555 = arith.constant 0 : i32
      %dma_wait3A_556 = arith.constant 0 : i32
      %dma_wait3A_557 = tpu.memref_slice %arg9[%dma_wait3A_554, %dma_wait3A_555, %dma_wait3A_556] : memref<2x128x128xf32, #tpu.memory_space<vmem>> -> memref<1x128x128xf32, #tpu.memory_space<vmem>>
      %dma_wait3A_558 = tpu.memref_squeeze %dma_wait3A_557 : memref<1x128x128xf32, #tpu.memory_space<vmem>> -> memref<128x128xf32, #tpu.memory_space<vmem>>
      %dma_wait3A_559 = arith.constant 0 : i32
      %dma_wait3A_560 = tpu.memref_slice %arg7[%dma_wait3A_552, %dma_wait3A_553, %dma_wait3A_559] : memref<2x8x128xi32, #tpu.memory_space<vmem>> -> memref<1x1x128xi32, #tpu.memory_space<vmem>>
      %dma_wait3A_561 = tpu.memref_squeeze %dma_wait3A_560 : memref<1x1x128xi32, #tpu.memory_space<vmem>> -> memref<128xi32, #tpu.memory_space<vmem>>
      %dma_wait3A_562 = arith.constant 0 : i32
      %dma_wait3A_563 = arith.constant 0 : i32
      %dma_wait3A_564 = tpu.memref_slice %arg2[%dma_wait3A_562, %dma_wait3A_563] : memref<10240x128xf32, #tpu.memory_space<hbm>> -> memref<10240x128xf32, #tpu.memory_space<hbm>>
      tpu.wait_indirect_dma semaphore(%arg12 : memref<!tpu.dma_semaphore, #tpu.memory_space<semaphore_mem>>) src(%dma_wait3A_564 : memref<10240x128xf32, #tpu.memory_space<hbm>>) dst(%dma_wait3A_558 : memref<128x128xf32, #tpu.memory_space<vmem>>)
      %dma_start3A_565 = arith.constant 0 : i32
      %dma_start3A_566 = arith.constant 1 : i32
      %dma_start3A_567 = arith.constant 0 : i32
      %dma_start3A_568 = arith.constant 0 : i32
      %dma_start3A_569 = arith.constant 0 : i32
      %dma_start3A_570 = tpu.memref_slice %arg9[%dma_start3A_565, %dma_start3A_568, %dma_start3A_569] : memref<2x128x128xf32, #tpu.memory_space<vmem>> -> memref<1x128x128xf32, #tpu.memory_space<vmem>>
      %dma_start3A_571 = tpu.memref_squeeze %dma_start3A_570 : memref<1x128x128xf32, #tpu.memory_space<vmem>> -> memref<128x128xf32, #tpu.memory_space<vmem>>
      %dma_start3A_572 = arith.constant 0 : i32
      %dma_start3A_573 = tpu.memref_slice %arg8[%dma_start3A_566, %dma_start3A_567, %dma_start3A_572] : memref<2x8x128xi32, #tpu.memory_space<vmem>> -> memref<1x1x128xi32, #tpu.memory_space<vmem>>
      %dma_start3A_574 = tpu.memref_squeeze %dma_start3A_573 : memref<1x1x128xi32, #tpu.memory_space<vmem>> -> memref<128xi32, #tpu.memory_space<vmem>>
      %dma_start3A_575 = arith.constant 0 : i32
      %dma_start3A_576 = arith.constant 0 : i32
      %dma_start3A_577 = tpu.memref_slice %arg6[%dma_start3A_575, %dma_start3A_576] : memref<10240x128xf32, #tpu.memory_space<vmem_shared>> -> memref<10240x128xf32, #tpu.memory_space<vmem_shared>>
      tpu.enqueue_indirect_dma source(%dma_start3A_571 : memref<128x128xf32, #tpu.memory_space<vmem>>) target(%dma_start3A_577 : memref<10240x128xf32, #tpu.memory_space<vmem_shared>>) offsets(%dma_start3A_574 : memref<128xi32, #tpu.memory_space<vmem>>) semaphore(%arg14 : memref<!tpu.dma_semaphore, #tpu.memory_space<semaphore_mem>>) {add = true}
      %dma_wait3A_578 = arith.constant 0 : i32
      %dma_wait3A_579 = arith.constant 1 : i32
      %dma_wait3A_580 = arith.constant 0 : i32
      %dma_wait3A_581 = arith.constant 0 : i32
      %dma_wait3A_582 = arith.constant 0 : i32
      %dma_wait3A_583 = tpu.memref_slice %arg9[%dma_wait3A_578, %dma_wait3A_581, %dma_wait3A_582] : memref<2x128x128xf32, #tpu.memory_space<vmem>> -> memref<1x128x128xf32, #tpu.memory_space<vmem>>
      %dma_wait3A_584 = tpu.memref_squeeze %dma_wait3A_583 : memref<1x128x128xf32, #tpu.memory_space<vmem>> -> memref<128x128xf32, #tpu.memory_space<vmem>>
      %dma_wait3A_585 = arith.constant 0 : i32
      %dma_wait3A_586 = tpu.memref_slice %arg8[%dma_wait3A_579, %dma_wait3A_580, %dma_wait3A_585] : memref<2x8x128xi32, #tpu.memory_space<vmem>> -> memref<1x1x128xi32, #tpu.memory_space<vmem>>
      %dma_wait3A_587 = tpu.memref_squeeze %dma_wait3A_586 : memref<1x1x128xi32, #tpu.memory_space<vmem>> -> memref<128xi32, #tpu.memory_space<vmem>>
      %dma_wait3A_588 = arith.constant 0 : i32
      %dma_wait3A_589 = arith.constant 0 : i32
      %dma_wait3A_590 = tpu.memref_slice %arg6[%dma_wait3A_588, %dma_wait3A_589] : memref<10240x128xf32, #tpu.memory_space<vmem_shared>> -> memref<10240x128xf32, #tpu.memory_space<vmem_shared>>
      tpu.wait_indirect_dma semaphore(%arg14 : memref<!tpu.dma_semaphore, #tpu.memory_space<semaphore_mem>>) src(%dma_wait3A_584 : memref<128x128xf32, #tpu.memory_space<vmem>>) dst(%dma_wait3A_590 : memref<10240x128xf32, #tpu.memory_space<vmem_shared>>)
      %dma_start3A_591 = arith.constant 1 : i32
      %dma_start3A_592 = arith.constant 2 : i32
      %dma_start3A_593 = arith.constant 0 : i32
      %dma_start3A_594 = arith.constant 0 : i32
      %dma_start3A_595 = arith.constant 0 : i32
      %dma_start3A_596 = tpu.memref_slice %arg9[%dma_start3A_593, %dma_start3A_594, %dma_start3A_595] : memref<2x128x128xf32, #tpu.memory_space<vmem>> -> memref<1x128x128xf32, #tpu.memory_space<vmem>>
      %dma_start3A_597 = tpu.memref_squeeze %dma_start3A_596 : memref<1x128x128xf32, #tpu.memory_space<vmem>> -> memref<128x128xf32, #tpu.memory_space<vmem>>
      %dma_start3A_598 = arith.constant 0 : i32
      %dma_start3A_599 = tpu.memref_slice %arg7[%dma_start3A_591, %dma_start3A_592, %dma_start3A_598] : memref<2x8x128xi32, #tpu.memory_space<vmem>> -> memref<1x1x128xi32, #tpu.memory_space<vmem>>
      %dma_start3A_600 = tpu.memref_squeeze %dma_start3A_599 : memref<1x1x128xi32, #tpu.memory_space<vmem>> -> memref<128xi32, #tpu.memory_space<vmem>>
      %dma_start3A_601 = arith.constant 0 : i32
      %dma_start3A_602 = arith.constant 0 : i32
      %dma_start3A_603 = tpu.memref_slice %arg2[%dma_start3A_601, %dma_start3A_602] : memref<10240x128xf32, #tpu.memory_space<hbm>> -> memref<10240x128xf32, #tpu.memory_space<hbm>>
      tpu.enqueue_indirect_dma source(%dma_start3A_603 : memref<10240x128xf32, #tpu.memory_space<hbm>>) target(%dma_start3A_597 : memref<128x128xf32, #tpu.memory_space<vmem>>) offsets(%dma_start3A_600 : memref<128xi32, #tpu.memory_space<vmem>>) semaphore(%arg12 : memref<!tpu.dma_semaphore, #tpu.memory_space<semaphore_mem>>)
      %dma_wait3A_604 = arith.constant 1 : i32
      %dma_wait3A_605 = arith.constant 1 : i32
      %dma_wait3A_606 = arith.constant 1 : i32
      %dma_wait3A_607 = arith.constant 0 : i32
      %dma_wait3A_608 = arith.constant 0 : i32
      %dma_wait3A_609 = tpu.memref_slice %arg9[%dma_wait3A_606, %dma_wait3A_607, %dma_wait3A_608] : memref<2x128x128xf32, #tpu.memory_space<vmem>> -> memref<1x128x128xf32, #tpu.memory_space<vmem>>
      %dma_wait3A_610 = tpu.memref_squeeze %dma_wait3A_609 : memref<1x128x128xf32, #tpu.memory_space<vmem>> -> memref<128x128xf32, #tpu.memory_space<vmem>>
      %dma_wait3A_611 = arith.constant 0 : i32
      %dma_wait3A_612 = tpu.memref_slice %arg7[%dma_wait3A_604, %dma_wait3A_605, %dma_wait3A_611] : memref<2x8x128xi32, #tpu.memory_space<vmem>> -> memref<1x1x128xi32, #tpu.memory_space<vmem>>
      %dma_wait3A_613 = tpu.memref_squeeze %dma_wait3A_612 : memref<1x1x128xi32, #tpu.memory_space<vmem>> -> memref<128xi32, #tpu.memory_space<vmem>>
      %dma_wait3A_614 = arith.constant 0 : i32
      %dma_wait3A_615 = arith.constant 0 : i32
      %dma_wait3A_616 = tpu.memref_slice %arg2[%dma_wait3A_614, %dma_wait3A_615] : memref<10240x128xf32, #tpu.memory_space<hbm>> -> memref<10240x128xf32, #tpu.memory_space<hbm>>
      tpu.wait_indirect_dma semaphore(%arg13 : memref<!tpu.dma_semaphore, #tpu.memory_space<semaphore_mem>>) src(%dma_wait3A_616 : memref<10240x128xf32, #tpu.memory_space<hbm>>) dst(%dma_wait3A_610 : memref<128x128xf32, #tpu.memory_space<vmem>>)
      %dma_start3A_617 = arith.constant 1 : i32
      %dma_start3A_618 = arith.constant 1 : i32
      %dma_start3A_619 = arith.constant 1 : i32
      %dma_start3A_620 = arith.constant 0 : i32
      %dma_start3A_621 = arith.constant 0 : i32
      %dma_start3A_622 = tpu.memref_slice %arg9[%dma_start3A_617, %dma_start3A_620, %dma_start3A_621] : memref<2x128x128xf32, #tpu.memory_space<vmem>> -> memref<1x128x128xf32, #tpu.memory_space<vmem>>
      %dma_start3A_623 = tpu.memref_squeeze %dma_start3A_622 : memref<1x128x128xf32, #tpu.memory_space<vmem>> -> memref<128x128xf32, #tpu.memory_space<vmem>>
      %dma_start3A_624 = arith.constant 0 : i32
      %dma_start3A_625 = tpu.memref_slice %arg8[%dma_start3A_618, %dma_start3A_619, %dma_start3A_624] : memref<2x8x128xi32, #tpu.memory_space<vmem>> -> memref<1x1x128xi32, #tpu.memory_space<vmem>>
      %dma_start3A_626 = tpu.memref_squeeze %dma_start3A_625 : memref<1x1x128xi32, #tpu.memory_space<vmem>> -> memref<128xi32, #tpu.memory_space<vmem>>
      %dma_start3A_627 = arith.constant 0 : i32
      %dma_start3A_628 = arith.constant 0 : i32
      %dma_start3A_629 = tpu.memref_slice %arg6[%dma_start3A_627, %dma_start3A_628] : memref<10240x128xf32, #tpu.memory_space<vmem_shared>> -> memref<10240x128xf32, #tpu.memory_space<vmem_shared>>
      tpu.enqueue_indirect_dma source(%dma_start3A_623 : memref<128x128xf32, #tpu.memory_space<vmem>>) target(%dma_start3A_629 : memref<10240x128xf32, #tpu.memory_space<vmem_shared>>) offsets(%dma_start3A_626 : memref<128xi32, #tpu.memory_space<vmem>>) semaphore(%arg15 : memref<!tpu.dma_semaphore, #tpu.memory_space<semaphore_mem>>) {add = true}
      %dma_wait3A_630 = arith.constant 1 : i32
      %dma_wait3A_631 = arith.constant 1 : i32
      %dma_wait3A_632 = arith.constant 1 : i32
      %dma_wait3A_633 = arith.constant 0 : i32
      %dma_wait3A_634 = arith.constant 0 : i32
      %dma_wait3A_635 = tpu.memref_slice %arg9[%dma_wait3A_630, %dma_wait3A_633, %dma_wait3A_634] : memref<2x128x128xf32, #tpu.memory_space<vmem>> -> memref<1x128x128xf32, #tpu.memory_space<vmem>>
      %dma_wait3A_636 = tpu.memref_squeeze %dma_wait3A_635 : memref<1x128x128xf32, #tpu.memory_space<vmem>> -> memref<128x128xf32, #tpu.memory_space<vmem>>
      %dma_wait3A_637 = arith.constant 0 : i32
      %dma_wait3A_638 = tpu.memref_slice %arg8[%dma_wait3A_631, %dma_wait3A_632, %dma_wait3A_637] : memref<2x8x128xi32, #tpu.memory_space<vmem>> -> memref<1x1x128xi32, #tpu.memory_space<vmem>>
      %dma_wait3A_639 = tpu.memref_squeeze %dma_wait3A_638 : memref<1x1x128xi32, #tpu.memory_space<vmem>> -> memref<128xi32, #tpu.memory_space<vmem>>
      %dma_wait3A_640 = arith.constant 0 : i32
      %dma_wait3A_641 = arith.constant 0 : i32
      %dma_wait3A_642 = tpu.memref_slice %arg6[%dma_wait3A_640, %dma_wait3A_641] : memref<10240x128xf32, #tpu.memory_space<vmem_shared>> -> memref<10240x128xf32, #tpu.memory_space<vmem_shared>>
      tpu.wait_indirect_dma semaphore(%arg15 : memref<!tpu.dma_semaphore, #tpu.memory_space<semaphore_mem>>) src(%dma_wait3A_636 : memref<128x128xf32, #tpu.memory_space<vmem>>) dst(%dma_wait3A_642 : memref<10240x128xf32, #tpu.memory_space<vmem_shared>>)
      %dma_start3A_643 = arith.constant 1 : i32
      %dma_start3A_644 = arith.constant 3 : i32
      %dma_start3A_645 = arith.constant 1 : i32
      %dma_start3A_646 = arith.constant 0 : i32
      %dma_start3A_647 = arith.constant 0 : i32
      %dma_start3A_648 = tpu.memref_slice %arg9[%dma_start3A_645, %dma_start3A_646, %dma_start3A_647] : memref<2x128x128xf32, #tpu.memory_space<vmem>> -> memref<1x128x128xf32, #tpu.memory_space<vmem>>
      %dma_start3A_649 = tpu.memref_squeeze %dma_start3A_648 : memref<1x128x128xf32, #tpu.memory_space<vmem>> -> memref<128x128xf32, #tpu.memory_space<vmem>>
      %dma_start3A_650 = arith.constant 0 : i32
      %dma_start3A_651 = tpu.memref_slice %arg7[%dma_start3A_643, %dma_start3A_644, %dma_start3A_650] : memref<2x8x128xi32, #tpu.memory_space<vmem>> -> memref<1x1x128xi32, #tpu.memory_space<vmem>>
      %dma_start3A_652 = tpu.memref_squeeze %dma_start3A_651 : memref<1x1x128xi32, #tpu.memory_space<vmem>> -> memref<128xi32, #tpu.memory_space<vmem>>
      %dma_start3A_653 = arith.constant 0 : i32
      %dma_start3A_654 = arith.constant 0 : i32
      %dma_start3A_655 = tpu.memref_slice %arg2[%dma_start3A_653, %dma_start3A_654] : memref<10240x128xf32, #tpu.memory_space<hbm>> -> memref<10240x128xf32, #tpu.memory_space<hbm>>
      tpu.enqueue_indirect_dma source(%dma_start3A_655 : memref<10240x128xf32, #tpu.memory_space<hbm>>) target(%dma_start3A_649 : memref<128x128xf32, #tpu.memory_space<vmem>>) offsets(%dma_start3A_652 : memref<128xi32, #tpu.memory_space<vmem>>) semaphore(%arg13 : memref<!tpu.dma_semaphore, #tpu.memory_space<semaphore_mem>>)
      %dma_wait3A_656 = arith.constant 1 : i32
      %dma_wait3A_657 = arith.constant 2 : i32
      %dma_wait3A_658 = arith.constant 0 : i32
      %dma_wait3A_659 = arith.constant 0 : i32
      %dma_wait3A_660 = arith.constant 0 : i32
      %dma_wait3A_661 = tpu.memref_slice %arg9[%dma_wait3A_658, %dma_wait3A_659, %dma_wait3A_660] : memref<2x128x128xf32, #tpu.memory_space<vmem>> -> memref<1x128x128xf32, #tpu.memory_space<vmem>>
      %dma_wait3A_662 = tpu.memref_squeeze %dma_wait3A_661 : memref<1x128x128xf32, #tpu.memory_space<vmem>> -> memref<128x128xf32, #tpu.memory_space<vmem>>
      %dma_wait3A_663 = arith.constant 0 : i32
      %dma_wait3A_664 = tpu.memref_slice %arg7[%dma_wait3A_656, %dma_wait3A_657, %dma_wait3A_663] : memref<2x8x128xi32, #tpu.memory_space<vmem>> -> memref<1x1x128xi32, #tpu.memory_space<vmem>>
      %dma_wait3A_665 = tpu.memref_squeeze %dma_wait3A_664 : memref<1x1x128xi32, #tpu.memory_space<vmem>> -> memref<128xi32, #tpu.memory_space<vmem>>
      %dma_wait3A_666 = arith.constant 0 : i32
      %dma_wait3A_667 = arith.constant 0 : i32
      %dma_wait3A_668 = tpu.memref_slice %arg2[%dma_wait3A_666, %dma_wait3A_667] : memref<10240x128xf32, #tpu.memory_space<hbm>> -> memref<10240x128xf32, #tpu.memory_space<hbm>>
      tpu.wait_indirect_dma semaphore(%arg12 : memref<!tpu.dma_semaphore, #tpu.memory_space<semaphore_mem>>) src(%dma_wait3A_668 : memref<10240x128xf32, #tpu.memory_space<hbm>>) dst(%dma_wait3A_662 : memref<128x128xf32, #tpu.memory_space<vmem>>)
      %dma_start3A_669 = arith.constant 0 : i32
      %dma_start3A_670 = arith.constant 1 : i32
      %dma_start3A_671 = arith.constant 2 : i32
      %dma_start3A_672 = arith.constant 0 : i32
      %dma_start3A_673 = arith.constant 0 : i32
      %dma_start3A_674 = tpu.memref_slice %arg9[%dma_start3A_669, %dma_start3A_672, %dma_start3A_673] : memref<2x128x128xf32, #tpu.memory_space<vmem>> -> memref<1x128x128xf32, #tpu.memory_space<vmem>>
      %dma_start3A_675 = tpu.memref_squeeze %dma_start3A_674 : memref<1x128x128xf32, #tpu.memory_space<vmem>> -> memref<128x128xf32, #tpu.memory_space<vmem>>
      %dma_start3A_676 = arith.constant 0 : i32
      %dma_start3A_677 = tpu.memref_slice %arg8[%dma_start3A_670, %dma_start3A_671, %dma_start3A_676] : memref<2x8x128xi32, #tpu.memory_space<vmem>> -> memref<1x1x128xi32, #tpu.memory_space<vmem>>
      %dma_start3A_678 = tpu.memref_squeeze %dma_start3A_677 : memref<1x1x128xi32, #tpu.memory_space<vmem>> -> memref<128xi32, #tpu.memory_space<vmem>>
      %dma_start3A_679 = arith.constant 0 : i32
      %dma_start3A_680 = arith.constant 0 : i32
      %dma_start3A_681 = tpu.memref_slice %arg6[%dma_start3A_679, %dma_start3A_680] : memref<10240x128xf32, #tpu.memory_space<vmem_shared>> -> memref<10240x128xf32, #tpu.memory_space<vmem_shared>>
      tpu.enqueue_indirect_dma source(%dma_start3A_675 : memref<128x128xf32, #tpu.memory_space<vmem>>) target(%dma_start3A_681 : memref<10240x128xf32, #tpu.memory_space<vmem_shared>>) offsets(%dma_start3A_678 : memref<128xi32, #tpu.memory_space<vmem>>) semaphore(%arg14 : memref<!tpu.dma_semaphore, #tpu.memory_space<semaphore_mem>>) {add = true}
      %dma_wait3A_682 = arith.constant 0 : i32
      %dma_wait3A_683 = arith.constant 1 : i32
      %dma_wait3A_684 = arith.constant 2 : i32
      %dma_wait3A_685 = arith.constant 0 : i32
      %dma_wait3A_686 = arith.constant 0 : i32
      %dma_wait3A_687 = tpu.memref_slice %arg9[%dma_wait3A_682, %dma_wait3A_685, %dma_wait3A_686] : memref<2x128x128xf32, #tpu.memory_space<vmem>> -> memref<1x128x128xf32, #tpu.memory_space<vmem>>
      %dma_wait3A_688 = tpu.memref_squeeze %dma_wait3A_687 : memref<1x128x128xf32, #tpu.memory_space<vmem>> -> memref<128x128xf32, #tpu.memory_space<vmem>>
      %dma_wait3A_689 = arith.constant 0 : i32
      %dma_wait3A_690 = tpu.memref_slice %arg8[%dma_wait3A_683, %dma_wait3A_684, %dma_wait3A_689] : memref<2x8x128xi32, #tpu.memory_space<vmem>> -> memref<1x1x128xi32, #tpu.memory_space<vmem>>
      %dma_wait3A_691 = tpu.memref_squeeze %dma_wait3A_690 : memref<1x1x128xi32, #tpu.memory_space<vmem>> -> memref<128xi32, #tpu.memory_space<vmem>>
      %dma_wait3A_692 = arith.constant 0 : i32
      %dma_wait3A_693 = arith.constant 0 : i32
      %dma_wait3A_694 = tpu.memref_slice %arg6[%dma_wait3A_692, %dma_wait3A_693] : memref<10240x128xf32, #tpu.memory_space<vmem_shared>> -> memref<10240x128xf32, #tpu.memory_space<vmem_shared>>
      tpu.wait_indirect_dma semaphore(%arg14 : memref<!tpu.dma_semaphore, #tpu.memory_space<semaphore_mem>>) src(%dma_wait3A_688 : memref<128x128xf32, #tpu.memory_space<vmem>>) dst(%dma_wait3A_694 : memref<10240x128xf32, #tpu.memory_space<vmem_shared>>)
      %dma_start3A_695 = arith.constant 1 : i32
      %dma_start3A_696 = arith.constant 4 : i32
      %dma_start3A_697 = arith.constant 0 : i32
      %dma_start3A_698 = arith.constant 0 : i32
      %dma_start3A_699 = arith.constant 0 : i32
      %dma_start3A_700 = tpu.memref_slice %arg9[%dma_start3A_697, %dma_start3A_698, %dma_start3A_699] : memref<2x128x128xf32, #tpu.memory_space<vmem>> -> memref<1x128x128xf32, #tpu.memory_space<vmem>>
      %dma_start3A_701 = tpu.memref_squeeze %dma_start3A_700 : memref<1x128x128xf32, #tpu.memory_space<vmem>> -> memref<128x128xf32, #tpu.memory_space<vmem>>
      %dma_start3A_702 = arith.constant 0 : i32
      %dma_start3A_703 = tpu.memref_slice %arg7[%dma_start3A_695, %dma_start3A_696, %dma_start3A_702] : memref<2x8x128xi32, #tpu.memory_space<vmem>> -> memref<1x1x128xi32, #tpu.memory_space<vmem>>
      %dma_start3A_704 = tpu.memref_squeeze %dma_start3A_703 : memref<1x1x128xi32, #tpu.memory_space<vmem>> -> memref<128xi32, #tpu.memory_space<vmem>>
      %dma_start3A_705 = arith.constant 0 : i32
      %dma_start3A_706 = arith.constant 0 : i32
      %dma_start3A_707 = tpu.memref_slice %arg2[%dma_start3A_705, %dma_start3A_706] : memref<10240x128xf32, #tpu.memory_space<hbm>> -> memref<10240x128xf32, #tpu.memory_space<hbm>>
      tpu.enqueue_indirect_dma source(%dma_start3A_707 : memref<10240x128xf32, #tpu.memory_space<hbm>>) target(%dma_start3A_701 : memref<128x128xf32, #tpu.memory_space<vmem>>) offsets(%dma_start3A_704 : memref<128xi32, #tpu.memory_space<vmem>>) semaphore(%arg12 : memref<!tpu.dma_semaphore, #tpu.memory_space<semaphore_mem>>)
      %dma_wait3A_708 = arith.constant 1 : i32
      %dma_wait3A_709 = arith.constant 3 : i32
      %dma_wait3A_710 = arith.constant 1 : i32
      %dma_wait3A_711 = arith.constant 0 : i32
      %dma_wait3A_712 = arith.constant 0 : i32
      %dma_wait3A_713 = tpu.memref_slice %arg9[%dma_wait3A_710, %dma_wait3A_711, %dma_wait3A_712] : memref<2x128x128xf32, #tpu.memory_space<vmem>> -> memref<1x128x128xf32, #tpu.memory_space<vmem>>
      %dma_wait3A_714 = tpu.memref_squeeze %dma_wait3A_713 : memref<1x128x128xf32, #tpu.memory_space<vmem>> -> memref<128x128xf32, #tpu.memory_space<vmem>>
      %dma_wait3A_715 = arith.constant 0 : i32
      %dma_wait3A_716 = tpu.memref_slice %arg7[%dma_wait3A_708, %dma_wait3A_709, %dma_wait3A_715] : memref<2x8x128xi32, #tpu.memory_space<vmem>> -> memref<1x1x128xi32, #tpu.memory_space<vmem>>
      %dma_wait3A_717 = tpu.memref_squeeze %dma_wait3A_716 : memref<1x1x128xi32, #tpu.memory_space<vmem>> -> memref<128xi32, #tpu.memory_space<vmem>>
      %dma_wait3A_718 = arith.constant 0 : i32
      %dma_wait3A_719 = arith.constant 0 : i32
      %dma_wait3A_720 = tpu.memref_slice %arg2[%dma_wait3A_718, %dma_wait3A_719] : memref<10240x128xf32, #tpu.memory_space<hbm>> -> memref<10240x128xf32, #tpu.memory_space<hbm>>
      tpu.wait_indirect_dma semaphore(%arg13 : memref<!tpu.dma_semaphore, #tpu.memory_space<semaphore_mem>>) src(%dma_wait3A_720 : memref<10240x128xf32, #tpu.memory_space<hbm>>) dst(%dma_wait3A_714 : memref<128x128xf32, #tpu.memory_space<vmem>>)
      %dma_start3A_721 = arith.constant 1 : i32
      %dma_start3A_722 = arith.constant 1 : i32
      %dma_start3A_723 = arith.constant 3 : i32
      %dma_start3A_724 = arith.constant 0 : i32
      %dma_start3A_725 = arith.constant 0 : i32
      %dma_start3A_726 = tpu.memref_slice %arg9[%dma_start3A_721, %dma_start3A_724, %dma_start3A_725] : memref<2x128x128xf32, #tpu.memory_space<vmem>> -> memref<1x128x128xf32, #tpu.memory_space<vmem>>
      %dma_start3A_727 = tpu.memref_squeeze %dma_start3A_726 : memref<1x128x128xf32, #tpu.memory_space<vmem>> -> memref<128x128xf32, #tpu.memory_space<vmem>>
      %dma_start3A_728 = arith.constant 0 : i32
      %dma_start3A_729 = tpu.memref_slice %arg8[%dma_start3A_722, %dma_start3A_723, %dma_start3A_728] : memref<2x8x128xi32, #tpu.memory_space<vmem>> -> memref<1x1x128xi32, #tpu.memory_space<vmem>>
      %dma_start3A_730 = tpu.memref_squeeze %dma_start3A_729 : memref<1x1x128xi32, #tpu.memory_space<vmem>> -> memref<128xi32, #tpu.memory_space<vmem>>
      %dma_start3A_731 = arith.constant 0 : i32
      %dma_start3A_732 = arith.constant 0 : i32
      %dma_start3A_733 = tpu.memref_slice %arg6[%dma_start3A_731, %dma_start3A_732] : memref<10240x128xf32, #tpu.memory_space<vmem_shared>> -> memref<10240x128xf32, #tpu.memory_space<vmem_shared>>
      tpu.enqueue_indirect_dma source(%dma_start3A_727 : memref<128x128xf32, #tpu.memory_space<vmem>>) target(%dma_start3A_733 : memref<10240x128xf32, #tpu.memory_space<vmem_shared>>) offsets(%dma_start3A_730 : memref<128xi32, #tpu.memory_space<vmem>>) semaphore(%arg15 : memref<!tpu.dma_semaphore, #tpu.memory_space<semaphore_mem>>) {add = true}
      %dma_wait3A_734 = arith.constant 1 : i32
      %dma_wait3A_735 = arith.constant 1 : i32
      %dma_wait3A_736 = arith.constant 3 : i32
      %dma_wait3A_737 = arith.constant 0 : i32
      %dma_wait3A_738 = arith.constant 0 : i32
      %dma_wait3A_739 = tpu.memref_slice %arg9[%dma_wait3A_734, %dma_wait3A_737, %dma_wait3A_738] : memref<2x128x128xf32, #tpu.memory_space<vmem>> -> memref<1x128x128xf32, #tpu.memory_space<vmem>>
      %dma_wait3A_740 = tpu.memref_squeeze %dma_wait3A_739 : memref<1x128x128xf32, #tpu.memory_space<vmem>> -> memref<128x128xf32, #tpu.memory_space<vmem>>
      %dma_wait3A_741 = arith.constant 0 : i32
      %dma_wait3A_742 = tpu.memref_slice %arg8[%dma_wait3A_735, %dma_wait3A_736, %dma_wait3A_741] : memref<2x8x128xi32, #tpu.memory_space<vmem>> -> memref<1x1x128xi32, #tpu.memory_space<vmem>>
      %dma_wait3A_743 = tpu.memref_squeeze %dma_wait3A_742 : memref<1x1x128xi32, #tpu.memory_space<vmem>> -> memref<128xi32, #tpu.memory_space<vmem>>
      %dma_wait3A_744 = arith.constant 0 : i32
      %dma_wait3A_745 = arith.constant 0 : i32
      %dma_wait3A_746 = tpu.memref_slice %arg6[%dma_wait3A_744, %dma_wait3A_745] : memref<10240x128xf32, #tpu.memory_space<vmem_shared>> -> memref<10240x128xf32, #tpu.memory_space<vmem_shared>>
      tpu.wait_indirect_dma semaphore(%arg15 : memref<!tpu.dma_semaphore, #tpu.memory_space<semaphore_mem>>) src(%dma_wait3A_740 : memref<128x128xf32, #tpu.memory_space<vmem>>) dst(%dma_wait3A_746 : memref<10240x128xf32, #tpu.memory_space<vmem_shared>>)
      %dma_start3A_747 = arith.constant 1 : i32
      %dma_start3A_748 = arith.constant 5 : i32
      %dma_start3A_749 = arith.constant 1 : i32
      %dma_start3A_750 = arith.constant 0 : i32
      %dma_start3A_751 = arith.constant 0 : i32
      %dma_start3A_752 = tpu.memref_slice %arg9[%dma_start3A_749, %dma_start3A_750, %dma_start3A_751] : memref<2x128x128xf32, #tpu.memory_space<vmem>> -> memref<1x128x128xf32, #tpu.memory_space<vmem>>
      %dma_start3A_753 = tpu.memref_squeeze %dma_start3A_752 : memref<1x128x128xf32, #tpu.memory_space<vmem>> -> memref<128x128xf32, #tpu.memory_space<vmem>>
      %dma_start3A_754 = arith.constant 0 : i32
      %dma_start3A_755 = tpu.memref_slice %arg7[%dma_start3A_747, %dma_start3A_748, %dma_start3A_754] : memref<2x8x128xi32, #tpu.memory_space<vmem>> -> memref<1x1x128xi32, #tpu.memory_space<vmem>>
      %dma_start3A_756 = tpu.memref_squeeze %dma_start3A_755 : memref<1x1x128xi32, #tpu.memory_space<vmem>> -> memref<128xi32, #tpu.memory_space<vmem>>
      %dma_start3A_757 = arith.constant 0 : i32
      %dma_start3A_758 = arith.constant 0 : i32
      %dma_start3A_759 = tpu.memref_slice %arg2[%dma_start3A_757, %dma_start3A_758] : memref<10240x128xf32, #tpu.memory_space<hbm>> -> memref<10240x128xf32, #tpu.memory_space<hbm>>
      tpu.enqueue_indirect_dma source(%dma_start3A_759 : memref<10240x128xf32, #tpu.memory_space<hbm>>) target(%dma_start3A_753 : memref<128x128xf32, #tpu.memory_space<vmem>>) offsets(%dma_start3A_756 : memref<128xi32, #tpu.memory_space<vmem>>) semaphore(%arg13 : memref<!tpu.dma_semaphore, #tpu.memory_space<semaphore_mem>>)
      %dma_wait3A_760 = arith.constant 1 : i32
      %dma_wait3A_761 = arith.constant 4 : i32
      %dma_wait3A_762 = arith.constant 0 : i32
      %dma_wait3A_763 = arith.constant 0 : i32
      %dma_wait3A_764 = arith.constant 0 : i32
      %dma_wait3A_765 = tpu.memref_slice %arg9[%dma_wait3A_762, %dma_wait3A_763, %dma_wait3A_764] : memref<2x128x128xf32, #tpu.memory_space<vmem>> -> memref<1x128x128xf32, #tpu.memory_space<vmem>>
      %dma_wait3A_766 = tpu.memref_squeeze %dma_wait3A_765 : memref<1x128x128xf32, #tpu.memory_space<vmem>> -> memref<128x128xf32, #tpu.memory_space<vmem>>
      %dma_wait3A_767 = arith.constant 0 : i32
      %dma_wait3A_768 = tpu.memref_slice %arg7[%dma_wait3A_760, %dma_wait3A_761, %dma_wait3A_767] : memref<2x8x128xi32, #tpu.memory_space<vmem>> -> memref<1x1x128xi32, #tpu.memory_space<vmem>>
      %dma_wait3A_769 = tpu.memref_squeeze %dma_wait3A_768 : memref<1x1x128xi32, #tpu.memory_space<vmem>> -> memref<128xi32, #tpu.memory_space<vmem>>
      %dma_wait3A_770 = arith.constant 0 : i32
      %dma_wait3A_771 = arith.constant 0 : i32
      %dma_wait3A_772 = tpu.memref_slice %arg2[%dma_wait3A_770, %dma_wait3A_771] : memref<10240x128xf32, #tpu.memory_space<hbm>> -> memref<10240x128xf32, #tpu.memory_space<hbm>>
      tpu.wait_indirect_dma semaphore(%arg12 : memref<!tpu.dma_semaphore, #tpu.memory_space<semaphore_mem>>) src(%dma_wait3A_772 : memref<10240x128xf32, #tpu.memory_space<hbm>>) dst(%dma_wait3A_766 : memref<128x128xf32, #tpu.memory_space<vmem>>)
      %dma_start3A_773 = arith.constant 0 : i32
      %dma_start3A_774 = arith.constant 1 : i32
      %dma_start3A_775 = arith.constant 4 : i32
      %dma_start3A_776 = arith.constant 0 : i32
      %dma_start3A_777 = arith.constant 0 : i32
      %dma_start3A_778 = tpu.memref_slice %arg9[%dma_start3A_773, %dma_start3A_776, %dma_start3A_777] : memref<2x128x128xf32, #tpu.memory_space<vmem>> -> memref<1x128x128xf32, #tpu.memory_space<vmem>>
      %dma_start3A_779 = tpu.memref_squeeze %dma_start3A_778 : memref<1x128x128xf32, #tpu.memory_space<vmem>> -> memref<128x128xf32, #tpu.memory_space<vmem>>
      %dma_start3A_780 = arith.constant 0 : i32
      %dma_start3A_781 = tpu.memref_slice %arg8[%dma_start3A_774, %dma_start3A_775, %dma_start3A_780] : memref<2x8x128xi32, #tpu.memory_space<vmem>> -> memref<1x1x128xi32, #tpu.memory_space<vmem>>
      %dma_start3A_782 = tpu.memref_squeeze %dma_start3A_781 : memref<1x1x128xi32, #tpu.memory_space<vmem>> -> memref<128xi32, #tpu.memory_space<vmem>>
      %dma_start3A_783 = arith.constant 0 : i32
      %dma_start3A_784 = arith.constant 0 : i32
      %dma_start3A_785 = tpu.memref_slice %arg6[%dma_start3A_783, %dma_start3A_784] : memref<10240x128xf32, #tpu.memory_space<vmem_shared>> -> memref<10240x128xf32, #tpu.memory_space<vmem_shared>>
      tpu.enqueue_indirect_dma source(%dma_start3A_779 : memref<128x128xf32, #tpu.memory_space<vmem>>) target(%dma_start3A_785 : memref<10240x128xf32, #tpu.memory_space<vmem_shared>>) offsets(%dma_start3A_782 : memref<128xi32, #tpu.memory_space<vmem>>) semaphore(%arg14 : memref<!tpu.dma_semaphore, #tpu.memory_space<semaphore_mem>>) {add = true}
      %dma_wait3A_786 = arith.constant 0 : i32
      %dma_wait3A_787 = arith.constant 1 : i32
      %dma_wait3A_788 = arith.constant 4 : i32
      %dma_wait3A_789 = arith.constant 0 : i32
      %dma_wait3A_790 = arith.constant 0 : i32
      %dma_wait3A_791 = tpu.memref_slice %arg9[%dma_wait3A_786, %dma_wait3A_789, %dma_wait3A_790] : memref<2x128x128xf32, #tpu.memory_space<vmem>> -> memref<1x128x128xf32, #tpu.memory_space<vmem>>
      %dma_wait3A_792 = tpu.memref_squeeze %dma_wait3A_791 : memref<1x128x128xf32, #tpu.memory_space<vmem>> -> memref<128x128xf32, #tpu.memory_space<vmem>>
      %dma_wait3A_793 = arith.constant 0 : i32
      %dma_wait3A_794 = tpu.memref_slice %arg8[%dma_wait3A_787, %dma_wait3A_788, %dma_wait3A_793] : memref<2x8x128xi32, #tpu.memory_space<vmem>> -> memref<1x1x128xi32, #tpu.memory_space<vmem>>
      %dma_wait3A_795 = tpu.memref_squeeze %dma_wait3A_794 : memref<1x1x128xi32, #tpu.memory_space<vmem>> -> memref<128xi32, #tpu.memory_space<vmem>>
      %dma_wait3A_796 = arith.constant 0 : i32
      %dma_wait3A_797 = arith.constant 0 : i32
      %dma_wait3A_798 = tpu.memref_slice %arg6[%dma_wait3A_796, %dma_wait3A_797] : memref<10240x128xf32, #tpu.memory_space<vmem_shared>> -> memref<10240x128xf32, #tpu.memory_space<vmem_shared>>
      tpu.wait_indirect_dma semaphore(%arg14 : memref<!tpu.dma_semaphore, #tpu.memory_space<semaphore_mem>>) src(%dma_wait3A_792 : memref<128x128xf32, #tpu.memory_space<vmem>>) dst(%dma_wait3A_798 : memref<10240x128xf32, #tpu.memory_space<vmem_shared>>)
      %dma_start3A_799 = arith.constant 1 : i32
      %dma_start3A_800 = arith.constant 6 : i32
      %dma_start3A_801 = arith.constant 0 : i32
      %dma_start3A_802 = arith.constant 0 : i32
      %dma_start3A_803 = arith.constant 0 : i32
      %dma_start3A_804 = tpu.memref_slice %arg9[%dma_start3A_801, %dma_start3A_802, %dma_start3A_803] : memref<2x128x128xf32, #tpu.memory_space<vmem>> -> memref<1x128x128xf32, #tpu.memory_space<vmem>>
      %dma_start3A_805 = tpu.memref_squeeze %dma_start3A_804 : memref<1x128x128xf32, #tpu.memory_space<vmem>> -> memref<128x128xf32, #tpu.memory_space<vmem>>
      %dma_start3A_806 = arith.constant 0 : i32
      %dma_start3A_807 = tpu.memref_slice %arg7[%dma_start3A_799, %dma_start3A_800, %dma_start3A_806] : memref<2x8x128xi32, #tpu.memory_space<vmem>> -> memref<1x1x128xi32, #tpu.memory_space<vmem>>
      %dma_start3A_808 = tpu.memref_squeeze %dma_start3A_807 : memref<1x1x128xi32, #tpu.memory_space<vmem>> -> memref<128xi32, #tpu.memory_space<vmem>>
      %dma_start3A_809 = arith.constant 0 : i32
      %dma_start3A_810 = arith.constant 0 : i32
      %dma_start3A_811 = tpu.memref_slice %arg2[%dma_start3A_809, %dma_start3A_810] : memref<10240x128xf32, #tpu.memory_space<hbm>> -> memref<10240x128xf32, #tpu.memory_space<hbm>>
      tpu.enqueue_indirect_dma source(%dma_start3A_811 : memref<10240x128xf32, #tpu.memory_space<hbm>>) target(%dma_start3A_805 : memref<128x128xf32, #tpu.memory_space<vmem>>) offsets(%dma_start3A_808 : memref<128xi32, #tpu.memory_space<vmem>>) semaphore(%arg12 : memref<!tpu.dma_semaphore, #tpu.memory_space<semaphore_mem>>)
      %dma_wait3A_812 = arith.constant 1 : i32
      %dma_wait3A_813 = arith.constant 5 : i32
      %dma_wait3A_814 = arith.constant 1 : i32
      %dma_wait3A_815 = arith.constant 0 : i32
      %dma_wait3A_816 = arith.constant 0 : i32
      %dma_wait3A_817 = tpu.memref_slice %arg9[%dma_wait3A_814, %dma_wait3A_815, %dma_wait3A_816] : memref<2x128x128xf32, #tpu.memory_space<vmem>> -> memref<1x128x128xf32, #tpu.memory_space<vmem>>
      %dma_wait3A_818 = tpu.memref_squeeze %dma_wait3A_817 : memref<1x128x128xf32, #tpu.memory_space<vmem>> -> memref<128x128xf32, #tpu.memory_space<vmem>>
      %dma_wait3A_819 = arith.constant 0 : i32
      %dma_wait3A_820 = tpu.memref_slice %arg7[%dma_wait3A_812, %dma_wait3A_813, %dma_wait3A_819] : memref<2x8x128xi32, #tpu.memory_space<vmem>> -> memref<1x1x128xi32, #tpu.memory_space<vmem>>
      %dma_wait3A_821 = tpu.memref_squeeze %dma_wait3A_820 : memref<1x1x128xi32, #tpu.memory_space<vmem>> -> memref<128xi32, #tpu.memory_space<vmem>>
      %dma_wait3A_822 = arith.constant 0 : i32
      %dma_wait3A_823 = arith.constant 0 : i32
      %dma_wait3A_824 = tpu.memref_slice %arg2[%dma_wait3A_822, %dma_wait3A_823] : memref<10240x128xf32, #tpu.memory_space<hbm>> -> memref<10240x128xf32, #tpu.memory_space<hbm>>
      tpu.wait_indirect_dma semaphore(%arg13 : memref<!tpu.dma_semaphore, #tpu.memory_space<semaphore_mem>>) src(%dma_wait3A_824 : memref<10240x128xf32, #tpu.memory_space<hbm>>) dst(%dma_wait3A_818 : memref<128x128xf32, #tpu.memory_space<vmem>>)
      %dma_start3A_825 = arith.constant 1 : i32
      %dma_start3A_826 = arith.constant 1 : i32
      %dma_start3A_827 = arith.constant 5 : i32
      %dma_start3A_828 = arith.constant 0 : i32
      %dma_start3A_829 = arith.constant 0 : i32
      %dma_start3A_830 = tpu.memref_slice %arg9[%dma_start3A_825, %dma_start3A_828, %dma_start3A_829] : memref<2x128x128xf32, #tpu.memory_space<vmem>> -> memref<1x128x128xf32, #tpu.memory_space<vmem>>
      %dma_start3A_831 = tpu.memref_squeeze %dma_start3A_830 : memref<1x128x128xf32, #tpu.memory_space<vmem>> -> memref<128x128xf32, #tpu.memory_space<vmem>>
      %dma_start3A_832 = arith.constant 0 : i32
      %dma_start3A_833 = tpu.memref_slice %arg8[%dma_start3A_826, %dma_start3A_827, %dma_start3A_832] : memref<2x8x128xi32, #tpu.memory_space<vmem>> -> memref<1x1x128xi32, #tpu.memory_space<vmem>>
      %dma_start3A_834 = tpu.memref_squeeze %dma_start3A_833 : memref<1x1x128xi32, #tpu.memory_space<vmem>> -> memref<128xi32, #tpu.memory_space<vmem>>
      %dma_start3A_835 = arith.constant 0 : i32
      %dma_start3A_836 = arith.constant 0 : i32
      %dma_start3A_837 = tpu.memref_slice %arg6[%dma_start3A_835, %dma_start3A_836] : memref<10240x128xf32, #tpu.memory_space<vmem_shared>> -> memref<10240x128xf32, #tpu.memory_space<vmem_shared>>
      tpu.enqueue_indirect_dma source(%dma_start3A_831 : memref<128x128xf32, #tpu.memory_space<vmem>>) target(%dma_start3A_837 : memref<10240x128xf32, #tpu.memory_space<vmem_shared>>) offsets(%dma_start3A_834 : memref<128xi32, #tpu.memory_space<vmem>>) semaphore(%arg15 : memref<!tpu.dma_semaphore, #tpu.memory_space<semaphore_mem>>) {add = true}
      %dma_wait3A_838 = arith.constant 1 : i32
      %dma_wait3A_839 = arith.constant 1 : i32
      %dma_wait3A_840 = arith.constant 5 : i32
      %dma_wait3A_841 = arith.constant 0 : i32
      %dma_wait3A_842 = arith.constant 0 : i32
      %dma_wait3A_843 = tpu.memref_slice %arg9[%dma_wait3A_838, %dma_wait3A_841, %dma_wait3A_842] : memref<2x128x128xf32, #tpu.memory_space<vmem>> -> memref<1x128x128xf32, #tpu.memory_space<vmem>>
      %dma_wait3A_844 = tpu.memref_squeeze %dma_wait3A_843 : memref<1x128x128xf32, #tpu.memory_space<vmem>> -> memref<128x128xf32, #tpu.memory_space<vmem>>
      %dma_wait3A_845 = arith.constant 0 : i32
      %dma_wait3A_846 = tpu.memref_slice %arg8[%dma_wait3A_839, %dma_wait3A_840, %dma_wait3A_845] : memref<2x8x128xi32, #tpu.memory_space<vmem>> -> memref<1x1x128xi32, #tpu.memory_space<vmem>>
      %dma_wait3A_847 = tpu.memref_squeeze %dma_wait3A_846 : memref<1x1x128xi32, #tpu.memory_space<vmem>> -> memref<128xi32, #tpu.memory_space<vmem>>
      %dma_wait3A_848 = arith.constant 0 : i32
      %dma_wait3A_849 = arith.constant 0 : i32
      %dma_wait3A_850 = tpu.memref_slice %arg6[%dma_wait3A_848, %dma_wait3A_849] : memref<10240x128xf32, #tpu.memory_space<vmem_shared>> -> memref<10240x128xf32, #tpu.memory_space<vmem_shared>>
      tpu.wait_indirect_dma semaphore(%arg15 : memref<!tpu.dma_semaphore, #tpu.memory_space<semaphore_mem>>) src(%dma_wait3A_844 : memref<128x128xf32, #tpu.memory_space<vmem>>) dst(%dma_wait3A_850 : memref<10240x128xf32, #tpu.memory_space<vmem_shared>>)
      %dma_start3A_851 = arith.constant 1 : i32
      %dma_start3A_852 = arith.constant 7 : i32
      %dma_start3A_853 = arith.constant 1 : i32
      %dma_start3A_854 = arith.constant 0 : i32
      %dma_start3A_855 = arith.constant 0 : i32
      %dma_start3A_856 = tpu.memref_slice %arg9[%dma_start3A_853, %dma_start3A_854, %dma_start3A_855] : memref<2x128x128xf32, #tpu.memory_space<vmem>> -> memref<1x128x128xf32, #tpu.memory_space<vmem>>
      %dma_start3A_857 = tpu.memref_squeeze %dma_start3A_856 : memref<1x128x128xf32, #tpu.memory_space<vmem>> -> memref<128x128xf32, #tpu.memory_space<vmem>>
      %dma_start3A_858 = arith.constant 0 : i32
      %dma_start3A_859 = tpu.memref_slice %arg7[%dma_start3A_851, %dma_start3A_852, %dma_start3A_858] : memref<2x8x128xi32, #tpu.memory_space<vmem>> -> memref<1x1x128xi32, #tpu.memory_space<vmem>>
      %dma_start3A_860 = tpu.memref_squeeze %dma_start3A_859 : memref<1x1x128xi32, #tpu.memory_space<vmem>> -> memref<128xi32, #tpu.memory_space<vmem>>
      %dma_start3A_861 = arith.constant 0 : i32
      %dma_start3A_862 = arith.constant 0 : i32
      %dma_start3A_863 = tpu.memref_slice %arg2[%dma_start3A_861, %dma_start3A_862] : memref<10240x128xf32, #tpu.memory_space<hbm>> -> memref<10240x128xf32, #tpu.memory_space<hbm>>
      tpu.enqueue_indirect_dma source(%dma_start3A_863 : memref<10240x128xf32, #tpu.memory_space<hbm>>) target(%dma_start3A_857 : memref<128x128xf32, #tpu.memory_space<vmem>>) offsets(%dma_start3A_860 : memref<128xi32, #tpu.memory_space<vmem>>) semaphore(%arg13 : memref<!tpu.dma_semaphore, #tpu.memory_space<semaphore_mem>>)
      %dma_wait3A_864 = arith.constant 1 : i32
      %dma_wait3A_865 = arith.constant 6 : i32
      %dma_wait3A_866 = arith.constant 0 : i32
      %dma_wait3A_867 = arith.constant 0 : i32
      %dma_wait3A_868 = arith.constant 0 : i32
      %dma_wait3A_869 = tpu.memref_slice %arg9[%dma_wait3A_866, %dma_wait3A_867, %dma_wait3A_868] : memref<2x128x128xf32, #tpu.memory_space<vmem>> -> memref<1x128x128xf32, #tpu.memory_space<vmem>>
      %dma_wait3A_870 = tpu.memref_squeeze %dma_wait3A_869 : memref<1x128x128xf32, #tpu.memory_space<vmem>> -> memref<128x128xf32, #tpu.memory_space<vmem>>
      %dma_wait3A_871 = arith.constant 0 : i32
      %dma_wait3A_872 = tpu.memref_slice %arg7[%dma_wait3A_864, %dma_wait3A_865, %dma_wait3A_871] : memref<2x8x128xi32, #tpu.memory_space<vmem>> -> memref<1x1x128xi32, #tpu.memory_space<vmem>>
      %dma_wait3A_873 = tpu.memref_squeeze %dma_wait3A_872 : memref<1x1x128xi32, #tpu.memory_space<vmem>> -> memref<128xi32, #tpu.memory_space<vmem>>
      %dma_wait3A_874 = arith.constant 0 : i32
      %dma_wait3A_875 = arith.constant 0 : i32
      %dma_wait3A_876 = tpu.memref_slice %arg2[%dma_wait3A_874, %dma_wait3A_875] : memref<10240x128xf32, #tpu.memory_space<hbm>> -> memref<10240x128xf32, #tpu.memory_space<hbm>>
      tpu.wait_indirect_dma semaphore(%arg12 : memref<!tpu.dma_semaphore, #tpu.memory_space<semaphore_mem>>) src(%dma_wait3A_876 : memref<10240x128xf32, #tpu.memory_space<hbm>>) dst(%dma_wait3A_870 : memref<128x128xf32, #tpu.memory_space<vmem>>)
      %dma_start3A_877 = arith.constant 0 : i32
      %dma_start3A_878 = arith.constant 1 : i32
      %dma_start3A_879 = arith.constant 6 : i32
      %dma_start3A_880 = arith.constant 0 : i32
      %dma_start3A_881 = arith.constant 0 : i32
      %dma_start3A_882 = tpu.memref_slice %arg9[%dma_start3A_877, %dma_start3A_880, %dma_start3A_881] : memref<2x128x128xf32, #tpu.memory_space<vmem>> -> memref<1x128x128xf32, #tpu.memory_space<vmem>>
      %dma_start3A_883 = tpu.memref_squeeze %dma_start3A_882 : memref<1x128x128xf32, #tpu.memory_space<vmem>> -> memref<128x128xf32, #tpu.memory_space<vmem>>
      %dma_start3A_884 = arith.constant 0 : i32
      %dma_start3A_885 = tpu.memref_slice %arg8[%dma_start3A_878, %dma_start3A_879, %dma_start3A_884] : memref<2x8x128xi32, #tpu.memory_space<vmem>> -> memref<1x1x128xi32, #tpu.memory_space<vmem>>
      %dma_start3A_886 = tpu.memref_squeeze %dma_start3A_885 : memref<1x1x128xi32, #tpu.memory_space<vmem>> -> memref<128xi32, #tpu.memory_space<vmem>>
      %dma_start3A_887 = arith.constant 0 : i32
      %dma_start3A_888 = arith.constant 0 : i32
      %dma_start3A_889 = tpu.memref_slice %arg6[%dma_start3A_887, %dma_start3A_888] : memref<10240x128xf32, #tpu.memory_space<vmem_shared>> -> memref<10240x128xf32, #tpu.memory_space<vmem_shared>>
      tpu.enqueue_indirect_dma source(%dma_start3A_883 : memref<128x128xf32, #tpu.memory_space<vmem>>) target(%dma_start3A_889 : memref<10240x128xf32, #tpu.memory_space<vmem_shared>>) offsets(%dma_start3A_886 : memref<128xi32, #tpu.memory_space<vmem>>) semaphore(%arg14 : memref<!tpu.dma_semaphore, #tpu.memory_space<semaphore_mem>>) {add = true}
      %dma_wait3A_890 = arith.constant 0 : i32
      %dma_wait3A_891 = arith.constant 1 : i32
      %dma_wait3A_892 = arith.constant 6 : i32
      %dma_wait3A_893 = arith.constant 0 : i32
      %dma_wait3A_894 = arith.constant 0 : i32
      %dma_wait3A_895 = tpu.memref_slice %arg9[%dma_wait3A_890, %dma_wait3A_893, %dma_wait3A_894] : memref<2x128x128xf32, #tpu.memory_space<vmem>> -> memref<1x128x128xf32, #tpu.memory_space<vmem>>
      %dma_wait3A_896 = tpu.memref_squeeze %dma_wait3A_895 : memref<1x128x128xf32, #tpu.memory_space<vmem>> -> memref<128x128xf32, #tpu.memory_space<vmem>>
      %dma_wait3A_897 = arith.constant 0 : i32
      %dma_wait3A_898 = tpu.memref_slice %arg8[%dma_wait3A_891, %dma_wait3A_892, %dma_wait3A_897] : memref<2x8x128xi32, #tpu.memory_space<vmem>> -> memref<1x1x128xi32, #tpu.memory_space<vmem>>
      %dma_wait3A_899 = tpu.memref_squeeze %dma_wait3A_898 : memref<1x1x128xi32, #tpu.memory_space<vmem>> -> memref<128xi32, #tpu.memory_space<vmem>>
      %dma_wait3A_900 = arith.constant 0 : i32
      %dma_wait3A_901 = arith.constant 0 : i32
      %dma_wait3A_902 = tpu.memref_slice %arg6[%dma_wait3A_900, %dma_wait3A_901] : memref<10240x128xf32, #tpu.memory_space<vmem_shared>> -> memref<10240x128xf32, #tpu.memory_space<vmem_shared>>
      tpu.wait_indirect_dma semaphore(%arg14 : memref<!tpu.dma_semaphore, #tpu.memory_space<semaphore_mem>>) src(%dma_wait3A_896 : memref<128x128xf32, #tpu.memory_space<vmem>>) dst(%dma_wait3A_902 : memref<10240x128xf32, #tpu.memory_space<vmem_shared>>)
      %dma_wait3A_903 = arith.constant 1 : i32
      %dma_wait3A_904 = arith.constant 7 : i32
      %dma_wait3A_905 = arith.constant 1 : i32
      %dma_wait3A_906 = arith.constant 0 : i32
      %dma_wait3A_907 = arith.constant 0 : i32
      %dma_wait3A_908 = tpu.memref_slice %arg9[%dma_wait3A_905, %dma_wait3A_906, %dma_wait3A_907] : memref<2x128x128xf32, #tpu.memory_space<vmem>> -> memref<1x128x128xf32, #tpu.memory_space<vmem>>
      %dma_wait3A_909 = tpu.memref_squeeze %dma_wait3A_908 : memref<1x128x128xf32, #tpu.memory_space<vmem>> -> memref<128x128xf32, #tpu.memory_space<vmem>>
      %dma_wait3A_910 = arith.constant 0 : i32
      %dma_wait3A_911 = tpu.memref_slice %arg7[%dma_wait3A_903, %dma_wait3A_904, %dma_wait3A_910] : memref<2x8x128xi32, #tpu.memory_space<vmem>> -> memref<1x1x128xi32, #tpu.memory_space<vmem>>
      %dma_wait3A_912 = tpu.memref_squeeze %dma_wait3A_911 : memref<1x1x128xi32, #tpu.memory_space<vmem>> -> memref<128xi32, #tpu.memory_space<vmem>>
      %dma_wait3A_913 = arith.constant 0 : i32
      %dma_wait3A_914 = arith.constant 0 : i32
      %dma_wait3A_915 = tpu.memref_slice %arg2[%dma_wait3A_913, %dma_wait3A_914] : memref<10240x128xf32, #tpu.memory_space<hbm>> -> memref<10240x128xf32, #tpu.memory_space<hbm>>
      tpu.wait_indirect_dma semaphore(%arg13 : memref<!tpu.dma_semaphore, #tpu.memory_space<semaphore_mem>>) src(%dma_wait3A_915 : memref<10240x128xf32, #tpu.memory_space<hbm>>) dst(%dma_wait3A_909 : memref<128x128xf32, #tpu.memory_space<vmem>>)
      %dma_start3A_916 = arith.constant 1 : i32
      %dma_start3A_917 = arith.constant 1 : i32
      %dma_start3A_918 = arith.constant 7 : i32
      %dma_start3A_919 = arith.constant 0 : i32
      %dma_start3A_920 = arith.constant 0 : i32
      %dma_start3A_921 = tpu.memref_slice %arg9[%dma_start3A_916, %dma_start3A_919, %dma_start3A_920] : memref<2x128x128xf32, #tpu.memory_space<vmem>> -> memref<1x128x128xf32, #tpu.memory_space<vmem>>
      %dma_start3A_922 = tpu.memref_squeeze %dma_start3A_921 : memref<1x128x128xf32, #tpu.memory_space<vmem>> -> memref<128x128xf32, #tpu.memory_space<vmem>>
      %dma_start3A_923 = arith.constant 0 : i32
      %dma_start3A_924 = tpu.memref_slice %arg8[%dma_start3A_917, %dma_start3A_918, %dma_start3A_923] : memref<2x8x128xi32, #tpu.memory_space<vmem>> -> memref<1x1x128xi32, #tpu.memory_space<vmem>>
      %dma_start3A_925 = tpu.memref_squeeze %dma_start3A_924 : memref<1x1x128xi32, #tpu.memory_space<vmem>> -> memref<128xi32, #tpu.memory_space<vmem>>
      %dma_start3A_926 = arith.constant 0 : i32
      %dma_start3A_927 = arith.constant 0 : i32
      %dma_start3A_928 = tpu.memref_slice %arg6[%dma_start3A_926, %dma_start3A_927] : memref<10240x128xf32, #tpu.memory_space<vmem_shared>> -> memref<10240x128xf32, #tpu.memory_space<vmem_shared>>
      tpu.enqueue_indirect_dma source(%dma_start3A_922 : memref<128x128xf32, #tpu.memory_space<vmem>>) target(%dma_start3A_928 : memref<10240x128xf32, #tpu.memory_space<vmem_shared>>) offsets(%dma_start3A_925 : memref<128xi32, #tpu.memory_space<vmem>>) semaphore(%arg15 : memref<!tpu.dma_semaphore, #tpu.memory_space<semaphore_mem>>) {add = true}
      %dma_wait3A_929 = arith.constant 1 : i32
      %dma_wait3A_930 = arith.constant 1 : i32
      %dma_wait3A_931 = arith.constant 7 : i32
      %dma_wait3A_932 = arith.constant 0 : i32
      %dma_wait3A_933 = arith.constant 0 : i32
      %dma_wait3A_934 = tpu.memref_slice %arg9[%dma_wait3A_929, %dma_wait3A_932, %dma_wait3A_933] : memref<2x128x128xf32, #tpu.memory_space<vmem>> -> memref<1x128x128xf32, #tpu.memory_space<vmem>>
      %dma_wait3A_935 = tpu.memref_squeeze %dma_wait3A_934 : memref<1x128x128xf32, #tpu.memory_space<vmem>> -> memref<128x128xf32, #tpu.memory_space<vmem>>
      %dma_wait3A_936 = arith.constant 0 : i32
      %dma_wait3A_937 = tpu.memref_slice %arg8[%dma_wait3A_930, %dma_wait3A_931, %dma_wait3A_936] : memref<2x8x128xi32, #tpu.memory_space<vmem>> -> memref<1x1x128xi32, #tpu.memory_space<vmem>>
      %dma_wait3A_938 = tpu.memref_squeeze %dma_wait3A_937 : memref<1x1x128xi32, #tpu.memory_space<vmem>> -> memref<128xi32, #tpu.memory_space<vmem>>
      %dma_wait3A_939 = arith.constant 0 : i32
      %dma_wait3A_940 = arith.constant 0 : i32
      %dma_wait3A_941 = tpu.memref_slice %arg6[%dma_wait3A_939, %dma_wait3A_940] : memref<10240x128xf32, #tpu.memory_space<vmem_shared>> -> memref<10240x128xf32, #tpu.memory_space<vmem_shared>>
      tpu.wait_indirect_dma semaphore(%arg15 : memref<!tpu.dma_semaphore, #tpu.memory_space<semaphore_mem>>) src(%dma_wait3A_935 : memref<128x128xf32, #tpu.memory_space<vmem>>) dst(%dma_wait3A_941 : memref<10240x128xf32, #tpu.memory_space<vmem_shared>>)
      %add3A_942 = arith.constant 1 : i32
      %add3A_943 = arith.addi %add3A_518, %add3A_942 : i32
      %lt3A_944 = arith.constant 10 : i32
      %lt3A_945 = arith.cmpi slt, %add3A_943, %lt3A_944 : i32
      %convert_element_type3A_946 = arith.extui %lt3A_945 : i1 to i32
      %cond3A_947 = arith.constant 0 : i32
      %cond3A_948 = arith.cmpi ne, %convert_element_type3A_946, %cond3A_947 : i32
      scf.if %cond3A_948 {
        %add3A_949 = arith.constant 1 : i32
        %add3A_950 = arith.addi %add3A_518, %add3A_949 : i32
        %mul3A_951 = arith.constant 8 : i32
        %mul3A_952 = arith.muli %add3A_950, %mul3A_951 : i32
        %mul3A_953 = arith.constant 8 : i32
        %mul3A_954 = arith.muli %add3A_950, %mul3A_953 : i32
        %dma_wait3A_955 = arith.constant 0 : i32
        %dma_wait3A_956 = arith.constant 0 : i32
        %dma_wait3A_957 = arith.constant 0 : i32
        %dma_wait3A_958 = arith.constant 0 : i32
        %dma_wait3A_959 = tpu.memref_slice %arg7[%dma_wait3A_956, %dma_wait3A_957, %dma_wait3A_958] : memref<2x8x128xi32, #tpu.memory_space<vmem>> -> memref<1x8x128xi32, #tpu.memory_space<vmem>>
        %dma_wait3A_960 = tpu.memref_squeeze %dma_wait3A_959 : memref<1x8x128xi32, #tpu.memory_space<vmem>> -> memref<8x128xi32, #tpu.memory_space<vmem>>
        %dma_wait3A_961 = arith.constant 0 : i32
        %dma_wait3A_962 = tpu.memref_slice %arg3[%dma_wait3A_955, %add3A, %mul3A_952, %dma_wait3A_961] : memref<2x32x80x128xi32, #tpu.memory_space<hbm>> -> memref<1x1x8x128xi32, #tpu.memory_space<hbm>>
        %dma_wait3A_963 = tpu.memref_squeeze %dma_wait3A_962 : memref<1x1x8x128xi32, #tpu.memory_space<hbm>> -> memref<8x128xi32, #tpu.memory_space<hbm>>
        %dma_wait3A_964 = arith.constant 0 : i32
        %dma_wait3A_965 = arith.constant 0 : i32
        %dma_wait3A_966 = tpu.memref_slice %arg7[%dma_wait3A_956, %dma_wait3A_964, %dma_wait3A_965] : memref<2x8x128xi32, #tpu.memory_space<vmem>> -> memref<1x8x128xi32, #tpu.memory_space<vmem>>
        %dma_wait3A_967 = tpu.memref_squeeze %dma_wait3A_966 : memref<1x8x128xi32, #tpu.memory_space<vmem>> -> memref<8x128xi32, #tpu.memory_space<vmem>>
        %dma_wait3A_968 = arith.constant 0 : i32
        %dma_wait3A_969 = tpu.memref_slice %arg3[%dma_wait3A_955, %add3A, %mul3A_952, %dma_wait3A_968] : memref<2x32x80x128xi32, #tpu.memory_space<hbm>> -> memref<1x1x8x128xi32, #tpu.memory_space<hbm>>
        %dma_wait3A_970 = tpu.memref_squeeze %dma_wait3A_969 : memref<1x1x8x128xi32, #tpu.memory_space<hbm>> -> memref<8x128xi32, #tpu.memory_space<hbm>>
        tpu.wait_dma2 semaphore(%arg10 : memref<!tpu.dma_semaphore, #tpu.memory_space<semaphore_mem>>) src(%dma_wait3A_970 : memref<8x128xi32, #tpu.memory_space<hbm>>) dst(%dma_wait3A_967 : memref<8x128xi32, #tpu.memory_space<vmem>>)
        %dma_wait3A_971 = arith.constant 1 : i32
        %dma_wait3A_972 = arith.constant 0 : i32
        %dma_wait3A_973 = arith.constant 0 : i32
        %dma_wait3A_974 = arith.constant 0 : i32
        %dma_wait3A_975 = tpu.memref_slice %arg8[%dma_wait3A_972, %dma_wait3A_973, %dma_wait3A_974] : memref<2x8x128xi32, #tpu.memory_space<vmem>> -> memref<1x8x128xi32, #tpu.memory_space<vmem>>
        %dma_wait3A_976 = tpu.memref_squeeze %dma_wait3A_975 : memref<1x8x128xi32, #tpu.memory_space<vmem>> -> memref<8x128xi32, #tpu.memory_space<vmem>>
        %dma_wait3A_977 = arith.constant 0 : i32
        %dma_wait3A_978 = tpu.memref_slice %arg3[%dma_wait3A_971, %add3A, %mul3A_954, %dma_wait3A_977] : memref<2x32x80x128xi32, #tpu.memory_space<hbm>> -> memref<1x1x8x128xi32, #tpu.memory_space<hbm>>
        %dma_wait3A_979 = tpu.memref_squeeze %dma_wait3A_978 : memref<1x1x8x128xi32, #tpu.memory_space<hbm>> -> memref<8x128xi32, #tpu.memory_space<hbm>>
        %dma_wait3A_980 = arith.constant 0 : i32
        %dma_wait3A_981 = arith.constant 0 : i32
        %dma_wait3A_982 = tpu.memref_slice %arg8[%dma_wait3A_972, %dma_wait3A_980, %dma_wait3A_981] : memref<2x8x128xi32, #tpu.memory_space<vmem>> -> memref<1x8x128xi32, #tpu.memory_space<vmem>>
        %dma_wait3A_983 = tpu.memref_squeeze %dma_wait3A_982 : memref<1x8x128xi32, #tpu.memory_space<vmem>> -> memref<8x128xi32, #tpu.memory_space<vmem>>
        %dma_wait3A_984 = arith.constant 0 : i32
        %dma_wait3A_985 = tpu.memref_slice %arg3[%dma_wait3A_971, %add3A, %mul3A_954, %dma_wait3A_984] : memref<2x32x80x128xi32, #tpu.memory_space<hbm>> -> memref<1x1x8x128xi32, #tpu.memory_space<hbm>>
        %dma_wait3A_986 = tpu.memref_squeeze %dma_wait3A_985 : memref<1x1x8x128xi32, #tpu.memory_space<hbm>> -> memref<8x128xi32, #tpu.memory_space<hbm>>
        tpu.wait_dma2 semaphore(%arg10 : memref<!tpu.dma_semaphore, #tpu.memory_space<semaphore_mem>>) src(%dma_wait3A_986 : memref<8x128xi32, #tpu.memory_space<hbm>>) dst(%dma_wait3A_983 : memref<8x128xi32, #tpu.memory_space<vmem>>)
      } else {
      }
    }
    %scan3A_77 = arith.constant 5 : i32
    %barrier3A_78 = arith.constant 0 : index
    tpu.barrier barrier_id(%barrier3A_78)
    %mul3A_79 = arith.constant 640 : i32
    %mul3A_80 = arith.muli %arg1, %mul3A_79 : i32
    %mul3A_81 = arith.constant 640 : i32
    %mul3A_82 = arith.muli %arg1, %mul3A_81 : i32
    "tpu.region"() ({
      %run_scoped3A = tpu.sem_alloc : memref<!tpu.dma_semaphore, #tpu.memory_space<semaphore_mem>>
      %dma_start3A_83 = arith.constant 0 : i32
      %dma_start3A_84 = tpu.memref_slice %arg5[%arg0, %mul3A_82, %dma_start3A_83] : memref<2x10240x128xf32, #tpu.memory_space<hbm>> -> memref<1x640x128xf32, #tpu.memory_space<hbm>>
      %dma_start3A_85 = tpu.memref_squeeze %dma_start3A_84 : memref<1x640x128xf32, #tpu.memory_space<hbm>> -> memref<640x128xf32, #tpu.memory_space<hbm>>
      %dma_start3A_86 = arith.constant 0 : i32
      %dma_start3A_87 = tpu.memref_slice %arg6[%mul3A_80, %dma_start3A_86] : memref<10240x128xf32, #tpu.memory_space<vmem_shared>> -> memref<640x128xf32, #tpu.memory_space<vmem_shared>>
      tpu.enqueue_dma source(%dma_start3A_87 : memref<640x128xf32, #tpu.memory_space<vmem_shared>>) target(%dma_start3A_85 : memref<640x128xf32, #tpu.memory_space<hbm>>) target_semaphore(%run_scoped3A : memref<!tpu.dma_semaphore, #tpu.memory_space<semaphore_mem>>)
      %dma_wait3A_88 = arith.constant 0 : i32
      %dma_wait3A_89 = tpu.memref_slice %arg5[%arg0, %mul3A_82, %dma_wait3A_88] : memref<2x10240x128xf32, #tpu.memory_space<hbm>> -> memref<1x640x128xf32, #tpu.memory_space<hbm>>
      %dma_wait3A_90 = tpu.memref_squeeze %dma_wait3A_89 : memref<1x640x128xf32, #tpu.memory_space<hbm>> -> memref<640x128xf32, #tpu.memory_space<hbm>>
      %dma_wait3A_91 = arith.constant 0 : i32
      %dma_wait3A_92 = tpu.memref_slice %arg6[%mul3A_80, %dma_wait3A_91] : memref<10240x128xf32, #tpu.memory_space<vmem_shared>> -> memref<640x128xf32, #tpu.memory_space<vmem_shared>>
      tpu.wait_dma2 semaphore(%run_scoped3A : memref<!tpu.dma_semaphore, #tpu.memory_space<semaphore_mem>>) src(%dma_wait3A_92 : memref<640x128xf32, #tpu.memory_space<vmem_shared>>) dst(%dma_wait3A_90 : memref<640x128xf32, #tpu.memory_space<hbm>>)
      tpu.yield
    }) : () -> ()
    return
  }
}

#map = affine_map<(d0, d1) -> (0, 0, 0, 0)>
#map1 = affine_map<(d0, d1) -> (0)>
#map2 = affine_map<(d0, d1) -> (0, 0)>
module attributes {stable_mosaic.version = 14 : i64} {
  func.func @_deg_kernel(%arg0: i32, %arg1: i32, %arg2: memref<2x32x80x128xi32, #tpu.memory_space<hbm>>, %arg3: memref<640xf32, #tpu.memory_space<hbm>>, %arg4: memref<2x10240xf32, #tpu.memory_space<hbm>>, %arg5: memref<10240xf32, #tpu.memory_space<vmem_shared>>, %arg6: memref<80x128xi32, #tpu.memory_space<vmem>>, %arg7: memref<128xf32, #tpu.memory_space<vmem>>, %arg8: memref<!tpu.dma_semaphore, #tpu.memory_space<semaphore_mem>>, %arg9: memref<!tpu.dma_semaphore, #tpu.memory_space<semaphore_mem>>) attributes {dimension_semantics = [#tpu.dimension_semantics<core_parallel>, #tpu.dimension_semantics<subcore_parallel>], iteration_bounds = array<i64: 2, 16>, scalar_prefetch = 0 : i64, scratch_operands = 5 : i64, tpu.core_type = #tpu.core_type<sc_vector_subcore>, window_params = [{transform_indices = #map}, {transform_indices = #map1}, {transform_indices = #map2}]} {
    %mul3A = arith.constant 16 : i32
    %mul3A_0 = arith.muli %arg0, %mul3A : i32
    %add3A = arith.addi %mul3A_0, %arg1 : i32
    %mul3A_1 = arith.constant 640 : i32
    %mul3A_2 = arith.muli %arg1, %mul3A_1 : i32
    "tpu.region"() ({
      %run_scoped3A_59 = tpu.sem_alloc : memref<!tpu.dma_semaphore, #tpu.memory_space<semaphore_mem>>
      %dma_start3A = tpu.memref_slice %arg5[%mul3A_2] : memref<10240xf32, #tpu.memory_space<vmem_shared>> -> memref<640xf32, #tpu.memory_space<vmem_shared>>
      tpu.enqueue_dma source(%arg3 : memref<640xf32, #tpu.memory_space<hbm>>) target(%dma_start3A : memref<640xf32, #tpu.memory_space<vmem_shared>>) target_semaphore(%run_scoped3A_59 : memref<!tpu.dma_semaphore, #tpu.memory_space<semaphore_mem>>)
      %dma_wait3A = tpu.memref_slice %arg5[%mul3A_2] : memref<10240xf32, #tpu.memory_space<vmem_shared>> -> memref<640xf32, #tpu.memory_space<vmem_shared>>
      tpu.wait_dma2 semaphore(%run_scoped3A_59 : memref<!tpu.dma_semaphore, #tpu.memory_space<semaphore_mem>>) src(%arg3 : memref<640xf32, #tpu.memory_space<hbm>>) dst(%dma_wait3A : memref<640xf32, #tpu.memory_space<vmem_shared>>)
      tpu.yield
    }) : () -> ()
    %run_scoped3A = arith.constant 1 : i32
    "tpu.region"() ({
      %run_scoped3A_59 = tpu.sem_alloc : memref<!tpu.dma_semaphore, #tpu.memory_space<semaphore_mem>>
      %dma_start3A = arith.constant 0 : i32
      %dma_start3A_60 = arith.constant 0 : i32
      %dma_start3A_61 = tpu.memref_slice %arg2[%run_scoped3A, %add3A, %dma_start3A, %dma_start3A_60] : memref<2x32x80x128xi32, #tpu.memory_space<hbm>> -> memref<1x1x80x128xi32, #tpu.memory_space<hbm>>
      %dma_start3A_62 = tpu.memref_squeeze %dma_start3A_61 : memref<1x1x80x128xi32, #tpu.memory_space<hbm>> -> memref<80x128xi32, #tpu.memory_space<hbm>>
      %dma_start3A_63 = arith.constant 0 : i32
      %dma_start3A_64 = arith.constant 0 : i32
      %dma_start3A_65 = tpu.memref_slice %arg2[%run_scoped3A, %add3A, %dma_start3A_63, %dma_start3A_64] : memref<2x32x80x128xi32, #tpu.memory_space<hbm>> -> memref<1x1x80x128xi32, #tpu.memory_space<hbm>>
      %dma_start3A_66 = tpu.memref_squeeze %dma_start3A_65 : memref<1x1x80x128xi32, #tpu.memory_space<hbm>> -> memref<80x128xi32, #tpu.memory_space<hbm>>
      tpu.enqueue_dma source(%dma_start3A_66 : memref<80x128xi32, #tpu.memory_space<hbm>>) target(%arg6 : memref<80x128xi32, #tpu.memory_space<vmem>>) target_semaphore(%run_scoped3A_59 : memref<!tpu.dma_semaphore, #tpu.memory_space<semaphore_mem>>)
      %dma_wait3A = arith.constant 0 : i32
      %dma_wait3A_67 = arith.constant 0 : i32
      %dma_wait3A_68 = tpu.memref_slice %arg2[%run_scoped3A, %add3A, %dma_wait3A, %dma_wait3A_67] : memref<2x32x80x128xi32, #tpu.memory_space<hbm>> -> memref<1x1x80x128xi32, #tpu.memory_space<hbm>>
      %dma_wait3A_69 = tpu.memref_squeeze %dma_wait3A_68 : memref<1x1x80x128xi32, #tpu.memory_space<hbm>> -> memref<80x128xi32, #tpu.memory_space<hbm>>
      %dma_wait3A_70 = arith.constant 0 : i32
      %dma_wait3A_71 = arith.constant 0 : i32
      %dma_wait3A_72 = tpu.memref_slice %arg2[%run_scoped3A, %add3A, %dma_wait3A_70, %dma_wait3A_71] : memref<2x32x80x128xi32, #tpu.memory_space<hbm>> -> memref<1x1x80x128xi32, #tpu.memory_space<hbm>>
      %dma_wait3A_73 = tpu.memref_squeeze %dma_wait3A_72 : memref<1x1x80x128xi32, #tpu.memory_space<hbm>> -> memref<80x128xi32, #tpu.memory_space<hbm>>
      tpu.wait_dma2 semaphore(%run_scoped3A_59 : memref<!tpu.dma_semaphore, #tpu.memory_space<semaphore_mem>>) src(%dma_wait3A_73 : memref<80x128xi32, #tpu.memory_space<hbm>>) dst(%arg6 : memref<80x128xi32, #tpu.memory_space<vmem>>)
      tpu.yield
    }) : () -> ()
    %broadcast_in_dim3A = arith.constant 1.000000e+00 : f32
    %broadcast_in_dim3A_3 = vector.broadcast %broadcast_in_dim3A : f32 to vector<16xf32>
    %swap3A = arith.constant 0 : index
    %swap3A_4 = tpu.vector_load %arg7[%swap3A] {strides = array<i32>} : memref<128xf32, #tpu.memory_space<vmem>>, vector<16xf32>,
    %swap3A_5 = vector.shape_cast %swap3A_4 : vector<16xf32> to vector<16xf32>
    %swap3A_6 = vector.shape_cast %broadcast_in_dim3A_3 : vector<16xf32> to vector<16xf32>
    tpu.vector_store %arg7[%swap3A], %swap3A_6 {strides = array<i32>} : memref<128xf32, #tpu.memory_space<vmem>>, vector<16xf32>,
    %broadcast_in_dim3A_7 = arith.constant 1.000000e+00 : f32
    %broadcast_in_dim3A_8 = vector.broadcast %broadcast_in_dim3A_7 : f32 to vector<16xf32>
    %swap3A_9 = arith.constant 16 : index
    %swap3A_10 = tpu.vector_load %arg7[%swap3A_9] {strides = array<i32>} : memref<128xf32, #tpu.memory_space<vmem>>, vector<16xf32>,
    %swap3A_11 = vector.shape_cast %swap3A_10 : vector<16xf32> to vector<16xf32>
    %swap3A_12 = vector.shape_cast %broadcast_in_dim3A_8 : vector<16xf32> to vector<16xf32>
    tpu.vector_store %arg7[%swap3A_9], %swap3A_12 {strides = array<i32>} : memref<128xf32, #tpu.memory_space<vmem>>, vector<16xf32>,
    %broadcast_in_dim3A_13 = arith.constant 1.000000e+00 : f32
    %broadcast_in_dim3A_14 = vector.broadcast %broadcast_in_dim3A_13 : f32 to vector<16xf32>
    %swap3A_15 = arith.constant 32 : index
    %swap3A_16 = tpu.vector_load %arg7[%swap3A_15] {strides = array<i32>} : memref<128xf32, #tpu.memory_space<vmem>>, vector<16xf32>,
    %swap3A_17 = vector.shape_cast %swap3A_16 : vector<16xf32> to vector<16xf32>
    %swap3A_18 = vector.shape_cast %broadcast_in_dim3A_14 : vector<16xf32> to vector<16xf32>
    tpu.vector_store %arg7[%swap3A_15], %swap3A_18 {strides = array<i32>} : memref<128xf32, #tpu.memory_space<vmem>>, vector<16xf32>,
    %broadcast_in_dim3A_19 = arith.constant 1.000000e+00 : f32
    %broadcast_in_dim3A_20 = vector.broadcast %broadcast_in_dim3A_19 : f32 to vector<16xf32>
    %swap3A_21 = arith.constant 48 : index
    %swap3A_22 = tpu.vector_load %arg7[%swap3A_21] {strides = array<i32>} : memref<128xf32, #tpu.memory_space<vmem>>, vector<16xf32>,
    %swap3A_23 = vector.shape_cast %swap3A_22 : vector<16xf32> to vector<16xf32>
    %swap3A_24 = vector.shape_cast %broadcast_in_dim3A_20 : vector<16xf32> to vector<16xf32>
    tpu.vector_store %arg7[%swap3A_21], %swap3A_24 {strides = array<i32>} : memref<128xf32, #tpu.memory_space<vmem>>, vector<16xf32>,
    %broadcast_in_dim3A_25 = arith.constant 1.000000e+00 : f32
    %broadcast_in_dim3A_26 = vector.broadcast %broadcast_in_dim3A_25 : f32 to vector<16xf32>
    %swap3A_27 = arith.constant 64 : index
    %swap3A_28 = tpu.vector_load %arg7[%swap3A_27] {strides = array<i32>} : memref<128xf32, #tpu.memory_space<vmem>>, vector<16xf32>,
    %swap3A_29 = vector.shape_cast %swap3A_28 : vector<16xf32> to vector<16xf32>
    %swap3A_30 = vector.shape_cast %broadcast_in_dim3A_26 : vector<16xf32> to vector<16xf32>
    tpu.vector_store %arg7[%swap3A_27], %swap3A_30 {strides = array<i32>} : memref<128xf32, #tpu.memory_space<vmem>>, vector<16xf32>,
    %broadcast_in_dim3A_31 = arith.constant 1.000000e+00 : f32
    %broadcast_in_dim3A_32 = vector.broadcast %broadcast_in_dim3A_31 : f32 to vector<16xf32>
    %swap3A_33 = arith.constant 80 : index
    %swap3A_34 = tpu.vector_load %arg7[%swap3A_33] {strides = array<i32>} : memref<128xf32, #tpu.memory_space<vmem>>, vector<16xf32>,
    %swap3A_35 = vector.shape_cast %swap3A_34 : vector<16xf32> to vector<16xf32>
    %swap3A_36 = vector.shape_cast %broadcast_in_dim3A_32 : vector<16xf32> to vector<16xf32>
    tpu.vector_store %arg7[%swap3A_33], %swap3A_36 {strides = array<i32>} : memref<128xf32, #tpu.memory_space<vmem>>, vector<16xf32>,
    %broadcast_in_dim3A_37 = arith.constant 1.000000e+00 : f32
    %broadcast_in_dim3A_38 = vector.broadcast %broadcast_in_dim3A_37 : f32 to vector<16xf32>
    %swap3A_39 = arith.constant 96 : index
    %swap3A_40 = tpu.vector_load %arg7[%swap3A_39] {strides = array<i32>} : memref<128xf32, #tpu.memory_space<vmem>>, vector<16xf32>,
    %swap3A_41 = vector.shape_cast %swap3A_40 : vector<16xf32> to vector<16xf32>
    %swap3A_42 = vector.shape_cast %broadcast_in_dim3A_38 : vector<16xf32> to vector<16xf32>
    tpu.vector_store %arg7[%swap3A_39], %swap3A_42 {strides = array<i32>} : memref<128xf32, #tpu.memory_space<vmem>>, vector<16xf32>,
    %broadcast_in_dim3A_43 = arith.constant 1.000000e+00 : f32
    %broadcast_in_dim3A_44 = vector.broadcast %broadcast_in_dim3A_43 : f32 to vector<16xf32>
    %swap3A_45 = arith.constant 112 : index
    %swap3A_46 = tpu.vector_load %arg7[%swap3A_45] {strides = array<i32>} : memref<128xf32, #tpu.memory_space<vmem>>, vector<16xf32>,
    %swap3A_47 = vector.shape_cast %swap3A_46 : vector<16xf32> to vector<16xf32>
    %swap3A_48 = vector.shape_cast %broadcast_in_dim3A_44 : vector<16xf32> to vector<16xf32>
    tpu.vector_store %arg7[%swap3A_45], %swap3A_48 {strides = array<i32>} : memref<128xf32, #tpu.memory_space<vmem>>, vector<16xf32>,
    %barrier3A = arith.constant 0 : index
    tpu.barrier barrier_id(%barrier3A)
    %scan3A = arith.constant 0 : i32
    %scan3A_49 = arith.constant 0 : i32
    %scan3A_50 = arith.constant 40 : i32
    %scan3A_51 = arith.addi %scan3A_49, %scan3A_50 : i32
    %scan3A_52 = arith.constant 1 : i32
    scf.for %scan3A_59 = %scan3A_49 to %scan3A_51 step %scan3A_52  : i32 {
      %mul3A_60 = arith.constant 2 : i32
      %mul3A_61 = arith.muli %mul3A_60, %scan3A_59 : i32
      %dma_start3A = arith.constant 0 : i32
      %dma_start3A_62 = tpu.memref_slice %arg6[%mul3A_61, %dma_start3A] : memref<80x128xi32, #tpu.memory_space<vmem>> -> memref<1x128xi32, #tpu.memory_space<vmem>>
      %dma_start3A_63 = tpu.memref_squeeze %dma_start3A_62 : memref<1x128xi32, #tpu.memory_space<vmem>> -> memref<128xi32, #tpu.memory_space<vmem>>
      %dma_start3A_64 = arith.constant 0 : i32
      %dma_start3A_65 = tpu.memref_slice %arg5[%dma_start3A_64] : memref<10240xf32, #tpu.memory_space<vmem_shared>> -> memref<10240xf32, #tpu.memory_space<vmem_shared>>
      tpu.enqueue_indirect_dma source(%arg7 : memref<128xf32, #tpu.memory_space<vmem>>) target(%dma_start3A_65 : memref<10240xf32, #tpu.memory_space<vmem_shared>>) offsets(%dma_start3A_63 : memref<128xi32, #tpu.memory_space<vmem>>) semaphore(%arg8 : memref<!tpu.dma_semaphore, #tpu.memory_space<semaphore_mem>>) {add = true}
      %mul3A_66 = arith.constant 2 : i32
      %mul3A_67 = arith.muli %mul3A_66, %scan3A_59 : i32
      %add3A_68 = arith.constant 1 : i32
      %add3A_69 = arith.addi %mul3A_67, %add3A_68 : i32
      %dma_start3A_70 = arith.constant 0 : i32
      %dma_start3A_71 = tpu.memref_slice %arg6[%add3A_69, %dma_start3A_70] : memref<80x128xi32, #tpu.memory_space<vmem>> -> memref<1x128xi32, #tpu.memory_space<vmem>>
      %dma_start3A_72 = tpu.memref_squeeze %dma_start3A_71 : memref<1x128xi32, #tpu.memory_space<vmem>> -> memref<128xi32, #tpu.memory_space<vmem>>
      %dma_start3A_73 = arith.constant 0 : i32
      %dma_start3A_74 = tpu.memref_slice %arg5[%dma_start3A_73] : memref<10240xf32, #tpu.memory_space<vmem_shared>> -> memref<10240xf32, #tpu.memory_space<vmem_shared>>
      tpu.enqueue_indirect_dma source(%arg7 : memref<128xf32, #tpu.memory_space<vmem>>) target(%dma_start3A_74 : memref<10240xf32, #tpu.memory_space<vmem_shared>>) offsets(%dma_start3A_72 : memref<128xi32, #tpu.memory_space<vmem>>) semaphore(%arg9 : memref<!tpu.dma_semaphore, #tpu.memory_space<semaphore_mem>>) {add = true}
      %dma_wait3A = arith.constant 0 : i32
      %dma_wait3A_75 = tpu.memref_slice %arg6[%mul3A_61, %dma_wait3A] : memref<80x128xi32, #tpu.memory_space<vmem>> -> memref<1x128xi32, #tpu.memory_space<vmem>>
      %dma_wait3A_76 = tpu.memref_squeeze %dma_wait3A_75 : memref<1x128xi32, #tpu.memory_space<vmem>> -> memref<128xi32, #tpu.memory_space<vmem>>
      %dma_wait3A_77 = arith.constant 0 : i32
      %dma_wait3A_78 = tpu.memref_slice %arg5[%dma_wait3A_77] : memref<10240xf32, #tpu.memory_space<vmem_shared>> -> memref<10240xf32, #tpu.memory_space<vmem_shared>>
      tpu.wait_indirect_dma semaphore(%arg8 : memref<!tpu.dma_semaphore, #tpu.memory_space<semaphore_mem>>) src(%arg7 : memref<128xf32, #tpu.memory_space<vmem>>) dst(%dma_wait3A_78 : memref<10240xf32, #tpu.memory_space<vmem_shared>>)
      %dma_wait3A_79 = arith.constant 0 : i32
      %dma_wait3A_80 = tpu.memref_slice %arg6[%add3A_69, %dma_wait3A_79] : memref<80x128xi32, #tpu.memory_space<vmem>> -> memref<1x128xi32, #tpu.memory_space<vmem>>
      %dma_wait3A_81 = tpu.memref_squeeze %dma_wait3A_80 : memref<1x128xi32, #tpu.memory_space<vmem>> -> memref<128xi32, #tpu.memory_space<vmem>>
      %dma_wait3A_82 = arith.constant 0 : i32
      %dma_wait3A_83 = tpu.memref_slice %arg5[%dma_wait3A_82] : memref<10240xf32, #tpu.memory_space<vmem_shared>> -> memref<10240xf32, #tpu.memory_space<vmem_shared>>
      tpu.wait_indirect_dma semaphore(%arg9 : memref<!tpu.dma_semaphore, #tpu.memory_space<semaphore_mem>>) src(%arg7 : memref<128xf32, #tpu.memory_space<vmem>>) dst(%dma_wait3A_83 : memref<10240xf32, #tpu.memory_space<vmem_shared>>)
    }
    %scan3A_53 = arith.constant 40 : i32
    %barrier3A_54 = arith.constant 0 : index
    tpu.barrier barrier_id(%barrier3A_54)
    %mul3A_55 = arith.constant 640 : i32
    %mul3A_56 = arith.muli %arg1, %mul3A_55 : i32
    %mul3A_57 = arith.constant 640 : i32
    %mul3A_58 = arith.muli %arg1, %mul3A_57 : i32
    "tpu.region"() ({
      %run_scoped3A_59 = tpu.sem_alloc : memref<!tpu.dma_semaphore, #tpu.memory_space<semaphore_mem>>
      %dma_start3A = tpu.memref_slice %arg4[%arg0, %mul3A_58] : memref<2x10240xf32, #tpu.memory_space<hbm>> -> memref<1x640xf32, #tpu.memory_space<hbm>>
      %dma_start3A_60 = tpu.memref_squeeze %dma_start3A : memref<1x640xf32, #tpu.memory_space<hbm>> -> memref<640xf32, #tpu.memory_space<hbm>>
      %dma_start3A_61 = tpu.memref_slice %arg5[%mul3A_56] : memref<10240xf32, #tpu.memory_space<vmem_shared>> -> memref<640xf32, #tpu.memory_space<vmem_shared>>
      tpu.enqueue_dma source(%dma_start3A_61 : memref<640xf32, #tpu.memory_space<vmem_shared>>) target(%dma_start3A_60 : memref<640xf32, #tpu.memory_space<hbm>>) target_semaphore(%run_scoped3A_59 : memref<!tpu.dma_semaphore, #tpu.memory_space<semaphore_mem>>)
      %dma_wait3A = tpu.memref_slice %arg4[%arg0, %mul3A_58] : memref<2x10240xf32, #tpu.memory_space<hbm>> -> memref<1x640xf32, #tpu.memory_space<hbm>>
      %dma_wait3A_62 = tpu.memref_squeeze %dma_wait3A : memref<1x640xf32, #tpu.memory_space<hbm>> -> memref<640xf32, #tpu.memory_space<hbm>>
      %dma_wait3A_63 = tpu.memref_slice %arg5[%mul3A_56] : memref<10240xf32, #tpu.memory_space<vmem_shared>> -> memref<640xf32, #tpu.memory_space<vmem_shared>>
      tpu.wait_dma2 semaphore(%run_scoped3A_59 : memref<!tpu.dma_semaphore, #tpu.memory_space<semaphore_mem>>) src(%dma_wait3A_63 : memref<640xf32, #tpu.memory_space<vmem_shared>>) dst(%dma_wait3A_62 : memref<640xf32, #tpu.memory_space<hbm>>)
      tpu.yield
    }) : () -> ()
    return
  }
}

#map = affine_map<(d0, d1) -> (0, 0)>
#map1 = affine_map<(d0, d1) -> (0, 0, 0, 0)>
#map2 = affine_map<(d0, d1) -> (0, 0, 0)>
module attributes {stable_mosaic.version = 14 : i64} {
  func.func @_agg_kernel(%arg0: i32, %arg1: i32, %arg2: memref<10240x128xf32, #tpu.memory_space<hbm>>, %arg3: memref<2x32x80x128xi32, #tpu.memory_space<hbm>>, %arg4: memref<640x128xf32, #tpu.memory_space<hbm>>, %arg5: memref<2x10240x128xf32, #tpu.memory_space<hbm>>, %arg6: memref<10240x128xf32, #tpu.memory_space<vmem_shared>>, %arg7: memref<2x8x128xi32, #tpu.memory_space<vmem>>, %arg8: memref<2x8x128xi32, #tpu.memory_space<vmem>>, %arg9: memref<2x128x128xf32, #tpu.memory_space<vmem>>, %arg10: memref<!tpu.dma_semaphore, #tpu.memory_space<semaphore_mem>>, %arg11: memref<!tpu.dma_semaphore, #tpu.memory_space<semaphore_mem>>, %arg12: memref<!tpu.dma_semaphore, #tpu.memory_space<semaphore_mem>>, %arg13: memref<!tpu.dma_semaphore, #tpu.memory_space<semaphore_mem>>, %arg14: memref<!tpu.dma_semaphore, #tpu.memory_space<semaphore_mem>>, %arg15: memref<!tpu.dma_semaphore, #tpu.memory_space<semaphore_mem>>) attributes {dimension_semantics = [#tpu.dimension_semantics<core_parallel>, #tpu.dimension_semantics<subcore_parallel>], iteration_bounds = array<i64: 2, 16>, scalar_prefetch = 0 : i64, scratch_operands = 10 : i64, tpu.core_type = #tpu.core_type<sc_vector_subcore>, window_params = [{transform_indices = #map}, {transform_indices = #map1}, {transform_indices = #map}, {transform_indices = #map2}]} {
    %mul3A = arith.constant 16 : i32
    %mul3A_0 = arith.muli %arg0, %mul3A : i32
    %add3A = arith.addi %mul3A_0, %arg1 : i32
    %dma_start3A = arith.constant 0 : i32
    %dma_start3A_1 = arith.constant 0 : i32
    %dma_start3A_2 = arith.constant 0 : i32
    %dma_start3A_3 = arith.constant 0 : i32
    %dma_start3A_4 = tpu.memref_slice %arg7[%dma_start3A_1, %dma_start3A_2, %dma_start3A_3] : memref<2x8x128xi32, #tpu.memory_space<vmem>> -> memref<1x8x128xi32, #tpu.memory_space<vmem>>
    %dma_start3A_5 = tpu.memref_squeeze %dma_start3A_4 : memref<1x8x128xi32, #tpu.memory_space<vmem>> -> memref<8x128xi32, #tpu.memory_space<vmem>>
    %dma_start3A_6 = arith.constant 0 : i32
    %dma_start3A_7 = arith.constant 0 : i32
    %dma_start3A_8 = tpu.memref_slice %arg3[%dma_start3A, %add3A, %dma_start3A_6, %dma_start3A_7] : memref<2x32x80x128xi32, #tpu.memory_space<hbm>> -> memref<1x1x8x128xi32, #tpu.memory_space<hbm>>
    %dma_start3A_9 = tpu.memref_squeeze %dma_start3A_8 : memref<1x1x8x128xi32, #tpu.memory_space<hbm>> -> memref<8x128xi32, #tpu.memory_space<hbm>>
    %dma_start3A_10 = arith.constant 0 : i32
    %dma_start3A_11 = arith.constant 0 : i32
    %dma_start3A_12 = tpu.memref_slice %arg7[%dma_start3A_1, %dma_start3A_10, %dma_start3A_11] : memref<2x8x128xi32, #tpu.memory_space<vmem>> -> memref<1x8x128xi32, #tpu.memory_space<vmem>>
    %dma_start3A_13 = tpu.memref_squeeze %dma_start3A_12 : memref<1x8x128xi32, #tpu.memory_space<vmem>> -> memref<8x128xi32, #tpu.memory_space<vmem>>
    %dma_start3A_14 = arith.constant 0 : i32
    %dma_start3A_15 = arith.constant 0 : i32
    %dma_start3A_16 = tpu.memref_slice %arg3[%dma_start3A, %add3A, %dma_start3A_14, %dma_start3A_15] : memref<2x32x80x128xi32, #tpu.memory_space<hbm>> -> memref<1x1x8x128xi32, #tpu.memory_space<hbm>>
    %dma_start3A_17 = tpu.memref_squeeze %dma_start3A_16 : memref<1x1x8x128xi32, #tpu.memory_space<hbm>> -> memref<8x128xi32, #tpu.memory_space<hbm>>
    tpu.enqueue_dma source(%dma_start3A_17 : memref<8x128xi32, #tpu.memory_space<hbm>>) target(%dma_start3A_13 : memref<8x128xi32, #tpu.memory_space<vmem>>) target_semaphore(%arg10 : memref<!tpu.dma_semaphore, #tpu.memory_space<semaphore_mem>>)
    %dma_start3A_18 = arith.constant 1 : i32
    %dma_start3A_19 = arith.constant 0 : i32
    %dma_start3A_20 = arith.constant 0 : i32
    %dma_start3A_21 = arith.constant 0 : i32
    %dma_start3A_22 = tpu.memref_slice %arg8[%dma_start3A_19, %dma_start3A_20, %dma_start3A_21] : memref<2x8x128xi32, #tpu.memory_space<vmem>> -> memref<1x8x128xi32, #tpu.memory_space<vmem>>
    %dma_start3A_23 = tpu.memref_squeeze %dma_start3A_22 : memref<1x8x128xi32, #tpu.memory_space<vmem>> -> memref<8x128xi32, #tpu.memory_space<vmem>>
    %dma_start3A_24 = arith.constant 0 : i32
    %dma_start3A_25 = arith.constant 0 : i32
    %dma_start3A_26 = tpu.memref_slice %arg3[%dma_start3A_18, %add3A, %dma_start3A_24, %dma_start3A_25] : memref<2x32x80x128xi32, #tpu.memory_space<hbm>> -> memref<1x1x8x128xi32, #tpu.memory_space<hbm>>
    %dma_start3A_27 = tpu.memref_squeeze %dma_start3A_26 : memref<1x1x8x128xi32, #tpu.memory_space<hbm>> -> memref<8x128xi32, #tpu.memory_space<hbm>>
    %dma_start3A_28 = arith.constant 0 : i32
    %dma_start3A_29 = arith.constant 0 : i32
    %dma_start3A_30 = tpu.memref_slice %arg8[%dma_start3A_19, %dma_start3A_28, %dma_start3A_29] : memref<2x8x128xi32, #tpu.memory_space<vmem>> -> memref<1x8x128xi32, #tpu.memory_space<vmem>>
    %dma_start3A_31 = tpu.memref_squeeze %dma_start3A_30 : memref<1x8x128xi32, #tpu.memory_space<vmem>> -> memref<8x128xi32, #tpu.memory_space<vmem>>
    %dma_start3A_32 = arith.constant 0 : i32
    %dma_start3A_33 = arith.constant 0 : i32
    %dma_start3A_34 = tpu.memref_slice %arg3[%dma_start3A_18, %add3A, %dma_start3A_32, %dma_start3A_33] : memref<2x32x80x128xi32, #tpu.memory_space<hbm>> -> memref<1x1x8x128xi32, #tpu.memory_space<hbm>>
    %dma_start3A_35 = tpu.memref_squeeze %dma_start3A_34 : memref<1x1x8x128xi32, #tpu.memory_space<hbm>> -> memref<8x128xi32, #tpu.memory_space<hbm>>
    tpu.enqueue_dma source(%dma_start3A_35 : memref<8x128xi32, #tpu.memory_space<hbm>>) target(%dma_start3A_31 : memref<8x128xi32, #tpu.memory_space<vmem>>) target_semaphore(%arg10 : memref<!tpu.dma_semaphore, #tpu.memory_space<semaphore_mem>>)
    %mul3A_36 = arith.constant 640 : i32
    %mul3A_37 = arith.muli %arg1, %mul3A_36 : i32
    "tpu.region"() ({
      %run_scoped3A = tpu.sem_alloc : memref<!tpu.dma_semaphore, #tpu.memory_space<semaphore_mem>>
      %dma_start3A_83 = arith.constant 0 : i32
      %dma_start3A_84 = tpu.memref_slice %arg6[%mul3A_37, %dma_start3A_83] : memref<10240x128xf32, #tpu.memory_space<vmem_shared>> -> memref<640x128xf32, #tpu.memory_space<vmem_shared>>
      tpu.enqueue_dma source(%arg4 : memref<640x128xf32, #tpu.memory_space<hbm>>) target(%dma_start3A_84 : memref<640x128xf32, #tpu.memory_space<vmem_shared>>) target_semaphore(%run_scoped3A : memref<!tpu.dma_semaphore, #tpu.memory_space<semaphore_mem>>)
      %dma_wait3A_85 = arith.constant 0 : i32
      %dma_wait3A_86 = tpu.memref_slice %arg6[%mul3A_37, %dma_wait3A_85] : memref<10240x128xf32, #tpu.memory_space<vmem_shared>> -> memref<640x128xf32, #tpu.memory_space<vmem_shared>>
      tpu.wait_dma2 semaphore(%run_scoped3A : memref<!tpu.dma_semaphore, #tpu.memory_space<semaphore_mem>>) src(%arg4 : memref<640x128xf32, #tpu.memory_space<hbm>>) dst(%dma_wait3A_86 : memref<640x128xf32, #tpu.memory_space<vmem_shared>>)
      tpu.yield
    }) : () -> ()
    %dma_wait3A = arith.constant 0 : i32
    %dma_wait3A_38 = arith.constant 0 : i32
    %dma_wait3A_39 = arith.constant 0 : i32
    %dma_wait3A_40 = arith.constant 0 : i32
    %dma_wait3A_41 = tpu.memref_slice %arg7[%dma_wait3A_38, %dma_wait3A_39, %dma_wait3A_40] : memref<2x8x128xi32, #tpu.memory_space<vmem>> -> memref<1x8x128xi32, #tpu.memory_space<vmem>>
    %dma_wait3A_42 = tpu.memref_squeeze %dma_wait3A_41 : memref<1x8x128xi32, #tpu.memory_space<vmem>> -> memref<8x128xi32, #tpu.memory_space<vmem>>
    %dma_wait3A_43 = arith.constant 0 : i32
    %dma_wait3A_44 = arith.constant 0 : i32
    %dma_wait3A_45 = tpu.memref_slice %arg3[%dma_wait3A, %add3A, %dma_wait3A_43, %dma_wait3A_44] : memref<2x32x80x128xi32, #tpu.memory_space<hbm>> -> memref<1x1x8x128xi32, #tpu.memory_space<hbm>>
    %dma_wait3A_46 = tpu.memref_squeeze %dma_wait3A_45 : memref<1x1x8x128xi32, #tpu.memory_space<hbm>> -> memref<8x128xi32, #tpu.memory_space<hbm>>
    %dma_wait3A_47 = arith.constant 0 : i32
    %dma_wait3A_48 = arith.constant 0 : i32
    %dma_wait3A_49 = tpu.memref_slice %arg7[%dma_wait3A_38, %dma_wait3A_47, %dma_wait3A_48] : memref<2x8x128xi32, #tpu.memory_space<vmem>> -> memref<1x8x128xi32, #tpu.memory_space<vmem>>
    %dma_wait3A_50 = tpu.memref_squeeze %dma_wait3A_49 : memref<1x8x128xi32, #tpu.memory_space<vmem>> -> memref<8x128xi32, #tpu.memory_space<vmem>>
    %dma_wait3A_51 = arith.constant 0 : i32
    %dma_wait3A_52 = arith.constant 0 : i32
    %dma_wait3A_53 = tpu.memref_slice %arg3[%dma_wait3A, %add3A, %dma_wait3A_51, %dma_wait3A_52] : memref<2x32x80x128xi32, #tpu.memory_space<hbm>> -> memref<1x1x8x128xi32, #tpu.memory_space<hbm>>
    %dma_wait3A_54 = tpu.memref_squeeze %dma_wait3A_53 : memref<1x1x8x128xi32, #tpu.memory_space<hbm>> -> memref<8x128xi32, #tpu.memory_space<hbm>>
    tpu.wait_dma2 semaphore(%arg10 : memref<!tpu.dma_semaphore, #tpu.memory_space<semaphore_mem>>) src(%dma_wait3A_54 : memref<8x128xi32, #tpu.memory_space<hbm>>) dst(%dma_wait3A_50 : memref<8x128xi32, #tpu.memory_space<vmem>>)
    %dma_wait3A_55 = arith.constant 1 : i32
    %dma_wait3A_56 = arith.constant 0 : i32
    %dma_wait3A_57 = arith.constant 0 : i32
    %dma_wait3A_58 = arith.constant 0 : i32
    %dma_wait3A_59 = tpu.memref_slice %arg8[%dma_wait3A_56, %dma_wait3A_57, %dma_wait3A_58] : memref<2x8x128xi32, #tpu.memory_space<vmem>> -> memref<1x8x128xi32, #tpu.memory_space<vmem>>
    %dma_wait3A_60 = tpu.memref_squeeze %dma_wait3A_59 : memref<1x8x128xi32, #tpu.memory_space<vmem>> -> memref<8x128xi32, #tpu.memory_space<vmem>>
    %dma_wait3A_61 = arith.constant 0 : i32
    %dma_wait3A_62 = arith.constant 0 : i32
    %dma_wait3A_63 = tpu.memref_slice %arg3[%dma_wait3A_55, %add3A, %dma_wait3A_61, %dma_wait3A_62] : memref<2x32x80x128xi32, #tpu.memory_space<hbm>> -> memref<1x1x8x128xi32, #tpu.memory_space<hbm>>
    %dma_wait3A_64 = tpu.memref_squeeze %dma_wait3A_63 : memref<1x1x8x128xi32, #tpu.memory_space<hbm>> -> memref<8x128xi32, #tpu.memory_space<hbm>>
    %dma_wait3A_65 = arith.constant 0 : i32
    %dma_wait3A_66 = arith.constant 0 : i32
    %dma_wait3A_67 = tpu.memref_slice %arg8[%dma_wait3A_56, %dma_wait3A_65, %dma_wait3A_66] : memref<2x8x128xi32, #tpu.memory_space<vmem>> -> memref<1x8x128xi32, #tpu.memory_space<vmem>>
    %dma_wait3A_68 = tpu.memref_squeeze %dma_wait3A_67 : memref<1x8x128xi32, #tpu.memory_space<vmem>> -> memref<8x128xi32, #tpu.memory_space<vmem>>
    %dma_wait3A_69 = arith.constant 0 : i32
    %dma_wait3A_70 = arith.constant 0 : i32
    %dma_wait3A_71 = tpu.memref_slice %arg3[%dma_wait3A_55, %add3A, %dma_wait3A_69, %dma_wait3A_70] : memref<2x32x80x128xi32, #tpu.memory_space<hbm>> -> memref<1x1x8x128xi32, #tpu.memory_space<hbm>>
    %dma_wait3A_72 = tpu.memref_squeeze %dma_wait3A_71 : memref<1x1x8x128xi32, #tpu.memory_space<hbm>> -> memref<8x128xi32, #tpu.memory_space<hbm>>
    tpu.wait_dma2 semaphore(%arg10 : memref<!tpu.dma_semaphore, #tpu.memory_space<semaphore_mem>>) src(%dma_wait3A_72 : memref<8x128xi32, #tpu.memory_space<hbm>>) dst(%dma_wait3A_68 : memref<8x128xi32, #tpu.memory_space<vmem>>)
    %barrier3A = arith.constant 0 : index
    tpu.barrier barrier_id(%barrier3A)
    %scan3A = arith.constant 0 : i32
    %scan3A_73 = arith.constant 0 : i32
    %scan3A_74 = arith.constant 5 : i32
    %scan3A_75 = arith.addi %scan3A_73, %scan3A_74 : i32
    %scan3A_76 = arith.constant 1 : i32
    scf.for %scan3A_83 = %scan3A_73 to %scan3A_75 step %scan3A_76  : i32 {
      %mul3A_84 = arith.constant 2 : i32
      %mul3A_85 = arith.muli %mul3A_84, %scan3A_83 : i32
      %add3A_86 = arith.constant 0 : i32
      %add3A_87 = arith.addi %mul3A_85, %add3A_86 : i32
      %add3A_88 = arith.constant 1 : i32
      %add3A_89 = arith.addi %add3A_87, %add3A_88 : i32
      %lt3A = arith.constant 10 : i32
      %lt3A_90 = arith.cmpi slt, %add3A_89, %lt3A : i32
      %convert_element_type3A = arith.extui %lt3A_90 : i1 to i32
      %cond3A = arith.constant 0 : i32
      %cond3A_91 = arith.cmpi ne, %convert_element_type3A, %cond3A : i32
      scf.if %cond3A_91 {
        %add3A_949 = arith.constant 1 : i32
        %add3A_950 = arith.addi %add3A_87, %add3A_949 : i32
        %mul3A_951 = arith.constant 8 : i32
        %mul3A_952 = arith.muli %add3A_950, %mul3A_951 : i32
        %mul3A_953 = arith.constant 8 : i32
        %mul3A_954 = arith.muli %add3A_950, %mul3A_953 : i32
        %dma_start3A_955 = arith.constant 0 : i32
        %dma_start3A_956 = arith.constant 1 : i32
        %dma_start3A_957 = arith.constant 0 : i32
        %dma_start3A_958 = arith.constant 0 : i32
        %dma_start3A_959 = tpu.memref_slice %arg7[%dma_start3A_956, %dma_start3A_957, %dma_start3A_958] : memref<2x8x128xi32, #tpu.memory_space<vmem>> -> memref<1x8x128xi32, #tpu.memory_space<vmem>>
        %dma_start3A_960 = tpu.memref_squeeze %dma_start3A_959 : memref<1x8x128xi32, #tpu.memory_space<vmem>> -> memref<8x128xi32, #tpu.memory_space<vmem>>
        %dma_start3A_961 = arith.constant 0 : i32
        %dma_start3A_962 = tpu.memref_slice %arg3[%dma_start3A_955, %add3A, %mul3A_952, %dma_start3A_961] : memref<2x32x80x128xi32, #tpu.memory_space<hbm>> -> memref<1x1x8x128xi32, #tpu.memory_space<hbm>>
        %dma_start3A_963 = tpu.memref_squeeze %dma_start3A_962 : memref<1x1x8x128xi32, #tpu.memory_space<hbm>> -> memref<8x128xi32, #tpu.memory_space<hbm>>
        %dma_start3A_964 = arith.constant 0 : i32
        %dma_start3A_965 = arith.constant 0 : i32
        %dma_start3A_966 = tpu.memref_slice %arg7[%dma_start3A_956, %dma_start3A_964, %dma_start3A_965] : memref<2x8x128xi32, #tpu.memory_space<vmem>> -> memref<1x8x128xi32, #tpu.memory_space<vmem>>
        %dma_start3A_967 = tpu.memref_squeeze %dma_start3A_966 : memref<1x8x128xi32, #tpu.memory_space<vmem>> -> memref<8x128xi32, #tpu.memory_space<vmem>>
        %dma_start3A_968 = arith.constant 0 : i32
        %dma_start3A_969 = tpu.memref_slice %arg3[%dma_start3A_955, %add3A, %mul3A_952, %dma_start3A_968] : memref<2x32x80x128xi32, #tpu.memory_space<hbm>> -> memref<1x1x8x128xi32, #tpu.memory_space<hbm>>
        %dma_start3A_970 = tpu.memref_squeeze %dma_start3A_969 : memref<1x1x8x128xi32, #tpu.memory_space<hbm>> -> memref<8x128xi32, #tpu.memory_space<hbm>>
        tpu.enqueue_dma source(%dma_start3A_970 : memref<8x128xi32, #tpu.memory_space<hbm>>) target(%dma_start3A_967 : memref<8x128xi32, #tpu.memory_space<vmem>>) target_semaphore(%arg11 : memref<!tpu.dma_semaphore, #tpu.memory_space<semaphore_mem>>)
        %dma_start3A_971 = arith.constant 1 : i32
        %dma_start3A_972 = arith.constant 1 : i32
        %dma_start3A_973 = arith.constant 0 : i32
        %dma_start3A_974 = arith.constant 0 : i32
        %dma_start3A_975 = tpu.memref_slice %arg8[%dma_start3A_972, %dma_start3A_973, %dma_start3A_974] : memref<2x8x128xi32, #tpu.memory_space<vmem>> -> memref<1x8x128xi32, #tpu.memory_space<vmem>>
        %dma_start3A_976 = tpu.memref_squeeze %dma_start3A_975 : memref<1x8x128xi32, #tpu.memory_space<vmem>> -> memref<8x128xi32, #tpu.memory_space<vmem>>
        %dma_start3A_977 = arith.constant 0 : i32
        %dma_start3A_978 = tpu.memref_slice %arg3[%dma_start3A_971, %add3A, %mul3A_954, %dma_start3A_977] : memref<2x32x80x128xi32, #tpu.memory_space<hbm>> -> memref<1x1x8x128xi32, #tpu.memory_space<hbm>>
        %dma_start3A_979 = tpu.memref_squeeze %dma_start3A_978 : memref<1x1x8x128xi32, #tpu.memory_space<hbm>> -> memref<8x128xi32, #tpu.memory_space<hbm>>
        %dma_start3A_980 = arith.constant 0 : i32
        %dma_start3A_981 = arith.constant 0 : i32
        %dma_start3A_982 = tpu.memref_slice %arg8[%dma_start3A_972, %dma_start3A_980, %dma_start3A_981] : memref<2x8x128xi32, #tpu.memory_space<vmem>> -> memref<1x8x128xi32, #tpu.memory_space<vmem>>
        %dma_start3A_983 = tpu.memref_squeeze %dma_start3A_982 : memref<1x8x128xi32, #tpu.memory_space<vmem>> -> memref<8x128xi32, #tpu.memory_space<vmem>>
        %dma_start3A_984 = arith.constant 0 : i32
        %dma_start3A_985 = tpu.memref_slice %arg3[%dma_start3A_971, %add3A, %mul3A_954, %dma_start3A_984] : memref<2x32x80x128xi32, #tpu.memory_space<hbm>> -> memref<1x1x8x128xi32, #tpu.memory_space<hbm>>
        %dma_start3A_986 = tpu.memref_squeeze %dma_start3A_985 : memref<1x1x8x128xi32, #tpu.memory_space<hbm>> -> memref<8x128xi32, #tpu.memory_space<hbm>>
        tpu.enqueue_dma source(%dma_start3A_986 : memref<8x128xi32, #tpu.memory_space<hbm>>) target(%dma_start3A_983 : memref<8x128xi32, #tpu.memory_space<vmem>>) target_semaphore(%arg11 : memref<!tpu.dma_semaphore, #tpu.memory_space<semaphore_mem>>)
      } else {
      }
      %dma_start3A_92 = arith.constant 0 : i32
      %dma_start3A_93 = arith.constant 0 : i32
      %dma_start3A_94 = arith.constant 0 : i32
      %dma_start3A_95 = arith.constant 0 : i32
      %dma_start3A_96 = arith.constant 0 : i32
      %dma_start3A_97 = tpu.memref_slice %arg9[%dma_start3A_94, %dma_start3A_95, %dma_start3A_96] : memref<2x128x128xf32, #tpu.memory_space<vmem>> -> memref<1x128x128xf32, #tpu.memory_space<vmem>>
      %dma_start3A_98 = tpu.memref_squeeze %dma_start3A_97 : memref<1x128x128xf32, #tpu.memory_space<vmem>> -> memref<128x128xf32, #tpu.memory_space<vmem>>
      %dma_start3A_99 = arith.constant 0 : i32
      %dma_start3A_100 = tpu.memref_slice %arg7[%dma_start3A_92, %dma_start3A_93, %dma_start3A_99] : memref<2x8x128xi32, #tpu.memory_space<vmem>> -> memref<1x1x128xi32, #tpu.memory_space<vmem>>
      %dma_start3A_101 = tpu.memref_squeeze %dma_start3A_100 : memref<1x1x128xi32, #tpu.memory_space<vmem>> -> memref<128xi32, #tpu.memory_space<vmem>>
      %dma_start3A_102 = arith.constant 0 : i32
      %dma_start3A_103 = arith.constant 0 : i32
      %dma_start3A_104 = tpu.memref_slice %arg2[%dma_start3A_102, %dma_start3A_103] : memref<10240x128xf32, #tpu.memory_space<hbm>> -> memref<10240x128xf32, #tpu.memory_space<hbm>>
      tpu.enqueue_indirect_dma source(%dma_start3A_104 : memref<10240x128xf32, #tpu.memory_space<hbm>>) target(%dma_start3A_98 : memref<128x128xf32, #tpu.memory_space<vmem>>) offsets(%dma_start3A_101 : memref<128xi32, #tpu.memory_space<vmem>>) semaphore(%arg12 : memref<!tpu.dma_semaphore, #tpu.memory_space<semaphore_mem>>)
      %dma_start3A_105 = arith.constant 0 : i32
      %dma_start3A_106 = arith.constant 1 : i32
      %dma_start3A_107 = arith.constant 1 : i32
      %dma_start3A_108 = arith.constant 0 : i32
      %dma_start3A_109 = arith.constant 0 : i32
      %dma_start3A_110 = tpu.memref_slice %arg9[%dma_start3A_107, %dma_start3A_108, %dma_start3A_109] : memref<2x128x128xf32, #tpu.memory_space<vmem>> -> memref<1x128x128xf32, #tpu.memory_space<vmem>>
      %dma_start3A_111 = tpu.memref_squeeze %dma_start3A_110 : memref<1x128x128xf32, #tpu.memory_space<vmem>> -> memref<128x128xf32, #tpu.memory_space<vmem>>
      %dma_start3A_112 = arith.constant 0 : i32
      %dma_start3A_113 = tpu.memref_slice %arg7[%dma_start3A_105, %dma_start3A_106, %dma_start3A_112] : memref<2x8x128xi32, #tpu.memory_space<vmem>> -> memref<1x1x128xi32, #tpu.memory_space<vmem>>
      %dma_start3A_114 = tpu.memref_squeeze %dma_start3A_113 : memref<1x1x128xi32, #tpu.memory_space<vmem>> -> memref<128xi32, #tpu.memory_space<vmem>>
      %dma_start3A_115 = arith.constant 0 : i32
      %dma_start3A_116 = arith.constant 0 : i32
      %dma_start3A_117 = tpu.memref_slice %arg2[%dma_start3A_115, %dma_start3A_116] : memref<10240x128xf32, #tpu.memory_space<hbm>> -> memref<10240x128xf32, #tpu.memory_space<hbm>>
      tpu.enqueue_indirect_dma source(%dma_start3A_117 : memref<10240x128xf32, #tpu.memory_space<hbm>>) target(%dma_start3A_111 : memref<128x128xf32, #tpu.memory_space<vmem>>) offsets(%dma_start3A_114 : memref<128xi32, #tpu.memory_space<vmem>>) semaphore(%arg13 : memref<!tpu.dma_semaphore, #tpu.memory_space<semaphore_mem>>)
      %dma_wait3A_118 = arith.constant 0 : i32
      %dma_wait3A_119 = arith.constant 0 : i32
      %dma_wait3A_120 = arith.constant 0 : i32
      %dma_wait3A_121 = arith.constant 0 : i32
      %dma_wait3A_122 = arith.constant 0 : i32
      %dma_wait3A_123 = tpu.memref_slice %arg9[%dma_wait3A_120, %dma_wait3A_121, %dma_wait3A_122] : memref<2x128x128xf32, #tpu.memory_space<vmem>> -> memref<1x128x128xf32, #tpu.memory_space<vmem>>
      %dma_wait3A_124 = tpu.memref_squeeze %dma_wait3A_123 : memref<1x128x128xf32, #tpu.memory_space<vmem>> -> memref<128x128xf32, #tpu.memory_space<vmem>>
      %dma_wait3A_125 = arith.constant 0 : i32
      %dma_wait3A_126 = tpu.memref_slice %arg7[%dma_wait3A_118, %dma_wait3A_119, %dma_wait3A_125] : memref<2x8x128xi32, #tpu.memory_space<vmem>> -> memref<1x1x128xi32, #tpu.memory_space<vmem>>
      %dma_wait3A_127 = tpu.memref_squeeze %dma_wait3A_126 : memref<1x1x128xi32, #tpu.memory_space<vmem>> -> memref<128xi32, #tpu.memory_space<vmem>>
      %dma_wait3A_128 = arith.constant 0 : i32
      %dma_wait3A_129 = arith.constant 0 : i32
      %dma_wait3A_130 = tpu.memref_slice %arg2[%dma_wait3A_128, %dma_wait3A_129] : memref<10240x128xf32, #tpu.memory_space<hbm>> -> memref<10240x128xf32, #tpu.memory_space<hbm>>
      tpu.wait_indirect_dma semaphore(%arg12 : memref<!tpu.dma_semaphore, #tpu.memory_space<semaphore_mem>>) src(%dma_wait3A_130 : memref<10240x128xf32, #tpu.memory_space<hbm>>) dst(%dma_wait3A_124 : memref<128x128xf32, #tpu.memory_space<vmem>>)
      %dma_start3A_131 = arith.constant 0 : i32
      %dma_start3A_132 = arith.constant 0 : i32
      %dma_start3A_133 = arith.constant 0 : i32
      %dma_start3A_134 = arith.constant 0 : i32
      %dma_start3A_135 = arith.constant 0 : i32
      %dma_start3A_136 = tpu.memref_slice %arg9[%dma_start3A_131, %dma_start3A_134, %dma_start3A_135] : memref<2x128x128xf32, #tpu.memory_space<vmem>> -> memref<1x128x128xf32, #tpu.memory_space<vmem>>
      %dma_start3A_137 = tpu.memref_squeeze %dma_start3A_136 : memref<1x128x128xf32, #tpu.memory_space<vmem>> -> memref<128x128xf32, #tpu.memory_space<vmem>>
      %dma_start3A_138 = arith.constant 0 : i32
      %dma_start3A_139 = tpu.memref_slice %arg8[%dma_start3A_132, %dma_start3A_133, %dma_start3A_138] : memref<2x8x128xi32, #tpu.memory_space<vmem>> -> memref<1x1x128xi32, #tpu.memory_space<vmem>>
      %dma_start3A_140 = tpu.memref_squeeze %dma_start3A_139 : memref<1x1x128xi32, #tpu.memory_space<vmem>> -> memref<128xi32, #tpu.memory_space<vmem>>
      %dma_start3A_141 = arith.constant 0 : i32
      %dma_start3A_142 = arith.constant 0 : i32
      %dma_start3A_143 = tpu.memref_slice %arg6[%dma_start3A_141, %dma_start3A_142] : memref<10240x128xf32, #tpu.memory_space<vmem_shared>> -> memref<10240x128xf32, #tpu.memory_space<vmem_shared>>
      tpu.enqueue_indirect_dma source(%dma_start3A_137 : memref<128x128xf32, #tpu.memory_space<vmem>>) target(%dma_start3A_143 : memref<10240x128xf32, #tpu.memory_space<vmem_shared>>) offsets(%dma_start3A_140 : memref<128xi32, #tpu.memory_space<vmem>>) semaphore(%arg14 : memref<!tpu.dma_semaphore, #tpu.memory_space<semaphore_mem>>) {add = true}
      %dma_wait3A_144 = arith.constant 0 : i32
      %dma_wait3A_145 = arith.constant 0 : i32
      %dma_wait3A_146 = arith.constant 0 : i32
      %dma_wait3A_147 = arith.constant 0 : i32
      %dma_wait3A_148 = arith.constant 0 : i32
      %dma_wait3A_149 = tpu.memref_slice %arg9[%dma_wait3A_144, %dma_wait3A_147, %dma_wait3A_148] : memref<2x128x128xf32, #tpu.memory_space<vmem>> -> memref<1x128x128xf32, #tpu.memory_space<vmem>>
      %dma_wait3A_150 = tpu.memref_squeeze %dma_wait3A_149 : memref<1x128x128xf32, #tpu.memory_space<vmem>> -> memref<128x128xf32, #tpu.memory_space<vmem>>
      %dma_wait3A_151 = arith.constant 0 : i32
      %dma_wait3A_152 = tpu.memref_slice %arg8[%dma_wait3A_145, %dma_wait3A_146, %dma_wait3A_151] : memref<2x8x128xi32, #tpu.memory_space<vmem>> -> memref<1x1x128xi32, #tpu.memory_space<vmem>>
      %dma_wait3A_153 = tpu.memref_squeeze %dma_wait3A_152 : memref<1x1x128xi32, #tpu.memory_space<vmem>> -> memref<128xi32, #tpu.memory_space<vmem>>
      %dma_wait3A_154 = arith.constant 0 : i32
      %dma_wait3A_155 = arith.constant 0 : i32
      %dma_wait3A_156 = tpu.memref_slice %arg6[%dma_wait3A_154, %dma_wait3A_155] : memref<10240x128xf32, #tpu.memory_space<vmem_shared>> -> memref<10240x128xf32, #tpu.memory_space<vmem_shared>>
      tpu.wait_indirect_dma semaphore(%arg14 : memref<!tpu.dma_semaphore, #tpu.memory_space<semaphore_mem>>) src(%dma_wait3A_150 : memref<128x128xf32, #tpu.memory_space<vmem>>) dst(%dma_wait3A_156 : memref<10240x128xf32, #tpu.memory_space<vmem_shared>>)
      %dma_start3A_157 = arith.constant 0 : i32
      %dma_start3A_158 = arith.constant 2 : i32
      %dma_start3A_159 = arith.constant 0 : i32
      %dma_start3A_160 = arith.constant 0 : i32
      %dma_start3A_161 = arith.constant 0 : i32
      %dma_start3A_162 = tpu.memref_slice %arg9[%dma_start3A_159, %dma_start3A_160, %dma_start3A_161] : memref<2x128x128xf32, #tpu.memory_space<vmem>> -> memref<1x128x128xf32, #tpu.memory_space<vmem>>
      %dma_start3A_163 = tpu.memref_squeeze %dma_start3A_162 : memref<1x128x128xf32, #tpu.memory_space<vmem>> -> memref<128x128xf32, #tpu.memory_space<vmem>>
      %dma_start3A_164 = arith.constant 0 : i32
      %dma_start3A_165 = tpu.memref_slice %arg7[%dma_start3A_157, %dma_start3A_158, %dma_start3A_164] : memref<2x8x128xi32, #tpu.memory_space<vmem>> -> memref<1x1x128xi32, #tpu.memory_space<vmem>>
      %dma_start3A_166 = tpu.memref_squeeze %dma_start3A_165 : memref<1x1x128xi32, #tpu.memory_space<vmem>> -> memref<128xi32, #tpu.memory_space<vmem>>
      %dma_start3A_167 = arith.constant 0 : i32
      %dma_start3A_168 = arith.constant 0 : i32
      %dma_start3A_169 = tpu.memref_slice %arg2[%dma_start3A_167, %dma_start3A_168] : memref<10240x128xf32, #tpu.memory_space<hbm>> -> memref<10240x128xf32, #tpu.memory_space<hbm>>
      tpu.enqueue_indirect_dma source(%dma_start3A_169 : memref<10240x128xf32, #tpu.memory_space<hbm>>) target(%dma_start3A_163 : memref<128x128xf32, #tpu.memory_space<vmem>>) offsets(%dma_start3A_166 : memref<128xi32, #tpu.memory_space<vmem>>) semaphore(%arg12 : memref<!tpu.dma_semaphore, #tpu.memory_space<semaphore_mem>>)
      %dma_wait3A_170 = arith.constant 0 : i32
      %dma_wait3A_171 = arith.constant 1 : i32
      %dma_wait3A_172 = arith.constant 1 : i32
      %dma_wait3A_173 = arith.constant 0 : i32
      %dma_wait3A_174 = arith.constant 0 : i32
      %dma_wait3A_175 = tpu.memref_slice %arg9[%dma_wait3A_172, %dma_wait3A_173, %dma_wait3A_174] : memref<2x128x128xf32, #tpu.memory_space<vmem>> -> memref<1x128x128xf32, #tpu.memory_space<vmem>>
      %dma_wait3A_176 = tpu.memref_squeeze %dma_wait3A_175 : memref<1x128x128xf32, #tpu.memory_space<vmem>> -> memref<128x128xf32, #tpu.memory_space<vmem>>
      %dma_wait3A_177 = arith.constant 0 : i32
      %dma_wait3A_178 = tpu.memref_slice %arg7[%dma_wait3A_170, %dma_wait3A_171, %dma_wait3A_177] : memref<2x8x128xi32, #tpu.memory_space<vmem>> -> memref<1x1x128xi32, #tpu.memory_space<vmem>>
      %dma_wait3A_179 = tpu.memref_squeeze %dma_wait3A_178 : memref<1x1x128xi32, #tpu.memory_space<vmem>> -> memref<128xi32, #tpu.memory_space<vmem>>
      %dma_wait3A_180 = arith.constant 0 : i32
      %dma_wait3A_181 = arith.constant 0 : i32
      %dma_wait3A_182 = tpu.memref_slice %arg2[%dma_wait3A_180, %dma_wait3A_181] : memref<10240x128xf32, #tpu.memory_space<hbm>> -> memref<10240x128xf32, #tpu.memory_space<hbm>>
      tpu.wait_indirect_dma semaphore(%arg13 : memref<!tpu.dma_semaphore, #tpu.memory_space<semaphore_mem>>) src(%dma_wait3A_182 : memref<10240x128xf32, #tpu.memory_space<hbm>>) dst(%dma_wait3A_176 : memref<128x128xf32, #tpu.memory_space<vmem>>)
      %dma_start3A_183 = arith.constant 1 : i32
      %dma_start3A_184 = arith.constant 0 : i32
      %dma_start3A_185 = arith.constant 1 : i32
      %dma_start3A_186 = arith.constant 0 : i32
      %dma_start3A_187 = arith.constant 0 : i32
      %dma_start3A_188 = tpu.memref_slice %arg9[%dma_start3A_183, %dma_start3A_186, %dma_start3A_187] : memref<2x128x128xf32, #tpu.memory_space<vmem>> -> memref<1x128x128xf32, #tpu.memory_space<vmem>>
      %dma_start3A_189 = tpu.memref_squeeze %dma_start3A_188 : memref<1x128x128xf32, #tpu.memory_space<vmem>> -> memref<128x128xf32, #tpu.memory_space<vmem>>
      %dma_start3A_190 = arith.constant 0 : i32
      %dma_start3A_191 = tpu.memref_slice %arg8[%dma_start3A_184, %dma_start3A_185, %dma_start3A_190] : memref<2x8x128xi32, #tpu.memory_space<vmem>> -> memref<1x1x128xi32, #tpu.memory_space<vmem>>
      %dma_start3A_192 = tpu.memref_squeeze %dma_start3A_191 : memref<1x1x128xi32, #tpu.memory_space<vmem>> -> memref<128xi32, #tpu.memory_space<vmem>>
      %dma_start3A_193 = arith.constant 0 : i32
      %dma_start3A_194 = arith.constant 0 : i32
      %dma_start3A_195 = tpu.memref_slice %arg6[%dma_start3A_193, %dma_start3A_194] : memref<10240x128xf32, #tpu.memory_space<vmem_shared>> -> memref<10240x128xf32, #tpu.memory_space<vmem_shared>>
      tpu.enqueue_indirect_dma source(%dma_start3A_189 : memref<128x128xf32, #tpu.memory_space<vmem>>) target(%dma_start3A_195 : memref<10240x128xf32, #tpu.memory_space<vmem_shared>>) offsets(%dma_start3A_192 : memref<128xi32, #tpu.memory_space<vmem>>) semaphore(%arg15 : memref<!tpu.dma_semaphore, #tpu.memory_space<semaphore_mem>>) {add = true}
      %dma_wait3A_196 = arith.constant 1 : i32
      %dma_wait3A_197 = arith.constant 0 : i32
      %dma_wait3A_198 = arith.constant 1 : i32
      %dma_wait3A_199 = arith.constant 0 : i32
      %dma_wait3A_200 = arith.constant 0 : i32
      %dma_wait3A_201 = tpu.memref_slice %arg9[%dma_wait3A_196, %dma_wait3A_199, %dma_wait3A_200] : memref<2x128x128xf32, #tpu.memory_space<vmem>> -> memref<1x128x128xf32, #tpu.memory_space<vmem>>
      %dma_wait3A_202 = tpu.memref_squeeze %dma_wait3A_201 : memref<1x128x128xf32, #tpu.memory_space<vmem>> -> memref<128x128xf32, #tpu.memory_space<vmem>>
      %dma_wait3A_203 = arith.constant 0 : i32
      %dma_wait3A_204 = tpu.memref_slice %arg8[%dma_wait3A_197, %dma_wait3A_198, %dma_wait3A_203] : memref<2x8x128xi32, #tpu.memory_space<vmem>> -> memref<1x1x128xi32, #tpu.memory_space<vmem>>
      %dma_wait3A_205 = tpu.memref_squeeze %dma_wait3A_204 : memref<1x1x128xi32, #tpu.memory_space<vmem>> -> memref<128xi32, #tpu.memory_space<vmem>>
      %dma_wait3A_206 = arith.constant 0 : i32
      %dma_wait3A_207 = arith.constant 0 : i32
      %dma_wait3A_208 = tpu.memref_slice %arg6[%dma_wait3A_206, %dma_wait3A_207] : memref<10240x128xf32, #tpu.memory_space<vmem_shared>> -> memref<10240x128xf32, #tpu.memory_space<vmem_shared>>
      tpu.wait_indirect_dma semaphore(%arg15 : memref<!tpu.dma_semaphore, #tpu.memory_space<semaphore_mem>>) src(%dma_wait3A_202 : memref<128x128xf32, #tpu.memory_space<vmem>>) dst(%dma_wait3A_208 : memref<10240x128xf32, #tpu.memory_space<vmem_shared>>)
      %dma_start3A_209 = arith.constant 0 : i32
      %dma_start3A_210 = arith.constant 3 : i32
      %dma_start3A_211 = arith.constant 1 : i32
      %dma_start3A_212 = arith.constant 0 : i32
      %dma_start3A_213 = arith.constant 0 : i32
      %dma_start3A_214 = tpu.memref_slice %arg9[%dma_start3A_211, %dma_start3A_212, %dma_start3A_213] : memref<2x128x128xf32, #tpu.memory_space<vmem>> -> memref<1x128x128xf32, #tpu.memory_space<vmem>>
      %dma_start3A_215 = tpu.memref_squeeze %dma_start3A_214 : memref<1x128x128xf32, #tpu.memory_space<vmem>> -> memref<128x128xf32, #tpu.memory_space<vmem>>
      %dma_start3A_216 = arith.constant 0 : i32
      %dma_start3A_217 = tpu.memref_slice %arg7[%dma_start3A_209, %dma_start3A_210, %dma_start3A_216] : memref<2x8x128xi32, #tpu.memory_space<vmem>> -> memref<1x1x128xi32, #tpu.memory_space<vmem>>
      %dma_start3A_218 = tpu.memref_squeeze %dma_start3A_217 : memref<1x1x128xi32, #tpu.memory_space<vmem>> -> memref<128xi32, #tpu.memory_space<vmem>>
      %dma_start3A_219 = arith.constant 0 : i32
      %dma_start3A_220 = arith.constant 0 : i32
      %dma_start3A_221 = tpu.memref_slice %arg2[%dma_start3A_219, %dma_start3A_220] : memref<10240x128xf32, #tpu.memory_space<hbm>> -> memref<10240x128xf32, #tpu.memory_space<hbm>>
      tpu.enqueue_indirect_dma source(%dma_start3A_221 : memref<10240x128xf32, #tpu.memory_space<hbm>>) target(%dma_start3A_215 : memref<128x128xf32, #tpu.memory_space<vmem>>) offsets(%dma_start3A_218 : memref<128xi32, #tpu.memory_space<vmem>>) semaphore(%arg13 : memref<!tpu.dma_semaphore, #tpu.memory_space<semaphore_mem>>)
      %dma_wait3A_222 = arith.constant 0 : i32
      %dma_wait3A_223 = arith.constant 2 : i32
      %dma_wait3A_224 = arith.constant 0 : i32
      %dma_wait3A_225 = arith.constant 0 : i32
      %dma_wait3A_226 = arith.constant 0 : i32
      %dma_wait3A_227 = tpu.memref_slice %arg9[%dma_wait3A_224, %dma_wait3A_225, %dma_wait3A_226] : memref<2x128x128xf32, #tpu.memory_space<vmem>> -> memref<1x128x128xf32, #tpu.memory_space<vmem>>
      %dma_wait3A_228 = tpu.memref_squeeze %dma_wait3A_227 : memref<1x128x128xf32, #tpu.memory_space<vmem>> -> memref<128x128xf32, #tpu.memory_space<vmem>>
      %dma_wait3A_229 = arith.constant 0 : i32
      %dma_wait3A_230 = tpu.memref_slice %arg7[%dma_wait3A_222, %dma_wait3A_223, %dma_wait3A_229] : memref<2x8x128xi32, #tpu.memory_space<vmem>> -> memref<1x1x128xi32, #tpu.memory_space<vmem>>
      %dma_wait3A_231 = tpu.memref_squeeze %dma_wait3A_230 : memref<1x1x128xi32, #tpu.memory_space<vmem>> -> memref<128xi32, #tpu.memory_space<vmem>>
      %dma_wait3A_232 = arith.constant 0 : i32
      %dma_wait3A_233 = arith.constant 0 : i32
      %dma_wait3A_234 = tpu.memref_slice %arg2[%dma_wait3A_232, %dma_wait3A_233] : memref<10240x128xf32, #tpu.memory_space<hbm>> -> memref<10240x128xf32, #tpu.memory_space<hbm>>
      tpu.wait_indirect_dma semaphore(%arg12 : memref<!tpu.dma_semaphore, #tpu.memory_space<semaphore_mem>>) src(%dma_wait3A_234 : memref<10240x128xf32, #tpu.memory_space<hbm>>) dst(%dma_wait3A_228 : memref<128x128xf32, #tpu.memory_space<vmem>>)
      %dma_start3A_235 = arith.constant 0 : i32
      %dma_start3A_236 = arith.constant 0 : i32
      %dma_start3A_237 = arith.constant 2 : i32
      %dma_start3A_238 = arith.constant 0 : i32
      %dma_start3A_239 = arith.constant 0 : i32
      %dma_start3A_240 = tpu.memref_slice %arg9[%dma_start3A_235, %dma_start3A_238, %dma_start3A_239] : memref<2x128x128xf32, #tpu.memory_space<vmem>> -> memref<1x128x128xf32, #tpu.memory_space<vmem>>
      %dma_start3A_241 = tpu.memref_squeeze %dma_start3A_240 : memref<1x128x128xf32, #tpu.memory_space<vmem>> -> memref<128x128xf32, #tpu.memory_space<vmem>>
      %dma_start3A_242 = arith.constant 0 : i32
      %dma_start3A_243 = tpu.memref_slice %arg8[%dma_start3A_236, %dma_start3A_237, %dma_start3A_242] : memref<2x8x128xi32, #tpu.memory_space<vmem>> -> memref<1x1x128xi32, #tpu.memory_space<vmem>>
      %dma_start3A_244 = tpu.memref_squeeze %dma_start3A_243 : memref<1x1x128xi32, #tpu.memory_space<vmem>> -> memref<128xi32, #tpu.memory_space<vmem>>
      %dma_start3A_245 = arith.constant 0 : i32
      %dma_start3A_246 = arith.constant 0 : i32
      %dma_start3A_247 = tpu.memref_slice %arg6[%dma_start3A_245, %dma_start3A_246] : memref<10240x128xf32, #tpu.memory_space<vmem_shared>> -> memref<10240x128xf32, #tpu.memory_space<vmem_shared>>
      tpu.enqueue_indirect_dma source(%dma_start3A_241 : memref<128x128xf32, #tpu.memory_space<vmem>>) target(%dma_start3A_247 : memref<10240x128xf32, #tpu.memory_space<vmem_shared>>) offsets(%dma_start3A_244 : memref<128xi32, #tpu.memory_space<vmem>>) semaphore(%arg14 : memref<!tpu.dma_semaphore, #tpu.memory_space<semaphore_mem>>) {add = true}
      %dma_wait3A_248 = arith.constant 0 : i32
      %dma_wait3A_249 = arith.constant 0 : i32
      %dma_wait3A_250 = arith.constant 2 : i32
      %dma_wait3A_251 = arith.constant 0 : i32
      %dma_wait3A_252 = arith.constant 0 : i32
      %dma_wait3A_253 = tpu.memref_slice %arg9[%dma_wait3A_248, %dma_wait3A_251, %dma_wait3A_252] : memref<2x128x128xf32, #tpu.memory_space<vmem>> -> memref<1x128x128xf32, #tpu.memory_space<vmem>>
      %dma_wait3A_254 = tpu.memref_squeeze %dma_wait3A_253 : memref<1x128x128xf32, #tpu.memory_space<vmem>> -> memref<128x128xf32, #tpu.memory_space<vmem>>
      %dma_wait3A_255 = arith.constant 0 : i32
      %dma_wait3A_256 = tpu.memref_slice %arg8[%dma_wait3A_249, %dma_wait3A_250, %dma_wait3A_255] : memref<2x8x128xi32, #tpu.memory_space<vmem>> -> memref<1x1x128xi32, #tpu.memory_space<vmem>>
      %dma_wait3A_257 = tpu.memref_squeeze %dma_wait3A_256 : memref<1x1x128xi32, #tpu.memory_space<vmem>> -> memref<128xi32, #tpu.memory_space<vmem>>
      %dma_wait3A_258 = arith.constant 0 : i32
      %dma_wait3A_259 = arith.constant 0 : i32
      %dma_wait3A_260 = tpu.memref_slice %arg6[%dma_wait3A_258, %dma_wait3A_259] : memref<10240x128xf32, #tpu.memory_space<vmem_shared>> -> memref<10240x128xf32, #tpu.memory_space<vmem_shared>>
      tpu.wait_indirect_dma semaphore(%arg14 : memref<!tpu.dma_semaphore, #tpu.memory_space<semaphore_mem>>) src(%dma_wait3A_254 : memref<128x128xf32, #tpu.memory_space<vmem>>) dst(%dma_wait3A_260 : memref<10240x128xf32, #tpu.memory_space<vmem_shared>>)
      %dma_start3A_261 = arith.constant 0 : i32
      %dma_start3A_262 = arith.constant 4 : i32
      %dma_start3A_263 = arith.constant 0 : i32
      %dma_start3A_264 = arith.constant 0 : i32
      %dma_start3A_265 = arith.constant 0 : i32
      %dma_start3A_266 = tpu.memref_slice %arg9[%dma_start3A_263, %dma_start3A_264, %dma_start3A_265] : memref<2x128x128xf32, #tpu.memory_space<vmem>> -> memref<1x128x128xf32, #tpu.memory_space<vmem>>
      %dma_start3A_267 = tpu.memref_squeeze %dma_start3A_266 : memref<1x128x128xf32, #tpu.memory_space<vmem>> -> memref<128x128xf32, #tpu.memory_space<vmem>>
      %dma_start3A_268 = arith.constant 0 : i32
      %dma_start3A_269 = tpu.memref_slice %arg7[%dma_start3A_261, %dma_start3A_262, %dma_start3A_268] : memref<2x8x128xi32, #tpu.memory_space<vmem>> -> memref<1x1x128xi32, #tpu.memory_space<vmem>>
      %dma_start3A_270 = tpu.memref_squeeze %dma_start3A_269 : memref<1x1x128xi32, #tpu.memory_space<vmem>> -> memref<128xi32, #tpu.memory_space<vmem>>
      %dma_start3A_271 = arith.constant 0 : i32
      %dma_start3A_272 = arith.constant 0 : i32
      %dma_start3A_273 = tpu.memref_slice %arg2[%dma_start3A_271, %dma_start3A_272] : memref<10240x128xf32, #tpu.memory_space<hbm>> -> memref<10240x128xf32, #tpu.memory_space<hbm>>
      tpu.enqueue_indirect_dma source(%dma_start3A_273 : memref<10240x128xf32, #tpu.memory_space<hbm>>) target(%dma_start3A_267 : memref<128x128xf32, #tpu.memory_space<vmem>>) offsets(%dma_start3A_270 : memref<128xi32, #tpu.memory_space<vmem>>) semaphore(%arg12 : memref<!tpu.dma_semaphore, #tpu.memory_space<semaphore_mem>>)
      %dma_wait3A_274 = arith.constant 0 : i32
      %dma_wait3A_275 = arith.constant 3 : i32
      %dma_wait3A_276 = arith.constant 1 : i32
      %dma_wait3A_277 = arith.constant 0 : i32
      %dma_wait3A_278 = arith.constant 0 : i32
      %dma_wait3A_279 = tpu.memref_slice %arg9[%dma_wait3A_276, %dma_wait3A_277, %dma_wait3A_278] : memref<2x128x128xf32, #tpu.memory_space<vmem>> -> memref<1x128x128xf32, #tpu.memory_space<vmem>>
      %dma_wait3A_280 = tpu.memref_squeeze %dma_wait3A_279 : memref<1x128x128xf32, #tpu.memory_space<vmem>> -> memref<128x128xf32, #tpu.memory_space<vmem>>
      %dma_wait3A_281 = arith.constant 0 : i32
      %dma_wait3A_282 = tpu.memref_slice %arg7[%dma_wait3A_274, %dma_wait3A_275, %dma_wait3A_281] : memref<2x8x128xi32, #tpu.memory_space<vmem>> -> memref<1x1x128xi32, #tpu.memory_space<vmem>>
      %dma_wait3A_283 = tpu.memref_squeeze %dma_wait3A_282 : memref<1x1x128xi32, #tpu.memory_space<vmem>> -> memref<128xi32, #tpu.memory_space<vmem>>
      %dma_wait3A_284 = arith.constant 0 : i32
      %dma_wait3A_285 = arith.constant 0 : i32
      %dma_wait3A_286 = tpu.memref_slice %arg2[%dma_wait3A_284, %dma_wait3A_285] : memref<10240x128xf32, #tpu.memory_space<hbm>> -> memref<10240x128xf32, #tpu.memory_space<hbm>>
      tpu.wait_indirect_dma semaphore(%arg13 : memref<!tpu.dma_semaphore, #tpu.memory_space<semaphore_mem>>) src(%dma_wait3A_286 : memref<10240x128xf32, #tpu.memory_space<hbm>>) dst(%dma_wait3A_280 : memref<128x128xf32, #tpu.memory_space<vmem>>)
      %dma_start3A_287 = arith.constant 1 : i32
      %dma_start3A_288 = arith.constant 0 : i32
      %dma_start3A_289 = arith.constant 3 : i32
      %dma_start3A_290 = arith.constant 0 : i32
      %dma_start3A_291 = arith.constant 0 : i32
      %dma_start3A_292 = tpu.memref_slice %arg9[%dma_start3A_287, %dma_start3A_290, %dma_start3A_291] : memref<2x128x128xf32, #tpu.memory_space<vmem>> -> memref<1x128x128xf32, #tpu.memory_space<vmem>>
      %dma_start3A_293 = tpu.memref_squeeze %dma_start3A_292 : memref<1x128x128xf32, #tpu.memory_space<vmem>> -> memref<128x128xf32, #tpu.memory_space<vmem>>
      %dma_start3A_294 = arith.constant 0 : i32
      %dma_start3A_295 = tpu.memref_slice %arg8[%dma_start3A_288, %dma_start3A_289, %dma_start3A_294] : memref<2x8x128xi32, #tpu.memory_space<vmem>> -> memref<1x1x128xi32, #tpu.memory_space<vmem>>
      %dma_start3A_296 = tpu.memref_squeeze %dma_start3A_295 : memref<1x1x128xi32, #tpu.memory_space<vmem>> -> memref<128xi32, #tpu.memory_space<vmem>>
      %dma_start3A_297 = arith.constant 0 : i32
      %dma_start3A_298 = arith.constant 0 : i32
      %dma_start3A_299 = tpu.memref_slice %arg6[%dma_start3A_297, %dma_start3A_298] : memref<10240x128xf32, #tpu.memory_space<vmem_shared>> -> memref<10240x128xf32, #tpu.memory_space<vmem_shared>>
      tpu.enqueue_indirect_dma source(%dma_start3A_293 : memref<128x128xf32, #tpu.memory_space<vmem>>) target(%dma_start3A_299 : memref<10240x128xf32, #tpu.memory_space<vmem_shared>>) offsets(%dma_start3A_296 : memref<128xi32, #tpu.memory_space<vmem>>) semaphore(%arg15 : memref<!tpu.dma_semaphore, #tpu.memory_space<semaphore_mem>>) {add = true}
      %dma_wait3A_300 = arith.constant 1 : i32
      %dma_wait3A_301 = arith.constant 0 : i32
      %dma_wait3A_302 = arith.constant 3 : i32
      %dma_wait3A_303 = arith.constant 0 : i32
      %dma_wait3A_304 = arith.constant 0 : i32
      %dma_wait3A_305 = tpu.memref_slice %arg9[%dma_wait3A_300, %dma_wait3A_303, %dma_wait3A_304] : memref<2x128x128xf32, #tpu.memory_space<vmem>> -> memref<1x128x128xf32, #tpu.memory_space<vmem>>
      %dma_wait3A_306 = tpu.memref_squeeze %dma_wait3A_305 : memref<1x128x128xf32, #tpu.memory_space<vmem>> -> memref<128x128xf32, #tpu.memory_space<vmem>>
      %dma_wait3A_307 = arith.constant 0 : i32
      %dma_wait3A_308 = tpu.memref_slice %arg8[%dma_wait3A_301, %dma_wait3A_302, %dma_wait3A_307] : memref<2x8x128xi32, #tpu.memory_space<vmem>> -> memref<1x1x128xi32, #tpu.memory_space<vmem>>
      %dma_wait3A_309 = tpu.memref_squeeze %dma_wait3A_308 : memref<1x1x128xi32, #tpu.memory_space<vmem>> -> memref<128xi32, #tpu.memory_space<vmem>>
      %dma_wait3A_310 = arith.constant 0 : i32
      %dma_wait3A_311 = arith.constant 0 : i32
      %dma_wait3A_312 = tpu.memref_slice %arg6[%dma_wait3A_310, %dma_wait3A_311] : memref<10240x128xf32, #tpu.memory_space<vmem_shared>> -> memref<10240x128xf32, #tpu.memory_space<vmem_shared>>
      tpu.wait_indirect_dma semaphore(%arg15 : memref<!tpu.dma_semaphore, #tpu.memory_space<semaphore_mem>>) src(%dma_wait3A_306 : memref<128x128xf32, #tpu.memory_space<vmem>>) dst(%dma_wait3A_312 : memref<10240x128xf32, #tpu.memory_space<vmem_shared>>)
      %dma_start3A_313 = arith.constant 0 : i32
      %dma_start3A_314 = arith.constant 5 : i32
      %dma_start3A_315 = arith.constant 1 : i32
      %dma_start3A_316 = arith.constant 0 : i32
      %dma_start3A_317 = arith.constant 0 : i32
      %dma_start3A_318 = tpu.memref_slice %arg9[%dma_start3A_315, %dma_start3A_316, %dma_start3A_317] : memref<2x128x128xf32, #tpu.memory_space<vmem>> -> memref<1x128x128xf32, #tpu.memory_space<vmem>>
      %dma_start3A_319 = tpu.memref_squeeze %dma_start3A_318 : memref<1x128x128xf32, #tpu.memory_space<vmem>> -> memref<128x128xf32, #tpu.memory_space<vmem>>
      %dma_start3A_320 = arith.constant 0 : i32
      %dma_start3A_321 = tpu.memref_slice %arg7[%dma_start3A_313, %dma_start3A_314, %dma_start3A_320] : memref<2x8x128xi32, #tpu.memory_space<vmem>> -> memref<1x1x128xi32, #tpu.memory_space<vmem>>
      %dma_start3A_322 = tpu.memref_squeeze %dma_start3A_321 : memref<1x1x128xi32, #tpu.memory_space<vmem>> -> memref<128xi32, #tpu.memory_space<vmem>>
      %dma_start3A_323 = arith.constant 0 : i32
      %dma_start3A_324 = arith.constant 0 : i32
      %dma_start3A_325 = tpu.memref_slice %arg2[%dma_start3A_323, %dma_start3A_324] : memref<10240x128xf32, #tpu.memory_space<hbm>> -> memref<10240x128xf32, #tpu.memory_space<hbm>>
      tpu.enqueue_indirect_dma source(%dma_start3A_325 : memref<10240x128xf32, #tpu.memory_space<hbm>>) target(%dma_start3A_319 : memref<128x128xf32, #tpu.memory_space<vmem>>) offsets(%dma_start3A_322 : memref<128xi32, #tpu.memory_space<vmem>>) semaphore(%arg13 : memref<!tpu.dma_semaphore, #tpu.memory_space<semaphore_mem>>)
      %dma_wait3A_326 = arith.constant 0 : i32
      %dma_wait3A_327 = arith.constant 4 : i32
      %dma_wait3A_328 = arith.constant 0 : i32
      %dma_wait3A_329 = arith.constant 0 : i32
      %dma_wait3A_330 = arith.constant 0 : i32
      %dma_wait3A_331 = tpu.memref_slice %arg9[%dma_wait3A_328, %dma_wait3A_329, %dma_wait3A_330] : memref<2x128x128xf32, #tpu.memory_space<vmem>> -> memref<1x128x128xf32, #tpu.memory_space<vmem>>
      %dma_wait3A_332 = tpu.memref_squeeze %dma_wait3A_331 : memref<1x128x128xf32, #tpu.memory_space<vmem>> -> memref<128x128xf32, #tpu.memory_space<vmem>>
      %dma_wait3A_333 = arith.constant 0 : i32
      %dma_wait3A_334 = tpu.memref_slice %arg7[%dma_wait3A_326, %dma_wait3A_327, %dma_wait3A_333] : memref<2x8x128xi32, #tpu.memory_space<vmem>> -> memref<1x1x128xi32, #tpu.memory_space<vmem>>
      %dma_wait3A_335 = tpu.memref_squeeze %dma_wait3A_334 : memref<1x1x128xi32, #tpu.memory_space<vmem>> -> memref<128xi32, #tpu.memory_space<vmem>>
      %dma_wait3A_336 = arith.constant 0 : i32
      %dma_wait3A_337 = arith.constant 0 : i32
      %dma_wait3A_338 = tpu.memref_slice %arg2[%dma_wait3A_336, %dma_wait3A_337] : memref<10240x128xf32, #tpu.memory_space<hbm>> -> memref<10240x128xf32, #tpu.memory_space<hbm>>
      tpu.wait_indirect_dma semaphore(%arg12 : memref<!tpu.dma_semaphore, #tpu.memory_space<semaphore_mem>>) src(%dma_wait3A_338 : memref<10240x128xf32, #tpu.memory_space<hbm>>) dst(%dma_wait3A_332 : memref<128x128xf32, #tpu.memory_space<vmem>>)
      %dma_start3A_339 = arith.constant 0 : i32
      %dma_start3A_340 = arith.constant 0 : i32
      %dma_start3A_341 = arith.constant 4 : i32
      %dma_start3A_342 = arith.constant 0 : i32
      %dma_start3A_343 = arith.constant 0 : i32
      %dma_start3A_344 = tpu.memref_slice %arg9[%dma_start3A_339, %dma_start3A_342, %dma_start3A_343] : memref<2x128x128xf32, #tpu.memory_space<vmem>> -> memref<1x128x128xf32, #tpu.memory_space<vmem>>
      %dma_start3A_345 = tpu.memref_squeeze %dma_start3A_344 : memref<1x128x128xf32, #tpu.memory_space<vmem>> -> memref<128x128xf32, #tpu.memory_space<vmem>>
      %dma_start3A_346 = arith.constant 0 : i32
      %dma_start3A_347 = tpu.memref_slice %arg8[%dma_start3A_340, %dma_start3A_341, %dma_start3A_346] : memref<2x8x128xi32, #tpu.memory_space<vmem>> -> memref<1x1x128xi32, #tpu.memory_space<vmem>>
      %dma_start3A_348 = tpu.memref_squeeze %dma_start3A_347 : memref<1x1x128xi32, #tpu.memory_space<vmem>> -> memref<128xi32, #tpu.memory_space<vmem>>
      %dma_start3A_349 = arith.constant 0 : i32
      %dma_start3A_350 = arith.constant 0 : i32
      %dma_start3A_351 = tpu.memref_slice %arg6[%dma_start3A_349, %dma_start3A_350] : memref<10240x128xf32, #tpu.memory_space<vmem_shared>> -> memref<10240x128xf32, #tpu.memory_space<vmem_shared>>
      tpu.enqueue_indirect_dma source(%dma_start3A_345 : memref<128x128xf32, #tpu.memory_space<vmem>>) target(%dma_start3A_351 : memref<10240x128xf32, #tpu.memory_space<vmem_shared>>) offsets(%dma_start3A_348 : memref<128xi32, #tpu.memory_space<vmem>>) semaphore(%arg14 : memref<!tpu.dma_semaphore, #tpu.memory_space<semaphore_mem>>) {add = true}
      %dma_wait3A_352 = arith.constant 0 : i32
      %dma_wait3A_353 = arith.constant 0 : i32
      %dma_wait3A_354 = arith.constant 4 : i32
      %dma_wait3A_355 = arith.constant 0 : i32
      %dma_wait3A_356 = arith.constant 0 : i32
      %dma_wait3A_357 = tpu.memref_slice %arg9[%dma_wait3A_352, %dma_wait3A_355, %dma_wait3A_356] : memref<2x128x128xf32, #tpu.memory_space<vmem>> -> memref<1x128x128xf32, #tpu.memory_space<vmem>>
      %dma_wait3A_358 = tpu.memref_squeeze %dma_wait3A_357 : memref<1x128x128xf32, #tpu.memory_space<vmem>> -> memref<128x128xf32, #tpu.memory_space<vmem>>
      %dma_wait3A_359 = arith.constant 0 : i32
      %dma_wait3A_360 = tpu.memref_slice %arg8[%dma_wait3A_353, %dma_wait3A_354, %dma_wait3A_359] : memref<2x8x128xi32, #tpu.memory_space<vmem>> -> memref<1x1x128xi32, #tpu.memory_space<vmem>>
      %dma_wait3A_361 = tpu.memref_squeeze %dma_wait3A_360 : memref<1x1x128xi32, #tpu.memory_space<vmem>> -> memref<128xi32, #tpu.memory_space<vmem>>
      %dma_wait3A_362 = arith.constant 0 : i32
      %dma_wait3A_363 = arith.constant 0 : i32
      %dma_wait3A_364 = tpu.memref_slice %arg6[%dma_wait3A_362, %dma_wait3A_363] : memref<10240x128xf32, #tpu.memory_space<vmem_shared>> -> memref<10240x128xf32, #tpu.memory_space<vmem_shared>>
      tpu.wait_indirect_dma semaphore(%arg14 : memref<!tpu.dma_semaphore, #tpu.memory_space<semaphore_mem>>) src(%dma_wait3A_358 : memref<128x128xf32, #tpu.memory_space<vmem>>) dst(%dma_wait3A_364 : memref<10240x128xf32, #tpu.memory_space<vmem_shared>>)
      %dma_start3A_365 = arith.constant 0 : i32
      %dma_start3A_366 = arith.constant 6 : i32
      %dma_start3A_367 = arith.constant 0 : i32
      %dma_start3A_368 = arith.constant 0 : i32
      %dma_start3A_369 = arith.constant 0 : i32
      %dma_start3A_370 = tpu.memref_slice %arg9[%dma_start3A_367, %dma_start3A_368, %dma_start3A_369] : memref<2x128x128xf32, #tpu.memory_space<vmem>> -> memref<1x128x128xf32, #tpu.memory_space<vmem>>
      %dma_start3A_371 = tpu.memref_squeeze %dma_start3A_370 : memref<1x128x128xf32, #tpu.memory_space<vmem>> -> memref<128x128xf32, #tpu.memory_space<vmem>>
      %dma_start3A_372 = arith.constant 0 : i32
      %dma_start3A_373 = tpu.memref_slice %arg7[%dma_start3A_365, %dma_start3A_366, %dma_start3A_372] : memref<2x8x128xi32, #tpu.memory_space<vmem>> -> memref<1x1x128xi32, #tpu.memory_space<vmem>>
      %dma_start3A_374 = tpu.memref_squeeze %dma_start3A_373 : memref<1x1x128xi32, #tpu.memory_space<vmem>> -> memref<128xi32, #tpu.memory_space<vmem>>
      %dma_start3A_375 = arith.constant 0 : i32
      %dma_start3A_376 = arith.constant 0 : i32
      %dma_start3A_377 = tpu.memref_slice %arg2[%dma_start3A_375, %dma_start3A_376] : memref<10240x128xf32, #tpu.memory_space<hbm>> -> memref<10240x128xf32, #tpu.memory_space<hbm>>
      tpu.enqueue_indirect_dma source(%dma_start3A_377 : memref<10240x128xf32, #tpu.memory_space<hbm>>) target(%dma_start3A_371 : memref<128x128xf32, #tpu.memory_space<vmem>>) offsets(%dma_start3A_374 : memref<128xi32, #tpu.memory_space<vmem>>) semaphore(%arg12 : memref<!tpu.dma_semaphore, #tpu.memory_space<semaphore_mem>>)
      %dma_wait3A_378 = arith.constant 0 : i32
      %dma_wait3A_379 = arith.constant 5 : i32
      %dma_wait3A_380 = arith.constant 1 : i32
      %dma_wait3A_381 = arith.constant 0 : i32
      %dma_wait3A_382 = arith.constant 0 : i32
      %dma_wait3A_383 = tpu.memref_slice %arg9[%dma_wait3A_380, %dma_wait3A_381, %dma_wait3A_382] : memref<2x128x128xf32, #tpu.memory_space<vmem>> -> memref<1x128x128xf32, #tpu.memory_space<vmem>>
      %dma_wait3A_384 = tpu.memref_squeeze %dma_wait3A_383 : memref<1x128x128xf32, #tpu.memory_space<vmem>> -> memref<128x128xf32, #tpu.memory_space<vmem>>
      %dma_wait3A_385 = arith.constant 0 : i32
      %dma_wait3A_386 = tpu.memref_slice %arg7[%dma_wait3A_378, %dma_wait3A_379, %dma_wait3A_385] : memref<2x8x128xi32, #tpu.memory_space<vmem>> -> memref<1x1x128xi32, #tpu.memory_space<vmem>>
      %dma_wait3A_387 = tpu.memref_squeeze %dma_wait3A_386 : memref<1x1x128xi32, #tpu.memory_space<vmem>> -> memref<128xi32, #tpu.memory_space<vmem>>
      %dma_wait3A_388 = arith.constant 0 : i32
      %dma_wait3A_389 = arith.constant 0 : i32
      %dma_wait3A_390 = tpu.memref_slice %arg2[%dma_wait3A_388, %dma_wait3A_389] : memref<10240x128xf32, #tpu.memory_space<hbm>> -> memref<10240x128xf32, #tpu.memory_space<hbm>>
      tpu.wait_indirect_dma semaphore(%arg13 : memref<!tpu.dma_semaphore, #tpu.memory_space<semaphore_mem>>) src(%dma_wait3A_390 : memref<10240x128xf32, #tpu.memory_space<hbm>>) dst(%dma_wait3A_384 : memref<128x128xf32, #tpu.memory_space<vmem>>)
      %dma_start3A_391 = arith.constant 1 : i32
      %dma_start3A_392 = arith.constant 0 : i32
      %dma_start3A_393 = arith.constant 5 : i32
      %dma_start3A_394 = arith.constant 0 : i32
      %dma_start3A_395 = arith.constant 0 : i32
      %dma_start3A_396 = tpu.memref_slice %arg9[%dma_start3A_391, %dma_start3A_394, %dma_start3A_395] : memref<2x128x128xf32, #tpu.memory_space<vmem>> -> memref<1x128x128xf32, #tpu.memory_space<vmem>>
      %dma_start3A_397 = tpu.memref_squeeze %dma_start3A_396 : memref<1x128x128xf32, #tpu.memory_space<vmem>> -> memref<128x128xf32, #tpu.memory_space<vmem>>
      %dma_start3A_398 = arith.constant 0 : i32
      %dma_start3A_399 = tpu.memref_slice %arg8[%dma_start3A_392, %dma_start3A_393, %dma_start3A_398] : memref<2x8x128xi32, #tpu.memory_space<vmem>> -> memref<1x1x128xi32, #tpu.memory_space<vmem>>
      %dma_start3A_400 = tpu.memref_squeeze %dma_start3A_399 : memref<1x1x128xi32, #tpu.memory_space<vmem>> -> memref<128xi32, #tpu.memory_space<vmem>>
      %dma_start3A_401 = arith.constant 0 : i32
      %dma_start3A_402 = arith.constant 0 : i32
      %dma_start3A_403 = tpu.memref_slice %arg6[%dma_start3A_401, %dma_start3A_402] : memref<10240x128xf32, #tpu.memory_space<vmem_shared>> -> memref<10240x128xf32, #tpu.memory_space<vmem_shared>>
      tpu.enqueue_indirect_dma source(%dma_start3A_397 : memref<128x128xf32, #tpu.memory_space<vmem>>) target(%dma_start3A_403 : memref<10240x128xf32, #tpu.memory_space<vmem_shared>>) offsets(%dma_start3A_400 : memref<128xi32, #tpu.memory_space<vmem>>) semaphore(%arg15 : memref<!tpu.dma_semaphore, #tpu.memory_space<semaphore_mem>>) {add = true}
      %dma_wait3A_404 = arith.constant 1 : i32
      %dma_wait3A_405 = arith.constant 0 : i32
      %dma_wait3A_406 = arith.constant 5 : i32
      %dma_wait3A_407 = arith.constant 0 : i32
      %dma_wait3A_408 = arith.constant 0 : i32
      %dma_wait3A_409 = tpu.memref_slice %arg9[%dma_wait3A_404, %dma_wait3A_407, %dma_wait3A_408] : memref<2x128x128xf32, #tpu.memory_space<vmem>> -> memref<1x128x128xf32, #tpu.memory_space<vmem>>
      %dma_wait3A_410 = tpu.memref_squeeze %dma_wait3A_409 : memref<1x128x128xf32, #tpu.memory_space<vmem>> -> memref<128x128xf32, #tpu.memory_space<vmem>>
      %dma_wait3A_411 = arith.constant 0 : i32
      %dma_wait3A_412 = tpu.memref_slice %arg8[%dma_wait3A_405, %dma_wait3A_406, %dma_wait3A_411] : memref<2x8x128xi32, #tpu.memory_space<vmem>> -> memref<1x1x128xi32, #tpu.memory_space<vmem>>
      %dma_wait3A_413 = tpu.memref_squeeze %dma_wait3A_412 : memref<1x1x128xi32, #tpu.memory_space<vmem>> -> memref<128xi32, #tpu.memory_space<vmem>>
      %dma_wait3A_414 = arith.constant 0 : i32
      %dma_wait3A_415 = arith.constant 0 : i32
      %dma_wait3A_416 = tpu.memref_slice %arg6[%dma_wait3A_414, %dma_wait3A_415] : memref<10240x128xf32, #tpu.memory_space<vmem_shared>> -> memref<10240x128xf32, #tpu.memory_space<vmem_shared>>
      tpu.wait_indirect_dma semaphore(%arg15 : memref<!tpu.dma_semaphore, #tpu.memory_space<semaphore_mem>>) src(%dma_wait3A_410 : memref<128x128xf32, #tpu.memory_space<vmem>>) dst(%dma_wait3A_416 : memref<10240x128xf32, #tpu.memory_space<vmem_shared>>)
      %dma_start3A_417 = arith.constant 0 : i32
      %dma_start3A_418 = arith.constant 7 : i32
      %dma_start3A_419 = arith.constant 1 : i32
      %dma_start3A_420 = arith.constant 0 : i32
      %dma_start3A_421 = arith.constant 0 : i32
      %dma_start3A_422 = tpu.memref_slice %arg9[%dma_start3A_419, %dma_start3A_420, %dma_start3A_421] : memref<2x128x128xf32, #tpu.memory_space<vmem>> -> memref<1x128x128xf32, #tpu.memory_space<vmem>>
      %dma_start3A_423 = tpu.memref_squeeze %dma_start3A_422 : memref<1x128x128xf32, #tpu.memory_space<vmem>> -> memref<128x128xf32, #tpu.memory_space<vmem>>
      %dma_start3A_424 = arith.constant 0 : i32
      %dma_start3A_425 = tpu.memref_slice %arg7[%dma_start3A_417, %dma_start3A_418, %dma_start3A_424] : memref<2x8x128xi32, #tpu.memory_space<vmem>> -> memref<1x1x128xi32, #tpu.memory_space<vmem>>
      %dma_start3A_426 = tpu.memref_squeeze %dma_start3A_425 : memref<1x1x128xi32, #tpu.memory_space<vmem>> -> memref<128xi32, #tpu.memory_space<vmem>>
      %dma_start3A_427 = arith.constant 0 : i32
      %dma_start3A_428 = arith.constant 0 : i32
      %dma_start3A_429 = tpu.memref_slice %arg2[%dma_start3A_427, %dma_start3A_428] : memref<10240x128xf32, #tpu.memory_space<hbm>> -> memref<10240x128xf32, #tpu.memory_space<hbm>>
      tpu.enqueue_indirect_dma source(%dma_start3A_429 : memref<10240x128xf32, #tpu.memory_space<hbm>>) target(%dma_start3A_423 : memref<128x128xf32, #tpu.memory_space<vmem>>) offsets(%dma_start3A_426 : memref<128xi32, #tpu.memory_space<vmem>>) semaphore(%arg13 : memref<!tpu.dma_semaphore, #tpu.memory_space<semaphore_mem>>)
      %dma_wait3A_430 = arith.constant 0 : i32
      %dma_wait3A_431 = arith.constant 6 : i32
      %dma_wait3A_432 = arith.constant 0 : i32
      %dma_wait3A_433 = arith.constant 0 : i32
      %dma_wait3A_434 = arith.constant 0 : i32
      %dma_wait3A_435 = tpu.memref_slice %arg9[%dma_wait3A_432, %dma_wait3A_433, %dma_wait3A_434] : memref<2x128x128xf32, #tpu.memory_space<vmem>> -> memref<1x128x128xf32, #tpu.memory_space<vmem>>
      %dma_wait3A_436 = tpu.memref_squeeze %dma_wait3A_435 : memref<1x128x128xf32, #tpu.memory_space<vmem>> -> memref<128x128xf32, #tpu.memory_space<vmem>>
      %dma_wait3A_437 = arith.constant 0 : i32
      %dma_wait3A_438 = tpu.memref_slice %arg7[%dma_wait3A_430, %dma_wait3A_431, %dma_wait3A_437] : memref<2x8x128xi32, #tpu.memory_space<vmem>> -> memref<1x1x128xi32, #tpu.memory_space<vmem>>
      %dma_wait3A_439 = tpu.memref_squeeze %dma_wait3A_438 : memref<1x1x128xi32, #tpu.memory_space<vmem>> -> memref<128xi32, #tpu.memory_space<vmem>>
      %dma_wait3A_440 = arith.constant 0 : i32
      %dma_wait3A_441 = arith.constant 0 : i32
      %dma_wait3A_442 = tpu.memref_slice %arg2[%dma_wait3A_440, %dma_wait3A_441] : memref<10240x128xf32, #tpu.memory_space<hbm>> -> memref<10240x128xf32, #tpu.memory_space<hbm>>
      tpu.wait_indirect_dma semaphore(%arg12 : memref<!tpu.dma_semaphore, #tpu.memory_space<semaphore_mem>>) src(%dma_wait3A_442 : memref<10240x128xf32, #tpu.memory_space<hbm>>) dst(%dma_wait3A_436 : memref<128x128xf32, #tpu.memory_space<vmem>>)
      %dma_start3A_443 = arith.constant 0 : i32
      %dma_start3A_444 = arith.constant 0 : i32
      %dma_start3A_445 = arith.constant 6 : i32
      %dma_start3A_446 = arith.constant 0 : i32
      %dma_start3A_447 = arith.constant 0 : i32
      %dma_start3A_448 = tpu.memref_slice %arg9[%dma_start3A_443, %dma_start3A_446, %dma_start3A_447] : memref<2x128x128xf32, #tpu.memory_space<vmem>> -> memref<1x128x128xf32, #tpu.memory_space<vmem>>
      %dma_start3A_449 = tpu.memref_squeeze %dma_start3A_448 : memref<1x128x128xf32, #tpu.memory_space<vmem>> -> memref<128x128xf32, #tpu.memory_space<vmem>>
      %dma_start3A_450 = arith.constant 0 : i32
      %dma_start3A_451 = tpu.memref_slice %arg8[%dma_start3A_444, %dma_start3A_445, %dma_start3A_450] : memref<2x8x128xi32, #tpu.memory_space<vmem>> -> memref<1x1x128xi32, #tpu.memory_space<vmem>>
      %dma_start3A_452 = tpu.memref_squeeze %dma_start3A_451 : memref<1x1x128xi32, #tpu.memory_space<vmem>> -> memref<128xi32, #tpu.memory_space<vmem>>
      %dma_start3A_453 = arith.constant 0 : i32
      %dma_start3A_454 = arith.constant 0 : i32
      %dma_start3A_455 = tpu.memref_slice %arg6[%dma_start3A_453, %dma_start3A_454] : memref<10240x128xf32, #tpu.memory_space<vmem_shared>> -> memref<10240x128xf32, #tpu.memory_space<vmem_shared>>
      tpu.enqueue_indirect_dma source(%dma_start3A_449 : memref<128x128xf32, #tpu.memory_space<vmem>>) target(%dma_start3A_455 : memref<10240x128xf32, #tpu.memory_space<vmem_shared>>) offsets(%dma_start3A_452 : memref<128xi32, #tpu.memory_space<vmem>>) semaphore(%arg14 : memref<!tpu.dma_semaphore, #tpu.memory_space<semaphore_mem>>) {add = true}
      %dma_wait3A_456 = arith.constant 0 : i32
      %dma_wait3A_457 = arith.constant 0 : i32
      %dma_wait3A_458 = arith.constant 6 : i32
      %dma_wait3A_459 = arith.constant 0 : i32
      %dma_wait3A_460 = arith.constant 0 : i32
      %dma_wait3A_461 = tpu.memref_slice %arg9[%dma_wait3A_456, %dma_wait3A_459, %dma_wait3A_460] : memref<2x128x128xf32, #tpu.memory_space<vmem>> -> memref<1x128x128xf32, #tpu.memory_space<vmem>>
      %dma_wait3A_462 = tpu.memref_squeeze %dma_wait3A_461 : memref<1x128x128xf32, #tpu.memory_space<vmem>> -> memref<128x128xf32, #tpu.memory_space<vmem>>
      %dma_wait3A_463 = arith.constant 0 : i32
      %dma_wait3A_464 = tpu.memref_slice %arg8[%dma_wait3A_457, %dma_wait3A_458, %dma_wait3A_463] : memref<2x8x128xi32, #tpu.memory_space<vmem>> -> memref<1x1x128xi32, #tpu.memory_space<vmem>>
      %dma_wait3A_465 = tpu.memref_squeeze %dma_wait3A_464 : memref<1x1x128xi32, #tpu.memory_space<vmem>> -> memref<128xi32, #tpu.memory_space<vmem>>
      %dma_wait3A_466 = arith.constant 0 : i32
      %dma_wait3A_467 = arith.constant 0 : i32
      %dma_wait3A_468 = tpu.memref_slice %arg6[%dma_wait3A_466, %dma_wait3A_467] : memref<10240x128xf32, #tpu.memory_space<vmem_shared>> -> memref<10240x128xf32, #tpu.memory_space<vmem_shared>>
      tpu.wait_indirect_dma semaphore(%arg14 : memref<!tpu.dma_semaphore, #tpu.memory_space<semaphore_mem>>) src(%dma_wait3A_462 : memref<128x128xf32, #tpu.memory_space<vmem>>) dst(%dma_wait3A_468 : memref<10240x128xf32, #tpu.memory_space<vmem_shared>>)
      %dma_wait3A_469 = arith.constant 0 : i32
      %dma_wait3A_470 = arith.constant 7 : i32
      %dma_wait3A_471 = arith.constant 1 : i32
      %dma_wait3A_472 = arith.constant 0 : i32
      %dma_wait3A_473 = arith.constant 0 : i32
      %dma_wait3A_474 = tpu.memref_slice %arg9[%dma_wait3A_471, %dma_wait3A_472, %dma_wait3A_473] : memref<2x128x128xf32, #tpu.memory_space<vmem>> -> memref<1x128x128xf32, #tpu.memory_space<vmem>>
      %dma_wait3A_475 = tpu.memref_squeeze %dma_wait3A_474 : memref<1x128x128xf32, #tpu.memory_space<vmem>> -> memref<128x128xf32, #tpu.memory_space<vmem>>
      %dma_wait3A_476 = arith.constant 0 : i32
      %dma_wait3A_477 = tpu.memref_slice %arg7[%dma_wait3A_469, %dma_wait3A_470, %dma_wait3A_476] : memref<2x8x128xi32, #tpu.memory_space<vmem>> -> memref<1x1x128xi32, #tpu.memory_space<vmem>>
      %dma_wait3A_478 = tpu.memref_squeeze %dma_wait3A_477 : memref<1x1x128xi32, #tpu.memory_space<vmem>> -> memref<128xi32, #tpu.memory_space<vmem>>
      %dma_wait3A_479 = arith.constant 0 : i32
      %dma_wait3A_480 = arith.constant 0 : i32
      %dma_wait3A_481 = tpu.memref_slice %arg2[%dma_wait3A_479, %dma_wait3A_480] : memref<10240x128xf32, #tpu.memory_space<hbm>> -> memref<10240x128xf32, #tpu.memory_space<hbm>>
      tpu.wait_indirect_dma semaphore(%arg13 : memref<!tpu.dma_semaphore, #tpu.memory_space<semaphore_mem>>) src(%dma_wait3A_481 : memref<10240x128xf32, #tpu.memory_space<hbm>>) dst(%dma_wait3A_475 : memref<128x128xf32, #tpu.memory_space<vmem>>)
      %dma_start3A_482 = arith.constant 1 : i32
      %dma_start3A_483 = arith.constant 0 : i32
      %dma_start3A_484 = arith.constant 7 : i32
      %dma_start3A_485 = arith.constant 0 : i32
      %dma_start3A_486 = arith.constant 0 : i32
      %dma_start3A_487 = tpu.memref_slice %arg9[%dma_start3A_482, %dma_start3A_485, %dma_start3A_486] : memref<2x128x128xf32, #tpu.memory_space<vmem>> -> memref<1x128x128xf32, #tpu.memory_space<vmem>>
      %dma_start3A_488 = tpu.memref_squeeze %dma_start3A_487 : memref<1x128x128xf32, #tpu.memory_space<vmem>> -> memref<128x128xf32, #tpu.memory_space<vmem>>
      %dma_start3A_489 = arith.constant 0 : i32
      %dma_start3A_490 = tpu.memref_slice %arg8[%dma_start3A_483, %dma_start3A_484, %dma_start3A_489] : memref<2x8x128xi32, #tpu.memory_space<vmem>> -> memref<1x1x128xi32, #tpu.memory_space<vmem>>
      %dma_start3A_491 = tpu.memref_squeeze %dma_start3A_490 : memref<1x1x128xi32, #tpu.memory_space<vmem>> -> memref<128xi32, #tpu.memory_space<vmem>>
      %dma_start3A_492 = arith.constant 0 : i32
      %dma_start3A_493 = arith.constant 0 : i32
      %dma_start3A_494 = tpu.memref_slice %arg6[%dma_start3A_492, %dma_start3A_493] : memref<10240x128xf32, #tpu.memory_space<vmem_shared>> -> memref<10240x128xf32, #tpu.memory_space<vmem_shared>>
      tpu.enqueue_indirect_dma source(%dma_start3A_488 : memref<128x128xf32, #tpu.memory_space<vmem>>) target(%dma_start3A_494 : memref<10240x128xf32, #tpu.memory_space<vmem_shared>>) offsets(%dma_start3A_491 : memref<128xi32, #tpu.memory_space<vmem>>) semaphore(%arg15 : memref<!tpu.dma_semaphore, #tpu.memory_space<semaphore_mem>>) {add = true}
      %dma_wait3A_495 = arith.constant 1 : i32
      %dma_wait3A_496 = arith.constant 0 : i32
      %dma_wait3A_497 = arith.constant 7 : i32
      %dma_wait3A_498 = arith.constant 0 : i32
      %dma_wait3A_499 = arith.constant 0 : i32
      %dma_wait3A_500 = tpu.memref_slice %arg9[%dma_wait3A_495, %dma_wait3A_498, %dma_wait3A_499] : memref<2x128x128xf32, #tpu.memory_space<vmem>> -> memref<1x128x128xf32, #tpu.memory_space<vmem>>
      %dma_wait3A_501 = tpu.memref_squeeze %dma_wait3A_500 : memref<1x128x128xf32, #tpu.memory_space<vmem>> -> memref<128x128xf32, #tpu.memory_space<vmem>>
      %dma_wait3A_502 = arith.constant 0 : i32
      %dma_wait3A_503 = tpu.memref_slice %arg8[%dma_wait3A_496, %dma_wait3A_497, %dma_wait3A_502] : memref<2x8x128xi32, #tpu.memory_space<vmem>> -> memref<1x1x128xi32, #tpu.memory_space<vmem>>
      %dma_wait3A_504 = tpu.memref_squeeze %dma_wait3A_503 : memref<1x1x128xi32, #tpu.memory_space<vmem>> -> memref<128xi32, #tpu.memory_space<vmem>>
      %dma_wait3A_505 = arith.constant 0 : i32
      %dma_wait3A_506 = arith.constant 0 : i32
      %dma_wait3A_507 = tpu.memref_slice %arg6[%dma_wait3A_505, %dma_wait3A_506] : memref<10240x128xf32, #tpu.memory_space<vmem_shared>> -> memref<10240x128xf32, #tpu.memory_space<vmem_shared>>
      tpu.wait_indirect_dma semaphore(%arg15 : memref<!tpu.dma_semaphore, #tpu.memory_space<semaphore_mem>>) src(%dma_wait3A_501 : memref<128x128xf32, #tpu.memory_space<vmem>>) dst(%dma_wait3A_507 : memref<10240x128xf32, #tpu.memory_space<vmem_shared>>)
      %add3A_508 = arith.constant 1 : i32
      %add3A_509 = arith.addi %add3A_87, %add3A_508 : i32
      %lt3A_510 = arith.constant 10 : i32
      %lt3A_511 = arith.cmpi slt, %add3A_509, %lt3A_510 : i32
      %convert_element_type3A_512 = arith.extui %lt3A_511 : i1 to i32
      %cond3A_513 = arith.constant 0 : i32
      %cond3A_514 = arith.cmpi ne, %convert_element_type3A_512, %cond3A_513 : i32
      scf.if %cond3A_514 {
        %add3A_949 = arith.constant 1 : i32
        %add3A_950 = arith.addi %add3A_87, %add3A_949 : i32
        %mul3A_951 = arith.constant 8 : i32
        %mul3A_952 = arith.muli %add3A_950, %mul3A_951 : i32
        %mul3A_953 = arith.constant 8 : i32
        %mul3A_954 = arith.muli %add3A_950, %mul3A_953 : i32
        %dma_wait3A_955 = arith.constant 0 : i32
        %dma_wait3A_956 = arith.constant 1 : i32
        %dma_wait3A_957 = arith.constant 0 : i32
        %dma_wait3A_958 = arith.constant 0 : i32
        %dma_wait3A_959 = tpu.memref_slice %arg7[%dma_wait3A_956, %dma_wait3A_957, %dma_wait3A_958] : memref<2x8x128xi32, #tpu.memory_space<vmem>> -> memref<1x8x128xi32, #tpu.memory_space<vmem>>
        %dma_wait3A_960 = tpu.memref_squeeze %dma_wait3A_959 : memref<1x8x128xi32, #tpu.memory_space<vmem>> -> memref<8x128xi32, #tpu.memory_space<vmem>>
        %dma_wait3A_961 = arith.constant 0 : i32
        %dma_wait3A_962 = tpu.memref_slice %arg3[%dma_wait3A_955, %add3A, %mul3A_952, %dma_wait3A_961] : memref<2x32x80x128xi32, #tpu.memory_space<hbm>> -> memref<1x1x8x128xi32, #tpu.memory_space<hbm>>
        %dma_wait3A_963 = tpu.memref_squeeze %dma_wait3A_962 : memref<1x1x8x128xi32, #tpu.memory_space<hbm>> -> memref<8x128xi32, #tpu.memory_space<hbm>>
        %dma_wait3A_964 = arith.constant 0 : i32
        %dma_wait3A_965 = arith.constant 0 : i32
        %dma_wait3A_966 = tpu.memref_slice %arg7[%dma_wait3A_956, %dma_wait3A_964, %dma_wait3A_965] : memref<2x8x128xi32, #tpu.memory_space<vmem>> -> memref<1x8x128xi32, #tpu.memory_space<vmem>>
        %dma_wait3A_967 = tpu.memref_squeeze %dma_wait3A_966 : memref<1x8x128xi32, #tpu.memory_space<vmem>> -> memref<8x128xi32, #tpu.memory_space<vmem>>
        %dma_wait3A_968 = arith.constant 0 : i32
        %dma_wait3A_969 = tpu.memref_slice %arg3[%dma_wait3A_955, %add3A, %mul3A_952, %dma_wait3A_968] : memref<2x32x80x128xi32, #tpu.memory_space<hbm>> -> memref<1x1x8x128xi32, #tpu.memory_space<hbm>>
        %dma_wait3A_970 = tpu.memref_squeeze %dma_wait3A_969 : memref<1x1x8x128xi32, #tpu.memory_space<hbm>> -> memref<8x128xi32, #tpu.memory_space<hbm>>
        tpu.wait_dma2 semaphore(%arg11 : memref<!tpu.dma_semaphore, #tpu.memory_space<semaphore_mem>>) src(%dma_wait3A_970 : memref<8x128xi32, #tpu.memory_space<hbm>>) dst(%dma_wait3A_967 : memref<8x128xi32, #tpu.memory_space<vmem>>)
        %dma_wait3A_971 = arith.constant 1 : i32
        %dma_wait3A_972 = arith.constant 1 : i32
        %dma_wait3A_973 = arith.constant 0 : i32
        %dma_wait3A_974 = arith.constant 0 : i32
        %dma_wait3A_975 = tpu.memref_slice %arg8[%dma_wait3A_972, %dma_wait3A_973, %dma_wait3A_974] : memref<2x8x128xi32, #tpu.memory_space<vmem>> -> memref<1x8x128xi32, #tpu.memory_space<vmem>>
        %dma_wait3A_976 = tpu.memref_squeeze %dma_wait3A_975 : memref<1x8x128xi32, #tpu.memory_space<vmem>> -> memref<8x128xi32, #tpu.memory_space<vmem>>
        %dma_wait3A_977 = arith.constant 0 : i32
        %dma_wait3A_978 = tpu.memref_slice %arg3[%dma_wait3A_971, %add3A, %mul3A_954, %dma_wait3A_977] : memref<2x32x80x128xi32, #tpu.memory_space<hbm>> -> memref<1x1x8x128xi32, #tpu.memory_space<hbm>>
        %dma_wait3A_979 = tpu.memref_squeeze %dma_wait3A_978 : memref<1x1x8x128xi32, #tpu.memory_space<hbm>> -> memref<8x128xi32, #tpu.memory_space<hbm>>
        %dma_wait3A_980 = arith.constant 0 : i32
        %dma_wait3A_981 = arith.constant 0 : i32
        %dma_wait3A_982 = tpu.memref_slice %arg8[%dma_wait3A_972, %dma_wait3A_980, %dma_wait3A_981] : memref<2x8x128xi32, #tpu.memory_space<vmem>> -> memref<1x8x128xi32, #tpu.memory_space<vmem>>
        %dma_wait3A_983 = tpu.memref_squeeze %dma_wait3A_982 : memref<1x8x128xi32, #tpu.memory_space<vmem>> -> memref<8x128xi32, #tpu.memory_space<vmem>>
        %dma_wait3A_984 = arith.constant 0 : i32
        %dma_wait3A_985 = tpu.memref_slice %arg3[%dma_wait3A_971, %add3A, %mul3A_954, %dma_wait3A_984] : memref<2x32x80x128xi32, #tpu.memory_space<hbm>> -> memref<1x1x8x128xi32, #tpu.memory_space<hbm>>
        %dma_wait3A_986 = tpu.memref_squeeze %dma_wait3A_985 : memref<1x1x8x128xi32, #tpu.memory_space<hbm>> -> memref<8x128xi32, #tpu.memory_space<hbm>>
        tpu.wait_dma2 semaphore(%arg11 : memref<!tpu.dma_semaphore, #tpu.memory_space<semaphore_mem>>) src(%dma_wait3A_986 : memref<8x128xi32, #tpu.memory_space<hbm>>) dst(%dma_wait3A_983 : memref<8x128xi32, #tpu.memory_space<vmem>>)
      } else {
      }
      %mul3A_515 = arith.constant 2 : i32
      %mul3A_516 = arith.muli %mul3A_515, %scan3A_83 : i32
      %add3A_517 = arith.constant 1 : i32
      %add3A_518 = arith.addi %mul3A_516, %add3A_517 : i32
      %add3A_519 = arith.constant 1 : i32
      %add3A_520 = arith.addi %add3A_518, %add3A_519 : i32
      %lt3A_521 = arith.constant 10 : i32
      %lt3A_522 = arith.cmpi slt, %add3A_520, %lt3A_521 : i32
      %convert_element_type3A_523 = arith.extui %lt3A_522 : i1 to i32
      %cond3A_524 = arith.constant 0 : i32
      %cond3A_525 = arith.cmpi ne, %convert_element_type3A_523, %cond3A_524 : i32
      scf.if %cond3A_525 {
        %add3A_949 = arith.constant 1 : i32
        %add3A_950 = arith.addi %add3A_518, %add3A_949 : i32
        %mul3A_951 = arith.constant 8 : i32
        %mul3A_952 = arith.muli %add3A_950, %mul3A_951 : i32
        %mul3A_953 = arith.constant 8 : i32
        %mul3A_954 = arith.muli %add3A_950, %mul3A_953 : i32
        %dma_start3A_955 = arith.constant 0 : i32
        %dma_start3A_956 = arith.constant 0 : i32
        %dma_start3A_957 = arith.constant 0 : i32
        %dma_start3A_958 = arith.constant 0 : i32
        %dma_start3A_959 = tpu.memref_slice %arg7[%dma_start3A_956, %dma_start3A_957, %dma_start3A_958] : memref<2x8x128xi32, #tpu.memory_space<vmem>> -> memref<1x8x128xi32, #tpu.memory_space<vmem>>
        %dma_start3A_960 = tpu.memref_squeeze %dma_start3A_959 : memref<1x8x128xi32, #tpu.memory_space<vmem>> -> memref<8x128xi32, #tpu.memory_space<vmem>>
        %dma_start3A_961 = arith.constant 0 : i32
        %dma_start3A_962 = tpu.memref_slice %arg3[%dma_start3A_955, %add3A, %mul3A_952, %dma_start3A_961] : memref<2x32x80x128xi32, #tpu.memory_space<hbm>> -> memref<1x1x8x128xi32, #tpu.memory_space<hbm>>
        %dma_start3A_963 = tpu.memref_squeeze %dma_start3A_962 : memref<1x1x8x128xi32, #tpu.memory_space<hbm>> -> memref<8x128xi32, #tpu.memory_space<hbm>>
        %dma_start3A_964 = arith.constant 0 : i32
        %dma_start3A_965 = arith.constant 0 : i32
        %dma_start3A_966 = tpu.memref_slice %arg7[%dma_start3A_956, %dma_start3A_964, %dma_start3A_965] : memref<2x8x128xi32, #tpu.memory_space<vmem>> -> memref<1x8x128xi32, #tpu.memory_space<vmem>>
        %dma_start3A_967 = tpu.memref_squeeze %dma_start3A_966 : memref<1x8x128xi32, #tpu.memory_space<vmem>> -> memref<8x128xi32, #tpu.memory_space<vmem>>
        %dma_start3A_968 = arith.constant 0 : i32
        %dma_start3A_969 = tpu.memref_slice %arg3[%dma_start3A_955, %add3A, %mul3A_952, %dma_start3A_968] : memref<2x32x80x128xi32, #tpu.memory_space<hbm>> -> memref<1x1x8x128xi32, #tpu.memory_space<hbm>>
        %dma_start3A_970 = tpu.memref_squeeze %dma_start3A_969 : memref<1x1x8x128xi32, #tpu.memory_space<hbm>> -> memref<8x128xi32, #tpu.memory_space<hbm>>
        tpu.enqueue_dma source(%dma_start3A_970 : memref<8x128xi32, #tpu.memory_space<hbm>>) target(%dma_start3A_967 : memref<8x128xi32, #tpu.memory_space<vmem>>) target_semaphore(%arg10 : memref<!tpu.dma_semaphore, #tpu.memory_space<semaphore_mem>>)
        %dma_start3A_971 = arith.constant 1 : i32
        %dma_start3A_972 = arith.constant 0 : i32
        %dma_start3A_973 = arith.constant 0 : i32
        %dma_start3A_974 = arith.constant 0 : i32
        %dma_start3A_975 = tpu.memref_slice %arg8[%dma_start3A_972, %dma_start3A_973, %dma_start3A_974] : memref<2x8x128xi32, #tpu.memory_space<vmem>> -> memref<1x8x128xi32, #tpu.memory_space<vmem>>
        %dma_start3A_976 = tpu.memref_squeeze %dma_start3A_975 : memref<1x8x128xi32, #tpu.memory_space<vmem>> -> memref<8x128xi32, #tpu.memory_space<vmem>>
        %dma_start3A_977 = arith.constant 0 : i32
        %dma_start3A_978 = tpu.memref_slice %arg3[%dma_start3A_971, %add3A, %mul3A_954, %dma_start3A_977] : memref<2x32x80x128xi32, #tpu.memory_space<hbm>> -> memref<1x1x8x128xi32, #tpu.memory_space<hbm>>
        %dma_start3A_979 = tpu.memref_squeeze %dma_start3A_978 : memref<1x1x8x128xi32, #tpu.memory_space<hbm>> -> memref<8x128xi32, #tpu.memory_space<hbm>>
        %dma_start3A_980 = arith.constant 0 : i32
        %dma_start3A_981 = arith.constant 0 : i32
        %dma_start3A_982 = tpu.memref_slice %arg8[%dma_start3A_972, %dma_start3A_980, %dma_start3A_981] : memref<2x8x128xi32, #tpu.memory_space<vmem>> -> memref<1x8x128xi32, #tpu.memory_space<vmem>>
        %dma_start3A_983 = tpu.memref_squeeze %dma_start3A_982 : memref<1x8x128xi32, #tpu.memory_space<vmem>> -> memref<8x128xi32, #tpu.memory_space<vmem>>
        %dma_start3A_984 = arith.constant 0 : i32
        %dma_start3A_985 = tpu.memref_slice %arg3[%dma_start3A_971, %add3A, %mul3A_954, %dma_start3A_984] : memref<2x32x80x128xi32, #tpu.memory_space<hbm>> -> memref<1x1x8x128xi32, #tpu.memory_space<hbm>>
        %dma_start3A_986 = tpu.memref_squeeze %dma_start3A_985 : memref<1x1x8x128xi32, #tpu.memory_space<hbm>> -> memref<8x128xi32, #tpu.memory_space<hbm>>
        tpu.enqueue_dma source(%dma_start3A_986 : memref<8x128xi32, #tpu.memory_space<hbm>>) target(%dma_start3A_983 : memref<8x128xi32, #tpu.memory_space<vmem>>) target_semaphore(%arg10 : memref<!tpu.dma_semaphore, #tpu.memory_space<semaphore_mem>>)
      } else {
      }
      %dma_start3A_526 = arith.constant 1 : i32
      %dma_start3A_527 = arith.constant 0 : i32
      %dma_start3A_528 = arith.constant 0 : i32
      %dma_start3A_529 = arith.constant 0 : i32
      %dma_start3A_530 = arith.constant 0 : i32
      %dma_start3A_531 = tpu.memref_slice %arg9[%dma_start3A_528, %dma_start3A_529, %dma_start3A_530] : memref<2x128x128xf32, #tpu.memory_space<vmem>> -> memref<1x128x128xf32, #tpu.memory_space<vmem>>
      %dma_start3A_532 = tpu.memref_squeeze %dma_start3A_531 : memref<1x128x128xf32, #tpu.memory_space<vmem>> -> memref<128x128xf32, #tpu.memory_space<vmem>>
      %dma_start3A_533 = arith.constant 0 : i32
      %dma_start3A_534 = tpu.memref_slice %arg7[%dma_start3A_526, %dma_start3A_527, %dma_start3A_533] : memref<2x8x128xi32, #tpu.memory_space<vmem>> -> memref<1x1x128xi32, #tpu.memory_space<vmem>>
      %dma_start3A_535 = tpu.memref_squeeze %dma_start3A_534 : memref<1x1x128xi32, #tpu.memory_space<vmem>> -> memref<128xi32, #tpu.memory_space<vmem>>
      %dma_start3A_536 = arith.constant 0 : i32
      %dma_start3A_537 = arith.constant 0 : i32
      %dma_start3A_538 = tpu.memref_slice %arg2[%dma_start3A_536, %dma_start3A_537] : memref<10240x128xf32, #tpu.memory_space<hbm>> -> memref<10240x128xf32, #tpu.memory_space<hbm>>
      tpu.enqueue_indirect_dma source(%dma_start3A_538 : memref<10240x128xf32, #tpu.memory_space<hbm>>) target(%dma_start3A_532 : memref<128x128xf32, #tpu.memory_space<vmem>>) offsets(%dma_start3A_535 : memref<128xi32, #tpu.memory_space<vmem>>) semaphore(%arg12 : memref<!tpu.dma_semaphore, #tpu.memory_space<semaphore_mem>>)
      %dma_start3A_539 = arith.constant 1 : i32
      %dma_start3A_540 = arith.constant 1 : i32
      %dma_start3A_541 = arith.constant 1 : i32
      %dma_start3A_542 = arith.constant 0 : i32
      %dma_start3A_543 = arith.constant 0 : i32
      %dma_start3A_544 = tpu.memref_slice %arg9[%dma_start3A_541, %dma_start3A_542, %dma_start3A_543] : memref<2x128x128xf32, #tpu.memory_space<vmem>> -> memref<1x128x128xf32, #tpu.memory_space<vmem>>
      %dma_start3A_545 = tpu.memref_squeeze %dma_start3A_544 : memref<1x128x128xf32, #tpu.memory_space<vmem>> -> memref<128x128xf32, #tpu.memory_space<vmem>>
      %dma_start3A_546 = arith.constant 0 : i32
      %dma_start3A_547 = tpu.memref_slice %arg7[%dma_start3A_539, %dma_start3A_540, %dma_start3A_546] : memref<2x8x128xi32, #tpu.memory_space<vmem>> -> memref<1x1x128xi32, #tpu.memory_space<vmem>>
      %dma_start3A_548 = tpu.memref_squeeze %dma_start3A_547 : memref<1x1x128xi32, #tpu.memory_space<vmem>> -> memref<128xi32, #tpu.memory_space<vmem>>
      %dma_start3A_549 = arith.constant 0 : i32
      %dma_start3A_550 = arith.constant 0 : i32
      %dma_start3A_551 = tpu.memref_slice %arg2[%dma_start3A_549, %dma_start3A_550] : memref<10240x128xf32, #tpu.memory_space<hbm>> -> memref<10240x128xf32, #tpu.memory_space<hbm>>
      tpu.enqueue_indirect_dma source(%dma_start3A_551 : memref<10240x128xf32, #tpu.memory_space<hbm>>) target(%dma_start3A_545 : memref<128x128xf32, #tpu.memory_space<vmem>>) offsets(%dma_start3A_548 : memref<128xi32, #tpu.memory_space<vmem>>) semaphore(%arg13 : memref<!tpu.dma_semaphore, #tpu.memory_space<semaphore_mem>>)
      %dma_wait3A_552 = arith.constant 1 : i32
      %dma_wait3A_553 = arith.constant 0 : i32
      %dma_wait3A_554 = arith.constant 0 : i32
      %dma_wait3A_555 = arith.constant 0 : i32
      %dma_wait3A_556 = arith.constant 0 : i32
      %dma_wait3A_557 = tpu.memref_slice %arg9[%dma_wait3A_554, %dma_wait3A_555, %dma_wait3A_556] : memref<2x128x128xf32, #tpu.memory_space<vmem>> -> memref<1x128x128xf32, #tpu.memory_space<vmem>>
      %dma_wait3A_558 = tpu.memref_squeeze %dma_wait3A_557 : memref<1x128x128xf32, #tpu.memory_space<vmem>> -> memref<128x128xf32, #tpu.memory_space<vmem>>
      %dma_wait3A_559 = arith.constant 0 : i32
      %dma_wait3A_560 = tpu.memref_slice %arg7[%dma_wait3A_552, %dma_wait3A_553, %dma_wait3A_559] : memref<2x8x128xi32, #tpu.memory_space<vmem>> -> memref<1x1x128xi32, #tpu.memory_space<vmem>>
      %dma_wait3A_561 = tpu.memref_squeeze %dma_wait3A_560 : memref<1x1x128xi32, #tpu.memory_space<vmem>> -> memref<128xi32, #tpu.memory_space<vmem>>
      %dma_wait3A_562 = arith.constant 0 : i32
      %dma_wait3A_563 = arith.constant 0 : i32
      %dma_wait3A_564 = tpu.memref_slice %arg2[%dma_wait3A_562, %dma_wait3A_563] : memref<10240x128xf32, #tpu.memory_space<hbm>> -> memref<10240x128xf32, #tpu.memory_space<hbm>>
      tpu.wait_indirect_dma semaphore(%arg12 : memref<!tpu.dma_semaphore, #tpu.memory_space<semaphore_mem>>) src(%dma_wait3A_564 : memref<10240x128xf32, #tpu.memory_space<hbm>>) dst(%dma_wait3A_558 : memref<128x128xf32, #tpu.memory_space<vmem>>)
      %dma_start3A_565 = arith.constant 0 : i32
      %dma_start3A_566 = arith.constant 1 : i32
      %dma_start3A_567 = arith.constant 0 : i32
      %dma_start3A_568 = arith.constant 0 : i32
      %dma_start3A_569 = arith.constant 0 : i32
      %dma_start3A_570 = tpu.memref_slice %arg9[%dma_start3A_565, %dma_start3A_568, %dma_start3A_569] : memref<2x128x128xf32, #tpu.memory_space<vmem>> -> memref<1x128x128xf32, #tpu.memory_space<vmem>>
      %dma_start3A_571 = tpu.memref_squeeze %dma_start3A_570 : memref<1x128x128xf32, #tpu.memory_space<vmem>> -> memref<128x128xf32, #tpu.memory_space<vmem>>
      %dma_start3A_572 = arith.constant 0 : i32
      %dma_start3A_573 = tpu.memref_slice %arg8[%dma_start3A_566, %dma_start3A_567, %dma_start3A_572] : memref<2x8x128xi32, #tpu.memory_space<vmem>> -> memref<1x1x128xi32, #tpu.memory_space<vmem>>
      %dma_start3A_574 = tpu.memref_squeeze %dma_start3A_573 : memref<1x1x128xi32, #tpu.memory_space<vmem>> -> memref<128xi32, #tpu.memory_space<vmem>>
      %dma_start3A_575 = arith.constant 0 : i32
      %dma_start3A_576 = arith.constant 0 : i32
      %dma_start3A_577 = tpu.memref_slice %arg6[%dma_start3A_575, %dma_start3A_576] : memref<10240x128xf32, #tpu.memory_space<vmem_shared>> -> memref<10240x128xf32, #tpu.memory_space<vmem_shared>>
      tpu.enqueue_indirect_dma source(%dma_start3A_571 : memref<128x128xf32, #tpu.memory_space<vmem>>) target(%dma_start3A_577 : memref<10240x128xf32, #tpu.memory_space<vmem_shared>>) offsets(%dma_start3A_574 : memref<128xi32, #tpu.memory_space<vmem>>) semaphore(%arg14 : memref<!tpu.dma_semaphore, #tpu.memory_space<semaphore_mem>>) {add = true}
      %dma_wait3A_578 = arith.constant 0 : i32
      %dma_wait3A_579 = arith.constant 1 : i32
      %dma_wait3A_580 = arith.constant 0 : i32
      %dma_wait3A_581 = arith.constant 0 : i32
      %dma_wait3A_582 = arith.constant 0 : i32
      %dma_wait3A_583 = tpu.memref_slice %arg9[%dma_wait3A_578, %dma_wait3A_581, %dma_wait3A_582] : memref<2x128x128xf32, #tpu.memory_space<vmem>> -> memref<1x128x128xf32, #tpu.memory_space<vmem>>
      %dma_wait3A_584 = tpu.memref_squeeze %dma_wait3A_583 : memref<1x128x128xf32, #tpu.memory_space<vmem>> -> memref<128x128xf32, #tpu.memory_space<vmem>>
      %dma_wait3A_585 = arith.constant 0 : i32
      %dma_wait3A_586 = tpu.memref_slice %arg8[%dma_wait3A_579, %dma_wait3A_580, %dma_wait3A_585] : memref<2x8x128xi32, #tpu.memory_space<vmem>> -> memref<1x1x128xi32, #tpu.memory_space<vmem>>
      %dma_wait3A_587 = tpu.memref_squeeze %dma_wait3A_586 : memref<1x1x128xi32, #tpu.memory_space<vmem>> -> memref<128xi32, #tpu.memory_space<vmem>>
      %dma_wait3A_588 = arith.constant 0 : i32
      %dma_wait3A_589 = arith.constant 0 : i32
      %dma_wait3A_590 = tpu.memref_slice %arg6[%dma_wait3A_588, %dma_wait3A_589] : memref<10240x128xf32, #tpu.memory_space<vmem_shared>> -> memref<10240x128xf32, #tpu.memory_space<vmem_shared>>
      tpu.wait_indirect_dma semaphore(%arg14 : memref<!tpu.dma_semaphore, #tpu.memory_space<semaphore_mem>>) src(%dma_wait3A_584 : memref<128x128xf32, #tpu.memory_space<vmem>>) dst(%dma_wait3A_590 : memref<10240x128xf32, #tpu.memory_space<vmem_shared>>)
      %dma_start3A_591 = arith.constant 1 : i32
      %dma_start3A_592 = arith.constant 2 : i32
      %dma_start3A_593 = arith.constant 0 : i32
      %dma_start3A_594 = arith.constant 0 : i32
      %dma_start3A_595 = arith.constant 0 : i32
      %dma_start3A_596 = tpu.memref_slice %arg9[%dma_start3A_593, %dma_start3A_594, %dma_start3A_595] : memref<2x128x128xf32, #tpu.memory_space<vmem>> -> memref<1x128x128xf32, #tpu.memory_space<vmem>>
      %dma_start3A_597 = tpu.memref_squeeze %dma_start3A_596 : memref<1x128x128xf32, #tpu.memory_space<vmem>> -> memref<128x128xf32, #tpu.memory_space<vmem>>
      %dma_start3A_598 = arith.constant 0 : i32
      %dma_start3A_599 = tpu.memref_slice %arg7[%dma_start3A_591, %dma_start3A_592, %dma_start3A_598] : memref<2x8x128xi32, #tpu.memory_space<vmem>> -> memref<1x1x128xi32, #tpu.memory_space<vmem>>
      %dma_start3A_600 = tpu.memref_squeeze %dma_start3A_599 : memref<1x1x128xi32, #tpu.memory_space<vmem>> -> memref<128xi32, #tpu.memory_space<vmem>>
      %dma_start3A_601 = arith.constant 0 : i32
      %dma_start3A_602 = arith.constant 0 : i32
      %dma_start3A_603 = tpu.memref_slice %arg2[%dma_start3A_601, %dma_start3A_602] : memref<10240x128xf32, #tpu.memory_space<hbm>> -> memref<10240x128xf32, #tpu.memory_space<hbm>>
      tpu.enqueue_indirect_dma source(%dma_start3A_603 : memref<10240x128xf32, #tpu.memory_space<hbm>>) target(%dma_start3A_597 : memref<128x128xf32, #tpu.memory_space<vmem>>) offsets(%dma_start3A_600 : memref<128xi32, #tpu.memory_space<vmem>>) semaphore(%arg12 : memref<!tpu.dma_semaphore, #tpu.memory_space<semaphore_mem>>)
      %dma_wait3A_604 = arith.constant 1 : i32
      %dma_wait3A_605 = arith.constant 1 : i32
      %dma_wait3A_606 = arith.constant 1 : i32
      %dma_wait3A_607 = arith.constant 0 : i32
      %dma_wait3A_608 = arith.constant 0 : i32
      %dma_wait3A_609 = tpu.memref_slice %arg9[%dma_wait3A_606, %dma_wait3A_607, %dma_wait3A_608] : memref<2x128x128xf32, #tpu.memory_space<vmem>> -> memref<1x128x128xf32, #tpu.memory_space<vmem>>
      %dma_wait3A_610 = tpu.memref_squeeze %dma_wait3A_609 : memref<1x128x128xf32, #tpu.memory_space<vmem>> -> memref<128x128xf32, #tpu.memory_space<vmem>>
      %dma_wait3A_611 = arith.constant 0 : i32
      %dma_wait3A_612 = tpu.memref_slice %arg7[%dma_wait3A_604, %dma_wait3A_605, %dma_wait3A_611] : memref<2x8x128xi32, #tpu.memory_space<vmem>> -> memref<1x1x128xi32, #tpu.memory_space<vmem>>
      %dma_wait3A_613 = tpu.memref_squeeze %dma_wait3A_612 : memref<1x1x128xi32, #tpu.memory_space<vmem>> -> memref<128xi32, #tpu.memory_space<vmem>>
      %dma_wait3A_614 = arith.constant 0 : i32
      %dma_wait3A_615 = arith.constant 0 : i32
      %dma_wait3A_616 = tpu.memref_slice %arg2[%dma_wait3A_614, %dma_wait3A_615] : memref<10240x128xf32, #tpu.memory_space<hbm>> -> memref<10240x128xf32, #tpu.memory_space<hbm>>
      tpu.wait_indirect_dma semaphore(%arg13 : memref<!tpu.dma_semaphore, #tpu.memory_space<semaphore_mem>>) src(%dma_wait3A_616 : memref<10240x128xf32, #tpu.memory_space<hbm>>) dst(%dma_wait3A_610 : memref<128x128xf32, #tpu.memory_space<vmem>>)
      %dma_start3A_617 = arith.constant 1 : i32
      %dma_start3A_618 = arith.constant 1 : i32
      %dma_start3A_619 = arith.constant 1 : i32
      %dma_start3A_620 = arith.constant 0 : i32
      %dma_start3A_621 = arith.constant 0 : i32
      %dma_start3A_622 = tpu.memref_slice %arg9[%dma_start3A_617, %dma_start3A_620, %dma_start3A_621] : memref<2x128x128xf32, #tpu.memory_space<vmem>> -> memref<1x128x128xf32, #tpu.memory_space<vmem>>
      %dma_start3A_623 = tpu.memref_squeeze %dma_start3A_622 : memref<1x128x128xf32, #tpu.memory_space<vmem>> -> memref<128x128xf32, #tpu.memory_space<vmem>>
      %dma_start3A_624 = arith.constant 0 : i32
      %dma_start3A_625 = tpu.memref_slice %arg8[%dma_start3A_618, %dma_start3A_619, %dma_start3A_624] : memref<2x8x128xi32, #tpu.memory_space<vmem>> -> memref<1x1x128xi32, #tpu.memory_space<vmem>>
      %dma_start3A_626 = tpu.memref_squeeze %dma_start3A_625 : memref<1x1x128xi32, #tpu.memory_space<vmem>> -> memref<128xi32, #tpu.memory_space<vmem>>
      %dma_start3A_627 = arith.constant 0 : i32
      %dma_start3A_628 = arith.constant 0 : i32
      %dma_start3A_629 = tpu.memref_slice %arg6[%dma_start3A_627, %dma_start3A_628] : memref<10240x128xf32, #tpu.memory_space<vmem_shared>> -> memref<10240x128xf32, #tpu.memory_space<vmem_shared>>
      tpu.enqueue_indirect_dma source(%dma_start3A_623 : memref<128x128xf32, #tpu.memory_space<vmem>>) target(%dma_start3A_629 : memref<10240x128xf32, #tpu.memory_space<vmem_shared>>) offsets(%dma_start3A_626 : memref<128xi32, #tpu.memory_space<vmem>>) semaphore(%arg15 : memref<!tpu.dma_semaphore, #tpu.memory_space<semaphore_mem>>) {add = true}
      %dma_wait3A_630 = arith.constant 1 : i32
      %dma_wait3A_631 = arith.constant 1 : i32
      %dma_wait3A_632 = arith.constant 1 : i32
      %dma_wait3A_633 = arith.constant 0 : i32
      %dma_wait3A_634 = arith.constant 0 : i32
      %dma_wait3A_635 = tpu.memref_slice %arg9[%dma_wait3A_630, %dma_wait3A_633, %dma_wait3A_634] : memref<2x128x128xf32, #tpu.memory_space<vmem>> -> memref<1x128x128xf32, #tpu.memory_space<vmem>>
      %dma_wait3A_636 = tpu.memref_squeeze %dma_wait3A_635 : memref<1x128x128xf32, #tpu.memory_space<vmem>> -> memref<128x128xf32, #tpu.memory_space<vmem>>
      %dma_wait3A_637 = arith.constant 0 : i32
      %dma_wait3A_638 = tpu.memref_slice %arg8[%dma_wait3A_631, %dma_wait3A_632, %dma_wait3A_637] : memref<2x8x128xi32, #tpu.memory_space<vmem>> -> memref<1x1x128xi32, #tpu.memory_space<vmem>>
      %dma_wait3A_639 = tpu.memref_squeeze %dma_wait3A_638 : memref<1x1x128xi32, #tpu.memory_space<vmem>> -> memref<128xi32, #tpu.memory_space<vmem>>
      %dma_wait3A_640 = arith.constant 0 : i32
      %dma_wait3A_641 = arith.constant 0 : i32
      %dma_wait3A_642 = tpu.memref_slice %arg6[%dma_wait3A_640, %dma_wait3A_641] : memref<10240x128xf32, #tpu.memory_space<vmem_shared>> -> memref<10240x128xf32, #tpu.memory_space<vmem_shared>>
      tpu.wait_indirect_dma semaphore(%arg15 : memref<!tpu.dma_semaphore, #tpu.memory_space<semaphore_mem>>) src(%dma_wait3A_636 : memref<128x128xf32, #tpu.memory_space<vmem>>) dst(%dma_wait3A_642 : memref<10240x128xf32, #tpu.memory_space<vmem_shared>>)
      %dma_start3A_643 = arith.constant 1 : i32
      %dma_start3A_644 = arith.constant 3 : i32
      %dma_start3A_645 = arith.constant 1 : i32
      %dma_start3A_646 = arith.constant 0 : i32
      %dma_start3A_647 = arith.constant 0 : i32
      %dma_start3A_648 = tpu.memref_slice %arg9[%dma_start3A_645, %dma_start3A_646, %dma_start3A_647] : memref<2x128x128xf32, #tpu.memory_space<vmem>> -> memref<1x128x128xf32, #tpu.memory_space<vmem>>
      %dma_start3A_649 = tpu.memref_squeeze %dma_start3A_648 : memref<1x128x128xf32, #tpu.memory_space<vmem>> -> memref<128x128xf32, #tpu.memory_space<vmem>>
      %dma_start3A_650 = arith.constant 0 : i32
      %dma_start3A_651 = tpu.memref_slice %arg7[%dma_start3A_643, %dma_start3A_644, %dma_start3A_650] : memref<2x8x128xi32, #tpu.memory_space<vmem>> -> memref<1x1x128xi32, #tpu.memory_space<vmem>>
      %dma_start3A_652 = tpu.memref_squeeze %dma_start3A_651 : memref<1x1x128xi32, #tpu.memory_space<vmem>> -> memref<128xi32, #tpu.memory_space<vmem>>
      %dma_start3A_653 = arith.constant 0 : i32
      %dma_start3A_654 = arith.constant 0 : i32
      %dma_start3A_655 = tpu.memref_slice %arg2[%dma_start3A_653, %dma_start3A_654] : memref<10240x128xf32, #tpu.memory_space<hbm>> -> memref<10240x128xf32, #tpu.memory_space<hbm>>
      tpu.enqueue_indirect_dma source(%dma_start3A_655 : memref<10240x128xf32, #tpu.memory_space<hbm>>) target(%dma_start3A_649 : memref<128x128xf32, #tpu.memory_space<vmem>>) offsets(%dma_start3A_652 : memref<128xi32, #tpu.memory_space<vmem>>) semaphore(%arg13 : memref<!tpu.dma_semaphore, #tpu.memory_space<semaphore_mem>>)
      %dma_wait3A_656 = arith.constant 1 : i32
      %dma_wait3A_657 = arith.constant 2 : i32
      %dma_wait3A_658 = arith.constant 0 : i32
      %dma_wait3A_659 = arith.constant 0 : i32
      %dma_wait3A_660 = arith.constant 0 : i32
      %dma_wait3A_661 = tpu.memref_slice %arg9[%dma_wait3A_658, %dma_wait3A_659, %dma_wait3A_660] : memref<2x128x128xf32, #tpu.memory_space<vmem>> -> memref<1x128x128xf32, #tpu.memory_space<vmem>>
      %dma_wait3A_662 = tpu.memref_squeeze %dma_wait3A_661 : memref<1x128x128xf32, #tpu.memory_space<vmem>> -> memref<128x128xf32, #tpu.memory_space<vmem>>
      %dma_wait3A_663 = arith.constant 0 : i32
      %dma_wait3A_664 = tpu.memref_slice %arg7[%dma_wait3A_656, %dma_wait3A_657, %dma_wait3A_663] : memref<2x8x128xi32, #tpu.memory_space<vmem>> -> memref<1x1x128xi32, #tpu.memory_space<vmem>>
      %dma_wait3A_665 = tpu.memref_squeeze %dma_wait3A_664 : memref<1x1x128xi32, #tpu.memory_space<vmem>> -> memref<128xi32, #tpu.memory_space<vmem>>
      %dma_wait3A_666 = arith.constant 0 : i32
      %dma_wait3A_667 = arith.constant 0 : i32
      %dma_wait3A_668 = tpu.memref_slice %arg2[%dma_wait3A_666, %dma_wait3A_667] : memref<10240x128xf32, #tpu.memory_space<hbm>> -> memref<10240x128xf32, #tpu.memory_space<hbm>>
      tpu.wait_indirect_dma semaphore(%arg12 : memref<!tpu.dma_semaphore, #tpu.memory_space<semaphore_mem>>) src(%dma_wait3A_668 : memref<10240x128xf32, #tpu.memory_space<hbm>>) dst(%dma_wait3A_662 : memref<128x128xf32, #tpu.memory_space<vmem>>)
      %dma_start3A_669 = arith.constant 0 : i32
      %dma_start3A_670 = arith.constant 1 : i32
      %dma_start3A_671 = arith.constant 2 : i32
      %dma_start3A_672 = arith.constant 0 : i32
      %dma_start3A_673 = arith.constant 0 : i32
      %dma_start3A_674 = tpu.memref_slice %arg9[%dma_start3A_669, %dma_start3A_672, %dma_start3A_673] : memref<2x128x128xf32, #tpu.memory_space<vmem>> -> memref<1x128x128xf32, #tpu.memory_space<vmem>>
      %dma_start3A_675 = tpu.memref_squeeze %dma_start3A_674 : memref<1x128x128xf32, #tpu.memory_space<vmem>> -> memref<128x128xf32, #tpu.memory_space<vmem>>
      %dma_start3A_676 = arith.constant 0 : i32
      %dma_start3A_677 = tpu.memref_slice %arg8[%dma_start3A_670, %dma_start3A_671, %dma_start3A_676] : memref<2x8x128xi32, #tpu.memory_space<vmem>> -> memref<1x1x128xi32, #tpu.memory_space<vmem>>
      %dma_start3A_678 = tpu.memref_squeeze %dma_start3A_677 : memref<1x1x128xi32, #tpu.memory_space<vmem>> -> memref<128xi32, #tpu.memory_space<vmem>>
      %dma_start3A_679 = arith.constant 0 : i32
      %dma_start3A_680 = arith.constant 0 : i32
      %dma_start3A_681 = tpu.memref_slice %arg6[%dma_start3A_679, %dma_start3A_680] : memref<10240x128xf32, #tpu.memory_space<vmem_shared>> -> memref<10240x128xf32, #tpu.memory_space<vmem_shared>>
      tpu.enqueue_indirect_dma source(%dma_start3A_675 : memref<128x128xf32, #tpu.memory_space<vmem>>) target(%dma_start3A_681 : memref<10240x128xf32, #tpu.memory_space<vmem_shared>>) offsets(%dma_start3A_678 : memref<128xi32, #tpu.memory_space<vmem>>) semaphore(%arg14 : memref<!tpu.dma_semaphore, #tpu.memory_space<semaphore_mem>>) {add = true}
      %dma_wait3A_682 = arith.constant 0 : i32
      %dma_wait3A_683 = arith.constant 1 : i32
      %dma_wait3A_684 = arith.constant 2 : i32
      %dma_wait3A_685 = arith.constant 0 : i32
      %dma_wait3A_686 = arith.constant 0 : i32
      %dma_wait3A_687 = tpu.memref_slice %arg9[%dma_wait3A_682, %dma_wait3A_685, %dma_wait3A_686] : memref<2x128x128xf32, #tpu.memory_space<vmem>> -> memref<1x128x128xf32, #tpu.memory_space<vmem>>
      %dma_wait3A_688 = tpu.memref_squeeze %dma_wait3A_687 : memref<1x128x128xf32, #tpu.memory_space<vmem>> -> memref<128x128xf32, #tpu.memory_space<vmem>>
      %dma_wait3A_689 = arith.constant 0 : i32
      %dma_wait3A_690 = tpu.memref_slice %arg8[%dma_wait3A_683, %dma_wait3A_684, %dma_wait3A_689] : memref<2x8x128xi32, #tpu.memory_space<vmem>> -> memref<1x1x128xi32, #tpu.memory_space<vmem>>
      %dma_wait3A_691 = tpu.memref_squeeze %dma_wait3A_690 : memref<1x1x128xi32, #tpu.memory_space<vmem>> -> memref<128xi32, #tpu.memory_space<vmem>>
      %dma_wait3A_692 = arith.constant 0 : i32
      %dma_wait3A_693 = arith.constant 0 : i32
      %dma_wait3A_694 = tpu.memref_slice %arg6[%dma_wait3A_692, %dma_wait3A_693] : memref<10240x128xf32, #tpu.memory_space<vmem_shared>> -> memref<10240x128xf32, #tpu.memory_space<vmem_shared>>
      tpu.wait_indirect_dma semaphore(%arg14 : memref<!tpu.dma_semaphore, #tpu.memory_space<semaphore_mem>>) src(%dma_wait3A_688 : memref<128x128xf32, #tpu.memory_space<vmem>>) dst(%dma_wait3A_694 : memref<10240x128xf32, #tpu.memory_space<vmem_shared>>)
      %dma_start3A_695 = arith.constant 1 : i32
      %dma_start3A_696 = arith.constant 4 : i32
      %dma_start3A_697 = arith.constant 0 : i32
      %dma_start3A_698 = arith.constant 0 : i32
      %dma_start3A_699 = arith.constant 0 : i32
      %dma_start3A_700 = tpu.memref_slice %arg9[%dma_start3A_697, %dma_start3A_698, %dma_start3A_699] : memref<2x128x128xf32, #tpu.memory_space<vmem>> -> memref<1x128x128xf32, #tpu.memory_space<vmem>>
      %dma_start3A_701 = tpu.memref_squeeze %dma_start3A_700 : memref<1x128x128xf32, #tpu.memory_space<vmem>> -> memref<128x128xf32, #tpu.memory_space<vmem>>
      %dma_start3A_702 = arith.constant 0 : i32
      %dma_start3A_703 = tpu.memref_slice %arg7[%dma_start3A_695, %dma_start3A_696, %dma_start3A_702] : memref<2x8x128xi32, #tpu.memory_space<vmem>> -> memref<1x1x128xi32, #tpu.memory_space<vmem>>
      %dma_start3A_704 = tpu.memref_squeeze %dma_start3A_703 : memref<1x1x128xi32, #tpu.memory_space<vmem>> -> memref<128xi32, #tpu.memory_space<vmem>>
      %dma_start3A_705 = arith.constant 0 : i32
      %dma_start3A_706 = arith.constant 0 : i32
      %dma_start3A_707 = tpu.memref_slice %arg2[%dma_start3A_705, %dma_start3A_706] : memref<10240x128xf32, #tpu.memory_space<hbm>> -> memref<10240x128xf32, #tpu.memory_space<hbm>>
      tpu.enqueue_indirect_dma source(%dma_start3A_707 : memref<10240x128xf32, #tpu.memory_space<hbm>>) target(%dma_start3A_701 : memref<128x128xf32, #tpu.memory_space<vmem>>) offsets(%dma_start3A_704 : memref<128xi32, #tpu.memory_space<vmem>>) semaphore(%arg12 : memref<!tpu.dma_semaphore, #tpu.memory_space<semaphore_mem>>)
      %dma_wait3A_708 = arith.constant 1 : i32
      %dma_wait3A_709 = arith.constant 3 : i32
      %dma_wait3A_710 = arith.constant 1 : i32
      %dma_wait3A_711 = arith.constant 0 : i32
      %dma_wait3A_712 = arith.constant 0 : i32
      %dma_wait3A_713 = tpu.memref_slice %arg9[%dma_wait3A_710, %dma_wait3A_711, %dma_wait3A_712] : memref<2x128x128xf32, #tpu.memory_space<vmem>> -> memref<1x128x128xf32, #tpu.memory_space<vmem>>
      %dma_wait3A_714 = tpu.memref_squeeze %dma_wait3A_713 : memref<1x128x128xf32, #tpu.memory_space<vmem>> -> memref<128x128xf32, #tpu.memory_space<vmem>>
      %dma_wait3A_715 = arith.constant 0 : i32
      %dma_wait3A_716 = tpu.memref_slice %arg7[%dma_wait3A_708, %dma_wait3A_709, %dma_wait3A_715] : memref<2x8x128xi32, #tpu.memory_space<vmem>> -> memref<1x1x128xi32, #tpu.memory_space<vmem>>
      %dma_wait3A_717 = tpu.memref_squeeze %dma_wait3A_716 : memref<1x1x128xi32, #tpu.memory_space<vmem>> -> memref<128xi32, #tpu.memory_space<vmem>>
      %dma_wait3A_718 = arith.constant 0 : i32
      %dma_wait3A_719 = arith.constant 0 : i32
      %dma_wait3A_720 = tpu.memref_slice %arg2[%dma_wait3A_718, %dma_wait3A_719] : memref<10240x128xf32, #tpu.memory_space<hbm>> -> memref<10240x128xf32, #tpu.memory_space<hbm>>
      tpu.wait_indirect_dma semaphore(%arg13 : memref<!tpu.dma_semaphore, #tpu.memory_space<semaphore_mem>>) src(%dma_wait3A_720 : memref<10240x128xf32, #tpu.memory_space<hbm>>) dst(%dma_wait3A_714 : memref<128x128xf32, #tpu.memory_space<vmem>>)
      %dma_start3A_721 = arith.constant 1 : i32
      %dma_start3A_722 = arith.constant 1 : i32
      %dma_start3A_723 = arith.constant 3 : i32
      %dma_start3A_724 = arith.constant 0 : i32
      %dma_start3A_725 = arith.constant 0 : i32
      %dma_start3A_726 = tpu.memref_slice %arg9[%dma_start3A_721, %dma_start3A_724, %dma_start3A_725] : memref<2x128x128xf32, #tpu.memory_space<vmem>> -> memref<1x128x128xf32, #tpu.memory_space<vmem>>
      %dma_start3A_727 = tpu.memref_squeeze %dma_start3A_726 : memref<1x128x128xf32, #tpu.memory_space<vmem>> -> memref<128x128xf32, #tpu.memory_space<vmem>>
      %dma_start3A_728 = arith.constant 0 : i32
      %dma_start3A_729 = tpu.memref_slice %arg8[%dma_start3A_722, %dma_start3A_723, %dma_start3A_728] : memref<2x8x128xi32, #tpu.memory_space<vmem>> -> memref<1x1x128xi32, #tpu.memory_space<vmem>>
      %dma_start3A_730 = tpu.memref_squeeze %dma_start3A_729 : memref<1x1x128xi32, #tpu.memory_space<vmem>> -> memref<128xi32, #tpu.memory_space<vmem>>
      %dma_start3A_731 = arith.constant 0 : i32
      %dma_start3A_732 = arith.constant 0 : i32
      %dma_start3A_733 = tpu.memref_slice %arg6[%dma_start3A_731, %dma_start3A_732] : memref<10240x128xf32, #tpu.memory_space<vmem_shared>> -> memref<10240x128xf32, #tpu.memory_space<vmem_shared>>
      tpu.enqueue_indirect_dma source(%dma_start3A_727 : memref<128x128xf32, #tpu.memory_space<vmem>>) target(%dma_start3A_733 : memref<10240x128xf32, #tpu.memory_space<vmem_shared>>) offsets(%dma_start3A_730 : memref<128xi32, #tpu.memory_space<vmem>>) semaphore(%arg15 : memref<!tpu.dma_semaphore, #tpu.memory_space<semaphore_mem>>) {add = true}
      %dma_wait3A_734 = arith.constant 1 : i32
      %dma_wait3A_735 = arith.constant 1 : i32
      %dma_wait3A_736 = arith.constant 3 : i32
      %dma_wait3A_737 = arith.constant 0 : i32
      %dma_wait3A_738 = arith.constant 0 : i32
      %dma_wait3A_739 = tpu.memref_slice %arg9[%dma_wait3A_734, %dma_wait3A_737, %dma_wait3A_738] : memref<2x128x128xf32, #tpu.memory_space<vmem>> -> memref<1x128x128xf32, #tpu.memory_space<vmem>>
      %dma_wait3A_740 = tpu.memref_squeeze %dma_wait3A_739 : memref<1x128x128xf32, #tpu.memory_space<vmem>> -> memref<128x128xf32, #tpu.memory_space<vmem>>
      %dma_wait3A_741 = arith.constant 0 : i32
      %dma_wait3A_742 = tpu.memref_slice %arg8[%dma_wait3A_735, %dma_wait3A_736, %dma_wait3A_741] : memref<2x8x128xi32, #tpu.memory_space<vmem>> -> memref<1x1x128xi32, #tpu.memory_space<vmem>>
      %dma_wait3A_743 = tpu.memref_squeeze %dma_wait3A_742 : memref<1x1x128xi32, #tpu.memory_space<vmem>> -> memref<128xi32, #tpu.memory_space<vmem>>
      %dma_wait3A_744 = arith.constant 0 : i32
      %dma_wait3A_745 = arith.constant 0 : i32
      %dma_wait3A_746 = tpu.memref_slice %arg6[%dma_wait3A_744, %dma_wait3A_745] : memref<10240x128xf32, #tpu.memory_space<vmem_shared>> -> memref<10240x128xf32, #tpu.memory_space<vmem_shared>>
      tpu.wait_indirect_dma semaphore(%arg15 : memref<!tpu.dma_semaphore, #tpu.memory_space<semaphore_mem>>) src(%dma_wait3A_740 : memref<128x128xf32, #tpu.memory_space<vmem>>) dst(%dma_wait3A_746 : memref<10240x128xf32, #tpu.memory_space<vmem_shared>>)
      %dma_start3A_747 = arith.constant 1 : i32
      %dma_start3A_748 = arith.constant 5 : i32
      %dma_start3A_749 = arith.constant 1 : i32
      %dma_start3A_750 = arith.constant 0 : i32
      %dma_start3A_751 = arith.constant 0 : i32
      %dma_start3A_752 = tpu.memref_slice %arg9[%dma_start3A_749, %dma_start3A_750, %dma_start3A_751] : memref<2x128x128xf32, #tpu.memory_space<vmem>> -> memref<1x128x128xf32, #tpu.memory_space<vmem>>
      %dma_start3A_753 = tpu.memref_squeeze %dma_start3A_752 : memref<1x128x128xf32, #tpu.memory_space<vmem>> -> memref<128x128xf32, #tpu.memory_space<vmem>>
      %dma_start3A_754 = arith.constant 0 : i32
      %dma_start3A_755 = tpu.memref_slice %arg7[%dma_start3A_747, %dma_start3A_748, %dma_start3A_754] : memref<2x8x128xi32, #tpu.memory_space<vmem>> -> memref<1x1x128xi32, #tpu.memory_space<vmem>>
      %dma_start3A_756 = tpu.memref_squeeze %dma_start3A_755 : memref<1x1x128xi32, #tpu.memory_space<vmem>> -> memref<128xi32, #tpu.memory_space<vmem>>
      %dma_start3A_757 = arith.constant 0 : i32
      %dma_start3A_758 = arith.constant 0 : i32
      %dma_start3A_759 = tpu.memref_slice %arg2[%dma_start3A_757, %dma_start3A_758] : memref<10240x128xf32, #tpu.memory_space<hbm>> -> memref<10240x128xf32, #tpu.memory_space<hbm>>
      tpu.enqueue_indirect_dma source(%dma_start3A_759 : memref<10240x128xf32, #tpu.memory_space<hbm>>) target(%dma_start3A_753 : memref<128x128xf32, #tpu.memory_space<vmem>>) offsets(%dma_start3A_756 : memref<128xi32, #tpu.memory_space<vmem>>) semaphore(%arg13 : memref<!tpu.dma_semaphore, #tpu.memory_space<semaphore_mem>>)
      %dma_wait3A_760 = arith.constant 1 : i32
      %dma_wait3A_761 = arith.constant 4 : i32
      %dma_wait3A_762 = arith.constant 0 : i32
      %dma_wait3A_763 = arith.constant 0 : i32
      %dma_wait3A_764 = arith.constant 0 : i32
      %dma_wait3A_765 = tpu.memref_slice %arg9[%dma_wait3A_762, %dma_wait3A_763, %dma_wait3A_764] : memref<2x128x128xf32, #tpu.memory_space<vmem>> -> memref<1x128x128xf32, #tpu.memory_space<vmem>>
      %dma_wait3A_766 = tpu.memref_squeeze %dma_wait3A_765 : memref<1x128x128xf32, #tpu.memory_space<vmem>> -> memref<128x128xf32, #tpu.memory_space<vmem>>
      %dma_wait3A_767 = arith.constant 0 : i32
      %dma_wait3A_768 = tpu.memref_slice %arg7[%dma_wait3A_760, %dma_wait3A_761, %dma_wait3A_767] : memref<2x8x128xi32, #tpu.memory_space<vmem>> -> memref<1x1x128xi32, #tpu.memory_space<vmem>>
      %dma_wait3A_769 = tpu.memref_squeeze %dma_wait3A_768 : memref<1x1x128xi32, #tpu.memory_space<vmem>> -> memref<128xi32, #tpu.memory_space<vmem>>
      %dma_wait3A_770 = arith.constant 0 : i32
      %dma_wait3A_771 = arith.constant 0 : i32
      %dma_wait3A_772 = tpu.memref_slice %arg2[%dma_wait3A_770, %dma_wait3A_771] : memref<10240x128xf32, #tpu.memory_space<hbm>> -> memref<10240x128xf32, #tpu.memory_space<hbm>>
      tpu.wait_indirect_dma semaphore(%arg12 : memref<!tpu.dma_semaphore, #tpu.memory_space<semaphore_mem>>) src(%dma_wait3A_772 : memref<10240x128xf32, #tpu.memory_space<hbm>>) dst(%dma_wait3A_766 : memref<128x128xf32, #tpu.memory_space<vmem>>)
      %dma_start3A_773 = arith.constant 0 : i32
      %dma_start3A_774 = arith.constant 1 : i32
      %dma_start3A_775 = arith.constant 4 : i32
      %dma_start3A_776 = arith.constant 0 : i32
      %dma_start3A_777 = arith.constant 0 : i32
      %dma_start3A_778 = tpu.memref_slice %arg9[%dma_start3A_773, %dma_start3A_776, %dma_start3A_777] : memref<2x128x128xf32, #tpu.memory_space<vmem>> -> memref<1x128x128xf32, #tpu.memory_space<vmem>>
      %dma_start3A_779 = tpu.memref_squeeze %dma_start3A_778 : memref<1x128x128xf32, #tpu.memory_space<vmem>> -> memref<128x128xf32, #tpu.memory_space<vmem>>
      %dma_start3A_780 = arith.constant 0 : i32
      %dma_start3A_781 = tpu.memref_slice %arg8[%dma_start3A_774, %dma_start3A_775, %dma_start3A_780] : memref<2x8x128xi32, #tpu.memory_space<vmem>> -> memref<1x1x128xi32, #tpu.memory_space<vmem>>
      %dma_start3A_782 = tpu.memref_squeeze %dma_start3A_781 : memref<1x1x128xi32, #tpu.memory_space<vmem>> -> memref<128xi32, #tpu.memory_space<vmem>>
      %dma_start3A_783 = arith.constant 0 : i32
      %dma_start3A_784 = arith.constant 0 : i32
      %dma_start3A_785 = tpu.memref_slice %arg6[%dma_start3A_783, %dma_start3A_784] : memref<10240x128xf32, #tpu.memory_space<vmem_shared>> -> memref<10240x128xf32, #tpu.memory_space<vmem_shared>>
      tpu.enqueue_indirect_dma source(%dma_start3A_779 : memref<128x128xf32, #tpu.memory_space<vmem>>) target(%dma_start3A_785 : memref<10240x128xf32, #tpu.memory_space<vmem_shared>>) offsets(%dma_start3A_782 : memref<128xi32, #tpu.memory_space<vmem>>) semaphore(%arg14 : memref<!tpu.dma_semaphore, #tpu.memory_space<semaphore_mem>>) {add = true}
      %dma_wait3A_786 = arith.constant 0 : i32
      %dma_wait3A_787 = arith.constant 1 : i32
      %dma_wait3A_788 = arith.constant 4 : i32
      %dma_wait3A_789 = arith.constant 0 : i32
      %dma_wait3A_790 = arith.constant 0 : i32
      %dma_wait3A_791 = tpu.memref_slice %arg9[%dma_wait3A_786, %dma_wait3A_789, %dma_wait3A_790] : memref<2x128x128xf32, #tpu.memory_space<vmem>> -> memref<1x128x128xf32, #tpu.memory_space<vmem>>
      %dma_wait3A_792 = tpu.memref_squeeze %dma_wait3A_791 : memref<1x128x128xf32, #tpu.memory_space<vmem>> -> memref<128x128xf32, #tpu.memory_space<vmem>>
      %dma_wait3A_793 = arith.constant 0 : i32
      %dma_wait3A_794 = tpu.memref_slice %arg8[%dma_wait3A_787, %dma_wait3A_788, %dma_wait3A_793] : memref<2x8x128xi32, #tpu.memory_space<vmem>> -> memref<1x1x128xi32, #tpu.memory_space<vmem>>
      %dma_wait3A_795 = tpu.memref_squeeze %dma_wait3A_794 : memref<1x1x128xi32, #tpu.memory_space<vmem>> -> memref<128xi32, #tpu.memory_space<vmem>>
      %dma_wait3A_796 = arith.constant 0 : i32
      %dma_wait3A_797 = arith.constant 0 : i32
      %dma_wait3A_798 = tpu.memref_slice %arg6[%dma_wait3A_796, %dma_wait3A_797] : memref<10240x128xf32, #tpu.memory_space<vmem_shared>> -> memref<10240x128xf32, #tpu.memory_space<vmem_shared>>
      tpu.wait_indirect_dma semaphore(%arg14 : memref<!tpu.dma_semaphore, #tpu.memory_space<semaphore_mem>>) src(%dma_wait3A_792 : memref<128x128xf32, #tpu.memory_space<vmem>>) dst(%dma_wait3A_798 : memref<10240x128xf32, #tpu.memory_space<vmem_shared>>)
      %dma_start3A_799 = arith.constant 1 : i32
      %dma_start3A_800 = arith.constant 6 : i32
      %dma_start3A_801 = arith.constant 0 : i32
      %dma_start3A_802 = arith.constant 0 : i32
      %dma_start3A_803 = arith.constant 0 : i32
      %dma_start3A_804 = tpu.memref_slice %arg9[%dma_start3A_801, %dma_start3A_802, %dma_start3A_803] : memref<2x128x128xf32, #tpu.memory_space<vmem>> -> memref<1x128x128xf32, #tpu.memory_space<vmem>>
      %dma_start3A_805 = tpu.memref_squeeze %dma_start3A_804 : memref<1x128x128xf32, #tpu.memory_space<vmem>> -> memref<128x128xf32, #tpu.memory_space<vmem>>
      %dma_start3A_806 = arith.constant 0 : i32
      %dma_start3A_807 = tpu.memref_slice %arg7[%dma_start3A_799, %dma_start3A_800, %dma_start3A_806] : memref<2x8x128xi32, #tpu.memory_space<vmem>> -> memref<1x1x128xi32, #tpu.memory_space<vmem>>
      %dma_start3A_808 = tpu.memref_squeeze %dma_start3A_807 : memref<1x1x128xi32, #tpu.memory_space<vmem>> -> memref<128xi32, #tpu.memory_space<vmem>>
      %dma_start3A_809 = arith.constant 0 : i32
      %dma_start3A_810 = arith.constant 0 : i32
      %dma_start3A_811 = tpu.memref_slice %arg2[%dma_start3A_809, %dma_start3A_810] : memref<10240x128xf32, #tpu.memory_space<hbm>> -> memref<10240x128xf32, #tpu.memory_space<hbm>>
      tpu.enqueue_indirect_dma source(%dma_start3A_811 : memref<10240x128xf32, #tpu.memory_space<hbm>>) target(%dma_start3A_805 : memref<128x128xf32, #tpu.memory_space<vmem>>) offsets(%dma_start3A_808 : memref<128xi32, #tpu.memory_space<vmem>>) semaphore(%arg12 : memref<!tpu.dma_semaphore, #tpu.memory_space<semaphore_mem>>)
      %dma_wait3A_812 = arith.constant 1 : i32
      %dma_wait3A_813 = arith.constant 5 : i32
      %dma_wait3A_814 = arith.constant 1 : i32
      %dma_wait3A_815 = arith.constant 0 : i32
      %dma_wait3A_816 = arith.constant 0 : i32
      %dma_wait3A_817 = tpu.memref_slice %arg9[%dma_wait3A_814, %dma_wait3A_815, %dma_wait3A_816] : memref<2x128x128xf32, #tpu.memory_space<vmem>> -> memref<1x128x128xf32, #tpu.memory_space<vmem>>
      %dma_wait3A_818 = tpu.memref_squeeze %dma_wait3A_817 : memref<1x128x128xf32, #tpu.memory_space<vmem>> -> memref<128x128xf32, #tpu.memory_space<vmem>>
      %dma_wait3A_819 = arith.constant 0 : i32
      %dma_wait3A_820 = tpu.memref_slice %arg7[%dma_wait3A_812, %dma_wait3A_813, %dma_wait3A_819] : memref<2x8x128xi32, #tpu.memory_space<vmem>> -> memref<1x1x128xi32, #tpu.memory_space<vmem>>
      %dma_wait3A_821 = tpu.memref_squeeze %dma_wait3A_820 : memref<1x1x128xi32, #tpu.memory_space<vmem>> -> memref<128xi32, #tpu.memory_space<vmem>>
      %dma_wait3A_822 = arith.constant 0 : i32
      %dma_wait3A_823 = arith.constant 0 : i32
      %dma_wait3A_824 = tpu.memref_slice %arg2[%dma_wait3A_822, %dma_wait3A_823] : memref<10240x128xf32, #tpu.memory_space<hbm>> -> memref<10240x128xf32, #tpu.memory_space<hbm>>
      tpu.wait_indirect_dma semaphore(%arg13 : memref<!tpu.dma_semaphore, #tpu.memory_space<semaphore_mem>>) src(%dma_wait3A_824 : memref<10240x128xf32, #tpu.memory_space<hbm>>) dst(%dma_wait3A_818 : memref<128x128xf32, #tpu.memory_space<vmem>>)
      %dma_start3A_825 = arith.constant 1 : i32
      %dma_start3A_826 = arith.constant 1 : i32
      %dma_start3A_827 = arith.constant 5 : i32
      %dma_start3A_828 = arith.constant 0 : i32
      %dma_start3A_829 = arith.constant 0 : i32
      %dma_start3A_830 = tpu.memref_slice %arg9[%dma_start3A_825, %dma_start3A_828, %dma_start3A_829] : memref<2x128x128xf32, #tpu.memory_space<vmem>> -> memref<1x128x128xf32, #tpu.memory_space<vmem>>
      %dma_start3A_831 = tpu.memref_squeeze %dma_start3A_830 : memref<1x128x128xf32, #tpu.memory_space<vmem>> -> memref<128x128xf32, #tpu.memory_space<vmem>>
      %dma_start3A_832 = arith.constant 0 : i32
      %dma_start3A_833 = tpu.memref_slice %arg8[%dma_start3A_826, %dma_start3A_827, %dma_start3A_832] : memref<2x8x128xi32, #tpu.memory_space<vmem>> -> memref<1x1x128xi32, #tpu.memory_space<vmem>>
      %dma_start3A_834 = tpu.memref_squeeze %dma_start3A_833 : memref<1x1x128xi32, #tpu.memory_space<vmem>> -> memref<128xi32, #tpu.memory_space<vmem>>
      %dma_start3A_835 = arith.constant 0 : i32
      %dma_start3A_836 = arith.constant 0 : i32
      %dma_start3A_837 = tpu.memref_slice %arg6[%dma_start3A_835, %dma_start3A_836] : memref<10240x128xf32, #tpu.memory_space<vmem_shared>> -> memref<10240x128xf32, #tpu.memory_space<vmem_shared>>
      tpu.enqueue_indirect_dma source(%dma_start3A_831 : memref<128x128xf32, #tpu.memory_space<vmem>>) target(%dma_start3A_837 : memref<10240x128xf32, #tpu.memory_space<vmem_shared>>) offsets(%dma_start3A_834 : memref<128xi32, #tpu.memory_space<vmem>>) semaphore(%arg15 : memref<!tpu.dma_semaphore, #tpu.memory_space<semaphore_mem>>) {add = true}
      %dma_wait3A_838 = arith.constant 1 : i32
      %dma_wait3A_839 = arith.constant 1 : i32
      %dma_wait3A_840 = arith.constant 5 : i32
      %dma_wait3A_841 = arith.constant 0 : i32
      %dma_wait3A_842 = arith.constant 0 : i32
      %dma_wait3A_843 = tpu.memref_slice %arg9[%dma_wait3A_838, %dma_wait3A_841, %dma_wait3A_842] : memref<2x128x128xf32, #tpu.memory_space<vmem>> -> memref<1x128x128xf32, #tpu.memory_space<vmem>>
      %dma_wait3A_844 = tpu.memref_squeeze %dma_wait3A_843 : memref<1x128x128xf32, #tpu.memory_space<vmem>> -> memref<128x128xf32, #tpu.memory_space<vmem>>
      %dma_wait3A_845 = arith.constant 0 : i32
      %dma_wait3A_846 = tpu.memref_slice %arg8[%dma_wait3A_839, %dma_wait3A_840, %dma_wait3A_845] : memref<2x8x128xi32, #tpu.memory_space<vmem>> -> memref<1x1x128xi32, #tpu.memory_space<vmem>>
      %dma_wait3A_847 = tpu.memref_squeeze %dma_wait3A_846 : memref<1x1x128xi32, #tpu.memory_space<vmem>> -> memref<128xi32, #tpu.memory_space<vmem>>
      %dma_wait3A_848 = arith.constant 0 : i32
      %dma_wait3A_849 = arith.constant 0 : i32
      %dma_wait3A_850 = tpu.memref_slice %arg6[%dma_wait3A_848, %dma_wait3A_849] : memref<10240x128xf32, #tpu.memory_space<vmem_shared>> -> memref<10240x128xf32, #tpu.memory_space<vmem_shared>>
      tpu.wait_indirect_dma semaphore(%arg15 : memref<!tpu.dma_semaphore, #tpu.memory_space<semaphore_mem>>) src(%dma_wait3A_844 : memref<128x128xf32, #tpu.memory_space<vmem>>) dst(%dma_wait3A_850 : memref<10240x128xf32, #tpu.memory_space<vmem_shared>>)
      %dma_start3A_851 = arith.constant 1 : i32
      %dma_start3A_852 = arith.constant 7 : i32
      %dma_start3A_853 = arith.constant 1 : i32
      %dma_start3A_854 = arith.constant 0 : i32
      %dma_start3A_855 = arith.constant 0 : i32
      %dma_start3A_856 = tpu.memref_slice %arg9[%dma_start3A_853, %dma_start3A_854, %dma_start3A_855] : memref<2x128x128xf32, #tpu.memory_space<vmem>> -> memref<1x128x128xf32, #tpu.memory_space<vmem>>
      %dma_start3A_857 = tpu.memref_squeeze %dma_start3A_856 : memref<1x128x128xf32, #tpu.memory_space<vmem>> -> memref<128x128xf32, #tpu.memory_space<vmem>>
      %dma_start3A_858 = arith.constant 0 : i32
      %dma_start3A_859 = tpu.memref_slice %arg7[%dma_start3A_851, %dma_start3A_852, %dma_start3A_858] : memref<2x8x128xi32, #tpu.memory_space<vmem>> -> memref<1x1x128xi32, #tpu.memory_space<vmem>>
      %dma_start3A_860 = tpu.memref_squeeze %dma_start3A_859 : memref<1x1x128xi32, #tpu.memory_space<vmem>> -> memref<128xi32, #tpu.memory_space<vmem>>
      %dma_start3A_861 = arith.constant 0 : i32
      %dma_start3A_862 = arith.constant 0 : i32
      %dma_start3A_863 = tpu.memref_slice %arg2[%dma_start3A_861, %dma_start3A_862] : memref<10240x128xf32, #tpu.memory_space<hbm>> -> memref<10240x128xf32, #tpu.memory_space<hbm>>
      tpu.enqueue_indirect_dma source(%dma_start3A_863 : memref<10240x128xf32, #tpu.memory_space<hbm>>) target(%dma_start3A_857 : memref<128x128xf32, #tpu.memory_space<vmem>>) offsets(%dma_start3A_860 : memref<128xi32, #tpu.memory_space<vmem>>) semaphore(%arg13 : memref<!tpu.dma_semaphore, #tpu.memory_space<semaphore_mem>>)
      %dma_wait3A_864 = arith.constant 1 : i32
      %dma_wait3A_865 = arith.constant 6 : i32
      %dma_wait3A_866 = arith.constant 0 : i32
      %dma_wait3A_867 = arith.constant 0 : i32
      %dma_wait3A_868 = arith.constant 0 : i32
      %dma_wait3A_869 = tpu.memref_slice %arg9[%dma_wait3A_866, %dma_wait3A_867, %dma_wait3A_868] : memref<2x128x128xf32, #tpu.memory_space<vmem>> -> memref<1x128x128xf32, #tpu.memory_space<vmem>>
      %dma_wait3A_870 = tpu.memref_squeeze %dma_wait3A_869 : memref<1x128x128xf32, #tpu.memory_space<vmem>> -> memref<128x128xf32, #tpu.memory_space<vmem>>
      %dma_wait3A_871 = arith.constant 0 : i32
      %dma_wait3A_872 = tpu.memref_slice %arg7[%dma_wait3A_864, %dma_wait3A_865, %dma_wait3A_871] : memref<2x8x128xi32, #tpu.memory_space<vmem>> -> memref<1x1x128xi32, #tpu.memory_space<vmem>>
      %dma_wait3A_873 = tpu.memref_squeeze %dma_wait3A_872 : memref<1x1x128xi32, #tpu.memory_space<vmem>> -> memref<128xi32, #tpu.memory_space<vmem>>
      %dma_wait3A_874 = arith.constant 0 : i32
      %dma_wait3A_875 = arith.constant 0 : i32
      %dma_wait3A_876 = tpu.memref_slice %arg2[%dma_wait3A_874, %dma_wait3A_875] : memref<10240x128xf32, #tpu.memory_space<hbm>> -> memref<10240x128xf32, #tpu.memory_space<hbm>>
      tpu.wait_indirect_dma semaphore(%arg12 : memref<!tpu.dma_semaphore, #tpu.memory_space<semaphore_mem>>) src(%dma_wait3A_876 : memref<10240x128xf32, #tpu.memory_space<hbm>>) dst(%dma_wait3A_870 : memref<128x128xf32, #tpu.memory_space<vmem>>)
      %dma_start3A_877 = arith.constant 0 : i32
      %dma_start3A_878 = arith.constant 1 : i32
      %dma_start3A_879 = arith.constant 6 : i32
      %dma_start3A_880 = arith.constant 0 : i32
      %dma_start3A_881 = arith.constant 0 : i32
      %dma_start3A_882 = tpu.memref_slice %arg9[%dma_start3A_877, %dma_start3A_880, %dma_start3A_881] : memref<2x128x128xf32, #tpu.memory_space<vmem>> -> memref<1x128x128xf32, #tpu.memory_space<vmem>>
      %dma_start3A_883 = tpu.memref_squeeze %dma_start3A_882 : memref<1x128x128xf32, #tpu.memory_space<vmem>> -> memref<128x128xf32, #tpu.memory_space<vmem>>
      %dma_start3A_884 = arith.constant 0 : i32
      %dma_start3A_885 = tpu.memref_slice %arg8[%dma_start3A_878, %dma_start3A_879, %dma_start3A_884] : memref<2x8x128xi32, #tpu.memory_space<vmem>> -> memref<1x1x128xi32, #tpu.memory_space<vmem>>
      %dma_start3A_886 = tpu.memref_squeeze %dma_start3A_885 : memref<1x1x128xi32, #tpu.memory_space<vmem>> -> memref<128xi32, #tpu.memory_space<vmem>>
      %dma_start3A_887 = arith.constant 0 : i32
      %dma_start3A_888 = arith.constant 0 : i32
      %dma_start3A_889 = tpu.memref_slice %arg6[%dma_start3A_887, %dma_start3A_888] : memref<10240x128xf32, #tpu.memory_space<vmem_shared>> -> memref<10240x128xf32, #tpu.memory_space<vmem_shared>>
      tpu.enqueue_indirect_dma source(%dma_start3A_883 : memref<128x128xf32, #tpu.memory_space<vmem>>) target(%dma_start3A_889 : memref<10240x128xf32, #tpu.memory_space<vmem_shared>>) offsets(%dma_start3A_886 : memref<128xi32, #tpu.memory_space<vmem>>) semaphore(%arg14 : memref<!tpu.dma_semaphore, #tpu.memory_space<semaphore_mem>>) {add = true}
      %dma_wait3A_890 = arith.constant 0 : i32
      %dma_wait3A_891 = arith.constant 1 : i32
      %dma_wait3A_892 = arith.constant 6 : i32
      %dma_wait3A_893 = arith.constant 0 : i32
      %dma_wait3A_894 = arith.constant 0 : i32
      %dma_wait3A_895 = tpu.memref_slice %arg9[%dma_wait3A_890, %dma_wait3A_893, %dma_wait3A_894] : memref<2x128x128xf32, #tpu.memory_space<vmem>> -> memref<1x128x128xf32, #tpu.memory_space<vmem>>
      %dma_wait3A_896 = tpu.memref_squeeze %dma_wait3A_895 : memref<1x128x128xf32, #tpu.memory_space<vmem>> -> memref<128x128xf32, #tpu.memory_space<vmem>>
      %dma_wait3A_897 = arith.constant 0 : i32
      %dma_wait3A_898 = tpu.memref_slice %arg8[%dma_wait3A_891, %dma_wait3A_892, %dma_wait3A_897] : memref<2x8x128xi32, #tpu.memory_space<vmem>> -> memref<1x1x128xi32, #tpu.memory_space<vmem>>
      %dma_wait3A_899 = tpu.memref_squeeze %dma_wait3A_898 : memref<1x1x128xi32, #tpu.memory_space<vmem>> -> memref<128xi32, #tpu.memory_space<vmem>>
      %dma_wait3A_900 = arith.constant 0 : i32
      %dma_wait3A_901 = arith.constant 0 : i32
      %dma_wait3A_902 = tpu.memref_slice %arg6[%dma_wait3A_900, %dma_wait3A_901] : memref<10240x128xf32, #tpu.memory_space<vmem_shared>> -> memref<10240x128xf32, #tpu.memory_space<vmem_shared>>
      tpu.wait_indirect_dma semaphore(%arg14 : memref<!tpu.dma_semaphore, #tpu.memory_space<semaphore_mem>>) src(%dma_wait3A_896 : memref<128x128xf32, #tpu.memory_space<vmem>>) dst(%dma_wait3A_902 : memref<10240x128xf32, #tpu.memory_space<vmem_shared>>)
      %dma_wait3A_903 = arith.constant 1 : i32
      %dma_wait3A_904 = arith.constant 7 : i32
      %dma_wait3A_905 = arith.constant 1 : i32
      %dma_wait3A_906 = arith.constant 0 : i32
      %dma_wait3A_907 = arith.constant 0 : i32
      %dma_wait3A_908 = tpu.memref_slice %arg9[%dma_wait3A_905, %dma_wait3A_906, %dma_wait3A_907] : memref<2x128x128xf32, #tpu.memory_space<vmem>> -> memref<1x128x128xf32, #tpu.memory_space<vmem>>
      %dma_wait3A_909 = tpu.memref_squeeze %dma_wait3A_908 : memref<1x128x128xf32, #tpu.memory_space<vmem>> -> memref<128x128xf32, #tpu.memory_space<vmem>>
      %dma_wait3A_910 = arith.constant 0 : i32
      %dma_wait3A_911 = tpu.memref_slice %arg7[%dma_wait3A_903, %dma_wait3A_904, %dma_wait3A_910] : memref<2x8x128xi32, #tpu.memory_space<vmem>> -> memref<1x1x128xi32, #tpu.memory_space<vmem>>
      %dma_wait3A_912 = tpu.memref_squeeze %dma_wait3A_911 : memref<1x1x128xi32, #tpu.memory_space<vmem>> -> memref<128xi32, #tpu.memory_space<vmem>>
      %dma_wait3A_913 = arith.constant 0 : i32
      %dma_wait3A_914 = arith.constant 0 : i32
      %dma_wait3A_915 = tpu.memref_slice %arg2[%dma_wait3A_913, %dma_wait3A_914] : memref<10240x128xf32, #tpu.memory_space<hbm>> -> memref<10240x128xf32, #tpu.memory_space<hbm>>
      tpu.wait_indirect_dma semaphore(%arg13 : memref<!tpu.dma_semaphore, #tpu.memory_space<semaphore_mem>>) src(%dma_wait3A_915 : memref<10240x128xf32, #tpu.memory_space<hbm>>) dst(%dma_wait3A_909 : memref<128x128xf32, #tpu.memory_space<vmem>>)
      %dma_start3A_916 = arith.constant 1 : i32
      %dma_start3A_917 = arith.constant 1 : i32
      %dma_start3A_918 = arith.constant 7 : i32
      %dma_start3A_919 = arith.constant 0 : i32
      %dma_start3A_920 = arith.constant 0 : i32
      %dma_start3A_921 = tpu.memref_slice %arg9[%dma_start3A_916, %dma_start3A_919, %dma_start3A_920] : memref<2x128x128xf32, #tpu.memory_space<vmem>> -> memref<1x128x128xf32, #tpu.memory_space<vmem>>
      %dma_start3A_922 = tpu.memref_squeeze %dma_start3A_921 : memref<1x128x128xf32, #tpu.memory_space<vmem>> -> memref<128x128xf32, #tpu.memory_space<vmem>>
      %dma_start3A_923 = arith.constant 0 : i32
      %dma_start3A_924 = tpu.memref_slice %arg8[%dma_start3A_917, %dma_start3A_918, %dma_start3A_923] : memref<2x8x128xi32, #tpu.memory_space<vmem>> -> memref<1x1x128xi32, #tpu.memory_space<vmem>>
      %dma_start3A_925 = tpu.memref_squeeze %dma_start3A_924 : memref<1x1x128xi32, #tpu.memory_space<vmem>> -> memref<128xi32, #tpu.memory_space<vmem>>
      %dma_start3A_926 = arith.constant 0 : i32
      %dma_start3A_927 = arith.constant 0 : i32
      %dma_start3A_928 = tpu.memref_slice %arg6[%dma_start3A_926, %dma_start3A_927] : memref<10240x128xf32, #tpu.memory_space<vmem_shared>> -> memref<10240x128xf32, #tpu.memory_space<vmem_shared>>
      tpu.enqueue_indirect_dma source(%dma_start3A_922 : memref<128x128xf32, #tpu.memory_space<vmem>>) target(%dma_start3A_928 : memref<10240x128xf32, #tpu.memory_space<vmem_shared>>) offsets(%dma_start3A_925 : memref<128xi32, #tpu.memory_space<vmem>>) semaphore(%arg15 : memref<!tpu.dma_semaphore, #tpu.memory_space<semaphore_mem>>) {add = true}
      %dma_wait3A_929 = arith.constant 1 : i32
      %dma_wait3A_930 = arith.constant 1 : i32
      %dma_wait3A_931 = arith.constant 7 : i32
      %dma_wait3A_932 = arith.constant 0 : i32
      %dma_wait3A_933 = arith.constant 0 : i32
      %dma_wait3A_934 = tpu.memref_slice %arg9[%dma_wait3A_929, %dma_wait3A_932, %dma_wait3A_933] : memref<2x128x128xf32, #tpu.memory_space<vmem>> -> memref<1x128x128xf32, #tpu.memory_space<vmem>>
      %dma_wait3A_935 = tpu.memref_squeeze %dma_wait3A_934 : memref<1x128x128xf32, #tpu.memory_space<vmem>> -> memref<128x128xf32, #tpu.memory_space<vmem>>
      %dma_wait3A_936 = arith.constant 0 : i32
      %dma_wait3A_937 = tpu.memref_slice %arg8[%dma_wait3A_930, %dma_wait3A_931, %dma_wait3A_936] : memref<2x8x128xi32, #tpu.memory_space<vmem>> -> memref<1x1x128xi32, #tpu.memory_space<vmem>>
      %dma_wait3A_938 = tpu.memref_squeeze %dma_wait3A_937 : memref<1x1x128xi32, #tpu.memory_space<vmem>> -> memref<128xi32, #tpu.memory_space<vmem>>
      %dma_wait3A_939 = arith.constant 0 : i32
      %dma_wait3A_940 = arith.constant 0 : i32
      %dma_wait3A_941 = tpu.memref_slice %arg6[%dma_wait3A_939, %dma_wait3A_940] : memref<10240x128xf32, #tpu.memory_space<vmem_shared>> -> memref<10240x128xf32, #tpu.memory_space<vmem_shared>>
      tpu.wait_indirect_dma semaphore(%arg15 : memref<!tpu.dma_semaphore, #tpu.memory_space<semaphore_mem>>) src(%dma_wait3A_935 : memref<128x128xf32, #tpu.memory_space<vmem>>) dst(%dma_wait3A_941 : memref<10240x128xf32, #tpu.memory_space<vmem_shared>>)
      %add3A_942 = arith.constant 1 : i32
      %add3A_943 = arith.addi %add3A_518, %add3A_942 : i32
      %lt3A_944 = arith.constant 10 : i32
      %lt3A_945 = arith.cmpi slt, %add3A_943, %lt3A_944 : i32
      %convert_element_type3A_946 = arith.extui %lt3A_945 : i1 to i32
      %cond3A_947 = arith.constant 0 : i32
      %cond3A_948 = arith.cmpi ne, %convert_element_type3A_946, %cond3A_947 : i32
      scf.if %cond3A_948 {
        %add3A_949 = arith.constant 1 : i32
        %add3A_950 = arith.addi %add3A_518, %add3A_949 : i32
        %mul3A_951 = arith.constant 8 : i32
        %mul3A_952 = arith.muli %add3A_950, %mul3A_951 : i32
        %mul3A_953 = arith.constant 8 : i32
        %mul3A_954 = arith.muli %add3A_950, %mul3A_953 : i32
        %dma_wait3A_955 = arith.constant 0 : i32
        %dma_wait3A_956 = arith.constant 0 : i32
        %dma_wait3A_957 = arith.constant 0 : i32
        %dma_wait3A_958 = arith.constant 0 : i32
        %dma_wait3A_959 = tpu.memref_slice %arg7[%dma_wait3A_956, %dma_wait3A_957, %dma_wait3A_958] : memref<2x8x128xi32, #tpu.memory_space<vmem>> -> memref<1x8x128xi32, #tpu.memory_space<vmem>>
        %dma_wait3A_960 = tpu.memref_squeeze %dma_wait3A_959 : memref<1x8x128xi32, #tpu.memory_space<vmem>> -> memref<8x128xi32, #tpu.memory_space<vmem>>
        %dma_wait3A_961 = arith.constant 0 : i32
        %dma_wait3A_962 = tpu.memref_slice %arg3[%dma_wait3A_955, %add3A, %mul3A_952, %dma_wait3A_961] : memref<2x32x80x128xi32, #tpu.memory_space<hbm>> -> memref<1x1x8x128xi32, #tpu.memory_space<hbm>>
        %dma_wait3A_963 = tpu.memref_squeeze %dma_wait3A_962 : memref<1x1x8x128xi32, #tpu.memory_space<hbm>> -> memref<8x128xi32, #tpu.memory_space<hbm>>
        %dma_wait3A_964 = arith.constant 0 : i32
        %dma_wait3A_965 = arith.constant 0 : i32
        %dma_wait3A_966 = tpu.memref_slice %arg7[%dma_wait3A_956, %dma_wait3A_964, %dma_wait3A_965] : memref<2x8x128xi32, #tpu.memory_space<vmem>> -> memref<1x8x128xi32, #tpu.memory_space<vmem>>
        %dma_wait3A_967 = tpu.memref_squeeze %dma_wait3A_966 : memref<1x8x128xi32, #tpu.memory_space<vmem>> -> memref<8x128xi32, #tpu.memory_space<vmem>>
        %dma_wait3A_968 = arith.constant 0 : i32
        %dma_wait3A_969 = tpu.memref_slice %arg3[%dma_wait3A_955, %add3A, %mul3A_952, %dma_wait3A_968] : memref<2x32x80x128xi32, #tpu.memory_space<hbm>> -> memref<1x1x8x128xi32, #tpu.memory_space<hbm>>
        %dma_wait3A_970 = tpu.memref_squeeze %dma_wait3A_969 : memref<1x1x8x128xi32, #tpu.memory_space<hbm>> -> memref<8x128xi32, #tpu.memory_space<hbm>>
        tpu.wait_dma2 semaphore(%arg10 : memref<!tpu.dma_semaphore, #tpu.memory_space<semaphore_mem>>) src(%dma_wait3A_970 : memref<8x128xi32, #tpu.memory_space<hbm>>) dst(%dma_wait3A_967 : memref<8x128xi32, #tpu.memory_space<vmem>>)
        %dma_wait3A_971 = arith.constant 1 : i32
        %dma_wait3A_972 = arith.constant 0 : i32
        %dma_wait3A_973 = arith.constant 0 : i32
        %dma_wait3A_974 = arith.constant 0 : i32
        %dma_wait3A_975 = tpu.memref_slice %arg8[%dma_wait3A_972, %dma_wait3A_973, %dma_wait3A_974] : memref<2x8x128xi32, #tpu.memory_space<vmem>> -> memref<1x8x128xi32, #tpu.memory_space<vmem>>
        %dma_wait3A_976 = tpu.memref_squeeze %dma_wait3A_975 : memref<1x8x128xi32, #tpu.memory_space<vmem>> -> memref<8x128xi32, #tpu.memory_space<vmem>>
        %dma_wait3A_977 = arith.constant 0 : i32
        %dma_wait3A_978 = tpu.memref_slice %arg3[%dma_wait3A_971, %add3A, %mul3A_954, %dma_wait3A_977] : memref<2x32x80x128xi32, #tpu.memory_space<hbm>> -> memref<1x1x8x128xi32, #tpu.memory_space<hbm>>
        %dma_wait3A_979 = tpu.memref_squeeze %dma_wait3A_978 : memref<1x1x8x128xi32, #tpu.memory_space<hbm>> -> memref<8x128xi32, #tpu.memory_space<hbm>>
        %dma_wait3A_980 = arith.constant 0 : i32
        %dma_wait3A_981 = arith.constant 0 : i32
        %dma_wait3A_982 = tpu.memref_slice %arg8[%dma_wait3A_972, %dma_wait3A_980, %dma_wait3A_981] : memref<2x8x128xi32, #tpu.memory_space<vmem>> -> memref<1x8x128xi32, #tpu.memory_space<vmem>>
        %dma_wait3A_983 = tpu.memref_squeeze %dma_wait3A_982 : memref<1x8x128xi32, #tpu.memory_space<vmem>> -> memref<8x128xi32, #tpu.memory_space<vmem>>
        %dma_wait3A_984 = arith.constant 0 : i32
        %dma_wait3A_985 = tpu.memref_slice %arg3[%dma_wait3A_971, %add3A, %mul3A_954, %dma_wait3A_984] : memref<2x32x80x128xi32, #tpu.memory_space<hbm>> -> memref<1x1x8x128xi32, #tpu.memory_space<hbm>>
        %dma_wait3A_986 = tpu.memref_squeeze %dma_wait3A_985 : memref<1x1x8x128xi32, #tpu.memory_space<hbm>> -> memref<8x128xi32, #tpu.memory_space<hbm>>
        tpu.wait_dma2 semaphore(%arg10 : memref<!tpu.dma_semaphore, #tpu.memory_space<semaphore_mem>>) src(%dma_wait3A_986 : memref<8x128xi32, #tpu.memory_space<hbm>>) dst(%dma_wait3A_983 : memref<8x128xi32, #tpu.memory_space<vmem>>)
      } else {
      }
    }
    %scan3A_77 = arith.constant 5 : i32
    %barrier3A_78 = arith.constant 0 : index
    tpu.barrier barrier_id(%barrier3A_78)
    %mul3A_79 = arith.constant 640 : i32
    %mul3A_80 = arith.muli %arg1, %mul3A_79 : i32
    %mul3A_81 = arith.constant 640 : i32
    %mul3A_82 = arith.muli %arg1, %mul3A_81 : i32
    "tpu.region"() ({
      %run_scoped3A = tpu.sem_alloc : memref<!tpu.dma_semaphore, #tpu.memory_space<semaphore_mem>>
      %dma_start3A_83 = arith.constant 0 : i32
      %dma_start3A_84 = tpu.memref_slice %arg5[%arg0, %mul3A_82, %dma_start3A_83] : memref<2x10240x128xf32, #tpu.memory_space<hbm>> -> memref<1x640x128xf32, #tpu.memory_space<hbm>>
      %dma_start3A_85 = tpu.memref_squeeze %dma_start3A_84 : memref<1x640x128xf32, #tpu.memory_space<hbm>> -> memref<640x128xf32, #tpu.memory_space<hbm>>
      %dma_start3A_86 = arith.constant 0 : i32
      %dma_start3A_87 = tpu.memref_slice %arg6[%mul3A_80, %dma_start3A_86] : memref<10240x128xf32, #tpu.memory_space<vmem_shared>> -> memref<640x128xf32, #tpu.memory_space<vmem_shared>>
      tpu.enqueue_dma source(%dma_start3A_87 : memref<640x128xf32, #tpu.memory_space<vmem_shared>>) target(%dma_start3A_85 : memref<640x128xf32, #tpu.memory_space<hbm>>) target_semaphore(%run_scoped3A : memref<!tpu.dma_semaphore, #tpu.memory_space<semaphore_mem>>)
      %dma_wait3A_88 = arith.constant 0 : i32
      %dma_wait3A_89 = tpu.memref_slice %arg5[%arg0, %mul3A_82, %dma_wait3A_88] : memref<2x10240x128xf32, #tpu.memory_space<hbm>> -> memref<1x640x128xf32, #tpu.memory_space<hbm>>
      %dma_wait3A_90 = tpu.memref_squeeze %dma_wait3A_89 : memref<1x640x128xf32, #tpu.memory_space<hbm>> -> memref<640x128xf32, #tpu.memory_space<hbm>>
      %dma_wait3A_91 = arith.constant 0 : i32
      %dma_wait3A_92 = tpu.memref_slice %arg6[%mul3A_80, %dma_wait3A_91] : memref<10240x128xf32, #tpu.memory_space<vmem_shared>> -> memref<640x128xf32, #tpu.memory_space<vmem_shared>>
      tpu.wait_dma2 semaphore(%run_scoped3A : memref<!tpu.dma_semaphore, #tpu.memory_space<semaphore_mem>>) src(%dma_wait3A_92 : memref<640x128xf32, #tpu.memory_space<vmem_shared>>) dst(%dma_wait3A_90 : memref<640x128xf32, #tpu.memory_space<hbm>>)
      tpu.yield
    }) : () -> ()
    return
  }
}

module attributes {stable_mosaic.version = 14 : i64} {
  func.func @_scale_body(%arg0: i32, %arg1: memref<2000x1xf32, #tpu.memory_space<vmem>>, %arg2: memref<2000x1xf32, #tpu.memory_space<vmem>>, %arg3: memref<2000x128xf32, #tpu.memory_space<vmem>>, %arg4: memref<128x128xf32, #tpu.memory_space<vmem>>, %arg5: memref<2000x128xf32, #tpu.memory_space<vmem>>, %arg6: memref<2000x1xf32, #tpu.memory_space<vmem>>) attributes {dimension_semantics = [#tpu.dimension_semantics<arbitrary>], iteration_bounds = array<i64: 5>, scalar_prefetch = 0 : i64, scratch_operands = 0 : i64, tpu.core_type = #tpu.core_type<tc>, window_params = [{transform_indices = @transform_0, window_bounds = array<i64: 2000, 1>}, {transform_indices = @transform_1, window_bounds = array<i64: 2000, 1>}, {transform_indices = @transform_2, window_bounds = array<i64: 2000, 128>}, {pipeline_mode = #tpu.pipeline_mode<synchronous>, transform_indices = @transform_3, window_bounds = array<i64: 128, 128>}, {transform_indices = @transform_4, window_bounds = array<i64: 2000, 128>}, {transform_indices = @transform_5, window_bounds = array<i64: 2000, 1>}]} {
    %get3A = arith.constant 0 : index
    %get3A_0 = arith.constant 0 : index
    %get3A_1 = vector.load %arg1[%get3A, %get3A_0] : memref<2000x1xf32, #tpu.memory_space<vmem>>, vector<2000x1xf32>
    %get3A_2 = arith.constant 0 : index
    %get3A_3 = arith.constant 0 : index
    %get3A_4 = vector.load %arg2[%get3A_2, %get3A_3] : memref<2000x1xf32, #tpu.memory_space<vmem>>, vector<2000x1xf32>
    %add3A = arith.addf %get3A_1, %get3A_4 : vector<2000x1xf32>
    %add3A_5 = arith.constant 1.000000e+00 : f32
    %add3A_6 = vector.broadcast %add3A_5 : f32 to vector<2000x1xf32>
    %add3A_7 = arith.addf %add3A, %add3A_6 : vector<2000x1xf32>
    %rsqrt3A = math.rsqrt %add3A_7 : vector<2000x1xf32>
    %swap3A = arith.constant 0 : index
    %swap3A_8 = arith.constant 0 : index
    %swap3A_9 = vector.load %arg6[%swap3A, %swap3A_8] : memref<2000x1xf32, #tpu.memory_space<vmem>>, vector<2000x1xf32>
    tpu.vector_store %arg6[%swap3A, %swap3A_8], %rsqrt3A {strides = array<i32>} : memref<2000x1xf32, #tpu.memory_space<vmem>>, vector<2000x1xf32>,
    %get3A_10 = arith.constant 0 : index
    %get3A_11 = arith.constant 0 : index
    %get3A_12 = vector.load %arg3[%get3A_10, %get3A_11] : memref<2000x128xf32, #tpu.memory_space<vmem>>, vector<2000x128xf32>
    %get3A_13 = arith.constant 0 : index
    %get3A_14 = arith.constant 0 : index
    %get3A_15 = vector.load %arg4[%get3A_13, %get3A_14] : memref<128x128xf32, #tpu.memory_space<vmem>>, vector<128x128xf32>
    %dot_general3A = arith.constant dense<0.000000e+00> : vector<2000x128xf32>
    %dot_general3A_16 = tpu.matmul %get3A_12, %get3A_15, %dot_general3A {dimension_numbers = #tpu.dot_dimension_numbers<[1], [0], [0], [1], [0, 0, 1, 1], [], []>, transpose_lhs_hint = false} : vector<2000x128xf32>, vector<128x128xf32>, vector<2000x128xf32> -> vector<2000x128xf32>
    %mul3A = vector.broadcast %rsqrt3A : vector<2000x1xf32> to vector<2000x128xf32>
    %mul3A_17 = arith.mulf %mul3A, %dot_general3A_16 : vector<2000x128xf32>
    %swap3A_18 = arith.constant 0 : index
    %swap3A_19 = arith.constant 0 : index
    %swap3A_20 = vector.load %arg5[%swap3A_18, %swap3A_19] : memref<2000x128xf32, #tpu.memory_space<vmem>>, vector<2000x128xf32>
    tpu.vector_store %arg5[%swap3A_18, %swap3A_19], %mul3A_17 {strides = array<i32>} : memref<2000x128xf32, #tpu.memory_space<vmem>>, vector<2000x128xf32>,
    return
  }
  func.func @transform_0(%arg0: i32) -> (i32, i32) {
    %c0_i32 = arith.constant 0 : i32
    %c0_i32_0 = arith.constant 0 : i32
    return %arg0, %c0_i32 : i32, i32
  }
  func.func @transform_1(%arg0: i32) -> (i32, i32) {
    %c0_i32 = arith.constant 0 : i32
    %c0_i32_0 = arith.constant 0 : i32
    return %arg0, %c0_i32 : i32, i32
  }
  func.func @transform_2(%arg0: i32) -> (i32, i32) {
    %c0_i32 = arith.constant 0 : i32
    %c0_i32_0 = arith.constant 0 : i32
    return %arg0, %c0_i32 : i32, i32
  }
  func.func @transform_3(%arg0: i32) -> (i32, i32) {
    %c0_i32 = arith.constant 0 : i32
    %c0_i32_0 = arith.constant 0 : i32
    %c0_i32_1 = arith.constant 0 : i32
    return %c0_i32, %c0_i32_0 : i32, i32
  }
  func.func @transform_4(%arg0: i32) -> (i32, i32) {
    %c0_i32 = arith.constant 0 : i32
    %c0_i32_0 = arith.constant 0 : i32
    return %arg0, %c0_i32 : i32, i32
  }
  func.func @transform_5(%arg0: i32) -> (i32, i32) {
    %c0_i32 = arith.constant 0 : i32
    %c0_i32_0 = arith.constant 0 : i32
    return %arg0, %c0_i32 : i32, i32
  }
}

module attributes {stable_mosaic.version = 14 : i64} {
  func.func @_tc2_body(%arg0: i32, %arg1: memref<2048x128xf32, #tpu.memory_space<vmem>>, %arg2: memref<2048x128xf32, #tpu.memory_space<vmem>>, %arg3: memref<2048x128xf32, #tpu.memory_space<vmem>>, %arg4: memref<2048x1xf32, #tpu.memory_space<vmem>>, %arg5: memref<1x128xf32, #tpu.memory_space<vmem>>, %arg6: memref<128x128xf32, #tpu.memory_space<vmem>>, %arg7: memref<2048x128xf32, #tpu.memory_space<vmem>>) attributes {dimension_semantics = [#tpu.dimension_semantics<arbitrary>], iteration_bounds = array<i64: 5>, scalar_prefetch = 0 : i64, scratch_operands = 0 : i64, tpu.core_type = #tpu.core_type<tc>, window_params = [{transform_indices = @transform_0, window_bounds = array<i64: 2048, 128>}, {transform_indices = @transform_1, window_bounds = array<i64: 2048, 128>}, {transform_indices = @transform_2, window_bounds = array<i64: 2048, 128>}, {transform_indices = @transform_3, window_bounds = array<i64: 2048, 1>}, {pipeline_mode = #tpu.pipeline_mode<synchronous>, transform_indices = @transform_4, window_bounds = array<i64: 1, 128>}, {pipeline_mode = #tpu.pipeline_mode<synchronous>, transform_indices = @transform_5, window_bounds = array<i64: 128, 128>}, {transform_indices = @transform_6, window_bounds = array<i64: 2048, 128>}]} {
    %get3A = arith.constant 0 : index
    %get3A_0 = arith.constant 0 : index
    %get3A_1 = vector.load %arg4[%get3A, %get3A_0] : memref<2048x1xf32, #tpu.memory_space<vmem>>, vector<2048x1xf32>
    %get3A_2 = arith.constant 0 : index
    %get3A_3 = arith.constant 0 : index
    %get3A_4 = vector.load %arg1[%get3A_2, %get3A_3] : memref<2048x128xf32, #tpu.memory_space<vmem>>, vector<2048x128xf32>
    %get3A_5 = arith.constant 0 : index
    %get3A_6 = arith.constant 0 : index
    %get3A_7 = vector.load %arg2[%get3A_5, %get3A_6] : memref<2048x128xf32, #tpu.memory_space<vmem>>, vector<2048x128xf32>
    %add3A = arith.addf %get3A_4, %get3A_7 : vector<2048x128xf32>
    %get3A_8 = arith.constant 0 : index
    %get3A_9 = arith.constant 0 : index
    %get3A_10 = vector.load %arg3[%get3A_8, %get3A_9] : memref<2048x128xf32, #tpu.memory_space<vmem>>, vector<2048x128xf32>
    %add3A_11 = arith.addf %add3A, %get3A_10 : vector<2048x128xf32>
    %mul3A = vector.broadcast %get3A_1 : vector<2048x1xf32> to vector<2048x128xf32>
    %mul3A_12 = arith.mulf %mul3A, %add3A_11 : vector<2048x128xf32>
    %get3A_13 = arith.constant 0 : index
    %get3A_14 = arith.constant 0 : index
    %get3A_15 = vector.load %arg5[%get3A_13, %get3A_14] : memref<1x128xf32, #tpu.memory_space<vmem>>, vector<1x128xf32>
    %add3A_16 = vector.broadcast %get3A_15 : vector<1x128xf32> to vector<2048x128xf32>
    %add3A_17 = arith.addf %mul3A_12, %add3A_16 : vector<2048x128xf32>
    %get3A_18 = arith.constant 0 : index
    %get3A_19 = arith.constant 0 : index
    %get3A_20 = vector.load %arg6[%get3A_18, %get3A_19] : memref<128x128xf32, #tpu.memory_space<vmem>>, vector<128x128xf32>
    %dot_general3A = arith.constant dense<0.000000e+00> : vector<2048x128xf32>
    %dot_general3A_21 = tpu.matmul %add3A_17, %get3A_20, %dot_general3A {dimension_numbers = #tpu.dot_dimension_numbers<[1], [0], [0], [1], [0, 0, 1, 1], [], []>, transpose_lhs_hint = false} : vector<2048x128xf32>, vector<128x128xf32>, vector<2048x128xf32> -> vector<2048x128xf32>
    %mul3A_22 = vector.broadcast %get3A_1 : vector<2048x1xf32> to vector<2048x128xf32>
    %mul3A_23 = arith.mulf %mul3A_22, %dot_general3A_21 : vector<2048x128xf32>
    %swap3A = arith.constant 0 : index
    %swap3A_24 = arith.constant 0 : index
    %swap3A_25 = vector.load %arg7[%swap3A, %swap3A_24] : memref<2048x128xf32, #tpu.memory_space<vmem>>, vector<2048x128xf32>
    tpu.vector_store %arg7[%swap3A, %swap3A_24], %mul3A_23 {strides = array<i32>} : memref<2048x128xf32, #tpu.memory_space<vmem>>, vector<2048x128xf32>,
    return
  }
  func.func @transform_0(%arg0: i32) -> (i32, i32) {
    %c0_i32 = arith.constant 0 : i32
    %c0_i32_0 = arith.constant 0 : i32
    return %arg0, %c0_i32 : i32, i32
  }
  func.func @transform_1(%arg0: i32) -> (i32, i32) {
    %add3A = arith.constant 5 : i32
    %add3A_0 = arith.addi %arg0, %add3A : i32
    %c0_i32 = arith.constant 0 : i32
    %c0_i32_1 = arith.constant 0 : i32
    return %add3A_0, %c0_i32 : i32, i32
  }
  func.func @transform_2(%arg0: i32) -> (i32, i32) {
    %c0_i32 = arith.constant 0 : i32
    %c0_i32_0 = arith.constant 0 : i32
    return %arg0, %c0_i32 : i32, i32
  }
  func.func @transform_3(%arg0: i32) -> (i32, i32) {
    %c0_i32 = arith.constant 0 : i32
    %c0_i32_0 = arith.constant 0 : i32
    return %arg0, %c0_i32 : i32, i32
  }
  func.func @transform_4(%arg0: i32) -> (i32, i32) {
    %c0_i32 = arith.constant 0 : i32
    %c0_i32_0 = arith.constant 0 : i32
    %c0_i32_1 = arith.constant 0 : i32
    return %c0_i32, %c0_i32_0 : i32, i32
  }
  func.func @transform_5(%arg0: i32) -> (i32, i32) {
    %c0_i32 = arith.constant 0 : i32
    %c0_i32_0 = arith.constant 0 : i32
    %c0_i32_1 = arith.constant 0 : i32
    return %c0_i32, %c0_i32_0 : i32, i32
  }
  func.func @transform_6(%arg0: i32) -> (i32, i32) {
    %c0_i32 = arith.constant 0 : i32
    %c0_i32_0 = arith.constant 0 : i32
    return %arg0, %c0_i32 : i32, i32
  }
}

module attributes {stable_mosaic.version = 14 : i64} {
  func.func @_tc3_body(%arg0: i32, %arg1: memref<2048x128xf32, #tpu.memory_space<vmem>>, %arg2: memref<2048x128xf32, #tpu.memory_space<vmem>>, %arg3: memref<2048x128xf32, #tpu.memory_space<vmem>>, %arg4: memref<2048x1xf32, #tpu.memory_space<vmem>>, %arg5: memref<1x128xf32, #tpu.memory_space<vmem>>, %arg6: memref<2048x128xf32, #tpu.memory_space<vmem>>) attributes {dimension_semantics = [#tpu.dimension_semantics<arbitrary>], iteration_bounds = array<i64: 5>, scalar_prefetch = 0 : i64, scratch_operands = 0 : i64, tpu.core_type = #tpu.core_type<tc>, window_params = [{transform_indices = @transform_0, window_bounds = array<i64: 2048, 128>}, {transform_indices = @transform_1, window_bounds = array<i64: 2048, 128>}, {transform_indices = @transform_2, window_bounds = array<i64: 2048, 128>}, {transform_indices = @transform_3, window_bounds = array<i64: 2048, 1>}, {pipeline_mode = #tpu.pipeline_mode<synchronous>, transform_indices = @transform_4, window_bounds = array<i64: 1, 128>}, {transform_indices = @transform_5, window_bounds = array<i64: 2048, 128>}]} {
    %get3A = arith.constant 0 : index
    %get3A_0 = arith.constant 0 : index
    %get3A_1 = vector.load %arg4[%get3A, %get3A_0] : memref<2048x1xf32, #tpu.memory_space<vmem>>, vector<2048x1xf32>
    %get3A_2 = arith.constant 0 : index
    %get3A_3 = arith.constant 0 : index
    %get3A_4 = vector.load %arg1[%get3A_2, %get3A_3] : memref<2048x128xf32, #tpu.memory_space<vmem>>, vector<2048x128xf32>
    %get3A_5 = arith.constant 0 : index
    %get3A_6 = arith.constant 0 : index
    %get3A_7 = vector.load %arg2[%get3A_5, %get3A_6] : memref<2048x128xf32, #tpu.memory_space<vmem>>, vector<2048x128xf32>
    %add3A = arith.addf %get3A_4, %get3A_7 : vector<2048x128xf32>
    %get3A_8 = arith.constant 0 : index
    %get3A_9 = arith.constant 0 : index
    %get3A_10 = vector.load %arg3[%get3A_8, %get3A_9] : memref<2048x128xf32, #tpu.memory_space<vmem>>, vector<2048x128xf32>
    %add3A_11 = arith.addf %add3A, %get3A_10 : vector<2048x128xf32>
    %mul3A = vector.broadcast %get3A_1 : vector<2048x1xf32> to vector<2048x128xf32>
    %mul3A_12 = arith.mulf %mul3A, %add3A_11 : vector<2048x128xf32>
    %get3A_13 = arith.constant 0 : index
    %get3A_14 = arith.constant 0 : index
    %get3A_15 = vector.load %arg5[%get3A_13, %get3A_14] : memref<1x128xf32, #tpu.memory_space<vmem>>, vector<1x128xf32>
    %add3A_16 = vector.broadcast %get3A_15 : vector<1x128xf32> to vector<2048x128xf32>
    %add3A_17 = arith.addf %mul3A_12, %add3A_16 : vector<2048x128xf32>
    %swap3A = arith.constant 0 : index
    %swap3A_18 = arith.constant 0 : index
    %swap3A_19 = vector.load %arg6[%swap3A, %swap3A_18] : memref<2048x128xf32, #tpu.memory_space<vmem>>, vector<2048x128xf32>
    tpu.vector_store %arg6[%swap3A, %swap3A_18], %add3A_17 {strides = array<i32>} : memref<2048x128xf32, #tpu.memory_space<vmem>>, vector<2048x128xf32>,
    return
  }
  func.func @transform_0(%arg0: i32) -> (i32, i32) {
    %c0_i32 = arith.constant 0 : i32
    %c0_i32_0 = arith.constant 0 : i32
    return %arg0, %c0_i32 : i32, i32
  }
  func.func @transform_1(%arg0: i32) -> (i32, i32) {
    %add3A = arith.constant 5 : i32
    %add3A_0 = arith.addi %arg0, %add3A : i32
    %c0_i32 = arith.constant 0 : i32
    %c0_i32_1 = arith.constant 0 : i32
    return %add3A_0, %c0_i32 : i32, i32
  }
  func.func @transform_2(%arg0: i32) -> (i32, i32) {
    %c0_i32 = arith.constant 0 : i32
    %c0_i32_0 = arith.constant 0 : i32
    return %arg0, %c0_i32 : i32, i32
  }
  func.func @transform_3(%arg0: i32) -> (i32, i32) {
    %c0_i32 = arith.constant 0 : i32
    %c0_i32_0 = arith.constant 0 : i32
    return %arg0, %c0_i32 : i32, i32
  }
  func.func @transform_4(%arg0: i32) -> (i32, i32) {
    %c0_i32 = arith.constant 0 : i32
    %c0_i32_0 = arith.constant 0 : i32
    %c0_i32_1 = arith.constant 0 : i32
    return %c0_i32, %c0_i32_0 : i32, i32
  }
  func.func @transform_5(%arg0: i32) -> (i32, i32) {
    %c0_i32 = arith.constant 0 : i32
    %c0_i32_0 = arith.constant 0 : i32
    return %arg0, %c0_i32 : i32, i32
  }
}

</mosaic_0001>

<sc_bundles>
// kernel: kernel.11.cloned.1.call-start
scs
__scs_entry_jumppad:
0x0: {  	(pc) =	sbr.rel $0x88, $3  }
0x1: {  	(tag) =	ssettag $0x0;
	lr =	simm.s32 $0x1  }
0x2: {  	[smem:$0x3F9B] =	sst lr;
	_ =	strace $0xD0000000  }
0x3: {  	_ = 	snop  }
0x4: {  	_ = 	snop  }
0x5: {  	_ = 	snop  }
0x6: {  	_ = 	snop  }
0x7: {  	_ = 	snop  }
__scs_overlays_trampoline_lowered:
0x8: {  	[smem:$0x3FAA] =	sst s0  }
0x9: {  	[smem:$0x3FAB] =	sst s1  }
0xa: {  	[smem:$0x3FAC] =	sst s2  }
0xb: {  	[smem:$0x3FAD] =	sst s3  }
0xc: {  	[smem:$0x3FAE] =	sst s4  }
0xd: {  	[smem:$0x3FAF] =	sst s5  }
0xe: {  	[smem:$0x3FB0] =	sst s6  }
0xf: {  	[smem:$0x3FB1] =	sst s7  }
0x10: {  	[smem:$0x3FB2] =	sst s8  }
0x11: {  	[smem:$0x3FB3] =	sst s9;
	s0 =	simm.s32 @!p0 $0x0  }
0x12: {  	s1 =	sld [smem:$0x3F99];
	s0 =	simm.s32 @p0 $0x1  }
0x13: {  	[smem:$0x3FB4] =	sst s0;
	s0 =	simm.s32 @!p1 $0x0  }
0x14: {  	s2 =	sld [smem:$0x3F98];
	s0 =	simm.s32 @p1 $0x1  }
0x15: {  	[smem:$0x3FB5] =	sst s0;
	s0 =	simm.s32 @!p2 $0x0  }
0x16: {  	s3 =	sld [smem:$0x3FDB];
	s0 =	simm.s32 @p2 $0x1  }
0x17: {  	s4 =	simm.s32 $0x1BF5;
	[smem:$0x3FB7] =	sst s0  }
0x18: {  	s0 =	sld [smem:$0x3F9A];
	_ =	swait.ge [sflag:s4], $0x0  }
0x19: {  	s7 =	sld [smem:$0x3F9B]  }
0x1a: {  	s8 =	sadd.s32 $0xFFFFE003, lr  }
0x1b: {  	s9 =	sadd.s32 $0xFFFFFEF7, lr;
	s5 =	simm.s32 $0xFFFFFFFF;
	p2 =	slt.u32 s8, $0xFFFFF086  }
0x1c: {  	p1 =	slt.u32 s9, $0xF7A;
	s5 =	simm.s32 @!p2 $0x0  }
0x1d: {  	s5 =	simm.s32 @p1 $0x1;
	p0 =	seq.s32 s7, s2  }
0x1e: {  	s7 =	smul.u32 @!p0 $0xF7A, s2;
	p2 =	seq.s32 @!p0 s5, $0x0  }
0x1f: {  	s9 =	smul.u32 $0xF7A, s1;
	s8 =	simm.s32 @!p0 $0x1BF5;
	p2 =	por !p2, p0  }
0x20: {  	[sflag:s8] =	ssyncset.s32 @!p0 $0xFFFFF086;
	s6 =	sadd.s32 @!p0 s3, s7;
	s7 =	simm.s32 @!p0 $0x108  }
0x21: {  	s3 =	sadd.s32 s3, s9;
	s6 =	sadd.s32 @!p0 $0x88, s6;
	s7 =	simm.s32 @p2 $0x1082  }
0x22: {  	[simem:s7], [sflag:s8] =	dma.local @!p0 [hbm:s6], $0xF7A  }
0x23: {  	s9 =	sor.u32 $0xD0000000, s2;
	s6 =	simm.s32 $0x108;
	_ =	swait.ge @!p0 [sflag:s8], $0x0  }
0x24: {  	s3 =	sadd.s32 $0x88, s3;
	s6 =	simm.s32 @!p1 $0x1082;
	[sflag:s4] =	ssyncset.s32 $0xFFFFF086  }
0x25: {  	[simem:s6], [sflag:s4] =	dma.local [hbm:s3], $0xF7A  }
0x26: {  	[smem:$0x3F9B] =	sst s1;
	(tag) =	ssettag s2;
	_ =	strace s9  }
0x27: {  	s1 =	sld [smem:$0x3FAB]  }
0x28: {  	s2 =	sld [smem:$0x3FAC]  }
0x29: {  	s4 =	sld [smem:$0x3FAE]  }
0x2a: {  	p0 =	seq.s32 s5, $0x0;
	s5 =	sld [smem:$0x3FAF]  }
0x2b: {  	s6 =	sld [smem:$0x3FB0]  }
0x2c: {  	s7 =	sld [smem:$0x3FB1]  }
0x2d: {  	s3 =	simm.s32 $0x108;
	s8 =	sld [smem:$0x3FB2]  }
0x2e: {  	s3 =	simm.s32 @!p0 $0x1082;
	s9 =	sld [smem:$0x3FB3]  }
0x2f: {  	lr =	sadd.s32 s0, s3;
	s0 =	sld [smem:$0x3FAA]  }
0x30: {  	s3 =	sld [smem:$0x3FAD]  }
0x31: {  	[smem:$0x3FB6] =	sst s10  }
0x32: {  	s10 =	sld [smem:$0x3FB4];
	_ =	sdelay $0x3  }
0x33: {  	p0 =	seq.s32 s10, $0x1;
	s10 =	sld [smem:$0x3FB6];
	_ =	sdelay $0x3  }
0x34: {  	[smem:$0x3FB6] =	sst s10  }
0x35: {  	s10 =	sld [smem:$0x3FB5];
	_ =	sdelay $0x3  }
0x36: {  	p1 =	seq.s32 s10, $0x1;
	s10 =	sld [smem:$0x3FB6];
	_ =	sdelay $0x3  }
0x37: {  	[smem:$0x3FB6] =	sst s10  }
0x38: {  	s10 =	sld [smem:$0x3FB7]  }
0x39: {  	_ = 	snop;
	(pc) =	sbr.ind lr, $3  }
0x3a: {  	_ = 	snop  }
0x3b: {  	_ = 	snop  }
0x3c: {  	p2 =	seq.s32 s10, $0x1;
	s10 =	sld [smem:$0x3FB6]  }
0x3d: {  	_ =	shalt  }
0x3e: {  	_ =	shalt  }
0x3f: {  	_ =	shalt  }
0x40: {  	_ =	shalt  }
0x41: {  	_ =	shalt  }
0x42: {  	_ =	shalt  }
0x43: {  	_ =	shalt  }
0x44: {  	_ =	shalt  }
0x45: {  	_ =	shalt  }
0x46: {  	_ =	shalt  }
0x47: {  	_ =	shalt  }
0x48: {  	_ =	shalt  }
0x49: {  	_ =	shalt  }
0x4a: {  	_ =	shalt  }
0x4b: {  	_ =	shalt  }
0x4c: {  	_ =	shalt  }
0x4d: {  	_ =	shalt  }
0x4e: {  	_ =	shalt  }
0x4f: {  	_ =	shalt  }
0x50: {  	_ =	shalt  }
0x51: {  	_ =	shalt  }
0x52: {  	_ =	shalt  }
0x53: {  	_ =	shalt  }
0x54: {  	_ =	shalt  }
0x55: {  	_ =	shalt  }
0x56: {  	_ =	shalt  }
0x57: {  	_ =	shalt  }
0x58: {  	_ =	shalt  }
0x59: {  	_ =	shalt  }
0x5a: {  	_ =	shalt  }
0x5b: {  	_ =	shalt  }
0x5c: {  	_ =	shalt  }
0x5d: {  	_ =	shalt  }
0x5e: {  	_ =	shalt  }
0x5f: {  	_ =	shalt  }
0x60: {  	_ =	shalt  }
0x61: {  	_ =	shalt  }
0x62: {  	_ =	shalt  }
0x63: {  	_ =	shalt  }
0x64: {  	_ =	shalt  }
0x65: {  	_ =	shalt  }
0x66: {  	_ =	shalt  }
0x67: {  	_ =	shalt  }
0x68: {  	_ =	shalt  }
0x69: {  	_ =	shalt  }
0x6a: {  	_ =	shalt  }
0x6b: {  	_ =	shalt  }
0x6c: {  	_ =	shalt  }
0x6d: {  	_ =	shalt  }
0x6e: {  	_ =	shalt  }
0x6f: {  	_ =	shalt  }
0x70: {  	_ =	shalt  }
0x71: {  	_ =	shalt  }
0x72: {  	_ =	shalt  }
0x73: {  	_ =	shalt  }
0x74: {  	_ =	shalt  }
0x75: {  	_ =	shalt  }
0x76: {  	_ =	shalt  }
0x77: {  	_ =	shalt  }
0x78: {  	_ =	shalt  }
0x79: {  	_ =	shalt  }
0x7a: {  	_ =	shalt  }
0x7b: {  	_ =	shalt  }
0x7c: {  	_ =	shalt  }
0x7d: {  	_ =	shalt  }
0x7e: {  	_ =	shalt  }
0x7f: {  	_ =	shalt  }
0x80: {  	_ =	shalt  }
0x81: {  	_ =	shalt  }
0x82: {  	_ =	shalt  }
0x83: {  	_ =	shalt  }
0x84: {  	_ =	shalt  }
0x85: {  	_ =	shalt  }
0x86: {  	_ =	shalt  }
0x87: {  	_ =	shalt  }
.Lfunc_end0:
.L_simem_size_0:
called_computation.1_lowered:
.L_overlay_start_0:
0x88: {  	s2 =	sld [smem:$0x3FD9]  }
0x89: {  	s3 =	sld [smem:$0x3FFE];
	_ =	sdelay $0x1  }
0x8a: {  	s1 =	srdreg.scid  }
0x8b: {  	s0 =	sand.u32 $0x1, s1  }
0x8c: {  	s17 =	sshll.u32 s0, $0xA;
	s2 =	sadd.s32 s3, s2  }
0x8d: {  	s2 =	sadd.s32 s2, s17  }
0x8e: {  	[smem:$0x3FC2] =	sst s2  }
0x8f: {  	_ = 	snop  }
0x90: {  	s2 =	sld [smem:$0x3FD0];
	(tm) =	ssettm $0x1  }
0x91: {  	s18 =	sld [smem:$0x3FFB];
	_ =	sdelay $0x3  }
0x92: {  	_ =	strace s18  }
0x93: {  	s3 =	sld [smem:$0x3FFC];
	_ =	sdelay $0x3  }
0x94: {  	_ =	strace s3  }
0x95: {  	s3 =	sld [smem:$0x3FFD];
	_ =	sdelay $0x3  }
0x96: {  	_ =	strace s3  }
0x97: {  	_ =	strace $0x8FFFFFFF  }
0x98: {  	s19 =	sld [smem:$0x3FDB];
	_ =	sdelay $0x1  }
0x99: {  	s4 =	simm.s32 $_scs_section_size  }
0x9a: {  	s5 =	simm.s32 $_size__tile_overlayer_lowered;
	s6 =	simm.s32 $_tile_overlayer_lowered  }
0x9b: {  	s22 =	simm.s32 $0x1BFF;
	s21 =	sshll.u32 s6, $0x1;
	s3 =	sadd.s32 s4, s19  }
0x9c: {  	s7 =	simm.s32 $0x0;
	s20 =	sshll.u32 s5, $0x1;
	s5 =	sadd.s32 s21, s3  }
0x9d: {  	[timem:s7], [sflag:s22] =	dma.local [hbm:s5], s20  }
0x9e: {  	_ =	swait.ge [sflag:s22], s20  }
0x9f: {  	s4 =	ssub.s32 $0x0, s20;
	[sflag:s22] =	ssyncset.done $0x0  }
0xa0: {  	[sflag:s22] =	ssyncadd.s32 s4;
	_ =	sdelay $0x1  }
0xa1: {  	s23 =	simm.s32 $0x1B8B  }
0xa2: {  	_ =	swait.ge [sflag:s23], $0x1  }
0xa3: {  	[sflag:s23] =	ssyncset.done $0x0  }
0xa4: {  	s25 =	simm.s32 $0x1B8E;
	s24 =	sld [smem:$0x3FFE];
	[sflag:s23] =	ssyncadd.s32 $0xFFFFFFFF  }
0xa5: {  	s26 =	simm.s32 $execute0_lowered;
	[smem:$0x3FD2] =	sst s25  }
0xa6: {  	s5 =	sshll.u32 s26, $0x1;
	_ =	strace $0x80000049;
	[dreg:$0x1] =	wrdreg $0xFFFFFFFF  }
0xa7: {  	s28 =	simm.s32 $_size_execute0_lowered;
	s3 =	sadd.s32 s3, s5;
	[dreg:$0x0] =	wrdreg $0x0  }
0xa8: {  	s5 =	sshll.u32 s28, $0x1;
	[dreg:$0x2] =	wrdreg s3  }
0xa9: {  	[dreg:$0x3] =	wrdreg s5  }
0xaa: {  	[dreg:$0x4] =	wrdreg $0xC0  }
0xab: {  	_ =	task [dreg:s7], $0x5FFFF  }
0xac: {  	[dreg:$0x1] =	wrdreg $0xFFFFFFFF  }
0xad: {  	[dreg:$0x0] =	wrdreg $0x60  }
0xae: {  	[dreg:$0x2] =	wrdreg s24  }
0xaf: {  	[dreg:$0x3] =	wrdreg s2  }
0xb0: {  	[dreg:$0x4] =	wrdreg $0x0  }
0xb1: {  	[dreg:$0x5] =	wrdreg $0x9  }
0xb2: {  	_ =	task.clear_ibuf [dreg:s7], $0x6FFFF;
	_ =	strace $0x90000049  }
0xb3: {  	s29 =	simm.s32 $0x9;
	_ =	strace $0x8000004B  }
0xb4: {  	_ =	swait.ge [sflag:s29], $0x1  }
0xb5: {  	[sflag:s29] =	ssyncadd.s32 $0xFFFFFFFF  }
0xb6: {  	_ =	strace $0x9000004B  }
0xb7: {  	_ =	sfence  }
0xb8: {  	s30 =	sld [smem:$0x0];
	_ =	sdelay $0x2  }
0xb9: {  	s31 =	sshll.u32 s1, $0xD;
	s1 =	sshrl.u32 s1, $0x2  }
0xba: {  	s3 =	sand.u32 $0x4000, s31;
	s1 =	sadd.s32 s1, s30  }
0xbb: {  	s0 =	sor.u32 s3, s0;
	s1 =	sshll.u32 s1, $0x11  }
0xbc: {  	s0 =	sor.u32 s1, s0  }
0xbd: {  	s0 =	sadd.s32 $0x8F2B, s0  }
0xbe: {  	[sflag:s0] =	ssyncadd.remote.s32 $0x1  }
0xbf: {  	_ =	sfence.sel $0xFFFF  }
0xc0: {  	[dreg:$0x0] =	wrdreg $0xFFFFFFFF;
	(pc) =	sbr.abs _section_cstart, $3  }
0xc1: {  	[dreg:$0x1] =	wrdreg $0xFFFFFFFF  }
0xc2: {  	_ =	task.clear_ibuf [dreg:s7], $0x2FFFF;
	_ =	strace $0x9FFFFFFF  }
0xc3: {  	(tm) =	ssettm $0x7FFFFFFF  }
tec
execute0_lowered:
.L_overlay_start_1:
0x0: {  	(tag) =	ssettag $0x1  }
0x1: {  	s0 =	rddreg [dreg:$0x0]  }
0x2: {  	s10 =	rddreg [dreg:$0x1];
	s1 =	srdreg.scid  }
0x3: {  	s3 =	rddreg [dreg:$0x2];
	s9 =	stileid.u32  }
0x4: {  	s4 =	simm.s32 $0x0;
	s30 =	simm.s32 $0x7;
	s28 =	simm.s32 $0x3  }
0x5: {  	s29 =	simm.s32 $0x5;
	s31 =	simm.s32 $0x4;
	s5 =	smul.u32 $0x14000, s9  }
0x6: {  	s12 =	simm.s32 $0x14E00;
	s1 =	sand.u32 $0x1, s1;
	s8 =	smul.u32 $0x50000, s9  }
0x7: {  	[smem:$0x7FF] =	sst s4;
	s7 =	sadd.s32 $0x2A800, s0;
	s20 =	smul.u32 $0x2800, s9  }
0x8: {  	s19 =	sshll.u32 s9, $0x6;
	s2 =	smul.u32 $0x140000, s1;
	s6 =	sshll.u32 s1, $0x4  }
0x9: {  	_ =	strace $0x8000004A;
	[dreg:$0x4] =	wrdreg s7;
	s16 =	ssub.s32 $0x2, s1  }
0xa: {  	s1 =	smul.u32 $0x28000, s1;
	s25 =	sor.u32 $0x1C07, s19;
	s7 =	simm.s32 $0x14D80  }
0xb: {  	s19 =	simm.s32 $0x14780;
	s6 =	sor.u32 s9, s6;
	s17 =	sshrl.u32 s16, $0x1  }
0xc: {  	s18 =	sshrl.u32 s8, $0x2;
	s9 =	simm.s32 $0x14700;
	[dreg:$0x7] =	wrdreg s25  }
0xd: {  	s2 =	sadd.s32 s5, s2;
	s5 =	sadd.s32 $0x2800, s0;
	s6 =	smul.u32 $0x2800, s6  }
0xe: {  	s23 =	sadd.s32 s20, s1;
	s20 =	simm.s32 $0x1;
	s2 =	sshrl.u32 s2, $0x3  }
0xf: {  	s1 =	sadd.s32 $0x800, s23;
	s24 =	sadd.s32 $0x50800, s23;
	s26 =	sor.u32 $0x400, s23  }
0x10: {  	s0 =	sadd.s32 s2, s0;
	s6 =	sshrl.u32 s6, $0x3;
	s2 =	ssub.s32 s16, s17  }
0x11: {  	[dreg:$0xa] =	wrdreg s1;
	s1 =	sshrl.u32 s24, $0x3;
	s24 =	simm.s32 $0x15000  }
0x12: {  	s17 =	simm.s32 $0x2;
	s16 =	simm.s32 $0x14F80;
	s11 =	sadd.s32 s10, s6  }
0x13: {  	s6 =	sadd.s32 s18, s3;
	s0 =	sadd.s32 $0x2D000, s0;
	s22 =	smax.u32 s2, $0x1  }
0x14: {  	s2 =	sshrl.u32 s26, $0x3;
	s13 =	sadd.s32 s1, s10;
	[dreg:$0x5] =	wrdreg s11  }
0x15: {  	s26 =	simm.s32 $0x19000;
	s1 =	simm.s32 $0x6;
	[dreg:$0x8] =	wrdreg s0  }
0x16: {  	s18 =	simm.s32 $0x14E80;
	s21 =	sadd.s32 $0xA000, s11;
	[dreg:$0x9] =	wrdreg s22  }
.Ltmp0:
0x17: {  	s0 =	sadd.s32 $0x50400, s23;
	s14 =	sadd.s32 s2, s10;
	(pc) =	sbr.rel .LBB2_1-.Ltmp0, $4  }
0x18: {  	s8 =	sshrl.u32 s6, $0x3;
	s22 =	simm.s32 $0x14C00;
	s23 =	simm.s32 $0x80  }
0x19: {  	s11 =	simm.s32 $0x14680;
	s2 =	simm.s32 $0x14F00;
	s6 =	simm.s32 $0x0  }
0x1a: {  	[dreg:$0x6] =	wrdreg s21;
	s0 =	sshrl.u32 s0, $0x3;
	s21 =	simm.s32 $0x14400  }
0x1b: {  	[dreg:$0xb] =	wrdreg s8;
	s15 =	sadd.s32 s0, s10;
	s10 =	simm.s32 $0x14600  }
.LBB2_4:
0x1c: {  	[bflag:$0x0] =	sbarrier.arrive $0xFFFF  }
0x1d: {  	s25 =	rddreg [dreg:$0x7]  }
0x1e: {  	s0 =	rddreg [dreg:$0x8]  }
0x1f: {  	s30 =	simm.s32 $0x7;
	s8 =	rddreg [dreg:$0xb]  }
0x20: {  	[hbm:s0], [sflag:s25] =	dma.local [spmem:s8], $0x2800  }
0x21: {  	_ =	swait.ge [sflag:s30], $0x2800  }
0x22: {  	s6 =	rddreg [dreg:$0xc]  }
0x23: {  	s0 =	rddreg [dreg:$0x9];
	s6 =	sadd.s32 $0x1, s6  }
0x24: {  	p0 =	sne.s32 s6, s0  }
.Ltmp1:
0x25: {  	_ = 	snop;
	(pc) =	sbr.rel @!p0 .LBB2_5-.Ltmp1, $3  }
0x26: {  	_ =	sdelay $0x1  }
0x27: {  	[sflag:s30] =	ssyncset.done $0x0  }
0x28: {  	[sflag:s30] =	ssyncadd.s32 $0xFFFFD800  }
.LBB2_1:
0x29: {  	[dreg:$0xc] =	wrdreg s6  }
0x2a: {  	s0 =	rddreg [dreg:$0x5];
	s6 =	simm.s32 $0x14000  }
0x2b: {  	[tilespmem:s6], [sflag:$0x1] =	stream.linear.gather [hbm4b:s0+s4], $0x400, $0x38;
	[tilespmem:$0x1D000] =	vst v63  }
0x2c: {  	s0 =	rddreg [dreg:$0x6];
	s6 =	simm.s32 $0x14800  }
0x2d: {  	[tilespmem:s6], [sflag:$0x1] =	stream.linear.gather [hbm4b:s0+s4], $0x400, $0x38;
	[tilespmem:$0x1D000] =	vst v63  }
0x2e: {  	s6 =	rddreg [dreg:$0x4]  }
0x2f: {  	[spmem:s8], [sflag:s25] =	dma.local [hbm:s6], $0x2800  }
0x30: {  	_ =	swait.ge [sflag:s30], $0x2800  }
0x31: {  	[sflag:s30] =	ssyncset.done $0x0  }
0x32: {  	[sflag:s30] =	ssyncadd.s32 $0xFFFFD800  }
0x33: {  	_ =	swait.ge [sflag:s20], $0x400  }
0x34: {  	[sflag:s20] =	ssyncset.done $0x0  }
0x35: {  	[sflag:s20] =	ssyncadd.s32 $0xFFFFFC00  }
0x36: {  	_ =	swait.ge [sflag:s20], $0x400  }
0x37: {  	[sflag:s20] =	ssyncset.done $0x0  }
0x38: {  	[sflag:s20] =	ssyncadd.s32 $0xFFFFFC00  }
0x39: {  	[bflag:$0x0] =	sbarrier.arrive $0xFFFF  }
0x3a: {  	s25 =	simm.s32 $0x0;
	s30 =	rddreg [dreg:$0xa]  }
.LBB2_2:
0x3b: {  	s0 =	sadd.s32 s25, s14  }
0x3c: {  	[tilespmem:s21], [sflag:$0x2] =	stream.linear.gather [hbm4b:s0+s4], $0x400, $0x38;
	[tilespmem:$0x1D000] =	vst v63  }
0x3d: {  	s6 =	sadd.s32 s25, s15  }
0x3e: {  	[tilespmem:s22], [sflag:$0x2] =	stream.linear.gather [hbm4b:s6+s4], $0x400, $0x38;
	[tilespmem:$0x1D000] =	vst v63  }
0x3f: {  	s8 =	simm.s32 $0x14000  }
0x40: {  	[tilespmem:s24], [sflag:$0x3] =	stream.indirect.gather [hbm4b:s5+s23], $0x80, s8, s23, $0xb8;
	[tilespmem:$0x1D000] =	vst v63  }
0x41: {  	s6 =	simm.s32 $0x14080  }
0x42: {  	[tilespmem:s26], [sflag:$0x4] =	stream.indirect.gather [hbm4b:s5+s23], $0x80, s6, s23, $0xb8;
	[tilespmem:$0x1D000] =	vst v63  }
0x43: {  	_ =	swait.ge [sflag:s28], $0x4000  }
0x44: {  	[sflag:s28] =	ssyncset.done $0x0  }
0x45: {  	s8 =	simm.s32 $0x14800;
	[sflag:s28] =	ssyncadd.s32 $0xFFFFC000  }
0x46: {  	[spmem:s3] =	stream.indirect.scatter.add.f32 [tilespmem:s24], [sflag:$0x5], $0x80, s8, s23, $0xb8;
	[tilespmem:$0x1D000] =	vst v63  }
0x47: {  	_ =	swait.ge [sflag:s29], $0x4000  }
0x48: {  	[sflag:s29] =	ssyncset.done $0x0  }
0x49: {  	s6 =	simm.s32 $0x14100;
	[sflag:s29] =	ssyncadd.s32 $0xFFFFC000  }
0x4a: {  	[tilespmem:s24], [sflag:$0x3] =	stream.indirect.gather [hbm4b:s5+s23], $0x80, s6, s23, $0xb8;
	[tilespmem:$0x1D000] =	vst v63  }
0x4b: {  	_ =	swait.ge [sflag:s31], $0x4000  }
0x4c: {  	[sflag:s31] =	ssyncset.done $0x0  }
0x4d: {  	s8 =	simm.s32 $0x14880;
	[sflag:s31] =	ssyncadd.s32 $0xFFFFC000  }
0x4e: {  	[spmem:s3] =	stream.indirect.scatter.add.f32 [tilespmem:s26], [sflag:$0x6], $0x80, s8, s23, $0xb8;
	[tilespmem:$0x1D000] =	vst v63  }
0x4f: {  	_ =	swait.ge [sflag:s1], $0x4000  }
0x50: {  	[sflag:s1] =	ssyncset.done $0x0  }
0x51: {  	s6 =	simm.s32 $0x14180;
	[sflag:s1] =	ssyncadd.s32 $0xFFFFC000  }
0x52: {  	[tilespmem:s26], [sflag:$0x4] =	stream.indirect.gather [hbm4b:s5+s23], $0x80, s6, s23, $0xb8;
	[tilespmem:$0x1D000] =	vst v63  }
0x53: {  	_ =	swait.ge [sflag:s28], $0x4000  }
0x54: {  	[sflag:s28] =	ssyncset.done $0x0  }
0x55: {  	s8 =	simm.s32 $0x14900;
	[sflag:s28] =	ssyncadd.s32 $0xFFFFC000  }
0x56: {  	[spmem:s3] =	stream.indirect.scatter.add.f32 [tilespmem:s24], [sflag:$0x5], $0x80, s8, s23, $0xb8;
	[tilespmem:$0x1D000] =	vst v63  }
0x57: {  	_ =	swait.ge [sflag:s29], $0x4000  }
0x58: {  	[sflag:s29] =	ssyncset.done $0x0  }
0x59: {  	s6 =	simm.s32 $0x14200;
	[sflag:s29] =	ssyncadd.s32 $0xFFFFC000  }
0x5a: {  	[tilespmem:s24], [sflag:$0x3] =	stream.indirect.gather [hbm4b:s5+s23], $0x80, s6, s23, $0xb8;
	[tilespmem:$0x1D000] =	vst v63  }
0x5b: {  	_ =	swait.ge [sflag:s31], $0x4000  }
0x5c: {  	[sflag:s31] =	ssyncset.done $0x0  }
0x5d: {  	s8 =	simm.s32 $0x14980;
	[sflag:s31] =	ssyncadd.s32 $0xFFFFC000  }
0x5e: {  	[spmem:s3] =	stream.indirect.scatter.add.f32 [tilespmem:s26], [sflag:$0x6], $0x80, s8, s23, $0xb8;
	[tilespmem:$0x1D000] =	vst v63  }
0x5f: {  	_ =	swait.ge [sflag:s1], $0x4000  }
0x60: {  	[sflag:s1] =	ssyncset.done $0x0  }
0x61: {  	s6 =	simm.s32 $0x14280;
	[sflag:s1] =	ssyncadd.s32 $0xFFFFC000  }
0x62: {  	[tilespmem:s26], [sflag:$0x4] =	stream.indirect.gather [hbm4b:s5+s23], $0x80, s6, s23, $0xb8;
	[tilespmem:$0x1D000] =	vst v63  }
0x63: {  	_ =	swait.ge [sflag:s28], $0x4000  }
0x64: {  	[sflag:s28] =	ssyncset.done $0x0  }
0x65: {  	s8 =	simm.s32 $0x14A00;
	[sflag:s28] =	ssyncadd.s32 $0xFFFFC000  }
0x66: {  	[spmem:s3] =	stream.indirect.scatter.add.f32 [tilespmem:s24], [sflag:$0x5], $0x80, s8, s23, $0xb8;
	[tilespmem:$0x1D000] =	vst v63  }
0x67: {  	_ =	swait.ge [sflag:s29], $0x4000  }
0x68: {  	[sflag:s29] =	ssyncset.done $0x0  }
0x69: {  	s6 =	simm.s32 $0x14300;
	[sflag:s29] =	ssyncadd.s32 $0xFFFFC000  }
0x6a: {  	[tilespmem:s24], [sflag:$0x3] =	stream.indirect.gather [hbm4b:s5+s23], $0x80, s6, s23, $0xb8;
	[tilespmem:$0x1D000] =	vst v63  }
0x6b: {  	_ =	swait.ge [sflag:s31], $0x4000  }
0x6c: {  	[sflag:s31] =	ssyncset.done $0x0  }
0x6d: {  	s8 =	simm.s32 $0x14A80;
	[sflag:s31] =	ssyncadd.s32 $0xFFFFC000  }
0x6e: {  	[spmem:s3] =	stream.indirect.scatter.add.f32 [tilespmem:s26], [sflag:$0x6], $0x80, s8, s23, $0xb8;
	[tilespmem:$0x1D000] =	vst v63  }
0x6f: {  	_ =	swait.ge [sflag:s1], $0x4000  }
0x70: {  	[sflag:s1] =	ssyncset.done $0x0  }
0x71: {  	s6 =	simm.s32 $0x14380;
	[sflag:s1] =	ssyncadd.s32 $0xFFFFC000  }
0x72: {  	[tilespmem:s26], [sflag:$0x4] =	stream.indirect.gather [hbm4b:s5+s23], $0x80, s6, s23, $0xb8;
	[tilespmem:$0x1D000] =	vst v63  }
0x73: {  	_ =	swait.ge [sflag:s28], $0x4000  }
0x74: {  	[sflag:s28] =	ssyncset.done $0x0  }
0x75: {  	s8 =	simm.s32 $0x14B00;
	[sflag:s28] =	ssyncadd.s32 $0xFFFFC000  }
0x76: {  	[spmem:s3] =	stream.indirect.scatter.add.f32 [tilespmem:s24], [sflag:$0x5], $0x80, s8, s23, $0xb8;
	[tilespmem:$0x1D000] =	vst v63  }
0x77: {  	_ =	swait.ge [sflag:s29], $0x4000  }
0x78: {  	[sflag:s29] =	ssyncset.done $0x0  }
0x79: {  	[sflag:s29] =	ssyncadd.s32 $0xFFFFC000  }
0x7a: {  	_ =	swait.ge [sflag:s31], $0x4000  }
0x7b: {  	[sflag:s31] =	ssyncset.done $0x0  }
0x7c: {  	s6 =	simm.s32 $0x14B80;
	[sflag:s31] =	ssyncadd.s32 $0xFFFFC000  }
0x7d: {  	[spmem:s3] =	stream.indirect.scatter.add.f32 [tilespmem:s26], [sflag:$0x6], $0x80, s6, s23, $0xb8;
	[tilespmem:$0x1D000] =	vst v63  }
0x7e: {  	_ =	swait.ge [sflag:s1], $0x4000  }
0x7f: {  	[sflag:s1] =	ssyncset.done $0x0  }
0x80: {  	[sflag:s1] =	ssyncadd.s32 $0xFFFFC000  }
0x81: {  	_ =	swait.ge [sflag:s17], $0x400  }
0x82: {  	[sflag:s17] =	ssyncset.done $0x0  }
0x83: {  	[sflag:s17] =	ssyncadd.s32 $0xFFFFFC00  }
0x84: {  	_ =	swait.ge [sflag:s17], $0x400  }
0x85: {  	[sflag:s17] =	ssyncset.done $0x0  }
0x86: {  	p0 =	seq.s32 s25, $0x400;
	[sflag:s17] =	ssyncadd.s32 $0xFFFFFC00  }
0x87: {  	s0 =	sshrl.u32 @!p0 s30, $0x3;
	s6 =	rddreg [dreg:$0x1]  }
0x88: {  	s8 =	simm.s32 @!p0 $0x14000;
	s0 =	sadd.s32 @!p0 s6, s0;
	s6 =	simm.s32 @!p0 $0x0  }
0x89: {  	[tilespmem:s8], [sflag:$0x1] =	stream.linear.gather @!p0 [hbm4b:s0+s6], $0x400, $0x38;
	[tilespmem:$0x1D000] =	vst v63  }
0x8a: {  	s0 =	sadd.s32 @!p0 s25, s13;
	s8 =	simm.s32 @!p0 $0x14800  }
0x8b: {  	[tilespmem:s8], [sflag:$0x1] =	stream.linear.gather @!p0 [hbm4b:s0+s6], $0x400, $0x38;
	[tilespmem:$0x1D000] =	vst v63  }
0x8c: {  	_ = 	snop  }
0x8d: {  	[tilespmem:s24], [sflag:$0x3] =	stream.indirect.gather [hbm4b:s5+s23], $0x80, s21, s23, $0xb8;
	[tilespmem:$0x1D000] =	vst v63  }
0x8e: {  	s8 =	simm.s32 $0x14480  }
0x8f: {  	[tilespmem:s26], [sflag:$0x4] =	stream.indirect.gather [hbm4b:s5+s23], $0x80, s8, s23, $0xb8;
	[tilespmem:$0x1D000] =	vst v63  }
0x90: {  	_ =	swait.ge [sflag:s28], $0x4000  }
0x91: {  	[sflag:s28] =	ssyncset.done $0x0  }
0x92: {  	[sflag:s28] =	ssyncadd.s32 $0xFFFFC000  }
0x93: {  	[spmem:s3] =	stream.indirect.scatter.add.f32 [tilespmem:s24], [sflag:$0x5], $0x80, s22, s23, $0xb8;
	[tilespmem:$0x1D000] =	vst v63  }
0x94: {  	_ =	swait.ge [sflag:s29], $0x4000  }
0x95: {  	[sflag:s29] =	ssyncset.done $0x0  }
0x96: {  	s6 =	simm.s32 $0x14500;
	[sflag:s29] =	ssyncadd.s32 $0xFFFFC000  }
0x97: {  	[tilespmem:s24], [sflag:$0x3] =	stream.indirect.gather [hbm4b:s5+s23], $0x80, s6, s23, $0xb8;
	[tilespmem:$0x1D000] =	vst v63  }
0x98: {  	_ =	swait.ge [sflag:s31], $0x4000  }
0x99: {  	[sflag:s31] =	ssyncset.done $0x0  }
0x9a: {  	s8 =	simm.s32 $0x14C80;
	[sflag:s31] =	ssyncadd.s32 $0xFFFFC000  }
0x9b: {  	[spmem:s3] =	stream.indirect.scatter.add.f32 [tilespmem:s26], [sflag:$0x6], $0x80, s8, s23, $0xb8;
	[tilespmem:$0x1D000] =	vst v63  }
0x9c: {  	_ =	swait.ge [sflag:s1], $0x4000  }
0x9d: {  	[sflag:s1] =	ssyncset.done $0x0  }
0x9e: {  	s6 =	simm.s32 $0x14580;
	[sflag:s1] =	ssyncadd.s32 $0xFFFFC000  }
0x9f: {  	[tilespmem:s26], [sflag:$0x4] =	stream.indirect.gather [hbm4b:s5+s23], $0x80, s6, s23, $0xb8;
	[tilespmem:$0x1D000] =	vst v63  }
0xa0: {  	_ =	swait.ge [sflag:s28], $0x4000  }
0xa1: {  	[sflag:s28] =	ssyncset.done $0x0  }
0xa2: {  	s8 =	simm.s32 $0x14D00;
	[sflag:s28] =	ssyncadd.s32 $0xFFFFC000  }
0xa3: {  	[spmem:s3] =	stream.indirect.scatter.add.f32 [tilespmem:s24], [sflag:$0x5], $0x80, s8, s23, $0xb8;
	[tilespmem:$0x1D000] =	vst v63  }
0xa4: {  	_ =	swait.ge [sflag:s29], $0x4000  }
0xa5: {  	[sflag:s29] =	ssyncset.done $0x0  }
0xa6: {  	[sflag:s29] =	ssyncadd.s32 $0xFFFFC000  }
0xa7: {  	[tilespmem:s24], [sflag:$0x3] =	stream.indirect.gather [hbm4b:s5+s23], $0x80, s10, s23, $0xb8;
	[tilespmem:$0x1D000] =	vst v63  }
0xa8: {  	_ =	swait.ge [sflag:s31], $0x4000  }
0xa9: {  	[sflag:s31] =	ssyncset.done $0x0  }
0xaa: {  	[sflag:s31] =	ssyncadd.s32 $0xFFFFC000  }
0xab: {  	[spmem:s3] =	stream.indirect.scatter.add.f32 [tilespmem:s26], [sflag:$0x6], $0x80, s7, s23, $0xb8;
	[tilespmem:$0x1D000] =	vst v63  }
0xac: {  	_ =	swait.ge [sflag:s1], $0x4000  }
0xad: {  	[sflag:s1] =	ssyncset.done $0x0  }
0xae: {  	[sflag:s1] =	ssyncadd.s32 $0xFFFFC000  }
0xaf: {  	[tilespmem:s26], [sflag:$0x4] =	stream.indirect.gather [hbm4b:s5+s23], $0x80, s11, s23, $0xb8;
	[tilespmem:$0x1D000] =	vst v63  }
0xb0: {  	_ =	swait.ge [sflag:s28], $0x4000  }
0xb1: {  	[sflag:s28] =	ssyncset.done $0x0  }
0xb2: {  	[sflag:s28] =	ssyncadd.s32 $0xFFFFC000  }
0xb3: {  	[spmem:s3] =	stream.indirect.scatter.add.f32 [tilespmem:s24], [sflag:$0x5], $0x80, s12, s23, $0xb8;
	[tilespmem:$0x1D000] =	vst v63  }
0xb4: {  	_ =	swait.ge [sflag:s29], $0x4000  }
0xb5: {  	[sflag:s29] =	ssyncset.done $0x0  }
0xb6: {  	[sflag:s29] =	ssyncadd.s32 $0xFFFFC000  }
0xb7: {  	[tilespmem:s24], [sflag:$0x3] =	stream.indirect.gather [hbm4b:s5+s23], $0x80, s9, s23, $0xb8;
	[tilespmem:$0x1D000] =	vst v63  }
0xb8: {  	_ =	swait.ge [sflag:s31], $0x4000  }
0xb9: {  	[sflag:s31] =	ssyncset.done $0x0  }
0xba: {  	[sflag:s31] =	ssyncadd.s32 $0xFFFFC000  }
0xbb: {  	[spmem:s3] =	stream.indirect.scatter.add.f32 [tilespmem:s26], [sflag:$0x6], $0x80, s18, s23, $0xb8;
	[tilespmem:$0x1D000] =	vst v63  }
0xbc: {  	_ =	swait.ge [sflag:s1], $0x4000  }
0xbd: {  	[sflag:s1] =	ssyncset.done $0x0  }
0xbe: {  	[sflag:s1] =	ssyncadd.s32 $0xFFFFC000  }
0xbf: {  	[tilespmem:s26], [sflag:$0x4] =	stream.indirect.gather [hbm4b:s5+s23], $0x80, s19, s23, $0xb8;
	[tilespmem:$0x1D000] =	vst v63  }
0xc0: {  	_ =	swait.ge [sflag:s28], $0x4000  }
0xc1: {  	[sflag:s28] =	ssyncset.done $0x0  }
0xc2: {  	[sflag:s28] =	ssyncadd.s32 $0xFFFFC000  }
0xc3: {  	[spmem:s3] =	stream.indirect.scatter.add.f32 [tilespmem:s24], [sflag:$0x5], $0x80, s2, s23, $0xb8;
	[tilespmem:$0x1D000] =	vst v63  }
0xc4: {  	_ =	swait.ge [sflag:s29], $0x4000  }
0xc5: {  	[sflag:s29] =	ssyncset.done $0x0  }
0xc6: {  	[sflag:s29] =	ssyncadd.s32 $0xFFFFC000  }
0xc7: {  	_ =	swait.ge [sflag:s31], $0x4000  }
0xc8: {  	[sflag:s31] =	ssyncset.done $0x0  }
.Ltmp2:
0xc9: {  	[sflag:s31] =	ssyncadd.s32 $0xFFFFC000;
	(pc) =	sbr.rel @p0 .LBB2_4-.Ltmp2, $4  }
0xca: {  	[spmem:s3] =	stream.indirect.scatter.add.f32 [tilespmem:s26], [sflag:$0x6], $0x80, s16, s23, $0xb8;
	[tilespmem:$0x1D000] =	vst v63  }
0xcb: {  	_ =	swait.ge [sflag:s1], $0x4000  }
0xcc: {  	[sflag:s1] =	ssyncset.done $0x0  }
0xcd: {  	[sflag:s1] =	ssyncadd.s32 $0xFFFFC000  }
0xce: {  	_ =	swait.ge [sflag:s20], $0x400  }
.Ltmp3:
0xcf: {  	[sflag:s20] =	ssyncset.done $0x0;
	(pc) =	sbr.rel .LBB2_2-.Ltmp3, $4  }
0xd0: {  	[sflag:s20] =	ssyncadd.s32 $0xFFFFFC00  }
0xd1: {  	_ =	swait.ge [sflag:s20], $0x400  }
0xd2: {  	[sflag:s20] =	ssyncset.done $0x0  }
0xd3: {  	s30 =	sadd.s32 $0x800, s30;
	s25 =	sadd.s32 $0x100, s25;
	[sflag:s20] =	ssyncadd.s32 $0xFFFFFC00  }
.LBB2_5:
0xd4: {  	_ =	sfence.sel $0x180000  }
0xd5: {  	[bflag:$0x0] =	sbarrier.arrive $0xFFFF  }
0xd6: {  	_ =	strace $0x9000004A  }
0xd7: {  	s0 =	stileid.u32;
	[bflag:$0x2] =	sbarrier.arrive $0xFFFF  }
0xd8: {  	p0 =	sne.s32 s0, $0x0;
	s0 =	rddreg [dreg:$0x3]  }
0xd9: {  	s0 =	sadd.s32 @!p0 $0x100000, s0  }
0xda: {  	[sflag:s0] =	ssyncadd.tile.s32 @!p0 $0x1;
	_ =	shalt  }
.Lfunc_end2:
_tile_overlayer_lowered:
.L_overlay_start_2:
0xdb: {  	(tag) =	ssettag $0x2  }
0xdc: {  	s0 =	rddreg [dreg:$0x0];
	s2 =	stileid.u32  }
0xdd: {  	s1 =	rddreg [dreg:$0x1];
	p0 =	sne.s32 s2, $0x0  }
0xde: {  	s3 =	rddreg [dreg:$0x2];
	[bflag:$0x3] =	sbarrier.arrive $0xFFFF;
	s2 =	simm.s32 @!p0 $0x1C07  }
0xdf: {  	[timem:s3], [sflag:s2] =	dma.local @!p0 [hbm:s0], s1  }
0xe0: {  	s0 =	simm.s32 @!p0 $0x7  }
0xe1: {  	_ =	swait.ge @!p0 [sflag:s0], s1  }
0xe2: {  	s1 =	ssub.s32 @!p0 $0x0, s1;
	[sflag:s0] =	ssyncset.done @!p0 $0x0  }
0xe3: {  	[sflag:s0] =	ssyncadd.s32 @!p0 s1  }
0xe4: {  	[bflag:$0x3] =	sbarrier.arrive $0xFFFF  }
0xe5: {  	_ =	shalt  }

// kernel: kernel.14.cloned.1.call-start
scs
__scs_entry_jumppad:
0x0: {  	(pc) =	sbr.rel $0x88, $3  }
0x1: {  	(tag) =	ssettag $0x0;
	lr =	simm.s32 $0x1  }
0x2: {  	[smem:$0x3F9B] =	sst lr;
	_ =	strace $0xD0000000  }
0x3: {  	_ = 	snop  }
0x4: {  	_ = 	snop  }
0x5: {  	_ = 	snop  }
0x6: {  	_ = 	snop  }
0x7: {  	_ = 	snop  }
__scs_overlays_trampoline_lowered:
0x8: {  	[smem:$0x3FAA] =	sst s0  }
0x9: {  	[smem:$0x3FAB] =	sst s1  }
0xa: {  	[smem:$0x3FAC] =	sst s2  }
0xb: {  	[smem:$0x3FAD] =	sst s3  }
0xc: {  	[smem:$0x3FAE] =	sst s4  }
0xd: {  	[smem:$0x3FAF] =	sst s5  }
0xe: {  	[smem:$0x3FB0] =	sst s6  }
0xf: {  	[smem:$0x3FB1] =	sst s7  }
0x10: {  	[smem:$0x3FB2] =	sst s8  }
0x11: {  	[smem:$0x3FB3] =	sst s9;
	s0 =	simm.s32 @!p0 $0x0  }
0x12: {  	s1 =	sld [smem:$0x3F99];
	s0 =	simm.s32 @p0 $0x1  }
0x13: {  	[smem:$0x3FB4] =	sst s0;
	s0 =	simm.s32 @!p1 $0x0  }
0x14: {  	s2 =	sld [smem:$0x3F98];
	s0 =	simm.s32 @p1 $0x1  }
0x15: {  	[smem:$0x3FB5] =	sst s0;
	s0 =	simm.s32 @!p2 $0x0  }
0x16: {  	s3 =	sld [smem:$0x3FDB];
	s0 =	simm.s32 @p2 $0x1  }
0x17: {  	s4 =	simm.s32 $0x1BF5;
	[smem:$0x3FB7] =	sst s0  }
0x18: {  	s0 =	sld [smem:$0x3F9A];
	_ =	swait.ge [sflag:s4], $0x0  }
0x19: {  	s7 =	sld [smem:$0x3F9B]  }
0x1a: {  	s8 =	sadd.s32 $0xFFFFE003, lr  }
0x1b: {  	s9 =	sadd.s32 $0xFFFFFEF7, lr;
	s5 =	simm.s32 $0xFFFFFFFF;
	p2 =	slt.u32 s8, $0xFFFFF086  }
0x1c: {  	p1 =	slt.u32 s9, $0xF7A;
	s5 =	simm.s32 @!p2 $0x0  }
0x1d: {  	s5 =	simm.s32 @p1 $0x1;
	p0 =	seq.s32 s7, s2  }
0x1e: {  	s7 =	smul.u32 @!p0 $0xF7A, s2;
	p2 =	seq.s32 @!p0 s5, $0x0  }
0x1f: {  	s9 =	smul.u32 $0xF7A, s1;
	s8 =	simm.s32 @!p0 $0x1BF5;
	p2 =	por !p2, p0  }
0x20: {  	[sflag:s8] =	ssyncset.s32 @!p0 $0xFFFFF086;
	s6 =	sadd.s32 @!p0 s3, s7;
	s7 =	simm.s32 @!p0 $0x108  }
0x21: {  	s3 =	sadd.s32 s3, s9;
	s6 =	sadd.s32 @!p0 $0x88, s6;
	s7 =	simm.s32 @p2 $0x1082  }
0x22: {  	[simem:s7], [sflag:s8] =	dma.local @!p0 [hbm:s6], $0xF7A  }
0x23: {  	s9 =	sor.u32 $0xD0000000, s2;
	s6 =	simm.s32 $0x108;
	_ =	swait.ge @!p0 [sflag:s8], $0x0  }
0x24: {  	s3 =	sadd.s32 $0x88, s3;
	s6 =	simm.s32 @!p1 $0x1082;
	[sflag:s4] =	ssyncset.s32 $0xFFFFF086  }
0x25: {  	[simem:s6], [sflag:s4] =	dma.local [hbm:s3], $0xF7A  }
0x26: {  	[smem:$0x3F9B] =	sst s1;
	(tag) =	ssettag s2;
	_ =	strace s9  }
0x27: {  	s1 =	sld [smem:$0x3FAB]  }
0x28: {  	s2 =	sld [smem:$0x3FAC]  }
0x29: {  	s4 =	sld [smem:$0x3FAE]  }
0x2a: {  	p0 =	seq.s32 s5, $0x0;
	s5 =	sld [smem:$0x3FAF]  }
0x2b: {  	s6 =	sld [smem:$0x3FB0]  }
0x2c: {  	s7 =	sld [smem:$0x3FB1]  }
0x2d: {  	s3 =	simm.s32 $0x108;
	s8 =	sld [smem:$0x3FB2]  }
0x2e: {  	s3 =	simm.s32 @!p0 $0x1082;
	s9 =	sld [smem:$0x3FB3]  }
0x2f: {  	lr =	sadd.s32 s0, s3;
	s0 =	sld [smem:$0x3FAA]  }
0x30: {  	s3 =	sld [smem:$0x3FAD]  }
0x31: {  	[smem:$0x3FB6] =	sst s10  }
0x32: {  	s10 =	sld [smem:$0x3FB4];
	_ =	sdelay $0x3  }
0x33: {  	p0 =	seq.s32 s10, $0x1;
	s10 =	sld [smem:$0x3FB6];
	_ =	sdelay $0x3  }
0x34: {  	[smem:$0x3FB6] =	sst s10  }
0x35: {  	s10 =	sld [smem:$0x3FB5];
	_ =	sdelay $0x3  }
0x36: {  	p1 =	seq.s32 s10, $0x1;
	s10 =	sld [smem:$0x3FB6];
	_ =	sdelay $0x3  }
0x37: {  	[smem:$0x3FB6] =	sst s10  }
0x38: {  	s10 =	sld [smem:$0x3FB7]  }
0x39: {  	_ = 	snop;
	(pc) =	sbr.ind lr, $3  }
0x3a: {  	_ = 	snop  }
0x3b: {  	_ = 	snop  }
0x3c: {  	p2 =	seq.s32 s10, $0x1;
	s10 =	sld [smem:$0x3FB6]  }
0x3d: {  	_ =	shalt  }
0x3e: {  	_ =	shalt  }
0x3f: {  	_ =	shalt  }
0x40: {  	_ =	shalt  }
0x41: {  	_ =	shalt  }
0x42: {  	_ =	shalt  }
0x43: {  	_ =	shalt  }
0x44: {  	_ =	shalt  }
0x45: {  	_ =	shalt  }
0x46: {  	_ =	shalt  }
0x47: {  	_ =	shalt  }
0x48: {  	_ =	shalt  }
0x49: {  	_ =	shalt  }
0x4a: {  	_ =	shalt  }
0x4b: {  	_ =	shalt  }
0x4c: {  	_ =	shalt  }
0x4d: {  	_ =	shalt  }
0x4e: {  	_ =	shalt  }
0x4f: {  	_ =	shalt  }
0x50: {  	_ =	shalt  }
0x51: {  	_ =	shalt  }
0x52: {  	_ =	shalt  }
0x53: {  	_ =	shalt  }
0x54: {  	_ =	shalt  }
0x55: {  	_ =	shalt  }
0x56: {  	_ =	shalt  }
0x57: {  	_ =	shalt  }
0x58: {  	_ =	shalt  }
0x59: {  	_ =	shalt  }
0x5a: {  	_ =	shalt  }
0x5b: {  	_ =	shalt  }
0x5c: {  	_ =	shalt  }
0x5d: {  	_ =	shalt  }
0x5e: {  	_ =	shalt  }
0x5f: {  	_ =	shalt  }
0x60: {  	_ =	shalt  }
0x61: {  	_ =	shalt  }
0x62: {  	_ =	shalt  }
0x63: {  	_ =	shalt  }
0x64: {  	_ =	shalt  }
0x65: {  	_ =	shalt  }
0x66: {  	_ =	shalt  }
0x67: {  	_ =	shalt  }
0x68: {  	_ =	shalt  }
0x69: {  	_ =	shalt  }
0x6a: {  	_ =	shalt  }
0x6b: {  	_ =	shalt  }
0x6c: {  	_ =	shalt  }
0x6d: {  	_ =	shalt  }
0x6e: {  	_ =	shalt  }
0x6f: {  	_ =	shalt  }
0x70: {  	_ =	shalt  }
0x71: {  	_ =	shalt  }
0x72: {  	_ =	shalt  }
0x73: {  	_ =	shalt  }
0x74: {  	_ =	shalt  }
0x75: {  	_ =	shalt  }
0x76: {  	_ =	shalt  }
0x77: {  	_ =	shalt  }
0x78: {  	_ =	shalt  }
0x79: {  	_ =	shalt  }
0x7a: {  	_ =	shalt  }
0x7b: {  	_ =	shalt  }
0x7c: {  	_ =	shalt  }
0x7d: {  	_ =	shalt  }
0x7e: {  	_ =	shalt  }
0x7f: {  	_ =	shalt  }
0x80: {  	_ =	shalt  }
0x81: {  	_ =	shalt  }
0x82: {  	_ =	shalt  }
0x83: {  	_ =	shalt  }
0x84: {  	_ =	shalt  }
0x85: {  	_ =	shalt  }
0x86: {  	_ =	shalt  }
0x87: {  	_ =	shalt  }
.Lfunc_end0:
.L_simem_size_0:
called_computation.2_lowered:
.L_overlay_start_0:
0x88: {  	s2 =	sld [smem:$0x3FD9]  }
0x89: {  	s3 =	sld [smem:$0x3FFE];
	_ =	sdelay $0x1  }
0x8a: {  	s1 =	srdreg.scid  }
0x8b: {  	s0 =	sand.u32 $0x1, s1  }
0x8c: {  	s17 =	sshll.u32 s0, $0xA;
	s2 =	sadd.s32 s3, s2  }
0x8d: {  	s2 =	sadd.s32 s2, s17  }
0x8e: {  	[smem:$0x3FC2] =	sst s2  }
0x8f: {  	_ = 	snop  }
0x90: {  	s2 =	sld [smem:$0x3FD0];
	(tm) =	ssettm $0x1  }
0x91: {  	s18 =	sld [smem:$0x3FFB];
	_ =	sdelay $0x3  }
0x92: {  	_ =	strace s18  }
0x93: {  	s3 =	sld [smem:$0x3FFC];
	_ =	sdelay $0x3  }
0x94: {  	_ =	strace s3  }
0x95: {  	s3 =	sld [smem:$0x3FFD];
	_ =	sdelay $0x3  }
0x96: {  	_ =	strace s3  }
0x97: {  	_ =	strace $0x8FFFFFFF  }
0x98: {  	s19 =	sld [smem:$0x3FDB];
	_ =	sdelay $0x1  }
0x99: {  	s4 =	simm.s32 $_scs_section_size  }
0x9a: {  	s5 =	simm.s32 $_size__tile_overlayer_lowered;
	s6 =	simm.s32 $_tile_overlayer_lowered  }
0x9b: {  	s22 =	simm.s32 $0x1BFF;
	s21 =	sshll.u32 s6, $0x1;
	s3 =	sadd.s32 s4, s19  }
0x9c: {  	s7 =	simm.s32 $0x0;
	s20 =	sshll.u32 s5, $0x1;
	s5 =	sadd.s32 s21, s3  }
0x9d: {  	[timem:s7], [sflag:s22] =	dma.local [hbm:s5], s20  }
0x9e: {  	_ =	swait.ge [sflag:s22], s20  }
0x9f: {  	s4 =	ssub.s32 $0x0, s20;
	[sflag:s22] =	ssyncset.done $0x0  }
0xa0: {  	[sflag:s22] =	ssyncadd.s32 s4;
	_ =	sdelay $0x1  }
0xa1: {  	s23 =	simm.s32 $0x1B8B  }
0xa2: {  	_ =	swait.ge [sflag:s23], $0x1  }
0xa3: {  	[sflag:s23] =	ssyncset.done $0x0  }
0xa4: {  	s25 =	simm.s32 $0x1B8E;
	s24 =	sld [smem:$0x3FFE];
	[sflag:s23] =	ssyncadd.s32 $0xFFFFFFFF  }
0xa5: {  	s26 =	simm.s32 $execute0_lowered;
	[smem:$0x3FD2] =	sst s25  }
0xa6: {  	s5 =	sshll.u32 s26, $0x1;
	_ =	strace $0x8000004C;
	[dreg:$0x1] =	wrdreg $0xFFFFFFFF  }
0xa7: {  	s28 =	simm.s32 $_size_execute0_lowered;
	s3 =	sadd.s32 s3, s5;
	[dreg:$0x0] =	wrdreg $0x0  }
0xa8: {  	s5 =	sshll.u32 s28, $0x1;
	[dreg:$0x2] =	wrdreg s3  }
0xa9: {  	[dreg:$0x3] =	wrdreg s5  }
0xaa: {  	[dreg:$0x4] =	wrdreg $0xC0  }
0xab: {  	_ =	task [dreg:s7], $0x5FFFF  }
0xac: {  	[dreg:$0x1] =	wrdreg $0xFFFFFFFF  }
0xad: {  	[dreg:$0x0] =	wrdreg $0x60  }
0xae: {  	[dreg:$0x2] =	wrdreg s24  }
0xaf: {  	[dreg:$0x3] =	wrdreg s2  }
0xb0: {  	[dreg:$0x4] =	wrdreg $0x0  }
0xb1: {  	[dreg:$0x5] =	wrdreg $0x9  }
0xb2: {  	_ =	task.clear_ibuf [dreg:s7], $0x6FFFF;
	_ =	strace $0x9000004C  }
0xb3: {  	s29 =	simm.s32 $0x9;
	_ =	strace $0x8000004E  }
0xb4: {  	_ =	swait.ge [sflag:s29], $0x1  }
0xb5: {  	[sflag:s29] =	ssyncadd.s32 $0xFFFFFFFF  }
0xb6: {  	_ =	strace $0x9000004E  }
0xb7: {  	_ =	sfence  }
0xb8: {  	s30 =	sld [smem:$0x0];
	_ =	sdelay $0x2  }
0xb9: {  	s31 =	sshll.u32 s1, $0xD;
	s1 =	sshrl.u32 s1, $0x2  }
0xba: {  	s3 =	sand.u32 $0x4000, s31;
	s1 =	sadd.s32 s1, s30  }
0xbb: {  	s0 =	sor.u32 s3, s0;
	s1 =	sshll.u32 s1, $0x11  }
0xbc: {  	s0 =	sor.u32 s1, s0  }
0xbd: {  	s0 =	sadd.s32 $0x8F2B, s0  }
0xbe: {  	[sflag:s0] =	ssyncadd.remote.s32 $0x1  }
0xbf: {  	_ =	sfence.sel $0xFFFF  }
0xc0: {  	[dreg:$0x0] =	wrdreg $0xFFFFFFFF;
	(pc) =	sbr.abs _section_cstart, $3  }
0xc1: {  	[dreg:$0x1] =	wrdreg $0xFFFFFFFF  }
0xc2: {  	_ =	task.clear_ibuf [dreg:s7], $0x2FFFF;
	_ =	strace $0x9FFFFFFF  }
0xc3: {  	(tm) =	ssettm $0x7FFFFFFF  }
tec
execute0_lowered:
.L_overlay_start_1:
0x0: {  	(tag) =	ssettag $0x1  }
0x1: {  	s0 =	rddreg [dreg:$0x0]  }
0x2: {  	s10 =	rddreg [dreg:$0x1];
	s1 =	srdreg.scid  }
0x3: {  	s3 =	rddreg [dreg:$0x2];
	s9 =	stileid.u32  }
0x4: {  	s4 =	simm.s32 $0x0;
	s30 =	simm.s32 $0x7;
	s28 =	simm.s32 $0x3  }
0x5: {  	s29 =	simm.s32 $0x5;
	s31 =	simm.s32 $0x4;
	s5 =	smul.u32 $0x14000, s9  }
0x6: {  	s12 =	simm.s32 $0x14E00;
	s1 =	sand.u32 $0x1, s1;
	s8 =	smul.u32 $0x50000, s9  }
0x7: {  	[smem:$0x7FF] =	sst s4;
	s7 =	sadd.s32 $0x2A800, s0;
	s20 =	smul.u32 $0x2800, s9  }
0x8: {  	s19 =	sshll.u32 s9, $0x6;
	s2 =	smul.u32 $0x140000, s1;
	s6 =	sshll.u32 s1, $0x4  }
0x9: {  	_ =	strace $0x8000004D;
	[dreg:$0x4] =	wrdreg s7;
	s16 =	ssub.s32 $0x2, s1  }
0xa: {  	s1 =	smul.u32 $0x28000, s1;
	s25 =	sor.u32 $0x1C07, s19;
	s7 =	simm.s32 $0x14D80  }
0xb: {  	s19 =	simm.s32 $0x14780;
	s6 =	sor.u32 s9, s6;
	s17 =	sshrl.u32 s16, $0x1  }
0xc: {  	s18 =	sshrl.u32 s8, $0x2;
	s9 =	simm.s32 $0x14700;
	[dreg:$0x7] =	wrdreg s25  }
0xd: {  	s2 =	sadd.s32 s5, s2;
	s5 =	sadd.s32 $0x2800, s0;
	s6 =	smul.u32 $0x2800, s6  }
0xe: {  	s23 =	sadd.s32 s20, s1;
	s20 =	simm.s32 $0x1;
	s2 =	sshrl.u32 s2, $0x3  }
0xf: {  	s1 =	sadd.s32 $0x800, s23;
	s24 =	sadd.s32 $0x50800, s23;
	s26 =	sor.u32 $0x400, s23  }
0x10: {  	s0 =	sadd.s32 s2, s0;
	s6 =	sshrl.u32 s6, $0x3;
	s2 =	ssub.s32 s16, s17  }
0x11: {  	[dreg:$0xa] =	wrdreg s1;
	s1 =	sshrl.u32 s24, $0x3;
	s24 =	simm.s32 $0x15000  }
0x12: {  	s17 =	simm.s32 $0x2;
	s16 =	simm.s32 $0x14F80;
	s11 =	sadd.s32 s10, s6  }
0x13: {  	s6 =	sadd.s32 s18, s3;
	s0 =	sadd.s32 $0x2D000, s0;
	s22 =	smax.u32 s2, $0x1  }
0x14: {  	s2 =	sshrl.u32 s26, $0x3;
	s13 =	sadd.s32 s1, s10;
	[dreg:$0x5] =	wrdreg s11  }
0x15: {  	s26 =	simm.s32 $0x19000;
	s1 =	simm.s32 $0x6;
	[dreg:$0x8] =	wrdreg s0  }
0x16: {  	s18 =	simm.s32 $0x14E80;
	s21 =	sadd.s32 $0xA000, s11;
	[dreg:$0x9] =	wrdreg s22  }
.Ltmp0:
0x17: {  	s0 =	sadd.s32 $0x50400, s23;
	s14 =	sadd.s32 s2, s10;
	(pc) =	sbr.rel .LBB2_1-.Ltmp0, $4  }
0x18: {  	s8 =	sshrl.u32 s6, $0x3;
	s22 =	simm.s32 $0x14C00;
	s23 =	simm.s32 $0x80  }
0x19: {  	s11 =	simm.s32 $0x14680;
	s2 =	simm.s32 $0x14F00;
	s6 =	simm.s32 $0x0  }
0x1a: {  	[dreg:$0x6] =	wrdreg s21;
	s0 =	sshrl.u32 s0, $0x3;
	s21 =	simm.s32 $0x14400  }
0x1b: {  	[dreg:$0xb] =	wrdreg s8;
	s15 =	sadd.s32 s0, s10;
	s10 =	simm.s32 $0x14600  }
.LBB2_4:
0x1c: {  	[bflag:$0x0] =	sbarrier.arrive $0xFFFF  }
0x1d: {  	s25 =	rddreg [dreg:$0x7]  }
0x1e: {  	s0 =	rddreg [dreg:$0x8]  }
0x1f: {  	s30 =	simm.s32 $0x7;
	s8 =	rddreg [dreg:$0xb]  }
0x20: {  	[hbm:s0], [sflag:s25] =	dma.local [spmem:s8], $0x2800  }
0x21: {  	_ =	swait.ge [sflag:s30], $0x2800  }
0x22: {  	s6 =	rddreg [dreg:$0xc]  }
0x23: {  	s0 =	rddreg [dreg:$0x9];
	s6 =	sadd.s32 $0x1, s6  }
0x24: {  	p0 =	sne.s32 s6, s0  }
.Ltmp1:
0x25: {  	_ = 	snop;
	(pc) =	sbr.rel @!p0 .LBB2_5-.Ltmp1, $3  }
0x26: {  	_ =	sdelay $0x1  }
0x27: {  	[sflag:s30] =	ssyncset.done $0x0  }
0x28: {  	[sflag:s30] =	ssyncadd.s32 $0xFFFFD800  }
.LBB2_1:
0x29: {  	[dreg:$0xc] =	wrdreg s6  }
0x2a: {  	s0 =	rddreg [dreg:$0x5];
	s6 =	simm.s32 $0x14000  }
0x2b: {  	[tilespmem:s6], [sflag:$0x1] =	stream.linear.gather [hbm4b:s0+s4], $0x400, $0x38;
	[tilespmem:$0x1D000] =	vst v63  }
0x2c: {  	s0 =	rddreg [dreg:$0x6];
	s6 =	simm.s32 $0x14800  }
0x2d: {  	[tilespmem:s6], [sflag:$0x1] =	stream.linear.gather [hbm4b:s0+s4], $0x400, $0x38;
	[tilespmem:$0x1D000] =	vst v63  }
0x2e: {  	s6 =	rddreg [dreg:$0x4]  }
0x2f: {  	[spmem:s8], [sflag:s25] =	dma.local [hbm:s6], $0x2800  }
0x30: {  	_ =	swait.ge [sflag:s30], $0x2800  }
0x31: {  	[sflag:s30] =	ssyncset.done $0x0  }
0x32: {  	[sflag:s30] =	ssyncadd.s32 $0xFFFFD800  }
0x33: {  	_ =	swait.ge [sflag:s20], $0x400  }
0x34: {  	[sflag:s20] =	ssyncset.done $0x0  }
0x35: {  	[sflag:s20] =	ssyncadd.s32 $0xFFFFFC00  }
0x36: {  	_ =	swait.ge [sflag:s20], $0x400  }
0x37: {  	[sflag:s20] =	ssyncset.done $0x0  }
0x38: {  	[sflag:s20] =	ssyncadd.s32 $0xFFFFFC00  }
0x39: {  	[bflag:$0x0] =	sbarrier.arrive $0xFFFF  }
0x3a: {  	s25 =	simm.s32 $0x0;
	s30 =	rddreg [dreg:$0xa]  }
.LBB2_2:
0x3b: {  	s0 =	sadd.s32 s25, s14  }
0x3c: {  	[tilespmem:s21], [sflag:$0x2] =	stream.linear.gather [hbm4b:s0+s4], $0x400, $0x38;
	[tilespmem:$0x1D000] =	vst v63  }
0x3d: {  	s6 =	sadd.s32 s25, s15  }
0x3e: {  	[tilespmem:s22], [sflag:$0x2] =	stream.linear.gather [hbm4b:s6+s4], $0x400, $0x38;
	[tilespmem:$0x1D000] =	vst v63  }
0x3f: {  	s8 =	simm.s32 $0x14000  }
0x40: {  	[tilespmem:s24], [sflag:$0x3] =	stream.indirect.gather [hbm4b:s5+s23], $0x80, s8, s23, $0xb8;
	[tilespmem:$0x1D000] =	vst v63  }
0x41: {  	s6 =	simm.s32 $0x14080  }
0x42: {  	[tilespmem:s26], [sflag:$0x4] =	stream.indirect.gather [hbm4b:s5+s23], $0x80, s6, s23, $0xb8;
	[tilespmem:$0x1D000] =	vst v63  }
0x43: {  	_ =	swait.ge [sflag:s28], $0x4000  }
0x44: {  	[sflag:s28] =	ssyncset.done $0x0  }
0x45: {  	s8 =	simm.s32 $0x14800;
	[sflag:s28] =	ssyncadd.s32 $0xFFFFC000  }
0x46: {  	[spmem:s3] =	stream.indirect.scatter.add.f32 [tilespmem:s24], [sflag:$0x5], $0x80, s8, s23, $0xb8;
	[tilespmem:$0x1D000] =	vst v63  }
0x47: {  	_ =	swait.ge [sflag:s29], $0x4000  }
0x48: {  	[sflag:s29] =	ssyncset.done $0x0  }
0x49: {  	s6 =	simm.s32 $0x14100;
	[sflag:s29] =	ssyncadd.s32 $0xFFFFC000  }
0x4a: {  	[tilespmem:s24], [sflag:$0x3] =	stream.indirect.gather [hbm4b:s5+s23], $0x80, s6, s23, $0xb8;
	[tilespmem:$0x1D000] =	vst v63  }
0x4b: {  	_ =	swait.ge [sflag:s31], $0x4000  }
0x4c: {  	[sflag:s31] =	ssyncset.done $0x0  }
0x4d: {  	s8 =	simm.s32 $0x14880;
	[sflag:s31] =	ssyncadd.s32 $0xFFFFC000  }
0x4e: {  	[spmem:s3] =	stream.indirect.scatter.add.f32 [tilespmem:s26], [sflag:$0x6], $0x80, s8, s23, $0xb8;
	[tilespmem:$0x1D000] =	vst v63  }
0x4f: {  	_ =	swait.ge [sflag:s1], $0x4000  }
0x50: {  	[sflag:s1] =	ssyncset.done $0x0  }
0x51: {  	s6 =	simm.s32 $0x14180;
	[sflag:s1] =	ssyncadd.s32 $0xFFFFC000  }
0x52: {  	[tilespmem:s26], [sflag:$0x4] =	stream.indirect.gather [hbm4b:s5+s23], $0x80, s6, s23, $0xb8;
	[tilespmem:$0x1D000] =	vst v63  }
0x53: {  	_ =	swait.ge [sflag:s28], $0x4000  }
0x54: {  	[sflag:s28] =	ssyncset.done $0x0  }
0x55: {  	s8 =	simm.s32 $0x14900;
	[sflag:s28] =	ssyncadd.s32 $0xFFFFC000  }
0x56: {  	[spmem:s3] =	stream.indirect.scatter.add.f32 [tilespmem:s24], [sflag:$0x5], $0x80, s8, s23, $0xb8;
	[tilespmem:$0x1D000] =	vst v63  }
0x57: {  	_ =	swait.ge [sflag:s29], $0x4000  }
0x58: {  	[sflag:s29] =	ssyncset.done $0x0  }
0x59: {  	s6 =	simm.s32 $0x14200;
	[sflag:s29] =	ssyncadd.s32 $0xFFFFC000  }
0x5a: {  	[tilespmem:s24], [sflag:$0x3] =	stream.indirect.gather [hbm4b:s5+s23], $0x80, s6, s23, $0xb8;
	[tilespmem:$0x1D000] =	vst v63  }
0x5b: {  	_ =	swait.ge [sflag:s31], $0x4000  }
0x5c: {  	[sflag:s31] =	ssyncset.done $0x0  }
0x5d: {  	s8 =	simm.s32 $0x14980;
	[sflag:s31] =	ssyncadd.s32 $0xFFFFC000  }
0x5e: {  	[spmem:s3] =	stream.indirect.scatter.add.f32 [tilespmem:s26], [sflag:$0x6], $0x80, s8, s23, $0xb8;
	[tilespmem:$0x1D000] =	vst v63  }
0x5f: {  	_ =	swait.ge [sflag:s1], $0x4000  }
0x60: {  	[sflag:s1] =	ssyncset.done $0x0  }
0x61: {  	s6 =	simm.s32 $0x14280;
	[sflag:s1] =	ssyncadd.s32 $0xFFFFC000  }
0x62: {  	[tilespmem:s26], [sflag:$0x4] =	stream.indirect.gather [hbm4b:s5+s23], $0x80, s6, s23, $0xb8;
	[tilespmem:$0x1D000] =	vst v63  }
0x63: {  	_ =	swait.ge [sflag:s28], $0x4000  }
0x64: {  	[sflag:s28] =	ssyncset.done $0x0  }
0x65: {  	s8 =	simm.s32 $0x14A00;
	[sflag:s28] =	ssyncadd.s32 $0xFFFFC000  }
0x66: {  	[spmem:s3] =	stream.indirect.scatter.add.f32 [tilespmem:s24], [sflag:$0x5], $0x80, s8, s23, $0xb8;
	[tilespmem:$0x1D000] =	vst v63  }
0x67: {  	_ =	swait.ge [sflag:s29], $0x4000  }
0x68: {  	[sflag:s29] =	ssyncset.done $0x0  }
0x69: {  	s6 =	simm.s32 $0x14300;
	[sflag:s29] =	ssyncadd.s32 $0xFFFFC000  }
0x6a: {  	[tilespmem:s24], [sflag:$0x3] =	stream.indirect.gather [hbm4b:s5+s23], $0x80, s6, s23, $0xb8;
	[tilespmem:$0x1D000] =	vst v63  }
0x6b: {  	_ =	swait.ge [sflag:s31], $0x4000  }
0x6c: {  	[sflag:s31] =	ssyncset.done $0x0  }
0x6d: {  	s8 =	simm.s32 $0x14A80;
	[sflag:s31] =	ssyncadd.s32 $0xFFFFC000  }
0x6e: {  	[spmem:s3] =	stream.indirect.scatter.add.f32 [tilespmem:s26], [sflag:$0x6], $0x80, s8, s23, $0xb8;
	[tilespmem:$0x1D000] =	vst v63  }
0x6f: {  	_ =	swait.ge [sflag:s1], $0x4000  }
0x70: {  	[sflag:s1] =	ssyncset.done $0x0  }
0x71: {  	s6 =	simm.s32 $0x14380;
	[sflag:s1] =	ssyncadd.s32 $0xFFFFC000  }
0x72: {  	[tilespmem:s26], [sflag:$0x4] =	stream.indirect.gather [hbm4b:s5+s23], $0x80, s6, s23, $0xb8;
	[tilespmem:$0x1D000] =	vst v63  }
0x73: {  	_ =	swait.ge [sflag:s28], $0x4000  }
0x74: {  	[sflag:s28] =	ssyncset.done $0x0  }
0x75: {  	s8 =	simm.s32 $0x14B00;
	[sflag:s28] =	ssyncadd.s32 $0xFFFFC000  }
0x76: {  	[spmem:s3] =	stream.indirect.scatter.add.f32 [tilespmem:s24], [sflag:$0x5], $0x80, s8, s23, $0xb8;
	[tilespmem:$0x1D000] =	vst v63  }
0x77: {  	_ =	swait.ge [sflag:s29], $0x4000  }
0x78: {  	[sflag:s29] =	ssyncset.done $0x0  }
0x79: {  	[sflag:s29] =	ssyncadd.s32 $0xFFFFC000  }
0x7a: {  	_ =	swait.ge [sflag:s31], $0x4000  }
0x7b: {  	[sflag:s31] =	ssyncset.done $0x0  }
0x7c: {  	s6 =	simm.s32 $0x14B80;
	[sflag:s31] =	ssyncadd.s32 $0xFFFFC000  }
0x7d: {  	[spmem:s3] =	stream.indirect.scatter.add.f32 [tilespmem:s26], [sflag:$0x6], $0x80, s6, s23, $0xb8;
	[tilespmem:$0x1D000] =	vst v63  }
0x7e: {  	_ =	swait.ge [sflag:s1], $0x4000  }
0x7f: {  	[sflag:s1] =	ssyncset.done $0x0  }
0x80: {  	[sflag:s1] =	ssyncadd.s32 $0xFFFFC000  }
0x81: {  	_ =	swait.ge [sflag:s17], $0x400  }
0x82: {  	[sflag:s17] =	ssyncset.done $0x0  }
0x83: {  	[sflag:s17] =	ssyncadd.s32 $0xFFFFFC00  }
0x84: {  	_ =	swait.ge [sflag:s17], $0x400  }
0x85: {  	[sflag:s17] =	ssyncset.done $0x0  }
0x86: {  	p0 =	seq.s32 s25, $0x400;
	[sflag:s17] =	ssyncadd.s32 $0xFFFFFC00  }
0x87: {  	s0 =	sshrl.u32 @!p0 s30, $0x3;
	s6 =	rddreg [dreg:$0x1]  }
0x88: {  	s8 =	simm.s32 @!p0 $0x14000;
	s0 =	sadd.s32 @!p0 s6, s0;
	s6 =	simm.s32 @!p0 $0x0  }
0x89: {  	[tilespmem:s8], [sflag:$0x1] =	stream.linear.gather @!p0 [hbm4b:s0+s6], $0x400, $0x38;
	[tilespmem:$0x1D000] =	vst v63  }
0x8a: {  	s0 =	sadd.s32 @!p0 s25, s13;
	s8 =	simm.s32 @!p0 $0x14800  }
0x8b: {  	[tilespmem:s8], [sflag:$0x1] =	stream.linear.gather @!p0 [hbm4b:s0+s6], $0x400, $0x38;
	[tilespmem:$0x1D000] =	vst v63  }
0x8c: {  	_ = 	snop  }
0x8d: {  	[tilespmem:s24], [sflag:$0x3] =	stream.indirect.gather [hbm4b:s5+s23], $0x80, s21, s23, $0xb8;
	[tilespmem:$0x1D000] =	vst v63  }
0x8e: {  	s8 =	simm.s32 $0x14480  }
0x8f: {  	[tilespmem:s26], [sflag:$0x4] =	stream.indirect.gather [hbm4b:s5+s23], $0x80, s8, s23, $0xb8;
	[tilespmem:$0x1D000] =	vst v63  }
0x90: {  	_ =	swait.ge [sflag:s28], $0x4000  }
0x91: {  	[sflag:s28] =	ssyncset.done $0x0  }
0x92: {  	[sflag:s28] =	ssyncadd.s32 $0xFFFFC000  }
0x93: {  	[spmem:s3] =	stream.indirect.scatter.add.f32 [tilespmem:s24], [sflag:$0x5], $0x80, s22, s23, $0xb8;
	[tilespmem:$0x1D000] =	vst v63  }
0x94: {  	_ =	swait.ge [sflag:s29], $0x4000  }
0x95: {  	[sflag:s29] =	ssyncset.done $0x0  }
0x96: {  	s6 =	simm.s32 $0x14500;
	[sflag:s29] =	ssyncadd.s32 $0xFFFFC000  }
0x97: {  	[tilespmem:s24], [sflag:$0x3] =	stream.indirect.gather [hbm4b:s5+s23], $0x80, s6, s23, $0xb8;
	[tilespmem:$0x1D000] =	vst v63  }
0x98: {  	_ =	swait.ge [sflag:s31], $0x4000  }
0x99: {  	[sflag:s31] =	ssyncset.done $0x0  }
0x9a: {  	s8 =	simm.s32 $0x14C80;
	[sflag:s31] =	ssyncadd.s32 $0xFFFFC000  }
0x9b: {  	[spmem:s3] =	stream.indirect.scatter.add.f32 [tilespmem:s26], [sflag:$0x6], $0x80, s8, s23, $0xb8;
	[tilespmem:$0x1D000] =	vst v63  }
0x9c: {  	_ =	swait.ge [sflag:s1], $0x4000  }
0x9d: {  	[sflag:s1] =	ssyncset.done $0x0  }
0x9e: {  	s6 =	simm.s32 $0x14580;
	[sflag:s1] =	ssyncadd.s32 $0xFFFFC000  }
0x9f: {  	[tilespmem:s26], [sflag:$0x4] =	stream.indirect.gather [hbm4b:s5+s23], $0x80, s6, s23, $0xb8;
	[tilespmem:$0x1D000] =	vst v63  }
0xa0: {  	_ =	swait.ge [sflag:s28], $0x4000  }
0xa1: {  	[sflag:s28] =	ssyncset.done $0x0  }
0xa2: {  	s8 =	simm.s32 $0x14D00;
	[sflag:s28] =	ssyncadd.s32 $0xFFFFC000  }
0xa3: {  	[spmem:s3] =	stream.indirect.scatter.add.f32 [tilespmem:s24], [sflag:$0x5], $0x80, s8, s23, $0xb8;
	[tilespmem:$0x1D000] =	vst v63  }
0xa4: {  	_ =	swait.ge [sflag:s29], $0x4000  }
0xa5: {  	[sflag:s29] =	ssyncset.done $0x0  }
0xa6: {  	[sflag:s29] =	ssyncadd.s32 $0xFFFFC000  }
0xa7: {  	[tilespmem:s24], [sflag:$0x3] =	stream.indirect.gather [hbm4b:s5+s23], $0x80, s10, s23, $0xb8;
	[tilespmem:$0x1D000] =	vst v63  }
0xa8: {  	_ =	swait.ge [sflag:s31], $0x4000  }
0xa9: {  	[sflag:s31] =	ssyncset.done $0x0  }
0xaa: {  	[sflag:s31] =	ssyncadd.s32 $0xFFFFC000  }
0xab: {  	[spmem:s3] =	stream.indirect.scatter.add.f32 [tilespmem:s26], [sflag:$0x6], $0x80, s7, s23, $0xb8;
	[tilespmem:$0x1D000] =	vst v63  }
0xac: {  	_ =	swait.ge [sflag:s1], $0x4000  }
0xad: {  	[sflag:s1] =	ssyncset.done $0x0  }
0xae: {  	[sflag:s1] =	ssyncadd.s32 $0xFFFFC000  }
0xaf: {  	[tilespmem:s26], [sflag:$0x4] =	stream.indirect.gather [hbm4b:s5+s23], $0x80, s11, s23, $0xb8;
	[tilespmem:$0x1D000] =	vst v63  }
0xb0: {  	_ =	swait.ge [sflag:s28], $0x4000  }
0xb1: {  	[sflag:s28] =	ssyncset.done $0x0  }
0xb2: {  	[sflag:s28] =	ssyncadd.s32 $0xFFFFC000  }
0xb3: {  	[spmem:s3] =	stream.indirect.scatter.add.f32 [tilespmem:s24], [sflag:$0x5], $0x80, s12, s23, $0xb8;
	[tilespmem:$0x1D000] =	vst v63  }
0xb4: {  	_ =	swait.ge [sflag:s29], $0x4000  }
0xb5: {  	[sflag:s29] =	ssyncset.done $0x0  }
0xb6: {  	[sflag:s29] =	ssyncadd.s32 $0xFFFFC000  }
0xb7: {  	[tilespmem:s24], [sflag:$0x3] =	stream.indirect.gather [hbm4b:s5+s23], $0x80, s9, s23, $0xb8;
	[tilespmem:$0x1D000] =	vst v63  }
0xb8: {  	_ =	swait.ge [sflag:s31], $0x4000  }
0xb9: {  	[sflag:s31] =	ssyncset.done $0x0  }
0xba: {  	[sflag:s31] =	ssyncadd.s32 $0xFFFFC000  }
0xbb: {  	[spmem:s3] =	stream.indirect.scatter.add.f32 [tilespmem:s26], [sflag:$0x6], $0x80, s18, s23, $0xb8;
	[tilespmem:$0x1D000] =	vst v63  }
0xbc: {  	_ =	swait.ge [sflag:s1], $0x4000  }
0xbd: {  	[sflag:s1] =	ssyncset.done $0x0  }
0xbe: {  	[sflag:s1] =	ssyncadd.s32 $0xFFFFC000  }
0xbf: {  	[tilespmem:s26], [sflag:$0x4] =	stream.indirect.gather [hbm4b:s5+s23], $0x80, s19, s23, $0xb8;
	[tilespmem:$0x1D000] =	vst v63  }
0xc0: {  	_ =	swait.ge [sflag:s28], $0x4000  }
0xc1: {  	[sflag:s28] =	ssyncset.done $0x0  }
0xc2: {  	[sflag:s28] =	ssyncadd.s32 $0xFFFFC000  }
0xc3: {  	[spmem:s3] =	stream.indirect.scatter.add.f32 [tilespmem:s24], [sflag:$0x5], $0x80, s2, s23, $0xb8;
	[tilespmem:$0x1D000] =	vst v63  }
0xc4: {  	_ =	swait.ge [sflag:s29], $0x4000  }
0xc5: {  	[sflag:s29] =	ssyncset.done $0x0  }
0xc6: {  	[sflag:s29] =	ssyncadd.s32 $0xFFFFC000  }
0xc7: {  	_ =	swait.ge [sflag:s31], $0x4000  }
0xc8: {  	[sflag:s31] =	ssyncset.done $0x0  }
.Ltmp2:
0xc9: {  	[sflag:s31] =	ssyncadd.s32 $0xFFFFC000;
	(pc) =	sbr.rel @p0 .LBB2_4-.Ltmp2, $4  }
0xca: {  	[spmem:s3] =	stream.indirect.scatter.add.f32 [tilespmem:s26], [sflag:$0x6], $0x80, s16, s23, $0xb8;
	[tilespmem:$0x1D000] =	vst v63  }
0xcb: {  	_ =	swait.ge [sflag:s1], $0x4000  }
0xcc: {  	[sflag:s1] =	ssyncset.done $0x0  }
0xcd: {  	[sflag:s1] =	ssyncadd.s32 $0xFFFFC000  }
0xce: {  	_ =	swait.ge [sflag:s20], $0x400  }
.Ltmp3:
0xcf: {  	[sflag:s20] =	ssyncset.done $0x0;
	(pc) =	sbr.rel .LBB2_2-.Ltmp3, $4  }
0xd0: {  	[sflag:s20] =	ssyncadd.s32 $0xFFFFFC00  }
0xd1: {  	_ =	swait.ge [sflag:s20], $0x400  }
0xd2: {  	[sflag:s20] =	ssyncset.done $0x0  }
0xd3: {  	s30 =	sadd.s32 $0x800, s30;
	s25 =	sadd.s32 $0x100, s25;
	[sflag:s20] =	ssyncadd.s32 $0xFFFFFC00  }
.LBB2_5:
0xd4: {  	_ =	sfence.sel $0x180000  }
0xd5: {  	[bflag:$0x0] =	sbarrier.arrive $0xFFFF  }
0xd6: {  	_ =	strace $0x9000004D  }
0xd7: {  	s0 =	stileid.u32;
	[bflag:$0x2] =	sbarrier.arrive $0xFFFF  }
0xd8: {  	p0 =	sne.s32 s0, $0x0;
	s0 =	rddreg [dreg:$0x3]  }
0xd9: {  	s0 =	sadd.s32 @!p0 $0x100000, s0  }
0xda: {  	[sflag:s0] =	ssyncadd.tile.s32 @!p0 $0x1;
	_ =	shalt  }
.Lfunc_end2:
_tile_overlayer_lowered:
.L_overlay_start_2:
0xdb: {  	(tag) =	ssettag $0x2  }
0xdc: {  	s0 =	rddreg [dreg:$0x0];
	s2 =	stileid.u32  }
0xdd: {  	s1 =	rddreg [dreg:$0x1];
	p0 =	sne.s32 s2, $0x0  }
0xde: {  	s3 =	rddreg [dreg:$0x2];
	[bflag:$0x3] =	sbarrier.arrive $0xFFFF;
	s2 =	simm.s32 @!p0 $0x1C07  }
0xdf: {  	[timem:s3], [sflag:s2] =	dma.local @!p0 [hbm:s0], s1  }
0xe0: {  	s0 =	simm.s32 @!p0 $0x7  }
0xe1: {  	_ =	swait.ge @!p0 [sflag:s0], s1  }
0xe2: {  	s1 =	ssub.s32 @!p0 $0x0, s1;
	[sflag:s0] =	ssyncset.done @!p0 $0x0  }
0xe3: {  	[sflag:s0] =	ssyncadd.s32 @!p0 s1  }
0xe4: {  	[bflag:$0x3] =	sbarrier.arrive $0xFFFF  }
0xe5: {  	_ =	shalt  }

// kernel: kernel.8.cloned.1.call-start
scs
__scs_entry_jumppad:
0x0: {  	(pc) =	sbr.rel $0x88, $3  }
0x1: {  	(tag) =	ssettag $0x0;
	lr =	simm.s32 $0x1  }
0x2: {  	[smem:$0x3F9B] =	sst lr;
	_ =	strace $0xD0000000  }
0x3: {  	_ = 	snop  }
0x4: {  	_ = 	snop  }
0x5: {  	_ = 	snop  }
0x6: {  	_ = 	snop  }
0x7: {  	_ = 	snop  }
__scs_overlays_trampoline_lowered:
0x8: {  	[smem:$0x3FAA] =	sst s0  }
0x9: {  	[smem:$0x3FAB] =	sst s1  }
0xa: {  	[smem:$0x3FAC] =	sst s2  }
0xb: {  	[smem:$0x3FAD] =	sst s3  }
0xc: {  	[smem:$0x3FAE] =	sst s4  }
0xd: {  	[smem:$0x3FAF] =	sst s5  }
0xe: {  	[smem:$0x3FB0] =	sst s6  }
0xf: {  	[smem:$0x3FB1] =	sst s7  }
0x10: {  	[smem:$0x3FB2] =	sst s8  }
0x11: {  	[smem:$0x3FB3] =	sst s9;
	s0 =	simm.s32 @!p0 $0x0  }
0x12: {  	s1 =	sld [smem:$0x3F99];
	s0 =	simm.s32 @p0 $0x1  }
0x13: {  	[smem:$0x3FB4] =	sst s0;
	s0 =	simm.s32 @!p1 $0x0  }
0x14: {  	s2 =	sld [smem:$0x3F98];
	s0 =	simm.s32 @p1 $0x1  }
0x15: {  	[smem:$0x3FB5] =	sst s0;
	s0 =	simm.s32 @!p2 $0x0  }
0x16: {  	s3 =	sld [smem:$0x3FDB];
	s0 =	simm.s32 @p2 $0x1  }
0x17: {  	s4 =	simm.s32 $0x1BF5;
	[smem:$0x3FB7] =	sst s0  }
0x18: {  	s0 =	sld [smem:$0x3F9A];
	_ =	swait.ge [sflag:s4], $0x0  }
0x19: {  	s7 =	sld [smem:$0x3F9B]  }
0x1a: {  	s8 =	sadd.s32 $0xFFFFE003, lr  }
0x1b: {  	s9 =	sadd.s32 $0xFFFFFEF7, lr;
	s5 =	simm.s32 $0xFFFFFFFF;
	p2 =	slt.u32 s8, $0xFFFFF086  }
0x1c: {  	p1 =	slt.u32 s9, $0xF7A;
	s5 =	simm.s32 @!p2 $0x0  }
0x1d: {  	s5 =	simm.s32 @p1 $0x1;
	p0 =	seq.s32 s7, s2  }
0x1e: {  	s7 =	smul.u32 @!p0 $0xF7A, s2;
	p2 =	seq.s32 @!p0 s5, $0x0  }
0x1f: {  	s9 =	smul.u32 $0xF7A, s1;
	s8 =	simm.s32 @!p0 $0x1BF5;
	p2 =	por !p2, p0  }
0x20: {  	[sflag:s8] =	ssyncset.s32 @!p0 $0xFFFFF086;
	s6 =	sadd.s32 @!p0 s3, s7;
	s7 =	simm.s32 @!p0 $0x108  }
0x21: {  	s3 =	sadd.s32 s3, s9;
	s6 =	sadd.s32 @!p0 $0x88, s6;
	s7 =	simm.s32 @p2 $0x1082  }
0x22: {  	[simem:s7], [sflag:s8] =	dma.local @!p0 [hbm:s6], $0xF7A  }
0x23: {  	s9 =	sor.u32 $0xD0000000, s2;
	s6 =	simm.s32 $0x108;
	_ =	swait.ge @!p0 [sflag:s8], $0x0  }
0x24: {  	s3 =	sadd.s32 $0x88, s3;
	s6 =	simm.s32 @!p1 $0x1082;
	[sflag:s4] =	ssyncset.s32 $0xFFFFF086  }
0x25: {  	[simem:s6], [sflag:s4] =	dma.local [hbm:s3], $0xF7A  }
0x26: {  	[smem:$0x3F9B] =	sst s1;
	(tag) =	ssettag s2;
	_ =	strace s9  }
0x27: {  	s1 =	sld [smem:$0x3FAB]  }
0x28: {  	s2 =	sld [smem:$0x3FAC]  }
0x29: {  	s4 =	sld [smem:$0x3FAE]  }
0x2a: {  	p0 =	seq.s32 s5, $0x0;
	s5 =	sld [smem:$0x3FAF]  }
0x2b: {  	s6 =	sld [smem:$0x3FB0]  }
0x2c: {  	s7 =	sld [smem:$0x3FB1]  }
0x2d: {  	s3 =	simm.s32 $0x108;
	s8 =	sld [smem:$0x3FB2]  }
0x2e: {  	s3 =	simm.s32 @!p0 $0x1082;
	s9 =	sld [smem:$0x3FB3]  }
0x2f: {  	lr =	sadd.s32 s0, s3;
	s0 =	sld [smem:$0x3FAA]  }
0x30: {  	s3 =	sld [smem:$0x3FAD]  }
0x31: {  	[smem:$0x3FB6] =	sst s10  }
0x32: {  	s10 =	sld [smem:$0x3FB4];
	_ =	sdelay $0x3  }
0x33: {  	p0 =	seq.s32 s10, $0x1;
	s10 =	sld [smem:$0x3FB6];
	_ =	sdelay $0x3  }
0x34: {  	[smem:$0x3FB6] =	sst s10  }
0x35: {  	s10 =	sld [smem:$0x3FB5];
	_ =	sdelay $0x3  }
0x36: {  	p1 =	seq.s32 s10, $0x1;
	s10 =	sld [smem:$0x3FB6];
	_ =	sdelay $0x3  }
0x37: {  	[smem:$0x3FB6] =	sst s10  }
0x38: {  	s10 =	sld [smem:$0x3FB7]  }
0x39: {  	_ = 	snop;
	(pc) =	sbr.ind lr, $3  }
0x3a: {  	_ = 	snop  }
0x3b: {  	_ = 	snop  }
0x3c: {  	p2 =	seq.s32 s10, $0x1;
	s10 =	sld [smem:$0x3FB6]  }
0x3d: {  	_ =	shalt  }
0x3e: {  	_ =	shalt  }
0x3f: {  	_ =	shalt  }
0x40: {  	_ =	shalt  }
0x41: {  	_ =	shalt  }
0x42: {  	_ =	shalt  }
0x43: {  	_ =	shalt  }
0x44: {  	_ =	shalt  }
0x45: {  	_ =	shalt  }
0x46: {  	_ =	shalt  }
0x47: {  	_ =	shalt  }
0x48: {  	_ =	shalt  }
0x49: {  	_ =	shalt  }
0x4a: {  	_ =	shalt  }
0x4b: {  	_ =	shalt  }
0x4c: {  	_ =	shalt  }
0x4d: {  	_ =	shalt  }
0x4e: {  	_ =	shalt  }
0x4f: {  	_ =	shalt  }
0x50: {  	_ =	shalt  }
0x51: {  	_ =	shalt  }
0x52: {  	_ =	shalt  }
0x53: {  	_ =	shalt  }
0x54: {  	_ =	shalt  }
0x55: {  	_ =	shalt  }
0x56: {  	_ =	shalt  }
0x57: {  	_ =	shalt  }
0x58: {  	_ =	shalt  }
0x59: {  	_ =	shalt  }
0x5a: {  	_ =	shalt  }
0x5b: {  	_ =	shalt  }
0x5c: {  	_ =	shalt  }
0x5d: {  	_ =	shalt  }
0x5e: {  	_ =	shalt  }
0x5f: {  	_ =	shalt  }
0x60: {  	_ =	shalt  }
0x61: {  	_ =	shalt  }
0x62: {  	_ =	shalt  }
0x63: {  	_ =	shalt  }
0x64: {  	_ =	shalt  }
0x65: {  	_ =	shalt  }
0x66: {  	_ =	shalt  }
0x67: {  	_ =	shalt  }
0x68: {  	_ =	shalt  }
0x69: {  	_ =	shalt  }
0x6a: {  	_ =	shalt  }
0x6b: {  	_ =	shalt  }
0x6c: {  	_ =	shalt  }
0x6d: {  	_ =	shalt  }
0x6e: {  	_ =	shalt  }
0x6f: {  	_ =	shalt  }
0x70: {  	_ =	shalt  }
0x71: {  	_ =	shalt  }
0x72: {  	_ =	shalt  }
0x73: {  	_ =	shalt  }
0x74: {  	_ =	shalt  }
0x75: {  	_ =	shalt  }
0x76: {  	_ =	shalt  }
0x77: {  	_ =	shalt  }
0x78: {  	_ =	shalt  }
0x79: {  	_ =	shalt  }
0x7a: {  	_ =	shalt  }
0x7b: {  	_ =	shalt  }
0x7c: {  	_ =	shalt  }
0x7d: {  	_ =	shalt  }
0x7e: {  	_ =	shalt  }
0x7f: {  	_ =	shalt  }
0x80: {  	_ =	shalt  }
0x81: {  	_ =	shalt  }
0x82: {  	_ =	shalt  }
0x83: {  	_ =	shalt  }
0x84: {  	_ =	shalt  }
0x85: {  	_ =	shalt  }
0x86: {  	_ =	shalt  }
0x87: {  	_ =	shalt  }
.Lfunc_end0:
.L_simem_size_0:
called_computation_lowered:
.L_overlay_start_0:
0x88: {  	s2 =	sld [smem:$0x3FD9]  }
0x89: {  	s3 =	sld [smem:$0x3FFE];
	_ =	sdelay $0x1  }
0x8a: {  	s1 =	srdreg.scid  }
0x8b: {  	s0 =	sand.u32 $0x1, s1  }
0x8c: {  	s17 =	sshll.u32 s0, $0xA;
	s2 =	sadd.s32 s3, s2  }
0x8d: {  	s2 =	sadd.s32 s2, s17  }
0x8e: {  	[smem:$0x3FC2] =	sst s2  }
0x8f: {  	_ = 	snop  }
0x90: {  	s2 =	sld [smem:$0x3FD0];
	(tm) =	ssettm $0x1  }
0x91: {  	s18 =	sld [smem:$0x3FFB];
	_ =	sdelay $0x3  }
0x92: {  	_ =	strace s18  }
0x93: {  	s3 =	sld [smem:$0x3FFC];
	_ =	sdelay $0x3  }
0x94: {  	_ =	strace s3  }
0x95: {  	s3 =	sld [smem:$0x3FFD];
	_ =	sdelay $0x3  }
0x96: {  	_ =	strace s3  }
0x97: {  	_ =	strace $0x8FFFFFFF  }
0x98: {  	s19 =	sld [smem:$0x3FDB];
	_ =	sdelay $0x1  }
0x99: {  	s4 =	simm.s32 $_scs_section_size  }
0x9a: {  	s5 =	simm.s32 $_size__tile_overlayer_lowered;
	s6 =	simm.s32 $_tile_overlayer_lowered  }
0x9b: {  	s22 =	simm.s32 $0x1BFF;
	s21 =	sshll.u32 s6, $0x1;
	s3 =	sadd.s32 s4, s19  }
0x9c: {  	s7 =	simm.s32 $0x0;
	s20 =	sshll.u32 s5, $0x1;
	s5 =	sadd.s32 s21, s3  }
0x9d: {  	[timem:s7], [sflag:s22] =	dma.local [hbm:s5], s20  }
0x9e: {  	_ =	swait.ge [sflag:s22], s20  }
0x9f: {  	s4 =	ssub.s32 $0x0, s20;
	[sflag:s22] =	ssyncset.done $0x0  }
0xa0: {  	[sflag:s22] =	ssyncadd.s32 s4;
	_ =	sdelay $0x1  }
0xa1: {  	s23 =	simm.s32 $0x1B8B  }
0xa2: {  	_ =	swait.ge [sflag:s23], $0x1  }
0xa3: {  	[sflag:s23] =	ssyncset.done $0x0  }
0xa4: {  	s25 =	simm.s32 $0x1B8E;
	s24 =	sld [smem:$0x3FFE];
	[sflag:s23] =	ssyncadd.s32 $0xFFFFFFFF  }
0xa5: {  	s26 =	simm.s32 $execute0_lowered;
	[smem:$0x3FD2] =	sst s25  }
0xa6: {  	s5 =	sshll.u32 s26, $0x1;
	_ =	strace $0x80000046;
	[dreg:$0x1] =	wrdreg $0xFFFFFFFF  }
0xa7: {  	s28 =	simm.s32 $_size_execute0_lowered;
	s3 =	sadd.s32 s3, s5;
	[dreg:$0x0] =	wrdreg $0x0  }
0xa8: {  	s5 =	sshll.u32 s28, $0x1;
	[dreg:$0x2] =	wrdreg s3  }
0xa9: {  	[dreg:$0x3] =	wrdreg s5  }
0xaa: {  	[dreg:$0x4] =	wrdreg $0xC0  }
0xab: {  	_ =	task [dreg:s7], $0x5FFFF  }
0xac: {  	[dreg:$0x1] =	wrdreg $0xFFFFFFFF  }
0xad: {  	[dreg:$0x0] =	wrdreg $0x60  }
0xae: {  	[dreg:$0x2] =	wrdreg s2  }
0xaf: {  	[dreg:$0x3] =	wrdreg s24  }
0xb0: {  	[dreg:$0x4] =	wrdreg $0x0  }
0xb1: {  	[dreg:$0x5] =	wrdreg $0x9  }
0xb2: {  	_ =	task.clear_ibuf [dreg:s7], $0x6FFFF;
	_ =	strace $0x90000046  }
0xb3: {  	s29 =	simm.s32 $0x9;
	_ =	strace $0x80000048  }
0xb4: {  	_ =	swait.ge [sflag:s29], $0x1  }
0xb5: {  	[sflag:s29] =	ssyncadd.s32 $0xFFFFFFFF  }
0xb6: {  	_ =	strace $0x90000048  }
0xb7: {  	_ =	sfence  }
0xb8: {  	s30 =	sld [smem:$0x0];
	_ =	sdelay $0x2  }
0xb9: {  	s31 =	sshll.u32 s1, $0xD;
	s1 =	sshrl.u32 s1, $0x2  }
0xba: {  	s3 =	sand.u32 $0x4000, s31;
	s1 =	sadd.s32 s1, s30  }
0xbb: {  	s0 =	sor.u32 s3, s0;
	s1 =	sshll.u32 s1, $0x11  }
0xbc: {  	s0 =	sor.u32 s1, s0  }
0xbd: {  	s0 =	sadd.s32 $0x8F2B, s0  }
0xbe: {  	[sflag:s0] =	ssyncadd.remote.s32 $0x1  }
0xbf: {  	_ =	sfence.sel $0xFFFF  }
0xc0: {  	[dreg:$0x0] =	wrdreg $0xFFFFFFFF;
	(pc) =	sbr.abs _section_cstart, $3  }
0xc1: {  	[dreg:$0x1] =	wrdreg $0xFFFFFFFF  }
0xc2: {  	_ =	task.clear_ibuf [dreg:s7], $0x2FFFF;
	_ =	strace $0x9FFFFFFF  }
0xc3: {  	(tm) =	ssettm $0x7FFFFFFF  }
tec
execute0_lowered:
.L_overlay_start_1:
0x0: {  	(tag) =	ssettag $0x1  }
0x1: {  	s5 =	rddreg [dreg:$0x0]  }
0x2: {  	s6 =	rddreg [dreg:$0x1]  }
0x3: {  	s1 =	rddreg [dreg:$0x2]  }
0x4: {  	s0 =	rddreg [dreg:$0x3];
	s3 =	simm.s32 $0x0;
	s4 =	srdreg.scid  }
0x5: {  	s2 =	stileid.u32;
	s12 =	simm.s32 $0x80;
	s13 =	simm.s32 $0x2A80  }
0x6: {  	s14 =	simm.s32 $0x1;
	s15 =	simm.s32 $0x2;
	s16 =	simm.s32 $0x20  }
0x7: {  	s17 =	simm.s32 $0x10;
	s18 =	simm.s32 $0x0;
	[smem:$0x7FF] =	sst s3  }
0x8: {  	s7 =	sand.u32 $0x1, s4;
	s8 =	smul.u32 $0x500, s2;
	s4 =	sadd.s32 $0x2800, s6  }
0x9: {  	s11 =	smul.u32 $0xA00, s2;
	s31 =	sshll.u32 s2, $0x6;
	_ =	strace $0x80000047  }
0xa: {  	s9 =	sshll.u32 s7, $0x4;
	s10 =	sshll.u32 s7, $0x7;
	s7 =	ssub.s32 $0x2, s7  }
0xb: {  	s9 =	sor.u32 s2, s9;
	s8 =	sor.u32 s10, s8;
	s28 =	sshrl.u32 s7, $0x1  }
0xc: {  	s30 =	sshrl.u32 s11, $0x2;
	s9 =	smul.u32 $0x2800, s9;
	s8 =	sshrl.u32 s8, $0x3  }
0xd: {  	s10 =	ssub.s32 s7, s28;
	s11 =	sadd.s32 s30, s1;
	s8 =	sadd.s32 s8, s6  }
0xe: {  	s29 =	sshrl.u32 s9, $0x3;
	s7 =	sadd.s32 $0x2A00, s8;
	s8 =	smax.u32 s10, $0x1  }
0xf: {  	s9 =	sshrl.u32 s11, $0x3;
	s10 =	simm.s32 $0x3;
	s6 =	sadd.s32 s5, s29  }
0x10: {  	v0 =	vimm.f32 $1.000000000e+00;
	s11 =	simm.s32 $0x280;
	s5 =	sor.u32 $0x1C03, s31;
	s6 =	sadd.s32 $0xA000, s6  }
.LBB2_1:
0x11: {  	[spmem:s9], [sflag:s5] =	dma.local [hbm:s4], $0x50  }
0x12: {  	_ =	swait.ge [sflag:s10], $0x50  }
0x13: {  	[sflag:s10] =	ssyncset.done $0x0  }
0x14: {  	[sflag:s10] =	ssyncadd.s32 $0xFFFFFFB0  }
0x15: {  	[tilespmem:s11], [sflag:$0x3] =	stream.linear.gather [hbm4b:s6+s3], $0x2800, $0x38;
	[tilespmem:$0x2B00] =	vst v63  }
0x16: {  	_ =	swait.ge [sflag:s10], $0x2800  }
0x17: {  	[sflag:s10] =	ssyncset.done $0x0  }
0x18: {  	[sflag:s10] =	ssyncadd.s32 $0xFFFFD800  }
0x19: {  	[tilespmem:$0x2A80] =	vst v0  }
0x1a: {  	[tilespmem:$0x2A90] =	vst v0  }
0x1b: {  	[tilespmem:$0x2AA0] =	vst v0  }
0x1c: {  	[tilespmem:$0x2AB0] =	vst v0  }
0x1d: {  	[tilespmem:$0x2AC0] =	vst v0  }
0x1e: {  	[tilespmem:$0x2AD0] =	vst v0  }
0x1f: {  	[tilespmem:$0x2AE0] =	vst v0  }
0x20: {  	[tilespmem:$0x2AF0] =	vst v0  }
0x21: {  	s19 =	simm.s32 $0x280;
	[bflag:$0x0] =	sbarrier.arrive $0xFFFF  }
0x22: {  	[spmem:s1] =	stream.indirect.scatter.add.f32 [tilespmem:s13], [sflag:$0x1], $0x1, s19, s12, $0xb8;
	[tilespmem:$0x2B00] =	vst v63  }
0x23: {  	s31 =	simm.s32 $0x300  }
0x24: {  	[spmem:s1] =	stream.indirect.scatter.add.f32 [tilespmem:s13], [sflag:$0x2], $0x1, s31, s12, $0xb8;
	[tilespmem:$0x2B00] =	vst v63  }
0x25: {  	_ =	swait.ge [sflag:s14], $0x80  }
0x26: {  	[sflag:s14] =	ssyncset.done $0x0  }
0x27: {  	[sflag:s14] =	ssyncadd.s32 $0xFFFFFF80  }
0x28: {  	_ =	swait.ge [sflag:s15], $0x80  }
0x29: {  	s20 =	simm.s32 $0x800;
	s19 =	simm.s32 $0x100;
	[sflag:s15] =	ssyncset.done $0x0  }
.LBB2_2:
0x2a: {  	s21 =	sadd.s32 $0x280, s19  }
0x2b: {  	[sflag:s15] =	ssyncadd.s32 $0xFFFFFF80;
	s22 =	smov.u32 s20;
	s23 =	sadd.s32 $0x400, s20  }
0x2c: {  	[spmem:s1] =	stream.indirect.scatter.add.f32 [tilespmem:s13], [sflag:$0x1], $0x1, s21, s12, $0xb8;
	[tilespmem:$0x2B00] =	vst v63  }
0x2d: {  	p0 =	sne.s32 s20, $0x9C00;
	s19 =	sadd.s32 $0x300, s19  }
0x2e: {  	[spmem:s1] =	stream.indirect.scatter.add.f32 [tilespmem:s13], [sflag:$0x2], $0x1, s19, s12, $0xb8;
	[tilespmem:$0x2B00] =	vst v63  }
.Ltmp0:
0x2f: {  	_ =	swait.ge [sflag:s14], $0x80;
	(pc) =	sbr.rel @p0 .LBB2_2-.Ltmp0, $4  }
0x30: {  	[sflag:s14] =	ssyncset.done $0x0  }
0x31: {  	[sflag:s14] =	ssyncadd.s32 $0xFFFFFF80  }
0x32: {  	_ =	swait.ge [sflag:s15], $0x80  }
0x33: {  	s20 =	smov.u32 s23;
	s19 =	sshra.s32 s22, $0x2;
	[sflag:s15] =	ssyncset.done $0x0  }
0x34: {  	s20 =	sadd.s32 $0x280, s19;
	[sflag:s15] =	ssyncadd.s32 $0xFFFFFF80  }
0x35: {  	[spmem:s1] =	stream.indirect.scatter.add.f32 [tilespmem:s13], [sflag:$0x1], $0x1, s20, s12, $0xb8;
	[tilespmem:$0x2B00] =	vst v63  }
0x36: {  	s31 =	sadd.s32 $0x300, s19  }
0x37: {  	[spmem:s1] =	stream.indirect.scatter.add.f32 [tilespmem:s13], [sflag:$0x2], $0x1, s31, s12, $0xb8;
	[tilespmem:$0x2B00] =	vst v63  }
0x38: {  	_ =	swait.ge [sflag:s14], $0x80  }
0x39: {  	[sflag:s14] =	ssyncset.done $0x0  }
0x3a: {  	[sflag:s14] =	ssyncadd.s32 $0xFFFFFF80  }
0x3b: {  	_ =	swait.ge [sflag:s15], $0x80  }
0x3c: {  	s18 =	sadd.s32 $0x1, s18;
	[sflag:s15] =	ssyncset.done $0x0  }
0x3d: {  	p0 =	sne.s32 s18, s8;
	[sflag:s15] =	ssyncadd.s32 $0xFFFFFF80  }
.Ltmp1:
0x3e: {  	[bflag:$0x0] =	sbarrier.arrive $0xFFFF;
	(pc) =	sbr.rel @p0 .LBB2_1-.Ltmp1, $4  }
0x3f: {  	[hbm:s7@s16], [sflag:s5] =	dma.strided [spmem:s9@s17], $0x50, s14, $0x10   }
0x40: {  	_ =	swait.ge [sflag:s10], $0x50  }
0x41: {  	[sflag:s10] =	ssyncset.done $0x0  }
0x42: {  	[sflag:s10] =	ssyncadd.s32 $0xFFFFFFB0  }
0x43: {  	_ =	sfence.sel $0x180000  }
0x44: {  	[bflag:$0x0] =	sbarrier.arrive $0xFFFF  }
0x45: {  	p0 =	sne.s32 s2, $0x0;
	_ =	strace $0x90000047  }
0x46: {  	s0 =	sadd.s32 @!p0 $0x100000, s0;
	[bflag:$0x2] =	sbarrier.arrive $0xFFFF  }
0x47: {  	[sflag:s0] =	ssyncadd.tile.s32 @!p0 $0x1;
	_ =	shalt  }
.Lfunc_end2:
_tile_overlayer_lowered:
.L_overlay_start_2:
0x48: {  	(tag) =	ssettag $0x2  }
0x49: {  	s0 =	rddreg [dreg:$0x0];
	s2 =	stileid.u32  }
0x4a: {  	s1 =	rddreg [dreg:$0x1];
	p0 =	sne.s32 s2, $0x0  }
0x4b: {  	s3 =	rddreg [dreg:$0x2];
	[bflag:$0x3] =	sbarrier.arrive $0xFFFF;
	s2 =	simm.s32 @!p0 $0x1C03  }
0x4c: {  	[timem:s3], [sflag:s2] =	dma.local @!p0 [hbm:s0], s1  }
0x4d: {  	s0 =	simm.s32 @!p0 $0x3  }
0x4e: {  	_ =	swait.ge @!p0 [sflag:s0], s1  }
0x4f: {  	s1 =	ssub.s32 @!p0 $0x0, s1;
	[sflag:s0] =	ssyncset.done @!p0 $0x0  }
0x50: {  	[sflag:s0] =	ssyncadd.s32 @!p0 s1  }
0x51: {  	[bflag:$0x3] =	sbarrier.arrive $0xFFFF  }
0x52: {  	_ =	shalt  }

</sc_bundles>
